<compile_context>
chip_gen: v7x
topology: tpu7x:2x2x1
jax: 0.10.2.dev20260603
libtpu: 0.0.44.dev20260713+nightly
codegen_flags: <defaults>
</compile_context>

<pallas_src>
import functools

import jax
import jax.numpy as jnp
from jax import lax
from jax.experimental import pallas as pl
from jax.experimental.pallas import tpu as pltpu
from jax.experimental.pallas import tpu_sc as plsc

_N, _E, _D, _G, _C = 10000, 320000, 128, 64, 16
_NC, _NS = 2, 16
_NW = _NC * _NS
_EPW = _E // _NW
_K = 40
_CH = _EPW // _K
_NBUF = 5
_NDC = _N // _K

_sc_mesh = plsc.VectorSubcoreMesh(core_axis_name="c", subcore_axis_name="s")


@functools.partial(
    pl.kernel,
    out_type=jax.ShapeDtypeStruct((_NC, _N, _D), jnp.float32),
    mesh=_sc_mesh,
    scratch_types=[
        pltpu.VMEM((_EPW,), jnp.int32),
        [pltpu.VMEM((_K,), jnp.int32) for _ in range(_NBUF)],
        [pltpu.VMEM((_K, _D), jnp.float32) for _ in range(_NBUF)],
        pltpu.VMEM((_K, _D), jnp.float32),
        pltpu.VMEM_SHARED((_N, _D), jnp.float32),
        [pltpu.SemaphoreType.DMA for _ in range(_NBUF)],
        [pltpu.SemaphoreType.DMA for _ in range(_NBUF)],
        [pltpu.SemaphoreType.DMA for _ in range(_NBUF)],
        pltpu.SemaphoreType.DMA,
    ],
)
def _sc_agg(x_hbm, src_hbm, dst_hbm, out_hbm, src_v, dstb, rows, zbuf, acc,
            gsems, dsems, ssems, zsem):
    cid = lax.axis_index("c")
    sid = lax.axis_index("s")
    wid = sid * _NC + cid
    ebase = wid * _EPW

    pltpu.sync_copy(src_hbm.at[pl.ds(ebase, _EPW)], src_v)
    for b in range(_NBUF):
        pltpu.async_copy(x_hbm.at[src_v.at[pl.ds(b * _K, _K)]], rows[b],
                         gsems[b])
        pltpu.async_copy(dst_hbm.at[pl.ds(ebase + b * _K, _K)], dstb[b],
                         dsems[b])

    @pl.when(cid != 0)
    def _():
        @pl.loop(0, _K * (_D // 16))
        def _(i):
            r = i // (_D // 16)
            c16 = (i % (_D // 16)) * 16
            zbuf[r, pl.ds(c16, 16)] = jnp.zeros((16,), jnp.float32)

    @pl.loop(0, (_NDC + _NS - 1) // _NS)
    def _(j):
        ch = sid + j * _NS

        @pl.when(ch < _NDC)
        def _():
            sl = pl.ds(ch * _K, _K)

            @pl.when(cid == 0)
            def _():
                pltpu.async_copy(x_hbm.at[sl], acc.at[sl], zsem)

            @pl.when(cid != 0)
            def _():
                pltpu.async_copy(zbuf, acc.at[sl], zsem)

    @pl.loop(0, (_NDC + _NS - 1) // _NS)
    def _(j):
        ch = sid + j * _NS

        @pl.when(ch < _NDC)
        def _():
            sl = pl.ds(ch * _K, _K)

            @pl.when(cid == 0)
            def _():
                pltpu.make_async_copy(x_hbm.at[sl], acc.at[sl], zsem).wait()

            @pl.when(cid != 0)
            def _():
                pltpu.make_async_copy(zbuf, acc.at[sl], zsem).wait()

    plsc.subcore_barrier()

    _run_main(x_hbm, src_hbm, dst_hbm, src_v, dstb, rows, acc,
              gsems, dsems, ssems, ebase)

    plsc.subcore_barrier()

    @pl.loop(0, (_NDC + _NS - 1) // _NS)
    def _(j):
        ch = sid + j * _NS

        @pl.when(ch < _NDC)
        def _():
            sl = pl.ds(ch * _K, _K)
            pltpu.async_copy(acc.at[sl], out_hbm.at[cid, sl], zsem)

    @pl.loop(0, (_NDC + _NS - 1) // _NS)
    def _(j):
        ch = sid + j * _NS

        @pl.when(ch < _NDC)
        def _():
            sl = pl.ds(ch * _K, _K)
            pltpu.make_async_copy(acc.at[sl], out_hbm.at[cid, sl],
                                  zsem).wait()


def _run_main(x_hbm, src_hbm, dst_hbm, src_v, dstb, rows, acc, gsems,
              dsems, ssems, ebase):
    @pl.loop(0, (_CH // _NBUF) * _NBUF - _NBUF, step=_NBUF)
    def _(ci):
        for b in range(_NBUF):
            cur = ci + b
            pltpu.make_async_copy(x_hbm.at[src_v.at[pl.ds(cur * _K, _K)]],
                                  rows[b], gsems[b]).wait()
            pltpu.make_async_copy(dst_hbm.at[pl.ds(ebase + cur * _K, _K)],
                                  dstb[b], dsems[b]).wait()
            pltpu.sync_copy(rows[b], acc.at[dstb[b]], add=True)
            nxt = cur + _NBUF

            @pl.when(nxt < _CH)
            def _():
                pltpu.async_copy(x_hbm.at[src_v.at[pl.ds(nxt * _K, _K)]],
                                 rows[b], gsems[b])
                pltpu.async_copy(dst_hbm.at[pl.ds(ebase + nxt * _K, _K)],
                                 dstb[b], dsems[b])

    for cur in range((_CH // _NBUF) * _NBUF - _NBUF, _CH):
        b = cur % _NBUF
        pltpu.make_async_copy(x_hbm.at[src_v.at[pl.ds(cur * _K, _K)]],
                              rows[b], gsems[b]).wait()
        pltpu.make_async_copy(dst_hbm.at[pl.ds(ebase + cur * _K, _K)],
                              dstb[b], dsems[b]).wait()
        pltpu.sync_copy(rows[b], acc.at[dstb[b]], add=True)
        nxt = cur + _NBUF
        if nxt < _CH:
            pltpu.async_copy(x_hbm.at[src_v.at[pl.ds(nxt * _K, _K)]],
                             rows[b], gsems[b])
            pltpu.async_copy(dst_hbm.at[pl.ds(ebase + nxt * _K, _K)],
                             dstb[b], dsems[b])


_BN = 5000
_NB = _N // _BN


def _mlp_body(final_relu, a0_ref, a1_ref, wa_ref, ba_ref, wb_ref,
              bb_ref, o_ref):
    h = a0_ref[...] + a1_ref[...]
    h = jnp.dot(h, wa_ref[...], preferred_element_type=jnp.float32)
    h = jnp.maximum(h + ba_ref[...], 0.0)
    h = jnp.dot(h, wb_ref[...], preferred_element_type=jnp.float32)
    h = h + bb_ref[...]
    if final_relu:
        h = jnp.maximum(h, 0.0)
    o_ref[...] = h


def _tc_mlp(a0, a1, wa, ba, wb, bb, final_relu):
    row = pl.BlockSpec((_BN, _D), lambda i: (i, 0))
    full = pl.BlockSpec((_D, _D), lambda i: (0, 0))
    vec = pl.BlockSpec((1, _D), lambda i: (0, 0))
    return pl.pallas_call(
        functools.partial(_mlp_body, final_relu),
        grid=(_NB,),
        in_specs=[row, row, full, vec, full, vec],
        out_specs=row,
        out_shape=jax.ShapeDtypeStruct((_N, _D), jnp.float32),
    )(a0, a1, wa, ba.reshape(1, _D), wb, bb.reshape(1, _D))


def _pool_body(a0_ref, a1_ref, wa_ref, ba_ref, wb_ref, bb_ref,
               batch_ref, wl_ref, bl_ref, o_ref, sums, counts):
    i = pl.program_id(0)

    @pl.when(i == 0)
    def _():
        sums[...] = jnp.zeros((_G, _D), jnp.float32)
        counts[...] = jnp.zeros((_G, _D), jnp.float32)

    h = a0_ref[...] + a1_ref[...]
    h = jnp.dot(h, wa_ref[...], preferred_element_type=jnp.float32)
    h = jnp.maximum(h + ba_ref[...], 0.0)
    h = jnp.dot(h, wb_ref[...], preferred_element_type=jnp.float32)
    h = h + bb_ref[...]

    seg = batch_ref[0]
    onehot = (lax.broadcasted_iota(jnp.int32, (_G, _BN), 0) == seg)
    onehot = onehot.astype(jnp.float32)
    sums[...] += jnp.dot(onehot, h, preferred_element_type=jnp.float32)
    counts[...] += jnp.broadcast_to(
        jnp.sum(onehot, axis=1, keepdims=True), (_G, _D))

    @pl.when(i == _NB - 1)
    def _():
        pooled = sums[...] / jnp.maximum(counts[...], 1.0)
        o_ref[...] = (jnp.dot(pooled, wl_ref[...],
                              preferred_element_type=jnp.float32)
                      + bl_ref[...])


def _tc_mlp_pool(a0, a1, wa, ba, wb, bb, batch, wl, bl):
    row = pl.BlockSpec((_BN, _D), lambda i: (i, 0))
    full = pl.BlockSpec((_D, _D), lambda i: (0, 0))
    vec = pl.BlockSpec((1, _D), lambda i: (0, 0))
    return pl.pallas_call(
        _pool_body,
        grid=(_NB,),
        in_specs=[
            row, row, full, vec, full, vec,
            pl.BlockSpec((1, 1, _BN), lambda i: (i, 0, 0)),
            pl.BlockSpec((_D, _C), lambda i: (0, 0)),
            pl.BlockSpec((1, _C), lambda i: (0, 0)),
        ],
        out_specs=pl.BlockSpec((_G, _C), lambda i: (0, 0)),
        out_shape=jax.ShapeDtypeStruct((_G, _C), jnp.float32),
        scratch_shapes=[
            pltpu.VMEM((_G, _D), jnp.float32),
            pltpu.VMEM((_G, _D), jnp.float32),
        ],
    )(a0, a1, wa, ba.reshape(1, _D), wb, bb.reshape(1, _D),
      batch.reshape(_NB, 1, _BN), wl, bl.reshape(1, _C))


def kernel(x, edge_index, batch, W1a, b1a, W1b, b1b, W2a, b2a, W2b, b2b,
           Wl, bl):
    src = edge_index[0]
    dst = edge_index[1]

    agg = _sc_agg(x, src, dst)
    h1 = _tc_mlp(agg[0], agg[1], W1a, b1a, W1b, b1b, final_relu=True)
    agg = _sc_agg(h1, src, dst)
    h2 = _tc_mlp(agg[0], agg[1], W2a, b2a, W2b, b2b, final_relu=True)
    agg = _sc_agg(h2, src, dst)
    return _tc_mlp_pool(agg[0], agg[1], W2a, b2a, W2b, b2b, batch, Wl, bl)

# --- scband reference (transcript-rebuilt; emitter-appended) ---
"""Pipeline reference for scband-gin-75763223102188 (READ-ONLY COPY).

The authoritative reference and input builder live on the scoring server;
editing this copy changes nothing except your own understanding.
"""

import jax, jax.numpy as jnp
import numpy as np

N = 10000
E = 320000
D = 128
H = 128
C = 16
G = 64


def setup_inputs(seed: int = 0) -> dict:
    key = jax.random.key(seed)
    ks = jax.random.split(key, 16)
    x = jax.random.normal(ks[0], (N, D), dtype=jnp.float32)
    edge_index = jax.random.randint(ks[1], (2, E), 0, N, dtype=jnp.int32)
    batch = jnp.sort(jax.random.randint(ks[2], (N,), 0, G, dtype=jnp.int32))
    def glorot(k, fan_in, fan_out):
        return jax.random.normal(k, (fan_in, fan_out), dtype=jnp.float32) * (1.0 / np.sqrt(fan_in))
    W1a = glorot(ks[3], D, H); b1a = jnp.zeros((H,), jnp.float32)
    W1b = glorot(ks[4], H, H); b1b = jnp.zeros((H,), jnp.float32)
    # nn2 is shared by conv2 and conv3 in the original module
    W2a = glorot(ks[5], H, H); b2a = jnp.zeros((H,), jnp.float32)
    W2b = glorot(ks[6], H, H); b2b = jnp.zeros((H,), jnp.float32)
    Wl = glorot(ks[7], H, C); bl = jnp.zeros((C,), jnp.float32)
    return {"x": x, "edge_index": edge_index, "batch": batch,
            "W1a": W1a, "b1a": b1a, "W1b": W1b, "b1b": b1b,
            "W2a": W2a, "b2a": b2a, "W2b": W2b, "b2b": b2b,
            "Wl": Wl, "bl": bl}


def _gin_conv(x, src, dst, Wa, ba, Wb, bb):
    # GINConv with eps=0 (default, train_eps=False): nn((1+eps)*x + sum_{j in N(i)} x_j)
    agg = jax.ops.segment_sum(jnp.take(x, src, axis=0), dst, num_segments=N)
    h = x + agg
    h = jnp.maximum(h @ Wa + ba, 0.0)
    h = h @ Wb + bb
    return h


def reference(x, edge_index, batch, W1a, b1a, W1b, b1b, W2a, b2a, W2b, b2b, Wl, bl):
    src = edge_index[0]
    dst = edge_index[1]
    h = _gin_conv(x, src, dst, W1a, b1a, W1b, b1b)
    h = jnp.maximum(h, 0.0)
    h = _gin_conv(h, src, dst, W2a, b2a, W2b, b2b)
    h = jnp.maximum(h, 0.0)
    h = _gin_conv(h, src, dst, W2a, b2a, W2b, b2b)  # conv3 shares nn2 params
    # global_mean_pool over graph ids
    sums = jax.ops.segment_sum(h, batch, num_segments=G)
    counts = jax.ops.segment_sum(jnp.ones((N,), jnp.float32), batch, num_segments=G)
    pooled = sums / jnp.maximum(counts, 1.0)[:, None]
    # dropout is identity in eval mode
    out = pooled @ Wl + bl
    return out

if __name__ == "__main__":
    import jax
    _d = setup_inputs()
    print(jax.jit(kernel)(*tuple(_d.values())))

</pallas_src>

<mosaic_0001>
#map = affine_map<(d0, d1) -> (0, 0)>
#map1 = affine_map<(d0, d1) -> (0)>
#map2 = affine_map<(d0, d1) -> (0, 0, 0)>
module attributes {stable_mosaic.version = 14 : i64} {
  func.func @_sc_agg(%arg0: i32, %arg1: i32, %arg2: memref<10000x128xf32, #tpu.memory_space<hbm>>, %arg3: memref<320000xi32, #tpu.memory_space<hbm>>, %arg4: memref<320000xi32, #tpu.memory_space<hbm>>, %arg5: memref<2x10000x128xf32, #tpu.memory_space<hbm>>, %arg6: memref<10000xi32, #tpu.memory_space<vmem>>, %arg7: memref<40xi32, #tpu.memory_space<vmem>>, %arg8: memref<40xi32, #tpu.memory_space<vmem>>, %arg9: memref<40xi32, #tpu.memory_space<vmem>>, %arg10: memref<40xi32, #tpu.memory_space<vmem>>, %arg11: memref<40xi32, #tpu.memory_space<vmem>>, %arg12: memref<40x128xf32, #tpu.memory_space<vmem>>, %arg13: memref<40x128xf32, #tpu.memory_space<vmem>>, %arg14: memref<40x128xf32, #tpu.memory_space<vmem>>, %arg15: memref<40x128xf32, #tpu.memory_space<vmem>>, %arg16: memref<40x128xf32, #tpu.memory_space<vmem>>, %arg17: memref<40x128xf32, #tpu.memory_space<vmem>>, %arg18: memref<10000x128xf32, #tpu.memory_space<vmem_shared>>, %arg19: memref<!tpu.dma_semaphore, #tpu.memory_space<semaphore_mem>>, %arg20: memref<!tpu.dma_semaphore, #tpu.memory_space<semaphore_mem>>, %arg21: memref<!tpu.dma_semaphore, #tpu.memory_space<semaphore_mem>>, %arg22: memref<!tpu.dma_semaphore, #tpu.memory_space<semaphore_mem>>, %arg23: memref<!tpu.dma_semaphore, #tpu.memory_space<semaphore_mem>>, %arg24: memref<!tpu.dma_semaphore, #tpu.memory_space<semaphore_mem>>, %arg25: memref<!tpu.dma_semaphore, #tpu.memory_space<semaphore_mem>>, %arg26: memref<!tpu.dma_semaphore, #tpu.memory_space<semaphore_mem>>, %arg27: memref<!tpu.dma_semaphore, #tpu.memory_space<semaphore_mem>>, %arg28: memref<!tpu.dma_semaphore, #tpu.memory_space<semaphore_mem>>, %arg29: memref<!tpu.dma_semaphore, #tpu.memory_space<semaphore_mem>>, %arg30: memref<!tpu.dma_semaphore, #tpu.memory_space<semaphore_mem>>, %arg31: memref<!tpu.dma_semaphore, #tpu.memory_space<semaphore_mem>>, %arg32: memref<!tpu.dma_semaphore, #tpu.memory_space<semaphore_mem>>, %arg33: memref<!tpu.dma_semaphore, #tpu.memory_space<semaphore_mem>>, %arg34: memref<!tpu.dma_semaphore, #tpu.memory_space<semaphore_mem>>) attributes {dimension_semantics = [#tpu.dimension_semantics<core_parallel>, #tpu.dimension_semantics<subcore_parallel>], iteration_bounds = array<i64: 2, 16>, scalar_prefetch = 0 : i64, scratch_operands = 29 : i64, tpu.core_type = #tpu.core_type<sc_vector_subcore>, window_params = [{transform_indices = #map}, {transform_indices = #map1}, {transform_indices = #map1}, {transform_indices = #map2}]} {
    %mul3A = arith.constant 2 : i32
    %mul3A_0 = arith.muli %arg1, %mul3A : i32
    %add3A = arith.addi %mul3A_0, %arg0 : i32
    %mul3A_1 = arith.constant 10000 : i32
    %mul3A_2 = arith.muli %add3A, %mul3A_1 : i32
    "tpu.region"() ({
      %run_scoped3A = tpu.sem_alloc : memref<!tpu.dma_semaphore, #tpu.memory_space<semaphore_mem>>
      %dma_start3A_118 = tpu.memref_slice %arg3[%mul3A_2] : memref<320000xi32, #tpu.memory_space<hbm>> -> memref<10000xi32, #tpu.memory_space<hbm>>
      %dma_start3A_119 = tpu.memref_slice %arg3[%mul3A_2] : memref<320000xi32, #tpu.memory_space<hbm>> -> memref<10000xi32, #tpu.memory_space<hbm>>
      tpu.enqueue_dma source(%dma_start3A_119 : memref<10000xi32, #tpu.memory_space<hbm>>) target(%arg6 : memref<10000xi32, #tpu.memory_space<vmem>>) target_semaphore(%run_scoped3A : memref<!tpu.dma_semaphore, #tpu.memory_space<semaphore_mem>>)
      %dma_wait3A_120 = tpu.memref_slice %arg3[%mul3A_2] : memref<320000xi32, #tpu.memory_space<hbm>> -> memref<10000xi32, #tpu.memory_space<hbm>>
      %dma_wait3A_121 = tpu.memref_slice %arg3[%mul3A_2] : memref<320000xi32, #tpu.memory_space<hbm>> -> memref<10000xi32, #tpu.memory_space<hbm>>
      tpu.wait_dma2 semaphore(%run_scoped3A : memref<!tpu.dma_semaphore, #tpu.memory_space<semaphore_mem>>) src(%dma_wait3A_121 : memref<10000xi32, #tpu.memory_space<hbm>>) dst(%arg6 : memref<10000xi32, #tpu.memory_space<vmem>>)
      tpu.yield
    }) : () -> ()
    %dma_start3A = arith.constant 0 : i32
    %dma_start3A_3 = tpu.memref_slice %arg6[%dma_start3A] : memref<10000xi32, #tpu.memory_space<vmem>> -> memref<40xi32, #tpu.memory_space<vmem>>
    %dma_start3A_4 = arith.constant 0 : i32
    %dma_start3A_5 = arith.constant 0 : i32
    %dma_start3A_6 = tpu.memref_slice %arg2[%dma_start3A_4, %dma_start3A_5] : memref<10000x128xf32, #tpu.memory_space<hbm>> -> memref<10000x128xf32, #tpu.memory_space<hbm>>
    tpu.enqueue_indirect_dma source(%dma_start3A_6 : memref<10000x128xf32, #tpu.memory_space<hbm>>) target(%arg12 : memref<40x128xf32, #tpu.memory_space<vmem>>) offsets(%dma_start3A_3 : memref<40xi32, #tpu.memory_space<vmem>>) semaphore(%arg19 : memref<!tpu.dma_semaphore, #tpu.memory_space<semaphore_mem>>)
    %add3A_7 = arith.constant 0 : i32
    %add3A_8 = arith.addi %mul3A_2, %add3A_7 : i32
    %dma_start3A_9 = tpu.memref_slice %arg4[%add3A_8] : memref<320000xi32, #tpu.memory_space<hbm>> -> memref<40xi32, #tpu.memory_space<hbm>>
    %dma_start3A_10 = tpu.memref_slice %arg4[%add3A_8] : memref<320000xi32, #tpu.memory_space<hbm>> -> memref<40xi32, #tpu.memory_space<hbm>>
    tpu.enqueue_dma source(%dma_start3A_10 : memref<40xi32, #tpu.memory_space<hbm>>) target(%arg7 : memref<40xi32, #tpu.memory_space<vmem>>) target_semaphore(%arg24 : memref<!tpu.dma_semaphore, #tpu.memory_space<semaphore_mem>>)
    %dma_start3A_11 = arith.constant 40 : i32
    %dma_start3A_12 = tpu.memref_slice %arg6[%dma_start3A_11] : memref<10000xi32, #tpu.memory_space<vmem>> -> memref<40xi32, #tpu.memory_space<vmem>>
    %dma_start3A_13 = arith.constant 0 : i32
    %dma_start3A_14 = arith.constant 0 : i32
    %dma_start3A_15 = tpu.memref_slice %arg2[%dma_start3A_13, %dma_start3A_14] : memref<10000x128xf32, #tpu.memory_space<hbm>> -> memref<10000x128xf32, #tpu.memory_space<hbm>>
    tpu.enqueue_indirect_dma source(%dma_start3A_15 : memref<10000x128xf32, #tpu.memory_space<hbm>>) target(%arg13 : memref<40x128xf32, #tpu.memory_space<vmem>>) offsets(%dma_start3A_12 : memref<40xi32, #tpu.memory_space<vmem>>) semaphore(%arg20 : memref<!tpu.dma_semaphore, #tpu.memory_space<semaphore_mem>>)
    %add3A_16 = arith.constant 40 : i32
    %add3A_17 = arith.addi %mul3A_2, %add3A_16 : i32
    %dma_start3A_18 = tpu.memref_slice %arg4[%add3A_17] : memref<320000xi32, #tpu.memory_space<hbm>> -> memref<40xi32, #tpu.memory_space<hbm>>
    %dma_start3A_19 = tpu.memref_slice %arg4[%add3A_17] : memref<320000xi32, #tpu.memory_space<hbm>> -> memref<40xi32, #tpu.memory_space<hbm>>
    tpu.enqueue_dma source(%dma_start3A_19 : memref<40xi32, #tpu.memory_space<hbm>>) target(%arg8 : memref<40xi32, #tpu.memory_space<vmem>>) target_semaphore(%arg25 : memref<!tpu.dma_semaphore, #tpu.memory_space<semaphore_mem>>)
    %dma_start3A_20 = arith.constant 80 : i32
    %dma_start3A_21 = tpu.memref_slice %arg6[%dma_start3A_20] : memref<10000xi32, #tpu.memory_space<vmem>> -> memref<40xi32, #tpu.memory_space<vmem>>
    %dma_start3A_22 = arith.constant 0 : i32
    %dma_start3A_23 = arith.constant 0 : i32
    %dma_start3A_24 = tpu.memref_slice %arg2[%dma_start3A_22, %dma_start3A_23] : memref<10000x128xf32, #tpu.memory_space<hbm>> -> memref<10000x128xf32, #tpu.memory_space<hbm>>
    tpu.enqueue_indirect_dma source(%dma_start3A_24 : memref<10000x128xf32, #tpu.memory_space<hbm>>) target(%arg14 : memref<40x128xf32, #tpu.memory_space<vmem>>) offsets(%dma_start3A_21 : memref<40xi32, #tpu.memory_space<vmem>>) semaphore(%arg21 : memref<!tpu.dma_semaphore, #tpu.memory_space<semaphore_mem>>)
    %add3A_25 = arith.constant 80 : i32
    %add3A_26 = arith.addi %mul3A_2, %add3A_25 : i32
    %dma_start3A_27 = tpu.memref_slice %arg4[%add3A_26] : memref<320000xi32, #tpu.memory_space<hbm>> -> memref<40xi32, #tpu.memory_space<hbm>>
    %dma_start3A_28 = tpu.memref_slice %arg4[%add3A_26] : memref<320000xi32, #tpu.memory_space<hbm>> -> memref<40xi32, #tpu.memory_space<hbm>>
    tpu.enqueue_dma source(%dma_start3A_28 : memref<40xi32, #tpu.memory_space<hbm>>) target(%arg9 : memref<40xi32, #tpu.memory_space<vmem>>) target_semaphore(%arg26 : memref<!tpu.dma_semaphore, #tpu.memory_space<semaphore_mem>>)
    %dma_start3A_29 = arith.constant 120 : i32
    %dma_start3A_30 = tpu.memref_slice %arg6[%dma_start3A_29] : memref<10000xi32, #tpu.memory_space<vmem>> -> memref<40xi32, #tpu.memory_space<vmem>>
    %dma_start3A_31 = arith.constant 0 : i32
    %dma_start3A_32 = arith.constant 0 : i32
    %dma_start3A_33 = tpu.memref_slice %arg2[%dma_start3A_31, %dma_start3A_32] : memref<10000x128xf32, #tpu.memory_space<hbm>> -> memref<10000x128xf32, #tpu.memory_space<hbm>>
    tpu.enqueue_indirect_dma source(%dma_start3A_33 : memref<10000x128xf32, #tpu.memory_space<hbm>>) target(%arg15 : memref<40x128xf32, #tpu.memory_space<vmem>>) offsets(%dma_start3A_30 : memref<40xi32, #tpu.memory_space<vmem>>) semaphore(%arg22 : memref<!tpu.dma_semaphore, #tpu.memory_space<semaphore_mem>>)
    %add3A_34 = arith.constant 120 : i32
    %add3A_35 = arith.addi %mul3A_2, %add3A_34 : i32
    %dma_start3A_36 = tpu.memref_slice %arg4[%add3A_35] : memref<320000xi32, #tpu.memory_space<hbm>> -> memref<40xi32, #tpu.memory_space<hbm>>
    %dma_start3A_37 = tpu.memref_slice %arg4[%add3A_35] : memref<320000xi32, #tpu.memory_space<hbm>> -> memref<40xi32, #tpu.memory_space<hbm>>
    tpu.enqueue_dma source(%dma_start3A_37 : memref<40xi32, #tpu.memory_space<hbm>>) target(%arg10 : memref<40xi32, #tpu.memory_space<vmem>>) target_semaphore(%arg27 : memref<!tpu.dma_semaphore, #tpu.memory_space<semaphore_mem>>)
    %dma_start3A_38 = arith.constant 160 : i32
    %dma_start3A_39 = tpu.memref_slice %arg6[%dma_start3A_38] : memref<10000xi32, #tpu.memory_space<vmem>> -> memref<40xi32, #tpu.memory_space<vmem>>
    %dma_start3A_40 = arith.constant 0 : i32
    %dma_start3A_41 = arith.constant 0 : i32
    %dma_start3A_42 = tpu.memref_slice %arg2[%dma_start3A_40, %dma_start3A_41] : memref<10000x128xf32, #tpu.memory_space<hbm>> -> memref<10000x128xf32, #tpu.memory_space<hbm>>
    tpu.enqueue_indirect_dma source(%dma_start3A_42 : memref<10000x128xf32, #tpu.memory_space<hbm>>) target(%arg16 : memref<40x128xf32, #tpu.memory_space<vmem>>) offsets(%dma_start3A_39 : memref<40xi32, #tpu.memory_space<vmem>>) semaphore(%arg23 : memref<!tpu.dma_semaphore, #tpu.memory_space<semaphore_mem>>)
    %add3A_43 = arith.constant 160 : i32
    %add3A_44 = arith.addi %mul3A_2, %add3A_43 : i32
    %dma_start3A_45 = tpu.memref_slice %arg4[%add3A_44] : memref<320000xi32, #tpu.memory_space<hbm>> -> memref<40xi32, #tpu.memory_space<hbm>>
    %dma_start3A_46 = tpu.memref_slice %arg4[%add3A_44] : memref<320000xi32, #tpu.memory_space<hbm>> -> memref<40xi32, #tpu.memory_space<hbm>>
    tpu.enqueue_dma source(%dma_start3A_46 : memref<40xi32, #tpu.memory_space<hbm>>) target(%arg11 : memref<40xi32, #tpu.memory_space<vmem>>) target_semaphore(%arg28 : memref<!tpu.dma_semaphore, #tpu.memory_space<semaphore_mem>>)
    %ne3A = arith.constant 0 : i32
    %ne3A_47 = arith.cmpi ne, %arg0, %ne3A : i32
    %convert_element_type3A = arith.extui %ne3A_47 : i1 to i32
    %cond3A = arith.constant 0 : i32
    %cond3A_48 = arith.cmpi ne, %convert_element_type3A, %cond3A : i32
    scf.if %cond3A_48 {
      %scan3A_118 = arith.constant 0 : i32
      %scan3A_119 = arith.constant 320 : i32
      %scan3A_120 = arith.addi %scan3A_118, %scan3A_119 : i32
      %scan3A_121 = arith.constant 1 : i32
      scf.for %scan3A_123 = %scan3A_118 to %scan3A_120 step %scan3A_121  : i32 {
        %mul3A_124 = arith.constant 1 : i32
        %mul3A_125 = arith.muli %scan3A_123, %mul3A_124 : i32
        %add3A_126 = arith.constant 0 : i32
        %add3A_127 = arith.addi %add3A_126, %mul3A_125 : i32
        %jit3A = arith.constant 8 : i32
        %div3A = arith.divsi %add3A_127, %jit3A : i32
        %sign3A = arith.constant 0 : i32
        %sign3A_128 = arith.cmpi sgt, %add3A_127, %sign3A : i32
        %sign3A_129 = arith.extui %sign3A_128 : i1 to i32
        %sign3A_130 = arith.constant 0 : i32
        %sign3A_131 = arith.cmpi slt, %add3A_127, %sign3A_130 : i32
        %sign3A_132 = arith.extui %sign3A_131 : i1 to i32
        %sign3A_133 = arith.subi %sign3A_129, %sign3A_132 : i32
        %sign3A_134 = arith.constant 0 : i32
        %sign3A_135 = arith.cmpi sgt, %jit3A, %sign3A_134 : i32
        %sign3A_136 = arith.extui %sign3A_135 : i1 to i32
        %sign3A_137 = arith.constant 0 : i32
        %sign3A_138 = arith.cmpi slt, %jit3A, %sign3A_137 : i32
        %sign3A_139 = arith.extui %sign3A_138 : i1 to i32
        %sign3A_140 = arith.subi %sign3A_136, %sign3A_139 : i32
        %ne3A_141 = arith.cmpi ne, %sign3A_133, %sign3A_140 : i32
        %rem3A = arith.remsi %add3A_127, %jit3A : i32
        %ne3A_142 = arith.constant 0 : i32
        %ne3A_143 = arith.cmpi ne, %rem3A, %ne3A_142 : i32
        %and3A = arith.andi %ne3A_141, %ne3A_143 : i1
        %sub3A = arith.constant 1 : i32
        %sub3A_144 = arith.subi %div3A, %sub3A : i32
        %select_n3A = arith.select %and3A, %sub3A_144, %div3A : i32
        %jit3A_145 = arith.constant 8 : i32
        %eq3A = arith.constant 0 : i32
        %eq3A_146 = arith.cmpi eq, %jit3A_145, %eq3A : i32
        %jit3A_147 = arith.constant 1 : i32
        %select_n3A_148 = arith.select %eq3A_146, %jit3A_147, %jit3A_145 : i32
        %rem3A_149 = arith.remsi %add3A_127, %select_n3A_148 : i32
        %ne3A_150 = arith.constant 0 : i32
        %ne3A_151 = arith.cmpi ne, %rem3A_149, %ne3A_150 : i32
        %lt3A = arith.constant 0 : i32
        %lt3A_152 = arith.cmpi slt, %rem3A_149, %lt3A : i32
        %lt3A_153 = arith.constant 0 : i32
        %lt3A_154 = arith.cmpi slt, %select_n3A_148, %lt3A_153 : i32
        %ne3A_155 = arith.xori %lt3A_152, %lt3A_154 : i1
        %and3A_156 = arith.andi %ne3A_155, %ne3A_151 : i1
        %add3A_157 = arith.addi %rem3A_149, %select_n3A_148 : i32
        %select_n3A_158 = arith.select %and3A_156, %add3A_157, %rem3A_149 : i32
        %mul3A_159 = arith.constant 16 : i32
        %mul3A_160 = arith.muli %select_n3A_158, %mul3A_159 : i32
        %broadcast_in_dim3A = arith.constant 0.000000e+00 : f32
        %broadcast_in_dim3A_161 = vector.broadcast %broadcast_in_dim3A : f32 to vector<16xf32>
        %swap3A = arith.index_cast %select_n3A : i32 to index
        %swap3A_162 = arith.index_cast %mul3A_160 : i32 to index
        %swap3A_163 = tpu.vector_load %arg17[%swap3A, %swap3A_162] {strides = array<i32>} : memref<40x128xf32, #tpu.memory_space<vmem>>, vector<1x16xf32>,
        %swap3A_164 = vector.shape_cast %swap3A_163 : vector<1x16xf32> to vector<16xf32>
        %swap3A_165 = vector.shape_cast %broadcast_in_dim3A_161 : vector<16xf32> to vector<1x16xf32>
        tpu.vector_store %arg17[%swap3A, %swap3A_162], %swap3A_165 {strides = array<i32>} : memref<40x128xf32, #tpu.memory_space<vmem>>, vector<1x16xf32>,
      }
      %scan3A_122 = arith.constant 320 : i32
    } else {
    }
    %scan3A = arith.constant 0 : i32
    %scan3A_49 = arith.constant 16 : i32
    %scan3A_50 = arith.addi %scan3A, %scan3A_49 : i32
    %scan3A_51 = arith.constant 1 : i32
    scf.for %scan3A_118 = %scan3A to %scan3A_50 step %scan3A_51  : i32 {
      %mul3A_119 = arith.constant 1 : i32
      %mul3A_120 = arith.muli %scan3A_118, %mul3A_119 : i32
      %add3A_121 = arith.constant 0 : i32
      %add3A_122 = arith.addi %add3A_121, %mul3A_120 : i32
      %mul3A_123 = arith.constant 16 : i32
      %mul3A_124 = arith.muli %add3A_122, %mul3A_123 : i32
      %add3A_125 = arith.addi %arg1, %mul3A_124 : i32
      %lt3A = arith.constant 250 : i32
      %lt3A_126 = arith.cmpi slt, %add3A_125, %lt3A : i32
      %convert_element_type3A_127 = arith.extui %lt3A_126 : i1 to i32
      %cond3A_128 = arith.constant 0 : i32
      %cond3A_129 = arith.cmpi ne, %convert_element_type3A_127, %cond3A_128 : i32
      scf.if %cond3A_129 {
        %mul3A_130 = arith.constant 40 : i32
        %mul3A_131 = arith.muli %add3A_125, %mul3A_130 : i32
        %eq3A = arith.constant 0 : i32
        %eq3A_132 = arith.cmpi eq, %arg0, %eq3A : i32
        %convert_element_type3A_133 = arith.extui %eq3A_132 : i1 to i32
        %cond3A_134 = arith.constant 0 : i32
        %cond3A_135 = arith.cmpi ne, %convert_element_type3A_133, %cond3A_134 : i32
        scf.if %cond3A_135 {
          %dma_start3A_141 = arith.constant 0 : i32
          %dma_start3A_142 = tpu.memref_slice %arg18[%mul3A_131, %dma_start3A_141] : memref<10000x128xf32, #tpu.memory_space<vmem_shared>> -> memref<40x128xf32, #tpu.memory_space<vmem_shared>>
          %dma_start3A_143 = arith.constant 0 : i32
          %dma_start3A_144 = tpu.memref_slice %arg2[%mul3A_131, %dma_start3A_143] : memref<10000x128xf32, #tpu.memory_space<hbm>> -> memref<40x128xf32, #tpu.memory_space<hbm>>
          tpu.enqueue_dma source(%dma_start3A_144 : memref<40x128xf32, #tpu.memory_space<hbm>>) target(%dma_start3A_142 : memref<40x128xf32, #tpu.memory_space<vmem_shared>>) target_semaphore(%arg34 : memref<!tpu.dma_semaphore, #tpu.memory_space<semaphore_mem>>)
        } else {
        }
        %ne3A_136 = arith.constant 0 : i32
        %ne3A_137 = arith.cmpi ne, %arg0, %ne3A_136 : i32
        %convert_element_type3A_138 = arith.extui %ne3A_137 : i1 to i32
        %cond3A_139 = arith.constant 0 : i32
        %cond3A_140 = arith.cmpi ne, %convert_element_type3A_138, %cond3A_139 : i32
        scf.if %cond3A_140 {
          %dma_start3A_141 = arith.constant 0 : i32
          %dma_start3A_142 = tpu.memref_slice %arg18[%mul3A_131, %dma_start3A_141] : memref<10000x128xf32, #tpu.memory_space<vmem_shared>> -> memref<40x128xf32, #tpu.memory_space<vmem_shared>>
          %dma_start3A_143 = arith.constant 0 : i32
          %dma_start3A_144 = tpu.memref_slice %arg18[%mul3A_131, %dma_start3A_143] : memref<10000x128xf32, #tpu.memory_space<vmem_shared>> -> memref<40x128xf32, #tpu.memory_space<vmem_shared>>
          tpu.enqueue_dma source(%arg17 : memref<40x128xf32, #tpu.memory_space<vmem>>) target(%dma_start3A_144 : memref<40x128xf32, #tpu.memory_space<vmem_shared>>) target_semaphore(%arg34 : memref<!tpu.dma_semaphore, #tpu.memory_space<semaphore_mem>>)
        } else {
        }
      } else {
      }
    }
    %scan3A_52 = arith.constant 16 : i32
    %scan3A_53 = arith.constant 0 : i32
    %scan3A_54 = arith.constant 16 : i32
    %scan3A_55 = arith.addi %scan3A_53, %scan3A_54 : i32
    %scan3A_56 = arith.constant 1 : i32
    scf.for %scan3A_118 = %scan3A_53 to %scan3A_55 step %scan3A_56  : i32 {
      %mul3A_119 = arith.constant 1 : i32
      %mul3A_120 = arith.muli %scan3A_118, %mul3A_119 : i32
      %add3A_121 = arith.constant 0 : i32
      %add3A_122 = arith.addi %add3A_121, %mul3A_120 : i32
      %mul3A_123 = arith.constant 16 : i32
      %mul3A_124 = arith.muli %add3A_122, %mul3A_123 : i32
      %add3A_125 = arith.addi %arg1, %mul3A_124 : i32
      %lt3A = arith.constant 250 : i32
      %lt3A_126 = arith.cmpi slt, %add3A_125, %lt3A : i32
      %convert_element_type3A_127 = arith.extui %lt3A_126 : i1 to i32
      %cond3A_128 = arith.constant 0 : i32
      %cond3A_129 = arith.cmpi ne, %convert_element_type3A_127, %cond3A_128 : i32
      scf.if %cond3A_129 {
        %mul3A_130 = arith.constant 40 : i32
        %mul3A_131 = arith.muli %add3A_125, %mul3A_130 : i32
        %eq3A = arith.constant 0 : i32
        %eq3A_132 = arith.cmpi eq, %arg0, %eq3A : i32
        %convert_element_type3A_133 = arith.extui %eq3A_132 : i1 to i32
        %cond3A_134 = arith.constant 0 : i32
        %cond3A_135 = arith.cmpi ne, %convert_element_type3A_133, %cond3A_134 : i32
        scf.if %cond3A_135 {
          %dma_wait3A_141 = arith.constant 0 : i32
          %dma_wait3A_142 = tpu.memref_slice %arg18[%mul3A_131, %dma_wait3A_141] : memref<10000x128xf32, #tpu.memory_space<vmem_shared>> -> memref<40x128xf32, #tpu.memory_space<vmem_shared>>
          %dma_wait3A_143 = arith.constant 0 : i32
          %dma_wait3A_144 = tpu.memref_slice %arg2[%mul3A_131, %dma_wait3A_143] : memref<10000x128xf32, #tpu.memory_space<hbm>> -> memref<40x128xf32, #tpu.memory_space<hbm>>
          tpu.wait_dma2 semaphore(%arg34 : memref<!tpu.dma_semaphore, #tpu.memory_space<semaphore_mem>>) src(%dma_wait3A_144 : memref<40x128xf32, #tpu.memory_space<hbm>>) dst(%dma_wait3A_142 : memref<40x128xf32, #tpu.memory_space<vmem_shared>>)
        } else {
        }
        %ne3A_136 = arith.constant 0 : i32
        %ne3A_137 = arith.cmpi ne, %arg0, %ne3A_136 : i32
        %convert_element_type3A_138 = arith.extui %ne3A_137 : i1 to i32
        %cond3A_139 = arith.constant 0 : i32
        %cond3A_140 = arith.cmpi ne, %convert_element_type3A_138, %cond3A_139 : i32
        scf.if %cond3A_140 {
          %dma_wait3A_141 = arith.constant 0 : i32
          %dma_wait3A_142 = tpu.memref_slice %arg18[%mul3A_131, %dma_wait3A_141] : memref<10000x128xf32, #tpu.memory_space<vmem_shared>> -> memref<40x128xf32, #tpu.memory_space<vmem_shared>>
          %dma_wait3A_143 = arith.constant 0 : i32
          %dma_wait3A_144 = tpu.memref_slice %arg18[%mul3A_131, %dma_wait3A_143] : memref<10000x128xf32, #tpu.memory_space<vmem_shared>> -> memref<40x128xf32, #tpu.memory_space<vmem_shared>>
          tpu.wait_dma2 semaphore(%arg34 : memref<!tpu.dma_semaphore, #tpu.memory_space<semaphore_mem>>) src(%arg17 : memref<40x128xf32, #tpu.memory_space<vmem>>) dst(%dma_wait3A_144 : memref<40x128xf32, #tpu.memory_space<vmem_shared>>)
        } else {
        }
      } else {
      }
    }
    %scan3A_57 = arith.constant 16 : i32
    %barrier3A = arith.constant 0 : index
    tpu.barrier barrier_id(%barrier3A)
    %scan3A_58 = arith.constant 0 : i32
    %scan3A_59 = arith.constant 49 : i32
    %scan3A_60 = arith.addi %scan3A_58, %scan3A_59 : i32
    %scan3A_61 = arith.constant 1 : i32
    scf.for %scan3A_118 = %scan3A_58 to %scan3A_60 step %scan3A_61  : i32 {
      %mul3A_119 = arith.constant 5 : i32
      %mul3A_120 = arith.muli %scan3A_118, %mul3A_119 : i32
      %add3A_121 = arith.constant 0 : i32
      %add3A_122 = arith.addi %add3A_121, %mul3A_120 : i32
      %add3A_123 = arith.constant 0 : i32
      %add3A_124 = arith.addi %add3A_122, %add3A_123 : i32
      %mul3A_125 = arith.constant 40 : i32
      %mul3A_126 = arith.muli %add3A_124, %mul3A_125 : i32
      %dma_wait3A_127 = tpu.memref_slice %arg6[%mul3A_126] : memref<10000xi32, #tpu.memory_space<vmem>> -> memref<40xi32, #tpu.memory_space<vmem>>
      %dma_wait3A_128 = arith.constant 0 : i32
      %dma_wait3A_129 = arith.constant 0 : i32
      %dma_wait3A_130 = tpu.memref_slice %arg2[%dma_wait3A_128, %dma_wait3A_129] : memref<10000x128xf32, #tpu.memory_space<hbm>> -> memref<10000x128xf32, #tpu.memory_space<hbm>>
      tpu.wait_indirect_dma semaphore(%arg19 : memref<!tpu.dma_semaphore, #tpu.memory_space<semaphore_mem>>) src(%dma_wait3A_130 : memref<10000x128xf32, #tpu.memory_space<hbm>>) dst(%arg12 : memref<40x128xf32, #tpu.memory_space<vmem>>)
      %mul3A_131 = arith.constant 40 : i32
      %mul3A_132 = arith.muli %add3A_124, %mul3A_131 : i32
      %add3A_133 = arith.addi %mul3A_2, %mul3A_132 : i32
      %dma_wait3A_134 = tpu.memref_slice %arg4[%add3A_133] : memref<320000xi32, #tpu.memory_space<hbm>> -> memref<40xi32, #tpu.memory_space<hbm>>
      %dma_wait3A_135 = tpu.memref_slice %arg4[%add3A_133] : memref<320000xi32, #tpu.memory_space<hbm>> -> memref<40xi32, #tpu.memory_space<hbm>>
      tpu.wait_dma2 semaphore(%arg24 : memref<!tpu.dma_semaphore, #tpu.memory_space<semaphore_mem>>) src(%dma_wait3A_135 : memref<40xi32, #tpu.memory_space<hbm>>) dst(%arg7 : memref<40xi32, #tpu.memory_space<vmem>>)
      "tpu.region"() ({
        %run_scoped3A = tpu.sem_alloc : memref<!tpu.dma_semaphore, #tpu.memory_space<semaphore_mem>>
        %dma_start3A_222 = arith.constant 0 : i32
        %dma_start3A_223 = arith.constant 0 : i32
        %dma_start3A_224 = tpu.memref_slice %arg18[%dma_start3A_222, %dma_start3A_223] : memref<10000x128xf32, #tpu.memory_space<vmem_shared>> -> memref<10000x128xf32, #tpu.memory_space<vmem_shared>>
        tpu.enqueue_indirect_dma source(%arg12 : memref<40x128xf32, #tpu.memory_space<vmem>>) target(%dma_start3A_224 : memref<10000x128xf32, #tpu.memory_space<vmem_shared>>) offsets(%arg7 : memref<40xi32, #tpu.memory_space<vmem>>) semaphore(%run_scoped3A : memref<!tpu.dma_semaphore, #tpu.memory_space<semaphore_mem>>) {add = true}
        %dma_wait3A_225 = arith.constant 0 : i32
        %dma_wait3A_226 = arith.constant 0 : i32
        %dma_wait3A_227 = tpu.memref_slice %arg18[%dma_wait3A_225, %dma_wait3A_226] : memref<10000x128xf32, #tpu.memory_space<vmem_shared>> -> memref<10000x128xf32, #tpu.memory_space<vmem_shared>>
        tpu.wait_indirect_dma semaphore(%run_scoped3A : memref<!tpu.dma_semaphore, #tpu.memory_space<semaphore_mem>>) src(%arg12 : memref<40x128xf32, #tpu.memory_space<vmem>>) dst(%dma_wait3A_227 : memref<10000x128xf32, #tpu.memory_space<vmem_shared>>)
        tpu.yield
      }) : () -> ()
      %add3A_136 = arith.constant 5 : i32
      %add3A_137 = arith.addi %add3A_124, %add3A_136 : i32
      %lt3A = arith.constant 250 : i32
      %lt3A_138 = arith.cmpi slt, %add3A_137, %lt3A : i32
      %convert_element_type3A_139 = arith.extui %lt3A_138 : i1 to i32
      %cond3A_140 = arith.constant 0 : i32
      %cond3A_141 = arith.cmpi ne, %convert_element_type3A_139, %cond3A_140 : i32
      scf.if %cond3A_141 {
        %mul3A_222 = arith.constant 40 : i32
        %mul3A_223 = arith.muli %add3A_137, %mul3A_222 : i32
        %dma_start3A_224 = tpu.memref_slice %arg6[%mul3A_223] : memref<10000xi32, #tpu.memory_space<vmem>> -> memref<40xi32, #tpu.memory_space<vmem>>
        %dma_start3A_225 = arith.constant 0 : i32
        %dma_start3A_226 = arith.constant 0 : i32
        %dma_start3A_227 = tpu.memref_slice %arg2[%dma_start3A_225, %dma_start3A_226] : memref<10000x128xf32, #tpu.memory_space<hbm>> -> memref<10000x128xf32, #tpu.memory_space<hbm>>
        tpu.enqueue_indirect_dma source(%dma_start3A_227 : memref<10000x128xf32, #tpu.memory_space<hbm>>) target(%arg12 : memref<40x128xf32, #tpu.memory_space<vmem>>) offsets(%dma_start3A_224 : memref<40xi32, #tpu.memory_space<vmem>>) semaphore(%arg19 : memref<!tpu.dma_semaphore, #tpu.memory_space<semaphore_mem>>)
        %mul3A_228 = arith.constant 40 : i32
        %mul3A_229 = arith.muli %add3A_137, %mul3A_228 : i32
        %add3A_230 = arith.addi %mul3A_2, %mul3A_229 : i32
        %dma_start3A_231 = tpu.memref_slice %arg4[%add3A_230] : memref<320000xi32, #tpu.memory_space<hbm>> -> memref<40xi32, #tpu.memory_space<hbm>>
        %dma_start3A_232 = tpu.memref_slice %arg4[%add3A_230] : memref<320000xi32, #tpu.memory_space<hbm>> -> memref<40xi32, #tpu.memory_space<hbm>>
        tpu.enqueue_dma source(%dma_start3A_232 : memref<40xi32, #tpu.memory_space<hbm>>) target(%arg7 : memref<40xi32, #tpu.memory_space<vmem>>) target_semaphore(%arg24 : memref<!tpu.dma_semaphore, #tpu.memory_space<semaphore_mem>>)
      } else {
      }
      %add3A_142 = arith.constant 1 : i32
      %add3A_143 = arith.addi %add3A_122, %add3A_142 : i32
      %mul3A_144 = arith.constant 40 : i32
      %mul3A_145 = arith.muli %add3A_143, %mul3A_144 : i32
      %dma_wait3A_146 = tpu.memref_slice %arg6[%mul3A_145] : memref<10000xi32, #tpu.memory_space<vmem>> -> memref<40xi32, #tpu.memory_space<vmem>>
      %dma_wait3A_147 = arith.constant 0 : i32
      %dma_wait3A_148 = arith.constant 0 : i32
      %dma_wait3A_149 = tpu.memref_slice %arg2[%dma_wait3A_147, %dma_wait3A_148] : memref<10000x128xf32, #tpu.memory_space<hbm>> -> memref<10000x128xf32, #tpu.memory_space<hbm>>
      tpu.wait_indirect_dma semaphore(%arg20 : memref<!tpu.dma_semaphore, #tpu.memory_space<semaphore_mem>>) src(%dma_wait3A_149 : memref<10000x128xf32, #tpu.memory_space<hbm>>) dst(%arg13 : memref<40x128xf32, #tpu.memory_space<vmem>>)
      %mul3A_150 = arith.constant 40 : i32
      %mul3A_151 = arith.muli %add3A_143, %mul3A_150 : i32
      %add3A_152 = arith.addi %mul3A_2, %mul3A_151 : i32
      %dma_wait3A_153 = tpu.memref_slice %arg4[%add3A_152] : memref<320000xi32, #tpu.memory_space<hbm>> -> memref<40xi32, #tpu.memory_space<hbm>>
      %dma_wait3A_154 = tpu.memref_slice %arg4[%add3A_152] : memref<320000xi32, #tpu.memory_space<hbm>> -> memref<40xi32, #tpu.memory_space<hbm>>
      tpu.wait_dma2 semaphore(%arg25 : memref<!tpu.dma_semaphore, #tpu.memory_space<semaphore_mem>>) src(%dma_wait3A_154 : memref<40xi32, #tpu.memory_space<hbm>>) dst(%arg8 : memref<40xi32, #tpu.memory_space<vmem>>)
      "tpu.region"() ({
        %run_scoped3A = tpu.sem_alloc : memref<!tpu.dma_semaphore, #tpu.memory_space<semaphore_mem>>
        %dma_start3A_222 = arith.constant 0 : i32
        %dma_start3A_223 = arith.constant 0 : i32
        %dma_start3A_224 = tpu.memref_slice %arg18[%dma_start3A_222, %dma_start3A_223] : memref<10000x128xf32, #tpu.memory_space<vmem_shared>> -> memref<10000x128xf32, #tpu.memory_space<vmem_shared>>
        tpu.enqueue_indirect_dma source(%arg13 : memref<40x128xf32, #tpu.memory_space<vmem>>) target(%dma_start3A_224 : memref<10000x128xf32, #tpu.memory_space<vmem_shared>>) offsets(%arg8 : memref<40xi32, #tpu.memory_space<vmem>>) semaphore(%run_scoped3A : memref<!tpu.dma_semaphore, #tpu.memory_space<semaphore_mem>>) {add = true}
        %dma_wait3A_225 = arith.constant 0 : i32
        %dma_wait3A_226 = arith.constant 0 : i32
        %dma_wait3A_227 = tpu.memref_slice %arg18[%dma_wait3A_225, %dma_wait3A_226] : memref<10000x128xf32, #tpu.memory_space<vmem_shared>> -> memref<10000x128xf32, #tpu.memory_space<vmem_shared>>
        tpu.wait_indirect_dma semaphore(%run_scoped3A : memref<!tpu.dma_semaphore, #tpu.memory_space<semaphore_mem>>) src(%arg13 : memref<40x128xf32, #tpu.memory_space<vmem>>) dst(%dma_wait3A_227 : memref<10000x128xf32, #tpu.memory_space<vmem_shared>>)
        tpu.yield
      }) : () -> ()
      %add3A_155 = arith.constant 5 : i32
      %add3A_156 = arith.addi %add3A_143, %add3A_155 : i32
      %lt3A_157 = arith.constant 250 : i32
      %lt3A_158 = arith.cmpi slt, %add3A_156, %lt3A_157 : i32
      %convert_element_type3A_159 = arith.extui %lt3A_158 : i1 to i32
      %cond3A_160 = arith.constant 0 : i32
      %cond3A_161 = arith.cmpi ne, %convert_element_type3A_159, %cond3A_160 : i32
      scf.if %cond3A_161 {
        %mul3A_222 = arith.constant 40 : i32
        %mul3A_223 = arith.muli %add3A_156, %mul3A_222 : i32
        %dma_start3A_224 = tpu.memref_slice %arg6[%mul3A_223] : memref<10000xi32, #tpu.memory_space<vmem>> -> memref<40xi32, #tpu.memory_space<vmem>>
        %dma_start3A_225 = arith.constant 0 : i32
        %dma_start3A_226 = arith.constant 0 : i32
        %dma_start3A_227 = tpu.memref_slice %arg2[%dma_start3A_225, %dma_start3A_226] : memref<10000x128xf32, #tpu.memory_space<hbm>> -> memref<10000x128xf32, #tpu.memory_space<hbm>>
        tpu.enqueue_indirect_dma source(%dma_start3A_227 : memref<10000x128xf32, #tpu.memory_space<hbm>>) target(%arg13 : memref<40x128xf32, #tpu.memory_space<vmem>>) offsets(%dma_start3A_224 : memref<40xi32, #tpu.memory_space<vmem>>) semaphore(%arg20 : memref<!tpu.dma_semaphore, #tpu.memory_space<semaphore_mem>>)
        %mul3A_228 = arith.constant 40 : i32
        %mul3A_229 = arith.muli %add3A_156, %mul3A_228 : i32
        %add3A_230 = arith.addi %mul3A_2, %mul3A_229 : i32
        %dma_start3A_231 = tpu.memref_slice %arg4[%add3A_230] : memref<320000xi32, #tpu.memory_space<hbm>> -> memref<40xi32, #tpu.memory_space<hbm>>
        %dma_start3A_232 = tpu.memref_slice %arg4[%add3A_230] : memref<320000xi32, #tpu.memory_space<hbm>> -> memref<40xi32, #tpu.memory_space<hbm>>
        tpu.enqueue_dma source(%dma_start3A_232 : memref<40xi32, #tpu.memory_space<hbm>>) target(%arg8 : memref<40xi32, #tpu.memory_space<vmem>>) target_semaphore(%arg25 : memref<!tpu.dma_semaphore, #tpu.memory_space<semaphore_mem>>)
      } else {
      }
      %add3A_162 = arith.constant 2 : i32
      %add3A_163 = arith.addi %add3A_122, %add3A_162 : i32
      %mul3A_164 = arith.constant 40 : i32
      %mul3A_165 = arith.muli %add3A_163, %mul3A_164 : i32
      %dma_wait3A_166 = tpu.memref_slice %arg6[%mul3A_165] : memref<10000xi32, #tpu.memory_space<vmem>> -> memref<40xi32, #tpu.memory_space<vmem>>
      %dma_wait3A_167 = arith.constant 0 : i32
      %dma_wait3A_168 = arith.constant 0 : i32
      %dma_wait3A_169 = tpu.memref_slice %arg2[%dma_wait3A_167, %dma_wait3A_168] : memref<10000x128xf32, #tpu.memory_space<hbm>> -> memref<10000x128xf32, #tpu.memory_space<hbm>>
      tpu.wait_indirect_dma semaphore(%arg21 : memref<!tpu.dma_semaphore, #tpu.memory_space<semaphore_mem>>) src(%dma_wait3A_169 : memref<10000x128xf32, #tpu.memory_space<hbm>>) dst(%arg14 : memref<40x128xf32, #tpu.memory_space<vmem>>)
      %mul3A_170 = arith.constant 40 : i32
      %mul3A_171 = arith.muli %add3A_163, %mul3A_170 : i32
      %add3A_172 = arith.addi %mul3A_2, %mul3A_171 : i32
      %dma_wait3A_173 = tpu.memref_slice %arg4[%add3A_172] : memref<320000xi32, #tpu.memory_space<hbm>> -> memref<40xi32, #tpu.memory_space<hbm>>
      %dma_wait3A_174 = tpu.memref_slice %arg4[%add3A_172] : memref<320000xi32, #tpu.memory_space<hbm>> -> memref<40xi32, #tpu.memory_space<hbm>>
      tpu.wait_dma2 semaphore(%arg26 : memref<!tpu.dma_semaphore, #tpu.memory_space<semaphore_mem>>) src(%dma_wait3A_174 : memref<40xi32, #tpu.memory_space<hbm>>) dst(%arg9 : memref<40xi32, #tpu.memory_space<vmem>>)
      "tpu.region"() ({
        %run_scoped3A = tpu.sem_alloc : memref<!tpu.dma_semaphore, #tpu.memory_space<semaphore_mem>>
        %dma_start3A_222 = arith.constant 0 : i32
        %dma_start3A_223 = arith.constant 0 : i32
        %dma_start3A_224 = tpu.memref_slice %arg18[%dma_start3A_222, %dma_start3A_223] : memref<10000x128xf32, #tpu.memory_space<vmem_shared>> -> memref<10000x128xf32, #tpu.memory_space<vmem_shared>>
        tpu.enqueue_indirect_dma source(%arg14 : memref<40x128xf32, #tpu.memory_space<vmem>>) target(%dma_start3A_224 : memref<10000x128xf32, #tpu.memory_space<vmem_shared>>) offsets(%arg9 : memref<40xi32, #tpu.memory_space<vmem>>) semaphore(%run_scoped3A : memref<!tpu.dma_semaphore, #tpu.memory_space<semaphore_mem>>) {add = true}
        %dma_wait3A_225 = arith.constant 0 : i32
        %dma_wait3A_226 = arith.constant 0 : i32
        %dma_wait3A_227 = tpu.memref_slice %arg18[%dma_wait3A_225, %dma_wait3A_226] : memref<10000x128xf32, #tpu.memory_space<vmem_shared>> -> memref<10000x128xf32, #tpu.memory_space<vmem_shared>>
        tpu.wait_indirect_dma semaphore(%run_scoped3A : memref<!tpu.dma_semaphore, #tpu.memory_space<semaphore_mem>>) src(%arg14 : memref<40x128xf32, #tpu.memory_space<vmem>>) dst(%dma_wait3A_227 : memref<10000x128xf32, #tpu.memory_space<vmem_shared>>)
        tpu.yield
      }) : () -> ()
      %add3A_175 = arith.constant 5 : i32
      %add3A_176 = arith.addi %add3A_163, %add3A_175 : i32
      %lt3A_177 = arith.constant 250 : i32
      %lt3A_178 = arith.cmpi slt, %add3A_176, %lt3A_177 : i32
      %convert_element_type3A_179 = arith.extui %lt3A_178 : i1 to i32
      %cond3A_180 = arith.constant 0 : i32
      %cond3A_181 = arith.cmpi ne, %convert_element_type3A_179, %cond3A_180 : i32
      scf.if %cond3A_181 {
        %mul3A_222 = arith.constant 40 : i32
        %mul3A_223 = arith.muli %add3A_176, %mul3A_222 : i32
        %dma_start3A_224 = tpu.memref_slice %arg6[%mul3A_223] : memref<10000xi32, #tpu.memory_space<vmem>> -> memref<40xi32, #tpu.memory_space<vmem>>
        %dma_start3A_225 = arith.constant 0 : i32
        %dma_start3A_226 = arith.constant 0 : i32
        %dma_start3A_227 = tpu.memref_slice %arg2[%dma_start3A_225, %dma_start3A_226] : memref<10000x128xf32, #tpu.memory_space<hbm>> -> memref<10000x128xf32, #tpu.memory_space<hbm>>
        tpu.enqueue_indirect_dma source(%dma_start3A_227 : memref<10000x128xf32, #tpu.memory_space<hbm>>) target(%arg14 : memref<40x128xf32, #tpu.memory_space<vmem>>) offsets(%dma_start3A_224 : memref<40xi32, #tpu.memory_space<vmem>>) semaphore(%arg21 : memref<!tpu.dma_semaphore, #tpu.memory_space<semaphore_mem>>)
        %mul3A_228 = arith.constant 40 : i32
        %mul3A_229 = arith.muli %add3A_176, %mul3A_228 : i32
        %add3A_230 = arith.addi %mul3A_2, %mul3A_229 : i32
        %dma_start3A_231 = tpu.memref_slice %arg4[%add3A_230] : memref<320000xi32, #tpu.memory_space<hbm>> -> memref<40xi32, #tpu.memory_space<hbm>>
        %dma_start3A_232 = tpu.memref_slice %arg4[%add3A_230] : memref<320000xi32, #tpu.memory_space<hbm>> -> memref<40xi32, #tpu.memory_space<hbm>>
        tpu.enqueue_dma source(%dma_start3A_232 : memref<40xi32, #tpu.memory_space<hbm>>) target(%arg9 : memref<40xi32, #tpu.memory_space<vmem>>) target_semaphore(%arg26 : memref<!tpu.dma_semaphore, #tpu.memory_space<semaphore_mem>>)
      } else {
      }
      %add3A_182 = arith.constant 3 : i32
      %add3A_183 = arith.addi %add3A_122, %add3A_182 : i32
      %mul3A_184 = arith.constant 40 : i32
      %mul3A_185 = arith.muli %add3A_183, %mul3A_184 : i32
      %dma_wait3A_186 = tpu.memref_slice %arg6[%mul3A_185] : memref<10000xi32, #tpu.memory_space<vmem>> -> memref<40xi32, #tpu.memory_space<vmem>>
      %dma_wait3A_187 = arith.constant 0 : i32
      %dma_wait3A_188 = arith.constant 0 : i32
      %dma_wait3A_189 = tpu.memref_slice %arg2[%dma_wait3A_187, %dma_wait3A_188] : memref<10000x128xf32, #tpu.memory_space<hbm>> -> memref<10000x128xf32, #tpu.memory_space<hbm>>
      tpu.wait_indirect_dma semaphore(%arg22 : memref<!tpu.dma_semaphore, #tpu.memory_space<semaphore_mem>>) src(%dma_wait3A_189 : memref<10000x128xf32, #tpu.memory_space<hbm>>) dst(%arg15 : memref<40x128xf32, #tpu.memory_space<vmem>>)
      %mul3A_190 = arith.constant 40 : i32
      %mul3A_191 = arith.muli %add3A_183, %mul3A_190 : i32
      %add3A_192 = arith.addi %mul3A_2, %mul3A_191 : i32
      %dma_wait3A_193 = tpu.memref_slice %arg4[%add3A_192] : memref<320000xi32, #tpu.memory_space<hbm>> -> memref<40xi32, #tpu.memory_space<hbm>>
      %dma_wait3A_194 = tpu.memref_slice %arg4[%add3A_192] : memref<320000xi32, #tpu.memory_space<hbm>> -> memref<40xi32, #tpu.memory_space<hbm>>
      tpu.wait_dma2 semaphore(%arg27 : memref<!tpu.dma_semaphore, #tpu.memory_space<semaphore_mem>>) src(%dma_wait3A_194 : memref<40xi32, #tpu.memory_space<hbm>>) dst(%arg10 : memref<40xi32, #tpu.memory_space<vmem>>)
      "tpu.region"() ({
        %run_scoped3A = tpu.sem_alloc : memref<!tpu.dma_semaphore, #tpu.memory_space<semaphore_mem>>
        %dma_start3A_222 = arith.constant 0 : i32
        %dma_start3A_223 = arith.constant 0 : i32
        %dma_start3A_224 = tpu.memref_slice %arg18[%dma_start3A_222, %dma_start3A_223] : memref<10000x128xf32, #tpu.memory_space<vmem_shared>> -> memref<10000x128xf32, #tpu.memory_space<vmem_shared>>
        tpu.enqueue_indirect_dma source(%arg15 : memref<40x128xf32, #tpu.memory_space<vmem>>) target(%dma_start3A_224 : memref<10000x128xf32, #tpu.memory_space<vmem_shared>>) offsets(%arg10 : memref<40xi32, #tpu.memory_space<vmem>>) semaphore(%run_scoped3A : memref<!tpu.dma_semaphore, #tpu.memory_space<semaphore_mem>>) {add = true}
        %dma_wait3A_225 = arith.constant 0 : i32
        %dma_wait3A_226 = arith.constant 0 : i32
        %dma_wait3A_227 = tpu.memref_slice %arg18[%dma_wait3A_225, %dma_wait3A_226] : memref<10000x128xf32, #tpu.memory_space<vmem_shared>> -> memref<10000x128xf32, #tpu.memory_space<vmem_shared>>
        tpu.wait_indirect_dma semaphore(%run_scoped3A : memref<!tpu.dma_semaphore, #tpu.memory_space<semaphore_mem>>) src(%arg15 : memref<40x128xf32, #tpu.memory_space<vmem>>) dst(%dma_wait3A_227 : memref<10000x128xf32, #tpu.memory_space<vmem_shared>>)
        tpu.yield
      }) : () -> ()
      %add3A_195 = arith.constant 5 : i32
      %add3A_196 = arith.addi %add3A_183, %add3A_195 : i32
      %lt3A_197 = arith.constant 250 : i32
      %lt3A_198 = arith.cmpi slt, %add3A_196, %lt3A_197 : i32
      %convert_element_type3A_199 = arith.extui %lt3A_198 : i1 to i32
      %cond3A_200 = arith.constant 0 : i32
      %cond3A_201 = arith.cmpi ne, %convert_element_type3A_199, %cond3A_200 : i32
      scf.if %cond3A_201 {
        %mul3A_222 = arith.constant 40 : i32
        %mul3A_223 = arith.muli %add3A_196, %mul3A_222 : i32
        %dma_start3A_224 = tpu.memref_slice %arg6[%mul3A_223] : memref<10000xi32, #tpu.memory_space<vmem>> -> memref<40xi32, #tpu.memory_space<vmem>>
        %dma_start3A_225 = arith.constant 0 : i32
        %dma_start3A_226 = arith.constant 0 : i32
        %dma_start3A_227 = tpu.memref_slice %arg2[%dma_start3A_225, %dma_start3A_226] : memref<10000x128xf32, #tpu.memory_space<hbm>> -> memref<10000x128xf32, #tpu.memory_space<hbm>>
        tpu.enqueue_indirect_dma source(%dma_start3A_227 : memref<10000x128xf32, #tpu.memory_space<hbm>>) target(%arg15 : memref<40x128xf32, #tpu.memory_space<vmem>>) offsets(%dma_start3A_224 : memref<40xi32, #tpu.memory_space<vmem>>) semaphore(%arg22 : memref<!tpu.dma_semaphore, #tpu.memory_space<semaphore_mem>>)
        %mul3A_228 = arith.constant 40 : i32
        %mul3A_229 = arith.muli %add3A_196, %mul3A_228 : i32
        %add3A_230 = arith.addi %mul3A_2, %mul3A_229 : i32
        %dma_start3A_231 = tpu.memref_slice %arg4[%add3A_230] : memref<320000xi32, #tpu.memory_space<hbm>> -> memref<40xi32, #tpu.memory_space<hbm>>
        %dma_start3A_232 = tpu.memref_slice %arg4[%add3A_230] : memref<320000xi32, #tpu.memory_space<hbm>> -> memref<40xi32, #tpu.memory_space<hbm>>
        tpu.enqueue_dma source(%dma_start3A_232 : memref<40xi32, #tpu.memory_space<hbm>>) target(%arg10 : memref<40xi32, #tpu.memory_space<vmem>>) target_semaphore(%arg27 : memref<!tpu.dma_semaphore, #tpu.memory_space<semaphore_mem>>)
      } else {
      }
      %add3A_202 = arith.constant 4 : i32
      %add3A_203 = arith.addi %add3A_122, %add3A_202 : i32
      %mul3A_204 = arith.constant 40 : i32
      %mul3A_205 = arith.muli %add3A_203, %mul3A_204 : i32
      %dma_wait3A_206 = tpu.memref_slice %arg6[%mul3A_205] : memref<10000xi32, #tpu.memory_space<vmem>> -> memref<40xi32, #tpu.memory_space<vmem>>
      %dma_wait3A_207 = arith.constant 0 : i32
      %dma_wait3A_208 = arith.constant 0 : i32
      %dma_wait3A_209 = tpu.memref_slice %arg2[%dma_wait3A_207, %dma_wait3A_208] : memref<10000x128xf32, #tpu.memory_space<hbm>> -> memref<10000x128xf32, #tpu.memory_space<hbm>>
      tpu.wait_indirect_dma semaphore(%arg23 : memref<!tpu.dma_semaphore, #tpu.memory_space<semaphore_mem>>) src(%dma_wait3A_209 : memref<10000x128xf32, #tpu.memory_space<hbm>>) dst(%arg16 : memref<40x128xf32, #tpu.memory_space<vmem>>)
      %mul3A_210 = arith.constant 40 : i32
      %mul3A_211 = arith.muli %add3A_203, %mul3A_210 : i32
      %add3A_212 = arith.addi %mul3A_2, %mul3A_211 : i32
      %dma_wait3A_213 = tpu.memref_slice %arg4[%add3A_212] : memref<320000xi32, #tpu.memory_space<hbm>> -> memref<40xi32, #tpu.memory_space<hbm>>
      %dma_wait3A_214 = tpu.memref_slice %arg4[%add3A_212] : memref<320000xi32, #tpu.memory_space<hbm>> -> memref<40xi32, #tpu.memory_space<hbm>>
      tpu.wait_dma2 semaphore(%arg28 : memref<!tpu.dma_semaphore, #tpu.memory_space<semaphore_mem>>) src(%dma_wait3A_214 : memref<40xi32, #tpu.memory_space<hbm>>) dst(%arg11 : memref<40xi32, #tpu.memory_space<vmem>>)
      "tpu.region"() ({
        %run_scoped3A = tpu.sem_alloc : memref<!tpu.dma_semaphore, #tpu.memory_space<semaphore_mem>>
        %dma_start3A_222 = arith.constant 0 : i32
        %dma_start3A_223 = arith.constant 0 : i32
        %dma_start3A_224 = tpu.memref_slice %arg18[%dma_start3A_222, %dma_start3A_223] : memref<10000x128xf32, #tpu.memory_space<vmem_shared>> -> memref<10000x128xf32, #tpu.memory_space<vmem_shared>>
        tpu.enqueue_indirect_dma source(%arg16 : memref<40x128xf32, #tpu.memory_space<vmem>>) target(%dma_start3A_224 : memref<10000x128xf32, #tpu.memory_space<vmem_shared>>) offsets(%arg11 : memref<40xi32, #tpu.memory_space<vmem>>) semaphore(%run_scoped3A : memref<!tpu.dma_semaphore, #tpu.memory_space<semaphore_mem>>) {add = true}
        %dma_wait3A_225 = arith.constant 0 : i32
        %dma_wait3A_226 = arith.constant 0 : i32
        %dma_wait3A_227 = tpu.memref_slice %arg18[%dma_wait3A_225, %dma_wait3A_226] : memref<10000x128xf32, #tpu.memory_space<vmem_shared>> -> memref<10000x128xf32, #tpu.memory_space<vmem_shared>>
        tpu.wait_indirect_dma semaphore(%run_scoped3A : memref<!tpu.dma_semaphore, #tpu.memory_space<semaphore_mem>>) src(%arg16 : memref<40x128xf32, #tpu.memory_space<vmem>>) dst(%dma_wait3A_227 : memref<10000x128xf32, #tpu.memory_space<vmem_shared>>)
        tpu.yield
      }) : () -> ()
      %add3A_215 = arith.constant 5 : i32
      %add3A_216 = arith.addi %add3A_203, %add3A_215 : i32
      %lt3A_217 = arith.constant 250 : i32
      %lt3A_218 = arith.cmpi slt, %add3A_216, %lt3A_217 : i32
      %convert_element_type3A_219 = arith.extui %lt3A_218 : i1 to i32
      %cond3A_220 = arith.constant 0 : i32
      %cond3A_221 = arith.cmpi ne, %convert_element_type3A_219, %cond3A_220 : i32
      scf.if %cond3A_221 {
        %mul3A_222 = arith.constant 40 : i32
        %mul3A_223 = arith.muli %add3A_216, %mul3A_222 : i32
        %dma_start3A_224 = tpu.memref_slice %arg6[%mul3A_223] : memref<10000xi32, #tpu.memory_space<vmem>> -> memref<40xi32, #tpu.memory_space<vmem>>
        %dma_start3A_225 = arith.constant 0 : i32
        %dma_start3A_226 = arith.constant 0 : i32
        %dma_start3A_227 = tpu.memref_slice %arg2[%dma_start3A_225, %dma_start3A_226] : memref<10000x128xf32, #tpu.memory_space<hbm>> -> memref<10000x128xf32, #tpu.memory_space<hbm>>
        tpu.enqueue_indirect_dma source(%dma_start3A_227 : memref<10000x128xf32, #tpu.memory_space<hbm>>) target(%arg16 : memref<40x128xf32, #tpu.memory_space<vmem>>) offsets(%dma_start3A_224 : memref<40xi32, #tpu.memory_space<vmem>>) semaphore(%arg23 : memref<!tpu.dma_semaphore, #tpu.memory_space<semaphore_mem>>)
        %mul3A_228 = arith.constant 40 : i32
        %mul3A_229 = arith.muli %add3A_216, %mul3A_228 : i32
        %add3A_230 = arith.addi %mul3A_2, %mul3A_229 : i32
        %dma_start3A_231 = tpu.memref_slice %arg4[%add3A_230] : memref<320000xi32, #tpu.memory_space<hbm>> -> memref<40xi32, #tpu.memory_space<hbm>>
        %dma_start3A_232 = tpu.memref_slice %arg4[%add3A_230] : memref<320000xi32, #tpu.memory_space<hbm>> -> memref<40xi32, #tpu.memory_space<hbm>>
        tpu.enqueue_dma source(%dma_start3A_232 : memref<40xi32, #tpu.memory_space<hbm>>) target(%arg11 : memref<40xi32, #tpu.memory_space<vmem>>) target_semaphore(%arg28 : memref<!tpu.dma_semaphore, #tpu.memory_space<semaphore_mem>>)
      } else {
      }
    }
    %scan3A_62 = arith.constant 49 : i32
    %dma_wait3A = arith.constant 9800 : i32
    %dma_wait3A_63 = tpu.memref_slice %arg6[%dma_wait3A] : memref<10000xi32, #tpu.memory_space<vmem>> -> memref<40xi32, #tpu.memory_space<vmem>>
    %dma_wait3A_64 = arith.constant 0 : i32
    %dma_wait3A_65 = arith.constant 0 : i32
    %dma_wait3A_66 = tpu.memref_slice %arg2[%dma_wait3A_64, %dma_wait3A_65] : memref<10000x128xf32, #tpu.memory_space<hbm>> -> memref<10000x128xf32, #tpu.memory_space<hbm>>
    tpu.wait_indirect_dma semaphore(%arg19 : memref<!tpu.dma_semaphore, #tpu.memory_space<semaphore_mem>>) src(%dma_wait3A_66 : memref<10000x128xf32, #tpu.memory_space<hbm>>) dst(%arg12 : memref<40x128xf32, #tpu.memory_space<vmem>>)
    %add3A_67 = arith.constant 9800 : i32
    %add3A_68 = arith.addi %mul3A_2, %add3A_67 : i32
    %dma_wait3A_69 = tpu.memref_slice %arg4[%add3A_68] : memref<320000xi32, #tpu.memory_space<hbm>> -> memref<40xi32, #tpu.memory_space<hbm>>
    %dma_wait3A_70 = tpu.memref_slice %arg4[%add3A_68] : memref<320000xi32, #tpu.memory_space<hbm>> -> memref<40xi32, #tpu.memory_space<hbm>>
    tpu.wait_dma2 semaphore(%arg24 : memref<!tpu.dma_semaphore, #tpu.memory_space<semaphore_mem>>) src(%dma_wait3A_70 : memref<40xi32, #tpu.memory_space<hbm>>) dst(%arg7 : memref<40xi32, #tpu.memory_space<vmem>>)
    "tpu.region"() ({
      %run_scoped3A = tpu.sem_alloc : memref<!tpu.dma_semaphore, #tpu.memory_space<semaphore_mem>>
      %dma_start3A_118 = arith.constant 0 : i32
      %dma_start3A_119 = arith.constant 0 : i32
      %dma_start3A_120 = tpu.memref_slice %arg18[%dma_start3A_118, %dma_start3A_119] : memref<10000x128xf32, #tpu.memory_space<vmem_shared>> -> memref<10000x128xf32, #tpu.memory_space<vmem_shared>>
      tpu.enqueue_indirect_dma source(%arg12 : memref<40x128xf32, #tpu.memory_space<vmem>>) target(%dma_start3A_120 : memref<10000x128xf32, #tpu.memory_space<vmem_shared>>) offsets(%arg7 : memref<40xi32, #tpu.memory_space<vmem>>) semaphore(%run_scoped3A : memref<!tpu.dma_semaphore, #tpu.memory_space<semaphore_mem>>) {add = true}
      %dma_wait3A_121 = arith.constant 0 : i32
      %dma_wait3A_122 = arith.constant 0 : i32
      %dma_wait3A_123 = tpu.memref_slice %arg18[%dma_wait3A_121, %dma_wait3A_122] : memref<10000x128xf32, #tpu.memory_space<vmem_shared>> -> memref<10000x128xf32, #tpu.memory_space<vmem_shared>>
      tpu.wait_indirect_dma semaphore(%run_scoped3A : memref<!tpu.dma_semaphore, #tpu.memory_space<semaphore_mem>>) src(%arg12 : memref<40x128xf32, #tpu.memory_space<vmem>>) dst(%dma_wait3A_123 : memref<10000x128xf32, #tpu.memory_space<vmem_shared>>)
      tpu.yield
    }) : () -> ()
    %dma_wait3A_71 = arith.constant 9840 : i32
    %dma_wait3A_72 = tpu.memref_slice %arg6[%dma_wait3A_71] : memref<10000xi32, #tpu.memory_space<vmem>> -> memref<40xi32, #tpu.memory_space<vmem>>
    %dma_wait3A_73 = arith.constant 0 : i32
    %dma_wait3A_74 = arith.constant 0 : i32
    %dma_wait3A_75 = tpu.memref_slice %arg2[%dma_wait3A_73, %dma_wait3A_74] : memref<10000x128xf32, #tpu.memory_space<hbm>> -> memref<10000x128xf32, #tpu.memory_space<hbm>>
    tpu.wait_indirect_dma semaphore(%arg20 : memref<!tpu.dma_semaphore, #tpu.memory_space<semaphore_mem>>) src(%dma_wait3A_75 : memref<10000x128xf32, #tpu.memory_space<hbm>>) dst(%arg13 : memref<40x128xf32, #tpu.memory_space<vmem>>)
    %add3A_76 = arith.constant 9840 : i32
    %add3A_77 = arith.addi %mul3A_2, %add3A_76 : i32
    %dma_wait3A_78 = tpu.memref_slice %arg4[%add3A_77] : memref<320000xi32, #tpu.memory_space<hbm>> -> memref<40xi32, #tpu.memory_space<hbm>>
    %dma_wait3A_79 = tpu.memref_slice %arg4[%add3A_77] : memref<320000xi32, #tpu.memory_space<hbm>> -> memref<40xi32, #tpu.memory_space<hbm>>
    tpu.wait_dma2 semaphore(%arg25 : memref<!tpu.dma_semaphore, #tpu.memory_space<semaphore_mem>>) src(%dma_wait3A_79 : memref<40xi32, #tpu.memory_space<hbm>>) dst(%arg8 : memref<40xi32, #tpu.memory_space<vmem>>)
    "tpu.region"() ({
      %run_scoped3A = tpu.sem_alloc : memref<!tpu.dma_semaphore, #tpu.memory_space<semaphore_mem>>
      %dma_start3A_118 = arith.constant 0 : i32
      %dma_start3A_119 = arith.constant 0 : i32
      %dma_start3A_120 = tpu.memref_slice %arg18[%dma_start3A_118, %dma_start3A_119] : memref<10000x128xf32, #tpu.memory_space<vmem_shared>> -> memref<10000x128xf32, #tpu.memory_space<vmem_shared>>
      tpu.enqueue_indirect_dma source(%arg13 : memref<40x128xf32, #tpu.memory_space<vmem>>) target(%dma_start3A_120 : memref<10000x128xf32, #tpu.memory_space<vmem_shared>>) offsets(%arg8 : memref<40xi32, #tpu.memory_space<vmem>>) semaphore(%run_scoped3A : memref<!tpu.dma_semaphore, #tpu.memory_space<semaphore_mem>>) {add = true}
      %dma_wait3A_121 = arith.constant 0 : i32
      %dma_wait3A_122 = arith.constant 0 : i32
      %dma_wait3A_123 = tpu.memref_slice %arg18[%dma_wait3A_121, %dma_wait3A_122] : memref<10000x128xf32, #tpu.memory_space<vmem_shared>> -> memref<10000x128xf32, #tpu.memory_space<vmem_shared>>
      tpu.wait_indirect_dma semaphore(%run_scoped3A : memref<!tpu.dma_semaphore, #tpu.memory_space<semaphore_mem>>) src(%arg13 : memref<40x128xf32, #tpu.memory_space<vmem>>) dst(%dma_wait3A_123 : memref<10000x128xf32, #tpu.memory_space<vmem_shared>>)
      tpu.yield
    }) : () -> ()
    %dma_wait3A_80 = arith.constant 9880 : i32
    %dma_wait3A_81 = tpu.memref_slice %arg6[%dma_wait3A_80] : memref<10000xi32, #tpu.memory_space<vmem>> -> memref<40xi32, #tpu.memory_space<vmem>>
    %dma_wait3A_82 = arith.constant 0 : i32
    %dma_wait3A_83 = arith.constant 0 : i32
    %dma_wait3A_84 = tpu.memref_slice %arg2[%dma_wait3A_82, %dma_wait3A_83] : memref<10000x128xf32, #tpu.memory_space<hbm>> -> memref<10000x128xf32, #tpu.memory_space<hbm>>
    tpu.wait_indirect_dma semaphore(%arg21 : memref<!tpu.dma_semaphore, #tpu.memory_space<semaphore_mem>>) src(%dma_wait3A_84 : memref<10000x128xf32, #tpu.memory_space<hbm>>) dst(%arg14 : memref<40x128xf32, #tpu.memory_space<vmem>>)
    %add3A_85 = arith.constant 9880 : i32
    %add3A_86 = arith.addi %mul3A_2, %add3A_85 : i32
    %dma_wait3A_87 = tpu.memref_slice %arg4[%add3A_86] : memref<320000xi32, #tpu.memory_space<hbm>> -> memref<40xi32, #tpu.memory_space<hbm>>
    %dma_wait3A_88 = tpu.memref_slice %arg4[%add3A_86] : memref<320000xi32, #tpu.memory_space<hbm>> -> memref<40xi32, #tpu.memory_space<hbm>>
    tpu.wait_dma2 semaphore(%arg26 : memref<!tpu.dma_semaphore, #tpu.memory_space<semaphore_mem>>) src(%dma_wait3A_88 : memref<40xi32, #tpu.memory_space<hbm>>) dst(%arg9 : memref<40xi32, #tpu.memory_space<vmem>>)
    "tpu.region"() ({
      %run_scoped3A = tpu.sem_alloc : memref<!tpu.dma_semaphore, #tpu.memory_space<semaphore_mem>>
      %dma_start3A_118 = arith.constant 0 : i32
      %dma_start3A_119 = arith.constant 0 : i32
      %dma_start3A_120 = tpu.memref_slice %arg18[%dma_start3A_118, %dma_start3A_119] : memref<10000x128xf32, #tpu.memory_space<vmem_shared>> -> memref<10000x128xf32, #tpu.memory_space<vmem_shared>>
      tpu.enqueue_indirect_dma source(%arg14 : memref<40x128xf32, #tpu.memory_space<vmem>>) target(%dma_start3A_120 : memref<10000x128xf32, #tpu.memory_space<vmem_shared>>) offsets(%arg9 : memref<40xi32, #tpu.memory_space<vmem>>) semaphore(%run_scoped3A : memref<!tpu.dma_semaphore, #tpu.memory_space<semaphore_mem>>) {add = true}
      %dma_wait3A_121 = arith.constant 0 : i32
      %dma_wait3A_122 = arith.constant 0 : i32
      %dma_wait3A_123 = tpu.memref_slice %arg18[%dma_wait3A_121, %dma_wait3A_122] : memref<10000x128xf32, #tpu.memory_space<vmem_shared>> -> memref<10000x128xf32, #tpu.memory_space<vmem_shared>>
      tpu.wait_indirect_dma semaphore(%run_scoped3A : memref<!tpu.dma_semaphore, #tpu.memory_space<semaphore_mem>>) src(%arg14 : memref<40x128xf32, #tpu.memory_space<vmem>>) dst(%dma_wait3A_123 : memref<10000x128xf32, #tpu.memory_space<vmem_shared>>)
      tpu.yield
    }) : () -> ()
    %dma_wait3A_89 = arith.constant 9920 : i32
    %dma_wait3A_90 = tpu.memref_slice %arg6[%dma_wait3A_89] : memref<10000xi32, #tpu.memory_space<vmem>> -> memref<40xi32, #tpu.memory_space<vmem>>
    %dma_wait3A_91 = arith.constant 0 : i32
    %dma_wait3A_92 = arith.constant 0 : i32
    %dma_wait3A_93 = tpu.memref_slice %arg2[%dma_wait3A_91, %dma_wait3A_92] : memref<10000x128xf32, #tpu.memory_space<hbm>> -> memref<10000x128xf32, #tpu.memory_space<hbm>>
    tpu.wait_indirect_dma semaphore(%arg22 : memref<!tpu.dma_semaphore, #tpu.memory_space<semaphore_mem>>) src(%dma_wait3A_93 : memref<10000x128xf32, #tpu.memory_space<hbm>>) dst(%arg15 : memref<40x128xf32, #tpu.memory_space<vmem>>)
    %add3A_94 = arith.constant 9920 : i32
    %add3A_95 = arith.addi %mul3A_2, %add3A_94 : i32
    %dma_wait3A_96 = tpu.memref_slice %arg4[%add3A_95] : memref<320000xi32, #tpu.memory_space<hbm>> -> memref<40xi32, #tpu.memory_space<hbm>>
    %dma_wait3A_97 = tpu.memref_slice %arg4[%add3A_95] : memref<320000xi32, #tpu.memory_space<hbm>> -> memref<40xi32, #tpu.memory_space<hbm>>
    tpu.wait_dma2 semaphore(%arg27 : memref<!tpu.dma_semaphore, #tpu.memory_space<semaphore_mem>>) src(%dma_wait3A_97 : memref<40xi32, #tpu.memory_space<hbm>>) dst(%arg10 : memref<40xi32, #tpu.memory_space<vmem>>)
    "tpu.region"() ({
      %run_scoped3A = tpu.sem_alloc : memref<!tpu.dma_semaphore, #tpu.memory_space<semaphore_mem>>
      %dma_start3A_118 = arith.constant 0 : i32
      %dma_start3A_119 = arith.constant 0 : i32
      %dma_start3A_120 = tpu.memref_slice %arg18[%dma_start3A_118, %dma_start3A_119] : memref<10000x128xf32, #tpu.memory_space<vmem_shared>> -> memref<10000x128xf32, #tpu.memory_space<vmem_shared>>
      tpu.enqueue_indirect_dma source(%arg15 : memref<40x128xf32, #tpu.memory_space<vmem>>) target(%dma_start3A_120 : memref<10000x128xf32, #tpu.memory_space<vmem_shared>>) offsets(%arg10 : memref<40xi32, #tpu.memory_space<vmem>>) semaphore(%run_scoped3A : memref<!tpu.dma_semaphore, #tpu.memory_space<semaphore_mem>>) {add = true}
      %dma_wait3A_121 = arith.constant 0 : i32
      %dma_wait3A_122 = arith.constant 0 : i32
      %dma_wait3A_123 = tpu.memref_slice %arg18[%dma_wait3A_121, %dma_wait3A_122] : memref<10000x128xf32, #tpu.memory_space<vmem_shared>> -> memref<10000x128xf32, #tpu.memory_space<vmem_shared>>
      tpu.wait_indirect_dma semaphore(%run_scoped3A : memref<!tpu.dma_semaphore, #tpu.memory_space<semaphore_mem>>) src(%arg15 : memref<40x128xf32, #tpu.memory_space<vmem>>) dst(%dma_wait3A_123 : memref<10000x128xf32, #tpu.memory_space<vmem_shared>>)
      tpu.yield
    }) : () -> ()
    %dma_wait3A_98 = arith.constant 9960 : i32
    %dma_wait3A_99 = tpu.memref_slice %arg6[%dma_wait3A_98] : memref<10000xi32, #tpu.memory_space<vmem>> -> memref<40xi32, #tpu.memory_space<vmem>>
    %dma_wait3A_100 = arith.constant 0 : i32
    %dma_wait3A_101 = arith.constant 0 : i32
    %dma_wait3A_102 = tpu.memref_slice %arg2[%dma_wait3A_100, %dma_wait3A_101] : memref<10000x128xf32, #tpu.memory_space<hbm>> -> memref<10000x128xf32, #tpu.memory_space<hbm>>
    tpu.wait_indirect_dma semaphore(%arg23 : memref<!tpu.dma_semaphore, #tpu.memory_space<semaphore_mem>>) src(%dma_wait3A_102 : memref<10000x128xf32, #tpu.memory_space<hbm>>) dst(%arg16 : memref<40x128xf32, #tpu.memory_space<vmem>>)
    %add3A_103 = arith.constant 9960 : i32
    %add3A_104 = arith.addi %mul3A_2, %add3A_103 : i32
    %dma_wait3A_105 = tpu.memref_slice %arg4[%add3A_104] : memref<320000xi32, #tpu.memory_space<hbm>> -> memref<40xi32, #tpu.memory_space<hbm>>
    %dma_wait3A_106 = tpu.memref_slice %arg4[%add3A_104] : memref<320000xi32, #tpu.memory_space<hbm>> -> memref<40xi32, #tpu.memory_space<hbm>>
    tpu.wait_dma2 semaphore(%arg28 : memref<!tpu.dma_semaphore, #tpu.memory_space<semaphore_mem>>) src(%dma_wait3A_106 : memref<40xi32, #tpu.memory_space<hbm>>) dst(%arg11 : memref<40xi32, #tpu.memory_space<vmem>>)
    "tpu.region"() ({
      %run_scoped3A = tpu.sem_alloc : memref<!tpu.dma_semaphore, #tpu.memory_space<semaphore_mem>>
      %dma_start3A_118 = arith.constant 0 : i32
      %dma_start3A_119 = arith.constant 0 : i32
      %dma_start3A_120 = tpu.memref_slice %arg18[%dma_start3A_118, %dma_start3A_119] : memref<10000x128xf32, #tpu.memory_space<vmem_shared>> -> memref<10000x128xf32, #tpu.memory_space<vmem_shared>>
      tpu.enqueue_indirect_dma source(%arg16 : memref<40x128xf32, #tpu.memory_space<vmem>>) target(%dma_start3A_120 : memref<10000x128xf32, #tpu.memory_space<vmem_shared>>) offsets(%arg11 : memref<40xi32, #tpu.memory_space<vmem>>) semaphore(%run_scoped3A : memref<!tpu.dma_semaphore, #tpu.memory_space<semaphore_mem>>) {add = true}
      %dma_wait3A_121 = arith.constant 0 : i32
      %dma_wait3A_122 = arith.constant 0 : i32
      %dma_wait3A_123 = tpu.memref_slice %arg18[%dma_wait3A_121, %dma_wait3A_122] : memref<10000x128xf32, #tpu.memory_space<vmem_shared>> -> memref<10000x128xf32, #tpu.memory_space<vmem_shared>>
      tpu.wait_indirect_dma semaphore(%run_scoped3A : memref<!tpu.dma_semaphore, #tpu.memory_space<semaphore_mem>>) src(%arg16 : memref<40x128xf32, #tpu.memory_space<vmem>>) dst(%dma_wait3A_123 : memref<10000x128xf32, #tpu.memory_space<vmem_shared>>)
      tpu.yield
    }) : () -> ()
    %barrier3A_107 = arith.constant 0 : index
    tpu.barrier barrier_id(%barrier3A_107)
    %scan3A_108 = arith.constant 0 : i32
    %scan3A_109 = arith.constant 16 : i32
    %scan3A_110 = arith.addi %scan3A_108, %scan3A_109 : i32
    %scan3A_111 = arith.constant 1 : i32
    scf.for %scan3A_118 = %scan3A_108 to %scan3A_110 step %scan3A_111  : i32 {
      %mul3A_119 = arith.constant 1 : i32
      %mul3A_120 = arith.muli %scan3A_118, %mul3A_119 : i32
      %add3A_121 = arith.constant 0 : i32
      %add3A_122 = arith.addi %add3A_121, %mul3A_120 : i32
      %mul3A_123 = arith.constant 16 : i32
      %mul3A_124 = arith.muli %add3A_122, %mul3A_123 : i32
      %add3A_125 = arith.addi %arg1, %mul3A_124 : i32
      %lt3A = arith.constant 250 : i32
      %lt3A_126 = arith.cmpi slt, %add3A_125, %lt3A : i32
      %convert_element_type3A_127 = arith.extui %lt3A_126 : i1 to i32
      %cond3A_128 = arith.constant 0 : i32
      %cond3A_129 = arith.cmpi ne, %convert_element_type3A_127, %cond3A_128 : i32
      scf.if %cond3A_129 {
        %mul3A_130 = arith.constant 40 : i32
        %mul3A_131 = arith.muli %add3A_125, %mul3A_130 : i32
        %dma_start3A_132 = arith.constant 0 : i32
        %dma_start3A_133 = tpu.memref_slice %arg5[%arg0, %mul3A_131, %dma_start3A_132] : memref<2x10000x128xf32, #tpu.memory_space<hbm>> -> memref<1x40x128xf32, #tpu.memory_space<hbm>>
        %dma_start3A_134 = tpu.memref_squeeze %dma_start3A_133 : memref<1x40x128xf32, #tpu.memory_space<hbm>> -> memref<40x128xf32, #tpu.memory_space<hbm>>
        %dma_start3A_135 = arith.constant 0 : i32
        %dma_start3A_136 = tpu.memref_slice %arg18[%mul3A_131, %dma_start3A_135] : memref<10000x128xf32, #tpu.memory_space<vmem_shared>> -> memref<40x128xf32, #tpu.memory_space<vmem_shared>>
        tpu.enqueue_dma source(%dma_start3A_136 : memref<40x128xf32, #tpu.memory_space<vmem_shared>>) target(%dma_start3A_134 : memref<40x128xf32, #tpu.memory_space<hbm>>) target_semaphore(%arg34 : memref<!tpu.dma_semaphore, #tpu.memory_space<semaphore_mem>>)
      } else {
      }
    }
    %scan3A_112 = arith.constant 16 : i32
    %scan3A_113 = arith.constant 0 : i32
    %scan3A_114 = arith.constant 16 : i32
    %scan3A_115 = arith.addi %scan3A_113, %scan3A_114 : i32
    %scan3A_116 = arith.constant 1 : i32
    scf.for %scan3A_118 = %scan3A_113 to %scan3A_115 step %scan3A_116  : i32 {
      %mul3A_119 = arith.constant 1 : i32
      %mul3A_120 = arith.muli %scan3A_118, %mul3A_119 : i32
      %add3A_121 = arith.constant 0 : i32
      %add3A_122 = arith.addi %add3A_121, %mul3A_120 : i32
      %mul3A_123 = arith.constant 16 : i32
      %mul3A_124 = arith.muli %add3A_122, %mul3A_123 : i32
      %add3A_125 = arith.addi %arg1, %mul3A_124 : i32
      %lt3A = arith.constant 250 : i32
      %lt3A_126 = arith.cmpi slt, %add3A_125, %lt3A : i32
      %convert_element_type3A_127 = arith.extui %lt3A_126 : i1 to i32
      %cond3A_128 = arith.constant 0 : i32
      %cond3A_129 = arith.cmpi ne, %convert_element_type3A_127, %cond3A_128 : i32
      scf.if %cond3A_129 {
        %mul3A_130 = arith.constant 40 : i32
        %mul3A_131 = arith.muli %add3A_125, %mul3A_130 : i32
        %dma_wait3A_132 = arith.constant 0 : i32
        %dma_wait3A_133 = tpu.memref_slice %arg5[%arg0, %mul3A_131, %dma_wait3A_132] : memref<2x10000x128xf32, #tpu.memory_space<hbm>> -> memref<1x40x128xf32, #tpu.memory_space<hbm>>
        %dma_wait3A_134 = tpu.memref_squeeze %dma_wait3A_133 : memref<1x40x128xf32, #tpu.memory_space<hbm>> -> memref<40x128xf32, #tpu.memory_space<hbm>>
        %dma_wait3A_135 = arith.constant 0 : i32
        %dma_wait3A_136 = tpu.memref_slice %arg18[%mul3A_131, %dma_wait3A_135] : memref<10000x128xf32, #tpu.memory_space<vmem_shared>> -> memref<40x128xf32, #tpu.memory_space<vmem_shared>>
        tpu.wait_dma2 semaphore(%arg34 : memref<!tpu.dma_semaphore, #tpu.memory_space<semaphore_mem>>) src(%dma_wait3A_136 : memref<40x128xf32, #tpu.memory_space<vmem_shared>>) dst(%dma_wait3A_134 : memref<40x128xf32, #tpu.memory_space<hbm>>)
      } else {
      }
    }
    %scan3A_117 = arith.constant 16 : i32
    return
  }
}

#map = affine_map<(d0, d1) -> (0, 0)>
#map1 = affine_map<(d0, d1) -> (0)>
#map2 = affine_map<(d0, d1) -> (0, 0, 0)>
module attributes {stable_mosaic.version = 14 : i64} {
  func.func @_sc_agg(%arg0: i32, %arg1: i32, %arg2: memref<10000x128xf32, #tpu.memory_space<hbm>>, %arg3: memref<320000xi32, #tpu.memory_space<hbm>>, %arg4: memref<320000xi32, #tpu.memory_space<hbm>>, %arg5: memref<2x10000x128xf32, #tpu.memory_space<hbm>>, %arg6: memref<10000xi32, #tpu.memory_space<vmem>>, %arg7: memref<40xi32, #tpu.memory_space<vmem>>, %arg8: memref<40xi32, #tpu.memory_space<vmem>>, %arg9: memref<40xi32, #tpu.memory_space<vmem>>, %arg10: memref<40xi32, #tpu.memory_space<vmem>>, %arg11: memref<40xi32, #tpu.memory_space<vmem>>, %arg12: memref<40x128xf32, #tpu.memory_space<vmem>>, %arg13: memref<40x128xf32, #tpu.memory_space<vmem>>, %arg14: memref<40x128xf32, #tpu.memory_space<vmem>>, %arg15: memref<40x128xf32, #tpu.memory_space<vmem>>, %arg16: memref<40x128xf32, #tpu.memory_space<vmem>>, %arg17: memref<40x128xf32, #tpu.memory_space<vmem>>, %arg18: memref<10000x128xf32, #tpu.memory_space<vmem_shared>>, %arg19: memref<!tpu.dma_semaphore, #tpu.memory_space<semaphore_mem>>, %arg20: memref<!tpu.dma_semaphore, #tpu.memory_space<semaphore_mem>>, %arg21: memref<!tpu.dma_semaphore, #tpu.memory_space<semaphore_mem>>, %arg22: memref<!tpu.dma_semaphore, #tpu.memory_space<semaphore_mem>>, %arg23: memref<!tpu.dma_semaphore, #tpu.memory_space<semaphore_mem>>, %arg24: memref<!tpu.dma_semaphore, #tpu.memory_space<semaphore_mem>>, %arg25: memref<!tpu.dma_semaphore, #tpu.memory_space<semaphore_mem>>, %arg26: memref<!tpu.dma_semaphore, #tpu.memory_space<semaphore_mem>>, %arg27: memref<!tpu.dma_semaphore, #tpu.memory_space<semaphore_mem>>, %arg28: memref<!tpu.dma_semaphore, #tpu.memory_space<semaphore_mem>>, %arg29: memref<!tpu.dma_semaphore, #tpu.memory_space<semaphore_mem>>, %arg30: memref<!tpu.dma_semaphore, #tpu.memory_space<semaphore_mem>>, %arg31: memref<!tpu.dma_semaphore, #tpu.memory_space<semaphore_mem>>, %arg32: memref<!tpu.dma_semaphore, #tpu.memory_space<semaphore_mem>>, %arg33: memref<!tpu.dma_semaphore, #tpu.memory_space<semaphore_mem>>, %arg34: memref<!tpu.dma_semaphore, #tpu.memory_space<semaphore_mem>>) attributes {dimension_semantics = [#tpu.dimension_semantics<core_parallel>, #tpu.dimension_semantics<subcore_parallel>], iteration_bounds = array<i64: 2, 16>, scalar_prefetch = 0 : i64, scratch_operands = 29 : i64, tpu.core_type = #tpu.core_type<sc_vector_subcore>, window_params = [{transform_indices = #map}, {transform_indices = #map1}, {transform_indices = #map1}, {transform_indices = #map2}]} {
    %mul3A = arith.constant 2 : i32
    %mul3A_0 = arith.muli %arg1, %mul3A : i32
    %add3A = arith.addi %mul3A_0, %arg0 : i32
    %mul3A_1 = arith.constant 10000 : i32
    %mul3A_2 = arith.muli %add3A, %mul3A_1 : i32
    "tpu.region"() ({
      %run_scoped3A = tpu.sem_alloc : memref<!tpu.dma_semaphore, #tpu.memory_space<semaphore_mem>>
      %dma_start3A_118 = tpu.memref_slice %arg3[%mul3A_2] : memref<320000xi32, #tpu.memory_space<hbm>> -> memref<10000xi32, #tpu.memory_space<hbm>>
      %dma_start3A_119 = tpu.memref_slice %arg3[%mul3A_2] : memref<320000xi32, #tpu.memory_space<hbm>> -> memref<10000xi32, #tpu.memory_space<hbm>>
      tpu.enqueue_dma source(%dma_start3A_119 : memref<10000xi32, #tpu.memory_space<hbm>>) target(%arg6 : memref<10000xi32, #tpu.memory_space<vmem>>) target_semaphore(%run_scoped3A : memref<!tpu.dma_semaphore, #tpu.memory_space<semaphore_mem>>)
      %dma_wait3A_120 = tpu.memref_slice %arg3[%mul3A_2] : memref<320000xi32, #tpu.memory_space<hbm>> -> memref<10000xi32, #tpu.memory_space<hbm>>
      %dma_wait3A_121 = tpu.memref_slice %arg3[%mul3A_2] : memref<320000xi32, #tpu.memory_space<hbm>> -> memref<10000xi32, #tpu.memory_space<hbm>>
      tpu.wait_dma2 semaphore(%run_scoped3A : memref<!tpu.dma_semaphore, #tpu.memory_space<semaphore_mem>>) src(%dma_wait3A_121 : memref<10000xi32, #tpu.memory_space<hbm>>) dst(%arg6 : memref<10000xi32, #tpu.memory_space<vmem>>)
      tpu.yield
    }) : () -> ()
    %dma_start3A = arith.constant 0 : i32
    %dma_start3A_3 = tpu.memref_slice %arg6[%dma_start3A] : memref<10000xi32, #tpu.memory_space<vmem>> -> memref<40xi32, #tpu.memory_space<vmem>>
    %dma_start3A_4 = arith.constant 0 : i32
    %dma_start3A_5 = arith.constant 0 : i32
    %dma_start3A_6 = tpu.memref_slice %arg2[%dma_start3A_4, %dma_start3A_5] : memref<10000x128xf32, #tpu.memory_space<hbm>> -> memref<10000x128xf32, #tpu.memory_space<hbm>>
    tpu.enqueue_indirect_dma source(%dma_start3A_6 : memref<10000x128xf32, #tpu.memory_space<hbm>>) target(%arg12 : memref<40x128xf32, #tpu.memory_space<vmem>>) offsets(%dma_start3A_3 : memref<40xi32, #tpu.memory_space<vmem>>) semaphore(%arg19 : memref<!tpu.dma_semaphore, #tpu.memory_space<semaphore_mem>>)
    %add3A_7 = arith.constant 0 : i32
    %add3A_8 = arith.addi %mul3A_2, %add3A_7 : i32
    %dma_start3A_9 = tpu.memref_slice %arg4[%add3A_8] : memref<320000xi32, #tpu.memory_space<hbm>> -> memref<40xi32, #tpu.memory_space<hbm>>
    %dma_start3A_10 = tpu.memref_slice %arg4[%add3A_8] : memref<320000xi32, #tpu.memory_space<hbm>> -> memref<40xi32, #tpu.memory_space<hbm>>
    tpu.enqueue_dma source(%dma_start3A_10 : memref<40xi32, #tpu.memory_space<hbm>>) target(%arg7 : memref<40xi32, #tpu.memory_space<vmem>>) target_semaphore(%arg24 : memref<!tpu.dma_semaphore, #tpu.memory_space<semaphore_mem>>)
    %dma_start3A_11 = arith.constant 40 : i32
    %dma_start3A_12 = tpu.memref_slice %arg6[%dma_start3A_11] : memref<10000xi32, #tpu.memory_space<vmem>> -> memref<40xi32, #tpu.memory_space<vmem>>
    %dma_start3A_13 = arith.constant 0 : i32
    %dma_start3A_14 = arith.constant 0 : i32
    %dma_start3A_15 = tpu.memref_slice %arg2[%dma_start3A_13, %dma_start3A_14] : memref<10000x128xf32, #tpu.memory_space<hbm>> -> memref<10000x128xf32, #tpu.memory_space<hbm>>
    tpu.enqueue_indirect_dma source(%dma_start3A_15 : memref<10000x128xf32, #tpu.memory_space<hbm>>) target(%arg13 : memref<40x128xf32, #tpu.memory_space<vmem>>) offsets(%dma_start3A_12 : memref<40xi32, #tpu.memory_space<vmem>>) semaphore(%arg20 : memref<!tpu.dma_semaphore, #tpu.memory_space<semaphore_mem>>)
    %add3A_16 = arith.constant 40 : i32
    %add3A_17 = arith.addi %mul3A_2, %add3A_16 : i32
    %dma_start3A_18 = tpu.memref_slice %arg4[%add3A_17] : memref<320000xi32, #tpu.memory_space<hbm>> -> memref<40xi32, #tpu.memory_space<hbm>>
    %dma_start3A_19 = tpu.memref_slice %arg4[%add3A_17] : memref<320000xi32, #tpu.memory_space<hbm>> -> memref<40xi32, #tpu.memory_space<hbm>>
    tpu.enqueue_dma source(%dma_start3A_19 : memref<40xi32, #tpu.memory_space<hbm>>) target(%arg8 : memref<40xi32, #tpu.memory_space<vmem>>) target_semaphore(%arg25 : memref<!tpu.dma_semaphore, #tpu.memory_space<semaphore_mem>>)
    %dma_start3A_20 = arith.constant 80 : i32
    %dma_start3A_21 = tpu.memref_slice %arg6[%dma_start3A_20] : memref<10000xi32, #tpu.memory_space<vmem>> -> memref<40xi32, #tpu.memory_space<vmem>>
    %dma_start3A_22 = arith.constant 0 : i32
    %dma_start3A_23 = arith.constant 0 : i32
    %dma_start3A_24 = tpu.memref_slice %arg2[%dma_start3A_22, %dma_start3A_23] : memref<10000x128xf32, #tpu.memory_space<hbm>> -> memref<10000x128xf32, #tpu.memory_space<hbm>>
    tpu.enqueue_indirect_dma source(%dma_start3A_24 : memref<10000x128xf32, #tpu.memory_space<hbm>>) target(%arg14 : memref<40x128xf32, #tpu.memory_space<vmem>>) offsets(%dma_start3A_21 : memref<40xi32, #tpu.memory_space<vmem>>) semaphore(%arg21 : memref<!tpu.dma_semaphore, #tpu.memory_space<semaphore_mem>>)
    %add3A_25 = arith.constant 80 : i32
    %add3A_26 = arith.addi %mul3A_2, %add3A_25 : i32
    %dma_start3A_27 = tpu.memref_slice %arg4[%add3A_26] : memref<320000xi32, #tpu.memory_space<hbm>> -> memref<40xi32, #tpu.memory_space<hbm>>
    %dma_start3A_28 = tpu.memref_slice %arg4[%add3A_26] : memref<320000xi32, #tpu.memory_space<hbm>> -> memref<40xi32, #tpu.memory_space<hbm>>
    tpu.enqueue_dma source(%dma_start3A_28 : memref<40xi32, #tpu.memory_space<hbm>>) target(%arg9 : memref<40xi32, #tpu.memory_space<vmem>>) target_semaphore(%arg26 : memref<!tpu.dma_semaphore, #tpu.memory_space<semaphore_mem>>)
    %dma_start3A_29 = arith.constant 120 : i32
    %dma_start3A_30 = tpu.memref_slice %arg6[%dma_start3A_29] : memref<10000xi32, #tpu.memory_space<vmem>> -> memref<40xi32, #tpu.memory_space<vmem>>
    %dma_start3A_31 = arith.constant 0 : i32
    %dma_start3A_32 = arith.constant 0 : i32
    %dma_start3A_33 = tpu.memref_slice %arg2[%dma_start3A_31, %dma_start3A_32] : memref<10000x128xf32, #tpu.memory_space<hbm>> -> memref<10000x128xf32, #tpu.memory_space<hbm>>
    tpu.enqueue_indirect_dma source(%dma_start3A_33 : memref<10000x128xf32, #tpu.memory_space<hbm>>) target(%arg15 : memref<40x128xf32, #tpu.memory_space<vmem>>) offsets(%dma_start3A_30 : memref<40xi32, #tpu.memory_space<vmem>>) semaphore(%arg22 : memref<!tpu.dma_semaphore, #tpu.memory_space<semaphore_mem>>)
    %add3A_34 = arith.constant 120 : i32
    %add3A_35 = arith.addi %mul3A_2, %add3A_34 : i32
    %dma_start3A_36 = tpu.memref_slice %arg4[%add3A_35] : memref<320000xi32, #tpu.memory_space<hbm>> -> memref<40xi32, #tpu.memory_space<hbm>>
    %dma_start3A_37 = tpu.memref_slice %arg4[%add3A_35] : memref<320000xi32, #tpu.memory_space<hbm>> -> memref<40xi32, #tpu.memory_space<hbm>>
    tpu.enqueue_dma source(%dma_start3A_37 : memref<40xi32, #tpu.memory_space<hbm>>) target(%arg10 : memref<40xi32, #tpu.memory_space<vmem>>) target_semaphore(%arg27 : memref<!tpu.dma_semaphore, #tpu.memory_space<semaphore_mem>>)
    %dma_start3A_38 = arith.constant 160 : i32
    %dma_start3A_39 = tpu.memref_slice %arg6[%dma_start3A_38] : memref<10000xi32, #tpu.memory_space<vmem>> -> memref<40xi32, #tpu.memory_space<vmem>>
    %dma_start3A_40 = arith.constant 0 : i32
    %dma_start3A_41 = arith.constant 0 : i32
    %dma_start3A_42 = tpu.memref_slice %arg2[%dma_start3A_40, %dma_start3A_41] : memref<10000x128xf32, #tpu.memory_space<hbm>> -> memref<10000x128xf32, #tpu.memory_space<hbm>>
    tpu.enqueue_indirect_dma source(%dma_start3A_42 : memref<10000x128xf32, #tpu.memory_space<hbm>>) target(%arg16 : memref<40x128xf32, #tpu.memory_space<vmem>>) offsets(%dma_start3A_39 : memref<40xi32, #tpu.memory_space<vmem>>) semaphore(%arg23 : memref<!tpu.dma_semaphore, #tpu.memory_space<semaphore_mem>>)
    %add3A_43 = arith.constant 160 : i32
    %add3A_44 = arith.addi %mul3A_2, %add3A_43 : i32
    %dma_start3A_45 = tpu.memref_slice %arg4[%add3A_44] : memref<320000xi32, #tpu.memory_space<hbm>> -> memref<40xi32, #tpu.memory_space<hbm>>
    %dma_start3A_46 = tpu.memref_slice %arg4[%add3A_44] : memref<320000xi32, #tpu.memory_space<hbm>> -> memref<40xi32, #tpu.memory_space<hbm>>
    tpu.enqueue_dma source(%dma_start3A_46 : memref<40xi32, #tpu.memory_space<hbm>>) target(%arg11 : memref<40xi32, #tpu.memory_space<vmem>>) target_semaphore(%arg28 : memref<!tpu.dma_semaphore, #tpu.memory_space<semaphore_mem>>)
    %ne3A = arith.constant 0 : i32
    %ne3A_47 = arith.cmpi ne, %arg0, %ne3A : i32
    %convert_element_type3A = arith.extui %ne3A_47 : i1 to i32
    %cond3A = arith.constant 0 : i32
    %cond3A_48 = arith.cmpi ne, %convert_element_type3A, %cond3A : i32
    scf.if %cond3A_48 {
      %scan3A_118 = arith.constant 0 : i32
      %scan3A_119 = arith.constant 320 : i32
      %scan3A_120 = arith.addi %scan3A_118, %scan3A_119 : i32
      %scan3A_121 = arith.constant 1 : i32
      scf.for %scan3A_123 = %scan3A_118 to %scan3A_120 step %scan3A_121  : i32 {
        %mul3A_124 = arith.constant 1 : i32
        %mul3A_125 = arith.muli %scan3A_123, %mul3A_124 : i32
        %add3A_126 = arith.constant 0 : i32
        %add3A_127 = arith.addi %add3A_126, %mul3A_125 : i32
        %jit3A = arith.constant 8 : i32
        %div3A = arith.divsi %add3A_127, %jit3A : i32
        %sign3A = arith.constant 0 : i32
        %sign3A_128 = arith.cmpi sgt, %add3A_127, %sign3A : i32
        %sign3A_129 = arith.extui %sign3A_128 : i1 to i32
        %sign3A_130 = arith.constant 0 : i32
        %sign3A_131 = arith.cmpi slt, %add3A_127, %sign3A_130 : i32
        %sign3A_132 = arith.extui %sign3A_131 : i1 to i32
        %sign3A_133 = arith.subi %sign3A_129, %sign3A_132 : i32
        %sign3A_134 = arith.constant 0 : i32
        %sign3A_135 = arith.cmpi sgt, %jit3A, %sign3A_134 : i32
        %sign3A_136 = arith.extui %sign3A_135 : i1 to i32
        %sign3A_137 = arith.constant 0 : i32
        %sign3A_138 = arith.cmpi slt, %jit3A, %sign3A_137 : i32
        %sign3A_139 = arith.extui %sign3A_138 : i1 to i32
        %sign3A_140 = arith.subi %sign3A_136, %sign3A_139 : i32
        %ne3A_141 = arith.cmpi ne, %sign3A_133, %sign3A_140 : i32
        %rem3A = arith.remsi %add3A_127, %jit3A : i32
        %ne3A_142 = arith.constant 0 : i32
        %ne3A_143 = arith.cmpi ne, %rem3A, %ne3A_142 : i32
        %and3A = arith.andi %ne3A_141, %ne3A_143 : i1
        %sub3A = arith.constant 1 : i32
        %sub3A_144 = arith.subi %div3A, %sub3A : i32
        %select_n3A = arith.select %and3A, %sub3A_144, %div3A : i32
        %jit3A_145 = arith.constant 8 : i32
        %eq3A = arith.constant 0 : i32
        %eq3A_146 = arith.cmpi eq, %jit3A_145, %eq3A : i32
        %jit3A_147 = arith.constant 1 : i32
        %select_n3A_148 = arith.select %eq3A_146, %jit3A_147, %jit3A_145 : i32
        %rem3A_149 = arith.remsi %add3A_127, %select_n3A_148 : i32
        %ne3A_150 = arith.constant 0 : i32
        %ne3A_151 = arith.cmpi ne, %rem3A_149, %ne3A_150 : i32
        %lt3A = arith.constant 0 : i32
        %lt3A_152 = arith.cmpi slt, %rem3A_149, %lt3A : i32
        %lt3A_153 = arith.constant 0 : i32
        %lt3A_154 = arith.cmpi slt, %select_n3A_148, %lt3A_153 : i32
        %ne3A_155 = arith.xori %lt3A_152, %lt3A_154 : i1
        %and3A_156 = arith.andi %ne3A_155, %ne3A_151 : i1
        %add3A_157 = arith.addi %rem3A_149, %select_n3A_148 : i32
        %select_n3A_158 = arith.select %and3A_156, %add3A_157, %rem3A_149 : i32
        %mul3A_159 = arith.constant 16 : i32
        %mul3A_160 = arith.muli %select_n3A_158, %mul3A_159 : i32
        %broadcast_in_dim3A = arith.constant 0.000000e+00 : f32
        %broadcast_in_dim3A_161 = vector.broadcast %broadcast_in_dim3A : f32 to vector<16xf32>
        %swap3A = arith.index_cast %select_n3A : i32 to index
        %swap3A_162 = arith.index_cast %mul3A_160 : i32 to index
        %swap3A_163 = tpu.vector_load %arg17[%swap3A, %swap3A_162] {strides = array<i32>} : memref<40x128xf32, #tpu.memory_space<vmem>>, vector<1x16xf32>,
        %swap3A_164 = vector.shape_cast %swap3A_163 : vector<1x16xf32> to vector<16xf32>
        %swap3A_165 = vector.shape_cast %broadcast_in_dim3A_161 : vector<16xf32> to vector<1x16xf32>
        tpu.vector_store %arg17[%swap3A, %swap3A_162], %swap3A_165 {strides = array<i32>} : memref<40x128xf32, #tpu.memory_space<vmem>>, vector<1x16xf32>,
      }
      %scan3A_122 = arith.constant 320 : i32
    } else {
    }
    %scan3A = arith.constant 0 : i32
    %scan3A_49 = arith.constant 16 : i32
    %scan3A_50 = arith.addi %scan3A, %scan3A_49 : i32
    %scan3A_51 = arith.constant 1 : i32
    scf.for %scan3A_118 = %scan3A to %scan3A_50 step %scan3A_51  : i32 {
      %mul3A_119 = arith.constant 1 : i32
      %mul3A_120 = arith.muli %scan3A_118, %mul3A_119 : i32
      %add3A_121 = arith.constant 0 : i32
      %add3A_122 = arith.addi %add3A_121, %mul3A_120 : i32
      %mul3A_123 = arith.constant 16 : i32
      %mul3A_124 = arith.muli %add3A_122, %mul3A_123 : i32
      %add3A_125 = arith.addi %arg1, %mul3A_124 : i32
      %lt3A = arith.constant 250 : i32
      %lt3A_126 = arith.cmpi slt, %add3A_125, %lt3A : i32
      %convert_element_type3A_127 = arith.extui %lt3A_126 : i1 to i32
      %cond3A_128 = arith.constant 0 : i32
      %cond3A_129 = arith.cmpi ne, %convert_element_type3A_127, %cond3A_128 : i32
      scf.if %cond3A_129 {
        %mul3A_130 = arith.constant 40 : i32
        %mul3A_131 = arith.muli %add3A_125, %mul3A_130 : i32
        %eq3A = arith.constant 0 : i32
        %eq3A_132 = arith.cmpi eq, %arg0, %eq3A : i32
        %convert_element_type3A_133 = arith.extui %eq3A_132 : i1 to i32
        %cond3A_134 = arith.constant 0 : i32
        %cond3A_135 = arith.cmpi ne, %convert_element_type3A_133, %cond3A_134 : i32
        scf.if %cond3A_135 {
          %dma_start3A_141 = arith.constant 0 : i32
          %dma_start3A_142 = tpu.memref_slice %arg18[%mul3A_131, %dma_start3A_141] : memref<10000x128xf32, #tpu.memory_space<vmem_shared>> -> memref<40x128xf32, #tpu.memory_space<vmem_shared>>
          %dma_start3A_143 = arith.constant 0 : i32
          %dma_start3A_144 = tpu.memref_slice %arg2[%mul3A_131, %dma_start3A_143] : memref<10000x128xf32, #tpu.memory_space<hbm>> -> memref<40x128xf32, #tpu.memory_space<hbm>>
          tpu.enqueue_dma source(%dma_start3A_144 : memref<40x128xf32, #tpu.memory_space<hbm>>) target(%dma_start3A_142 : memref<40x128xf32, #tpu.memory_space<vmem_shared>>) target_semaphore(%arg34 : memref<!tpu.dma_semaphore, #tpu.memory_space<semaphore_mem>>)
        } else {
        }
        %ne3A_136 = arith.constant 0 : i32
        %ne3A_137 = arith.cmpi ne, %arg0, %ne3A_136 : i32
        %convert_element_type3A_138 = arith.extui %ne3A_137 : i1 to i32
        %cond3A_139 = arith.constant 0 : i32
        %cond3A_140 = arith.cmpi ne, %convert_element_type3A_138, %cond3A_139 : i32
        scf.if %cond3A_140 {
          %dma_start3A_141 = arith.constant 0 : i32
          %dma_start3A_142 = tpu.memref_slice %arg18[%mul3A_131, %dma_start3A_141] : memref<10000x128xf32, #tpu.memory_space<vmem_shared>> -> memref<40x128xf32, #tpu.memory_space<vmem_shared>>
          %dma_start3A_143 = arith.constant 0 : i32
          %dma_start3A_144 = tpu.memref_slice %arg18[%mul3A_131, %dma_start3A_143] : memref<10000x128xf32, #tpu.memory_space<vmem_shared>> -> memref<40x128xf32, #tpu.memory_space<vmem_shared>>
          tpu.enqueue_dma source(%arg17 : memref<40x128xf32, #tpu.memory_space<vmem>>) target(%dma_start3A_144 : memref<40x128xf32, #tpu.memory_space<vmem_shared>>) target_semaphore(%arg34 : memref<!tpu.dma_semaphore, #tpu.memory_space<semaphore_mem>>)
        } else {
        }
      } else {
      }
    }
    %scan3A_52 = arith.constant 16 : i32
    %scan3A_53 = arith.constant 0 : i32
    %scan3A_54 = arith.constant 16 : i32
    %scan3A_55 = arith.addi %scan3A_53, %scan3A_54 : i32
    %scan3A_56 = arith.constant 1 : i32
    scf.for %scan3A_118 = %scan3A_53 to %scan3A_55 step %scan3A_56  : i32 {
      %mul3A_119 = arith.constant 1 : i32
      %mul3A_120 = arith.muli %scan3A_118, %mul3A_119 : i32
      %add3A_121 = arith.constant 0 : i32
      %add3A_122 = arith.addi %add3A_121, %mul3A_120 : i32
      %mul3A_123 = arith.constant 16 : i32
      %mul3A_124 = arith.muli %add3A_122, %mul3A_123 : i32
      %add3A_125 = arith.addi %arg1, %mul3A_124 : i32
      %lt3A = arith.constant 250 : i32
      %lt3A_126 = arith.cmpi slt, %add3A_125, %lt3A : i32
      %convert_element_type3A_127 = arith.extui %lt3A_126 : i1 to i32
      %cond3A_128 = arith.constant 0 : i32
      %cond3A_129 = arith.cmpi ne, %convert_element_type3A_127, %cond3A_128 : i32
      scf.if %cond3A_129 {
        %mul3A_130 = arith.constant 40 : i32
        %mul3A_131 = arith.muli %add3A_125, %mul3A_130 : i32
        %eq3A = arith.constant 0 : i32
        %eq3A_132 = arith.cmpi eq, %arg0, %eq3A : i32
        %convert_element_type3A_133 = arith.extui %eq3A_132 : i1 to i32
        %cond3A_134 = arith.constant 0 : i32
        %cond3A_135 = arith.cmpi ne, %convert_element_type3A_133, %cond3A_134 : i32
        scf.if %cond3A_135 {
          %dma_wait3A_141 = arith.constant 0 : i32
          %dma_wait3A_142 = tpu.memref_slice %arg18[%mul3A_131, %dma_wait3A_141] : memref<10000x128xf32, #tpu.memory_space<vmem_shared>> -> memref<40x128xf32, #tpu.memory_space<vmem_shared>>
          %dma_wait3A_143 = arith.constant 0 : i32
          %dma_wait3A_144 = tpu.memref_slice %arg2[%mul3A_131, %dma_wait3A_143] : memref<10000x128xf32, #tpu.memory_space<hbm>> -> memref<40x128xf32, #tpu.memory_space<hbm>>
          tpu.wait_dma2 semaphore(%arg34 : memref<!tpu.dma_semaphore, #tpu.memory_space<semaphore_mem>>) src(%dma_wait3A_144 : memref<40x128xf32, #tpu.memory_space<hbm>>) dst(%dma_wait3A_142 : memref<40x128xf32, #tpu.memory_space<vmem_shared>>)
        } else {
        }
        %ne3A_136 = arith.constant 0 : i32
        %ne3A_137 = arith.cmpi ne, %arg0, %ne3A_136 : i32
        %convert_element_type3A_138 = arith.extui %ne3A_137 : i1 to i32
        %cond3A_139 = arith.constant 0 : i32
        %cond3A_140 = arith.cmpi ne, %convert_element_type3A_138, %cond3A_139 : i32
        scf.if %cond3A_140 {
          %dma_wait3A_141 = arith.constant 0 : i32
          %dma_wait3A_142 = tpu.memref_slice %arg18[%mul3A_131, %dma_wait3A_141] : memref<10000x128xf32, #tpu.memory_space<vmem_shared>> -> memref<40x128xf32, #tpu.memory_space<vmem_shared>>
          %dma_wait3A_143 = arith.constant 0 : i32
          %dma_wait3A_144 = tpu.memref_slice %arg18[%mul3A_131, %dma_wait3A_143] : memref<10000x128xf32, #tpu.memory_space<vmem_shared>> -> memref<40x128xf32, #tpu.memory_space<vmem_shared>>
          tpu.wait_dma2 semaphore(%arg34 : memref<!tpu.dma_semaphore, #tpu.memory_space<semaphore_mem>>) src(%arg17 : memref<40x128xf32, #tpu.memory_space<vmem>>) dst(%dma_wait3A_144 : memref<40x128xf32, #tpu.memory_space<vmem_shared>>)
        } else {
        }
      } else {
      }
    }
    %scan3A_57 = arith.constant 16 : i32
    %barrier3A = arith.constant 0 : index
    tpu.barrier barrier_id(%barrier3A)
    %scan3A_58 = arith.constant 0 : i32
    %scan3A_59 = arith.constant 49 : i32
    %scan3A_60 = arith.addi %scan3A_58, %scan3A_59 : i32
    %scan3A_61 = arith.constant 1 : i32
    scf.for %scan3A_118 = %scan3A_58 to %scan3A_60 step %scan3A_61  : i32 {
      %mul3A_119 = arith.constant 5 : i32
      %mul3A_120 = arith.muli %scan3A_118, %mul3A_119 : i32
      %add3A_121 = arith.constant 0 : i32
      %add3A_122 = arith.addi %add3A_121, %mul3A_120 : i32
      %add3A_123 = arith.constant 0 : i32
      %add3A_124 = arith.addi %add3A_122, %add3A_123 : i32
      %mul3A_125 = arith.constant 40 : i32
      %mul3A_126 = arith.muli %add3A_124, %mul3A_125 : i32
      %dma_wait3A_127 = tpu.memref_slice %arg6[%mul3A_126] : memref<10000xi32, #tpu.memory_space<vmem>> -> memref<40xi32, #tpu.memory_space<vmem>>
      %dma_wait3A_128 = arith.constant 0 : i32
      %dma_wait3A_129 = arith.constant 0 : i32
      %dma_wait3A_130 = tpu.memref_slice %arg2[%dma_wait3A_128, %dma_wait3A_129] : memref<10000x128xf32, #tpu.memory_space<hbm>> -> memref<10000x128xf32, #tpu.memory_space<hbm>>
      tpu.wait_indirect_dma semaphore(%arg19 : memref<!tpu.dma_semaphore, #tpu.memory_space<semaphore_mem>>) src(%dma_wait3A_130 : memref<10000x128xf32, #tpu.memory_space<hbm>>) dst(%arg12 : memref<40x128xf32, #tpu.memory_space<vmem>>)
      %mul3A_131 = arith.constant 40 : i32
      %mul3A_132 = arith.muli %add3A_124, %mul3A_131 : i32
      %add3A_133 = arith.addi %mul3A_2, %mul3A_132 : i32
      %dma_wait3A_134 = tpu.memref_slice %arg4[%add3A_133] : memref<320000xi32, #tpu.memory_space<hbm>> -> memref<40xi32, #tpu.memory_space<hbm>>
      %dma_wait3A_135 = tpu.memref_slice %arg4[%add3A_133] : memref<320000xi32, #tpu.memory_space<hbm>> -> memref<40xi32, #tpu.memory_space<hbm>>
      tpu.wait_dma2 semaphore(%arg24 : memref<!tpu.dma_semaphore, #tpu.memory_space<semaphore_mem>>) src(%dma_wait3A_135 : memref<40xi32, #tpu.memory_space<hbm>>) dst(%arg7 : memref<40xi32, #tpu.memory_space<vmem>>)
      "tpu.region"() ({
        %run_scoped3A = tpu.sem_alloc : memref<!tpu.dma_semaphore, #tpu.memory_space<semaphore_mem>>
        %dma_start3A_222 = arith.constant 0 : i32
        %dma_start3A_223 = arith.constant 0 : i32
        %dma_start3A_224 = tpu.memref_slice %arg18[%dma_start3A_222, %dma_start3A_223] : memref<10000x128xf32, #tpu.memory_space<vmem_shared>> -> memref<10000x128xf32, #tpu.memory_space<vmem_shared>>
        tpu.enqueue_indirect_dma source(%arg12 : memref<40x128xf32, #tpu.memory_space<vmem>>) target(%dma_start3A_224 : memref<10000x128xf32, #tpu.memory_space<vmem_shared>>) offsets(%arg7 : memref<40xi32, #tpu.memory_space<vmem>>) semaphore(%run_scoped3A : memref<!tpu.dma_semaphore, #tpu.memory_space<semaphore_mem>>) {add = true}
        %dma_wait3A_225 = arith.constant 0 : i32
        %dma_wait3A_226 = arith.constant 0 : i32
        %dma_wait3A_227 = tpu.memref_slice %arg18[%dma_wait3A_225, %dma_wait3A_226] : memref<10000x128xf32, #tpu.memory_space<vmem_shared>> -> memref<10000x128xf32, #tpu.memory_space<vmem_shared>>
        tpu.wait_indirect_dma semaphore(%run_scoped3A : memref<!tpu.dma_semaphore, #tpu.memory_space<semaphore_mem>>) src(%arg12 : memref<40x128xf32, #tpu.memory_space<vmem>>) dst(%dma_wait3A_227 : memref<10000x128xf32, #tpu.memory_space<vmem_shared>>)
        tpu.yield
      }) : () -> ()
      %add3A_136 = arith.constant 5 : i32
      %add3A_137 = arith.addi %add3A_124, %add3A_136 : i32
      %lt3A = arith.constant 250 : i32
      %lt3A_138 = arith.cmpi slt, %add3A_137, %lt3A : i32
      %convert_element_type3A_139 = arith.extui %lt3A_138 : i1 to i32
      %cond3A_140 = arith.constant 0 : i32
      %cond3A_141 = arith.cmpi ne, %convert_element_type3A_139, %cond3A_140 : i32
      scf.if %cond3A_141 {
        %mul3A_222 = arith.constant 40 : i32
        %mul3A_223 = arith.muli %add3A_137, %mul3A_222 : i32
        %dma_start3A_224 = tpu.memref_slice %arg6[%mul3A_223] : memref<10000xi32, #tpu.memory_space<vmem>> -> memref<40xi32, #tpu.memory_space<vmem>>
        %dma_start3A_225 = arith.constant 0 : i32
        %dma_start3A_226 = arith.constant 0 : i32
        %dma_start3A_227 = tpu.memref_slice %arg2[%dma_start3A_225, %dma_start3A_226] : memref<10000x128xf32, #tpu.memory_space<hbm>> -> memref<10000x128xf32, #tpu.memory_space<hbm>>
        tpu.enqueue_indirect_dma source(%dma_start3A_227 : memref<10000x128xf32, #tpu.memory_space<hbm>>) target(%arg12 : memref<40x128xf32, #tpu.memory_space<vmem>>) offsets(%dma_start3A_224 : memref<40xi32, #tpu.memory_space<vmem>>) semaphore(%arg19 : memref<!tpu.dma_semaphore, #tpu.memory_space<semaphore_mem>>)
        %mul3A_228 = arith.constant 40 : i32
        %mul3A_229 = arith.muli %add3A_137, %mul3A_228 : i32
        %add3A_230 = arith.addi %mul3A_2, %mul3A_229 : i32
        %dma_start3A_231 = tpu.memref_slice %arg4[%add3A_230] : memref<320000xi32, #tpu.memory_space<hbm>> -> memref<40xi32, #tpu.memory_space<hbm>>
        %dma_start3A_232 = tpu.memref_slice %arg4[%add3A_230] : memref<320000xi32, #tpu.memory_space<hbm>> -> memref<40xi32, #tpu.memory_space<hbm>>
        tpu.enqueue_dma source(%dma_start3A_232 : memref<40xi32, #tpu.memory_space<hbm>>) target(%arg7 : memref<40xi32, #tpu.memory_space<vmem>>) target_semaphore(%arg24 : memref<!tpu.dma_semaphore, #tpu.memory_space<semaphore_mem>>)
      } else {
      }
      %add3A_142 = arith.constant 1 : i32
      %add3A_143 = arith.addi %add3A_122, %add3A_142 : i32
      %mul3A_144 = arith.constant 40 : i32
      %mul3A_145 = arith.muli %add3A_143, %mul3A_144 : i32
      %dma_wait3A_146 = tpu.memref_slice %arg6[%mul3A_145] : memref<10000xi32, #tpu.memory_space<vmem>> -> memref<40xi32, #tpu.memory_space<vmem>>
      %dma_wait3A_147 = arith.constant 0 : i32
      %dma_wait3A_148 = arith.constant 0 : i32
      %dma_wait3A_149 = tpu.memref_slice %arg2[%dma_wait3A_147, %dma_wait3A_148] : memref<10000x128xf32, #tpu.memory_space<hbm>> -> memref<10000x128xf32, #tpu.memory_space<hbm>>
      tpu.wait_indirect_dma semaphore(%arg20 : memref<!tpu.dma_semaphore, #tpu.memory_space<semaphore_mem>>) src(%dma_wait3A_149 : memref<10000x128xf32, #tpu.memory_space<hbm>>) dst(%arg13 : memref<40x128xf32, #tpu.memory_space<vmem>>)
      %mul3A_150 = arith.constant 40 : i32
      %mul3A_151 = arith.muli %add3A_143, %mul3A_150 : i32
      %add3A_152 = arith.addi %mul3A_2, %mul3A_151 : i32
      %dma_wait3A_153 = tpu.memref_slice %arg4[%add3A_152] : memref<320000xi32, #tpu.memory_space<hbm>> -> memref<40xi32, #tpu.memory_space<hbm>>
      %dma_wait3A_154 = tpu.memref_slice %arg4[%add3A_152] : memref<320000xi32, #tpu.memory_space<hbm>> -> memref<40xi32, #tpu.memory_space<hbm>>
      tpu.wait_dma2 semaphore(%arg25 : memref<!tpu.dma_semaphore, #tpu.memory_space<semaphore_mem>>) src(%dma_wait3A_154 : memref<40xi32, #tpu.memory_space<hbm>>) dst(%arg8 : memref<40xi32, #tpu.memory_space<vmem>>)
      "tpu.region"() ({
        %run_scoped3A = tpu.sem_alloc : memref<!tpu.dma_semaphore, #tpu.memory_space<semaphore_mem>>
        %dma_start3A_222 = arith.constant 0 : i32
        %dma_start3A_223 = arith.constant 0 : i32
        %dma_start3A_224 = tpu.memref_slice %arg18[%dma_start3A_222, %dma_start3A_223] : memref<10000x128xf32, #tpu.memory_space<vmem_shared>> -> memref<10000x128xf32, #tpu.memory_space<vmem_shared>>
        tpu.enqueue_indirect_dma source(%arg13 : memref<40x128xf32, #tpu.memory_space<vmem>>) target(%dma_start3A_224 : memref<10000x128xf32, #tpu.memory_space<vmem_shared>>) offsets(%arg8 : memref<40xi32, #tpu.memory_space<vmem>>) semaphore(%run_scoped3A : memref<!tpu.dma_semaphore, #tpu.memory_space<semaphore_mem>>) {add = true}
        %dma_wait3A_225 = arith.constant 0 : i32
        %dma_wait3A_226 = arith.constant 0 : i32
        %dma_wait3A_227 = tpu.memref_slice %arg18[%dma_wait3A_225, %dma_wait3A_226] : memref<10000x128xf32, #tpu.memory_space<vmem_shared>> -> memref<10000x128xf32, #tpu.memory_space<vmem_shared>>
        tpu.wait_indirect_dma semaphore(%run_scoped3A : memref<!tpu.dma_semaphore, #tpu.memory_space<semaphore_mem>>) src(%arg13 : memref<40x128xf32, #tpu.memory_space<vmem>>) dst(%dma_wait3A_227 : memref<10000x128xf32, #tpu.memory_space<vmem_shared>>)
        tpu.yield
      }) : () -> ()
      %add3A_155 = arith.constant 5 : i32
      %add3A_156 = arith.addi %add3A_143, %add3A_155 : i32
      %lt3A_157 = arith.constant 250 : i32
      %lt3A_158 = arith.cmpi slt, %add3A_156, %lt3A_157 : i32
      %convert_element_type3A_159 = arith.extui %lt3A_158 : i1 to i32
      %cond3A_160 = arith.constant 0 : i32
      %cond3A_161 = arith.cmpi ne, %convert_element_type3A_159, %cond3A_160 : i32
      scf.if %cond3A_161 {
        %mul3A_222 = arith.constant 40 : i32
        %mul3A_223 = arith.muli %add3A_156, %mul3A_222 : i32
        %dma_start3A_224 = tpu.memref_slice %arg6[%mul3A_223] : memref<10000xi32, #tpu.memory_space<vmem>> -> memref<40xi32, #tpu.memory_space<vmem>>
        %dma_start3A_225 = arith.constant 0 : i32
        %dma_start3A_226 = arith.constant 0 : i32
        %dma_start3A_227 = tpu.memref_slice %arg2[%dma_start3A_225, %dma_start3A_226] : memref<10000x128xf32, #tpu.memory_space<hbm>> -> memref<10000x128xf32, #tpu.memory_space<hbm>>
        tpu.enqueue_indirect_dma source(%dma_start3A_227 : memref<10000x128xf32, #tpu.memory_space<hbm>>) target(%arg13 : memref<40x128xf32, #tpu.memory_space<vmem>>) offsets(%dma_start3A_224 : memref<40xi32, #tpu.memory_space<vmem>>) semaphore(%arg20 : memref<!tpu.dma_semaphore, #tpu.memory_space<semaphore_mem>>)
        %mul3A_228 = arith.constant 40 : i32
        %mul3A_229 = arith.muli %add3A_156, %mul3A_228 : i32
        %add3A_230 = arith.addi %mul3A_2, %mul3A_229 : i32
        %dma_start3A_231 = tpu.memref_slice %arg4[%add3A_230] : memref<320000xi32, #tpu.memory_space<hbm>> -> memref<40xi32, #tpu.memory_space<hbm>>
        %dma_start3A_232 = tpu.memref_slice %arg4[%add3A_230] : memref<320000xi32, #tpu.memory_space<hbm>> -> memref<40xi32, #tpu.memory_space<hbm>>
        tpu.enqueue_dma source(%dma_start3A_232 : memref<40xi32, #tpu.memory_space<hbm>>) target(%arg8 : memref<40xi32, #tpu.memory_space<vmem>>) target_semaphore(%arg25 : memref<!tpu.dma_semaphore, #tpu.memory_space<semaphore_mem>>)
      } else {
      }
      %add3A_162 = arith.constant 2 : i32
      %add3A_163 = arith.addi %add3A_122, %add3A_162 : i32
      %mul3A_164 = arith.constant 40 : i32
      %mul3A_165 = arith.muli %add3A_163, %mul3A_164 : i32
      %dma_wait3A_166 = tpu.memref_slice %arg6[%mul3A_165] : memref<10000xi32, #tpu.memory_space<vmem>> -> memref<40xi32, #tpu.memory_space<vmem>>
      %dma_wait3A_167 = arith.constant 0 : i32
      %dma_wait3A_168 = arith.constant 0 : i32
      %dma_wait3A_169 = tpu.memref_slice %arg2[%dma_wait3A_167, %dma_wait3A_168] : memref<10000x128xf32, #tpu.memory_space<hbm>> -> memref<10000x128xf32, #tpu.memory_space<hbm>>
      tpu.wait_indirect_dma semaphore(%arg21 : memref<!tpu.dma_semaphore, #tpu.memory_space<semaphore_mem>>) src(%dma_wait3A_169 : memref<10000x128xf32, #tpu.memory_space<hbm>>) dst(%arg14 : memref<40x128xf32, #tpu.memory_space<vmem>>)
      %mul3A_170 = arith.constant 40 : i32
      %mul3A_171 = arith.muli %add3A_163, %mul3A_170 : i32
      %add3A_172 = arith.addi %mul3A_2, %mul3A_171 : i32
      %dma_wait3A_173 = tpu.memref_slice %arg4[%add3A_172] : memref<320000xi32, #tpu.memory_space<hbm>> -> memref<40xi32, #tpu.memory_space<hbm>>
      %dma_wait3A_174 = tpu.memref_slice %arg4[%add3A_172] : memref<320000xi32, #tpu.memory_space<hbm>> -> memref<40xi32, #tpu.memory_space<hbm>>
      tpu.wait_dma2 semaphore(%arg26 : memref<!tpu.dma_semaphore, #tpu.memory_space<semaphore_mem>>) src(%dma_wait3A_174 : memref<40xi32, #tpu.memory_space<hbm>>) dst(%arg9 : memref<40xi32, #tpu.memory_space<vmem>>)
      "tpu.region"() ({
        %run_scoped3A = tpu.sem_alloc : memref<!tpu.dma_semaphore, #tpu.memory_space<semaphore_mem>>
        %dma_start3A_222 = arith.constant 0 : i32
        %dma_start3A_223 = arith.constant 0 : i32
        %dma_start3A_224 = tpu.memref_slice %arg18[%dma_start3A_222, %dma_start3A_223] : memref<10000x128xf32, #tpu.memory_space<vmem_shared>> -> memref<10000x128xf32, #tpu.memory_space<vmem_shared>>
        tpu.enqueue_indirect_dma source(%arg14 : memref<40x128xf32, #tpu.memory_space<vmem>>) target(%dma_start3A_224 : memref<10000x128xf32, #tpu.memory_space<vmem_shared>>) offsets(%arg9 : memref<40xi32, #tpu.memory_space<vmem>>) semaphore(%run_scoped3A : memref<!tpu.dma_semaphore, #tpu.memory_space<semaphore_mem>>) {add = true}
        %dma_wait3A_225 = arith.constant 0 : i32
        %dma_wait3A_226 = arith.constant 0 : i32
        %dma_wait3A_227 = tpu.memref_slice %arg18[%dma_wait3A_225, %dma_wait3A_226] : memref<10000x128xf32, #tpu.memory_space<vmem_shared>> -> memref<10000x128xf32, #tpu.memory_space<vmem_shared>>
        tpu.wait_indirect_dma semaphore(%run_scoped3A : memref<!tpu.dma_semaphore, #tpu.memory_space<semaphore_mem>>) src(%arg14 : memref<40x128xf32, #tpu.memory_space<vmem>>) dst(%dma_wait3A_227 : memref<10000x128xf32, #tpu.memory_space<vmem_shared>>)
        tpu.yield
      }) : () -> ()
      %add3A_175 = arith.constant 5 : i32
      %add3A_176 = arith.addi %add3A_163, %add3A_175 : i32
      %lt3A_177 = arith.constant 250 : i32
      %lt3A_178 = arith.cmpi slt, %add3A_176, %lt3A_177 : i32
      %convert_element_type3A_179 = arith.extui %lt3A_178 : i1 to i32
      %cond3A_180 = arith.constant 0 : i32
      %cond3A_181 = arith.cmpi ne, %convert_element_type3A_179, %cond3A_180 : i32
      scf.if %cond3A_181 {
        %mul3A_222 = arith.constant 40 : i32
        %mul3A_223 = arith.muli %add3A_176, %mul3A_222 : i32
        %dma_start3A_224 = tpu.memref_slice %arg6[%mul3A_223] : memref<10000xi32, #tpu.memory_space<vmem>> -> memref<40xi32, #tpu.memory_space<vmem>>
        %dma_start3A_225 = arith.constant 0 : i32
        %dma_start3A_226 = arith.constant 0 : i32
        %dma_start3A_227 = tpu.memref_slice %arg2[%dma_start3A_225, %dma_start3A_226] : memref<10000x128xf32, #tpu.memory_space<hbm>> -> memref<10000x128xf32, #tpu.memory_space<hbm>>
        tpu.enqueue_indirect_dma source(%dma_start3A_227 : memref<10000x128xf32, #tpu.memory_space<hbm>>) target(%arg14 : memref<40x128xf32, #tpu.memory_space<vmem>>) offsets(%dma_start3A_224 : memref<40xi32, #tpu.memory_space<vmem>>) semaphore(%arg21 : memref<!tpu.dma_semaphore, #tpu.memory_space<semaphore_mem>>)
        %mul3A_228 = arith.constant 40 : i32
        %mul3A_229 = arith.muli %add3A_176, %mul3A_228 : i32
        %add3A_230 = arith.addi %mul3A_2, %mul3A_229 : i32
        %dma_start3A_231 = tpu.memref_slice %arg4[%add3A_230] : memref<320000xi32, #tpu.memory_space<hbm>> -> memref<40xi32, #tpu.memory_space<hbm>>
        %dma_start3A_232 = tpu.memref_slice %arg4[%add3A_230] : memref<320000xi32, #tpu.memory_space<hbm>> -> memref<40xi32, #tpu.memory_space<hbm>>
        tpu.enqueue_dma source(%dma_start3A_232 : memref<40xi32, #tpu.memory_space<hbm>>) target(%arg9 : memref<40xi32, #tpu.memory_space<vmem>>) target_semaphore(%arg26 : memref<!tpu.dma_semaphore, #tpu.memory_space<semaphore_mem>>)
      } else {
      }
      %add3A_182 = arith.constant 3 : i32
      %add3A_183 = arith.addi %add3A_122, %add3A_182 : i32
      %mul3A_184 = arith.constant 40 : i32
      %mul3A_185 = arith.muli %add3A_183, %mul3A_184 : i32
      %dma_wait3A_186 = tpu.memref_slice %arg6[%mul3A_185] : memref<10000xi32, #tpu.memory_space<vmem>> -> memref<40xi32, #tpu.memory_space<vmem>>
      %dma_wait3A_187 = arith.constant 0 : i32
      %dma_wait3A_188 = arith.constant 0 : i32
      %dma_wait3A_189 = tpu.memref_slice %arg2[%dma_wait3A_187, %dma_wait3A_188] : memref<10000x128xf32, #tpu.memory_space<hbm>> -> memref<10000x128xf32, #tpu.memory_space<hbm>>
      tpu.wait_indirect_dma semaphore(%arg22 : memref<!tpu.dma_semaphore, #tpu.memory_space<semaphore_mem>>) src(%dma_wait3A_189 : memref<10000x128xf32, #tpu.memory_space<hbm>>) dst(%arg15 : memref<40x128xf32, #tpu.memory_space<vmem>>)
      %mul3A_190 = arith.constant 40 : i32
      %mul3A_191 = arith.muli %add3A_183, %mul3A_190 : i32
      %add3A_192 = arith.addi %mul3A_2, %mul3A_191 : i32
      %dma_wait3A_193 = tpu.memref_slice %arg4[%add3A_192] : memref<320000xi32, #tpu.memory_space<hbm>> -> memref<40xi32, #tpu.memory_space<hbm>>
      %dma_wait3A_194 = tpu.memref_slice %arg4[%add3A_192] : memref<320000xi32, #tpu.memory_space<hbm>> -> memref<40xi32, #tpu.memory_space<hbm>>
      tpu.wait_dma2 semaphore(%arg27 : memref<!tpu.dma_semaphore, #tpu.memory_space<semaphore_mem>>) src(%dma_wait3A_194 : memref<40xi32, #tpu.memory_space<hbm>>) dst(%arg10 : memref<40xi32, #tpu.memory_space<vmem>>)
      "tpu.region"() ({
        %run_scoped3A = tpu.sem_alloc : memref<!tpu.dma_semaphore, #tpu.memory_space<semaphore_mem>>
        %dma_start3A_222 = arith.constant 0 : i32
        %dma_start3A_223 = arith.constant 0 : i32
        %dma_start3A_224 = tpu.memref_slice %arg18[%dma_start3A_222, %dma_start3A_223] : memref<10000x128xf32, #tpu.memory_space<vmem_shared>> -> memref<10000x128xf32, #tpu.memory_space<vmem_shared>>
        tpu.enqueue_indirect_dma source(%arg15 : memref<40x128xf32, #tpu.memory_space<vmem>>) target(%dma_start3A_224 : memref<10000x128xf32, #tpu.memory_space<vmem_shared>>) offsets(%arg10 : memref<40xi32, #tpu.memory_space<vmem>>) semaphore(%run_scoped3A : memref<!tpu.dma_semaphore, #tpu.memory_space<semaphore_mem>>) {add = true}
        %dma_wait3A_225 = arith.constant 0 : i32
        %dma_wait3A_226 = arith.constant 0 : i32
        %dma_wait3A_227 = tpu.memref_slice %arg18[%dma_wait3A_225, %dma_wait3A_226] : memref<10000x128xf32, #tpu.memory_space<vmem_shared>> -> memref<10000x128xf32, #tpu.memory_space<vmem_shared>>
        tpu.wait_indirect_dma semaphore(%run_scoped3A : memref<!tpu.dma_semaphore, #tpu.memory_space<semaphore_mem>>) src(%arg15 : memref<40x128xf32, #tpu.memory_space<vmem>>) dst(%dma_wait3A_227 : memref<10000x128xf32, #tpu.memory_space<vmem_shared>>)
        tpu.yield
      }) : () -> ()
      %add3A_195 = arith.constant 5 : i32
      %add3A_196 = arith.addi %add3A_183, %add3A_195 : i32
      %lt3A_197 = arith.constant 250 : i32
      %lt3A_198 = arith.cmpi slt, %add3A_196, %lt3A_197 : i32
      %convert_element_type3A_199 = arith.extui %lt3A_198 : i1 to i32
      %cond3A_200 = arith.constant 0 : i32
      %cond3A_201 = arith.cmpi ne, %convert_element_type3A_199, %cond3A_200 : i32
      scf.if %cond3A_201 {
        %mul3A_222 = arith.constant 40 : i32
        %mul3A_223 = arith.muli %add3A_196, %mul3A_222 : i32
        %dma_start3A_224 = tpu.memref_slice %arg6[%mul3A_223] : memref<10000xi32, #tpu.memory_space<vmem>> -> memref<40xi32, #tpu.memory_space<vmem>>
        %dma_start3A_225 = arith.constant 0 : i32
        %dma_start3A_226 = arith.constant 0 : i32
        %dma_start3A_227 = tpu.memref_slice %arg2[%dma_start3A_225, %dma_start3A_226] : memref<10000x128xf32, #tpu.memory_space<hbm>> -> memref<10000x128xf32, #tpu.memory_space<hbm>>
        tpu.enqueue_indirect_dma source(%dma_start3A_227 : memref<10000x128xf32, #tpu.memory_space<hbm>>) target(%arg15 : memref<40x128xf32, #tpu.memory_space<vmem>>) offsets(%dma_start3A_224 : memref<40xi32, #tpu.memory_space<vmem>>) semaphore(%arg22 : memref<!tpu.dma_semaphore, #tpu.memory_space<semaphore_mem>>)
        %mul3A_228 = arith.constant 40 : i32
        %mul3A_229 = arith.muli %add3A_196, %mul3A_228 : i32
        %add3A_230 = arith.addi %mul3A_2, %mul3A_229 : i32
        %dma_start3A_231 = tpu.memref_slice %arg4[%add3A_230] : memref<320000xi32, #tpu.memory_space<hbm>> -> memref<40xi32, #tpu.memory_space<hbm>>
        %dma_start3A_232 = tpu.memref_slice %arg4[%add3A_230] : memref<320000xi32, #tpu.memory_space<hbm>> -> memref<40xi32, #tpu.memory_space<hbm>>
        tpu.enqueue_dma source(%dma_start3A_232 : memref<40xi32, #tpu.memory_space<hbm>>) target(%arg10 : memref<40xi32, #tpu.memory_space<vmem>>) target_semaphore(%arg27 : memref<!tpu.dma_semaphore, #tpu.memory_space<semaphore_mem>>)
      } else {
      }
      %add3A_202 = arith.constant 4 : i32
      %add3A_203 = arith.addi %add3A_122, %add3A_202 : i32
      %mul3A_204 = arith.constant 40 : i32
      %mul3A_205 = arith.muli %add3A_203, %mul3A_204 : i32
      %dma_wait3A_206 = tpu.memref_slice %arg6[%mul3A_205] : memref<10000xi32, #tpu.memory_space<vmem>> -> memref<40xi32, #tpu.memory_space<vmem>>
      %dma_wait3A_207 = arith.constant 0 : i32
      %dma_wait3A_208 = arith.constant 0 : i32
      %dma_wait3A_209 = tpu.memref_slice %arg2[%dma_wait3A_207, %dma_wait3A_208] : memref<10000x128xf32, #tpu.memory_space<hbm>> -> memref<10000x128xf32, #tpu.memory_space<hbm>>
      tpu.wait_indirect_dma semaphore(%arg23 : memref<!tpu.dma_semaphore, #tpu.memory_space<semaphore_mem>>) src(%dma_wait3A_209 : memref<10000x128xf32, #tpu.memory_space<hbm>>) dst(%arg16 : memref<40x128xf32, #tpu.memory_space<vmem>>)
      %mul3A_210 = arith.constant 40 : i32
      %mul3A_211 = arith.muli %add3A_203, %mul3A_210 : i32
      %add3A_212 = arith.addi %mul3A_2, %mul3A_211 : i32
      %dma_wait3A_213 = tpu.memref_slice %arg4[%add3A_212] : memref<320000xi32, #tpu.memory_space<hbm>> -> memref<40xi32, #tpu.memory_space<hbm>>
      %dma_wait3A_214 = tpu.memref_slice %arg4[%add3A_212] : memref<320000xi32, #tpu.memory_space<hbm>> -> memref<40xi32, #tpu.memory_space<hbm>>
      tpu.wait_dma2 semaphore(%arg28 : memref<!tpu.dma_semaphore, #tpu.memory_space<semaphore_mem>>) src(%dma_wait3A_214 : memref<40xi32, #tpu.memory_space<hbm>>) dst(%arg11 : memref<40xi32, #tpu.memory_space<vmem>>)
      "tpu.region"() ({
        %run_scoped3A = tpu.sem_alloc : memref<!tpu.dma_semaphore, #tpu.memory_space<semaphore_mem>>
        %dma_start3A_222 = arith.constant 0 : i32
        %dma_start3A_223 = arith.constant 0 : i32
        %dma_start3A_224 = tpu.memref_slice %arg18[%dma_start3A_222, %dma_start3A_223] : memref<10000x128xf32, #tpu.memory_space<vmem_shared>> -> memref<10000x128xf32, #tpu.memory_space<vmem_shared>>
        tpu.enqueue_indirect_dma source(%arg16 : memref<40x128xf32, #tpu.memory_space<vmem>>) target(%dma_start3A_224 : memref<10000x128xf32, #tpu.memory_space<vmem_shared>>) offsets(%arg11 : memref<40xi32, #tpu.memory_space<vmem>>) semaphore(%run_scoped3A : memref<!tpu.dma_semaphore, #tpu.memory_space<semaphore_mem>>) {add = true}
        %dma_wait3A_225 = arith.constant 0 : i32
        %dma_wait3A_226 = arith.constant 0 : i32
        %dma_wait3A_227 = tpu.memref_slice %arg18[%dma_wait3A_225, %dma_wait3A_226] : memref<10000x128xf32, #tpu.memory_space<vmem_shared>> -> memref<10000x128xf32, #tpu.memory_space<vmem_shared>>
        tpu.wait_indirect_dma semaphore(%run_scoped3A : memref<!tpu.dma_semaphore, #tpu.memory_space<semaphore_mem>>) src(%arg16 : memref<40x128xf32, #tpu.memory_space<vmem>>) dst(%dma_wait3A_227 : memref<10000x128xf32, #tpu.memory_space<vmem_shared>>)
        tpu.yield
      }) : () -> ()
      %add3A_215 = arith.constant 5 : i32
      %add3A_216 = arith.addi %add3A_203, %add3A_215 : i32
      %lt3A_217 = arith.constant 250 : i32
      %lt3A_218 = arith.cmpi slt, %add3A_216, %lt3A_217 : i32
      %convert_element_type3A_219 = arith.extui %lt3A_218 : i1 to i32
      %cond3A_220 = arith.constant 0 : i32
      %cond3A_221 = arith.cmpi ne, %convert_element_type3A_219, %cond3A_220 : i32
      scf.if %cond3A_221 {
        %mul3A_222 = arith.constant 40 : i32
        %mul3A_223 = arith.muli %add3A_216, %mul3A_222 : i32
        %dma_start3A_224 = tpu.memref_slice %arg6[%mul3A_223] : memref<10000xi32, #tpu.memory_space<vmem>> -> memref<40xi32, #tpu.memory_space<vmem>>
        %dma_start3A_225 = arith.constant 0 : i32
        %dma_start3A_226 = arith.constant 0 : i32
        %dma_start3A_227 = tpu.memref_slice %arg2[%dma_start3A_225, %dma_start3A_226] : memref<10000x128xf32, #tpu.memory_space<hbm>> -> memref<10000x128xf32, #tpu.memory_space<hbm>>
        tpu.enqueue_indirect_dma source(%dma_start3A_227 : memref<10000x128xf32, #tpu.memory_space<hbm>>) target(%arg16 : memref<40x128xf32, #tpu.memory_space<vmem>>) offsets(%dma_start3A_224 : memref<40xi32, #tpu.memory_space<vmem>>) semaphore(%arg23 : memref<!tpu.dma_semaphore, #tpu.memory_space<semaphore_mem>>)
        %mul3A_228 = arith.constant 40 : i32
        %mul3A_229 = arith.muli %add3A_216, %mul3A_228 : i32
        %add3A_230 = arith.addi %mul3A_2, %mul3A_229 : i32
        %dma_start3A_231 = tpu.memref_slice %arg4[%add3A_230] : memref<320000xi32, #tpu.memory_space<hbm>> -> memref<40xi32, #tpu.memory_space<hbm>>
        %dma_start3A_232 = tpu.memref_slice %arg4[%add3A_230] : memref<320000xi32, #tpu.memory_space<hbm>> -> memref<40xi32, #tpu.memory_space<hbm>>
        tpu.enqueue_dma source(%dma_start3A_232 : memref<40xi32, #tpu.memory_space<hbm>>) target(%arg11 : memref<40xi32, #tpu.memory_space<vmem>>) target_semaphore(%arg28 : memref<!tpu.dma_semaphore, #tpu.memory_space<semaphore_mem>>)
      } else {
      }
    }
    %scan3A_62 = arith.constant 49 : i32
    %dma_wait3A = arith.constant 9800 : i32
    %dma_wait3A_63 = tpu.memref_slice %arg6[%dma_wait3A] : memref<10000xi32, #tpu.memory_space<vmem>> -> memref<40xi32, #tpu.memory_space<vmem>>
    %dma_wait3A_64 = arith.constant 0 : i32
    %dma_wait3A_65 = arith.constant 0 : i32
    %dma_wait3A_66 = tpu.memref_slice %arg2[%dma_wait3A_64, %dma_wait3A_65] : memref<10000x128xf32, #tpu.memory_space<hbm>> -> memref<10000x128xf32, #tpu.memory_space<hbm>>
    tpu.wait_indirect_dma semaphore(%arg19 : memref<!tpu.dma_semaphore, #tpu.memory_space<semaphore_mem>>) src(%dma_wait3A_66 : memref<10000x128xf32, #tpu.memory_space<hbm>>) dst(%arg12 : memref<40x128xf32, #tpu.memory_space<vmem>>)
    %add3A_67 = arith.constant 9800 : i32
    %add3A_68 = arith.addi %mul3A_2, %add3A_67 : i32
    %dma_wait3A_69 = tpu.memref_slice %arg4[%add3A_68] : memref<320000xi32, #tpu.memory_space<hbm>> -> memref<40xi32, #tpu.memory_space<hbm>>
    %dma_wait3A_70 = tpu.memref_slice %arg4[%add3A_68] : memref<320000xi32, #tpu.memory_space<hbm>> -> memref<40xi32, #tpu.memory_space<hbm>>
    tpu.wait_dma2 semaphore(%arg24 : memref<!tpu.dma_semaphore, #tpu.memory_space<semaphore_mem>>) src(%dma_wait3A_70 : memref<40xi32, #tpu.memory_space<hbm>>) dst(%arg7 : memref<40xi32, #tpu.memory_space<vmem>>)
    "tpu.region"() ({
      %run_scoped3A = tpu.sem_alloc : memref<!tpu.dma_semaphore, #tpu.memory_space<semaphore_mem>>
      %dma_start3A_118 = arith.constant 0 : i32
      %dma_start3A_119 = arith.constant 0 : i32
      %dma_start3A_120 = tpu.memref_slice %arg18[%dma_start3A_118, %dma_start3A_119] : memref<10000x128xf32, #tpu.memory_space<vmem_shared>> -> memref<10000x128xf32, #tpu.memory_space<vmem_shared>>
      tpu.enqueue_indirect_dma source(%arg12 : memref<40x128xf32, #tpu.memory_space<vmem>>) target(%dma_start3A_120 : memref<10000x128xf32, #tpu.memory_space<vmem_shared>>) offsets(%arg7 : memref<40xi32, #tpu.memory_space<vmem>>) semaphore(%run_scoped3A : memref<!tpu.dma_semaphore, #tpu.memory_space<semaphore_mem>>) {add = true}
      %dma_wait3A_121 = arith.constant 0 : i32
      %dma_wait3A_122 = arith.constant 0 : i32
      %dma_wait3A_123 = tpu.memref_slice %arg18[%dma_wait3A_121, %dma_wait3A_122] : memref<10000x128xf32, #tpu.memory_space<vmem_shared>> -> memref<10000x128xf32, #tpu.memory_space<vmem_shared>>
      tpu.wait_indirect_dma semaphore(%run_scoped3A : memref<!tpu.dma_semaphore, #tpu.memory_space<semaphore_mem>>) src(%arg12 : memref<40x128xf32, #tpu.memory_space<vmem>>) dst(%dma_wait3A_123 : memref<10000x128xf32, #tpu.memory_space<vmem_shared>>)
      tpu.yield
    }) : () -> ()
    %dma_wait3A_71 = arith.constant 9840 : i32
    %dma_wait3A_72 = tpu.memref_slice %arg6[%dma_wait3A_71] : memref<10000xi32, #tpu.memory_space<vmem>> -> memref<40xi32, #tpu.memory_space<vmem>>
    %dma_wait3A_73 = arith.constant 0 : i32
    %dma_wait3A_74 = arith.constant 0 : i32
    %dma_wait3A_75 = tpu.memref_slice %arg2[%dma_wait3A_73, %dma_wait3A_74] : memref<10000x128xf32, #tpu.memory_space<hbm>> -> memref<10000x128xf32, #tpu.memory_space<hbm>>
    tpu.wait_indirect_dma semaphore(%arg20 : memref<!tpu.dma_semaphore, #tpu.memory_space<semaphore_mem>>) src(%dma_wait3A_75 : memref<10000x128xf32, #tpu.memory_space<hbm>>) dst(%arg13 : memref<40x128xf32, #tpu.memory_space<vmem>>)
    %add3A_76 = arith.constant 9840 : i32
    %add3A_77 = arith.addi %mul3A_2, %add3A_76 : i32
    %dma_wait3A_78 = tpu.memref_slice %arg4[%add3A_77] : memref<320000xi32, #tpu.memory_space<hbm>> -> memref<40xi32, #tpu.memory_space<hbm>>
    %dma_wait3A_79 = tpu.memref_slice %arg4[%add3A_77] : memref<320000xi32, #tpu.memory_space<hbm>> -> memref<40xi32, #tpu.memory_space<hbm>>
    tpu.wait_dma2 semaphore(%arg25 : memref<!tpu.dma_semaphore, #tpu.memory_space<semaphore_mem>>) src(%dma_wait3A_79 : memref<40xi32, #tpu.memory_space<hbm>>) dst(%arg8 : memref<40xi32, #tpu.memory_space<vmem>>)
    "tpu.region"() ({
      %run_scoped3A = tpu.sem_alloc : memref<!tpu.dma_semaphore, #tpu.memory_space<semaphore_mem>>
      %dma_start3A_118 = arith.constant 0 : i32
      %dma_start3A_119 = arith.constant 0 : i32
      %dma_start3A_120 = tpu.memref_slice %arg18[%dma_start3A_118, %dma_start3A_119] : memref<10000x128xf32, #tpu.memory_space<vmem_shared>> -> memref<10000x128xf32, #tpu.memory_space<vmem_shared>>
      tpu.enqueue_indirect_dma source(%arg13 : memref<40x128xf32, #tpu.memory_space<vmem>>) target(%dma_start3A_120 : memref<10000x128xf32, #tpu.memory_space<vmem_shared>>) offsets(%arg8 : memref<40xi32, #tpu.memory_space<vmem>>) semaphore(%run_scoped3A : memref<!tpu.dma_semaphore, #tpu.memory_space<semaphore_mem>>) {add = true}
      %dma_wait3A_121 = arith.constant 0 : i32
      %dma_wait3A_122 = arith.constant 0 : i32
      %dma_wait3A_123 = tpu.memref_slice %arg18[%dma_wait3A_121, %dma_wait3A_122] : memref<10000x128xf32, #tpu.memory_space<vmem_shared>> -> memref<10000x128xf32, #tpu.memory_space<vmem_shared>>
      tpu.wait_indirect_dma semaphore(%run_scoped3A : memref<!tpu.dma_semaphore, #tpu.memory_space<semaphore_mem>>) src(%arg13 : memref<40x128xf32, #tpu.memory_space<vmem>>) dst(%dma_wait3A_123 : memref<10000x128xf32, #tpu.memory_space<vmem_shared>>)
      tpu.yield
    }) : () -> ()
    %dma_wait3A_80 = arith.constant 9880 : i32
    %dma_wait3A_81 = tpu.memref_slice %arg6[%dma_wait3A_80] : memref<10000xi32, #tpu.memory_space<vmem>> -> memref<40xi32, #tpu.memory_space<vmem>>
    %dma_wait3A_82 = arith.constant 0 : i32
    %dma_wait3A_83 = arith.constant 0 : i32
    %dma_wait3A_84 = tpu.memref_slice %arg2[%dma_wait3A_82, %dma_wait3A_83] : memref<10000x128xf32, #tpu.memory_space<hbm>> -> memref<10000x128xf32, #tpu.memory_space<hbm>>
    tpu.wait_indirect_dma semaphore(%arg21 : memref<!tpu.dma_semaphore, #tpu.memory_space<semaphore_mem>>) src(%dma_wait3A_84 : memref<10000x128xf32, #tpu.memory_space<hbm>>) dst(%arg14 : memref<40x128xf32, #tpu.memory_space<vmem>>)
    %add3A_85 = arith.constant 9880 : i32
    %add3A_86 = arith.addi %mul3A_2, %add3A_85 : i32
    %dma_wait3A_87 = tpu.memref_slice %arg4[%add3A_86] : memref<320000xi32, #tpu.memory_space<hbm>> -> memref<40xi32, #tpu.memory_space<hbm>>
    %dma_wait3A_88 = tpu.memref_slice %arg4[%add3A_86] : memref<320000xi32, #tpu.memory_space<hbm>> -> memref<40xi32, #tpu.memory_space<hbm>>
    tpu.wait_dma2 semaphore(%arg26 : memref<!tpu.dma_semaphore, #tpu.memory_space<semaphore_mem>>) src(%dma_wait3A_88 : memref<40xi32, #tpu.memory_space<hbm>>) dst(%arg9 : memref<40xi32, #tpu.memory_space<vmem>>)
    "tpu.region"() ({
      %run_scoped3A = tpu.sem_alloc : memref<!tpu.dma_semaphore, #tpu.memory_space<semaphore_mem>>
      %dma_start3A_118 = arith.constant 0 : i32
      %dma_start3A_119 = arith.constant 0 : i32
      %dma_start3A_120 = tpu.memref_slice %arg18[%dma_start3A_118, %dma_start3A_119] : memref<10000x128xf32, #tpu.memory_space<vmem_shared>> -> memref<10000x128xf32, #tpu.memory_space<vmem_shared>>
      tpu.enqueue_indirect_dma source(%arg14 : memref<40x128xf32, #tpu.memory_space<vmem>>) target(%dma_start3A_120 : memref<10000x128xf32, #tpu.memory_space<vmem_shared>>) offsets(%arg9 : memref<40xi32, #tpu.memory_space<vmem>>) semaphore(%run_scoped3A : memref<!tpu.dma_semaphore, #tpu.memory_space<semaphore_mem>>) {add = true}
      %dma_wait3A_121 = arith.constant 0 : i32
      %dma_wait3A_122 = arith.constant 0 : i32
      %dma_wait3A_123 = tpu.memref_slice %arg18[%dma_wait3A_121, %dma_wait3A_122] : memref<10000x128xf32, #tpu.memory_space<vmem_shared>> -> memref<10000x128xf32, #tpu.memory_space<vmem_shared>>
      tpu.wait_indirect_dma semaphore(%run_scoped3A : memref<!tpu.dma_semaphore, #tpu.memory_space<semaphore_mem>>) src(%arg14 : memref<40x128xf32, #tpu.memory_space<vmem>>) dst(%dma_wait3A_123 : memref<10000x128xf32, #tpu.memory_space<vmem_shared>>)
      tpu.yield
    }) : () -> ()
    %dma_wait3A_89 = arith.constant 9920 : i32
    %dma_wait3A_90 = tpu.memref_slice %arg6[%dma_wait3A_89] : memref<10000xi32, #tpu.memory_space<vmem>> -> memref<40xi32, #tpu.memory_space<vmem>>
    %dma_wait3A_91 = arith.constant 0 : i32
    %dma_wait3A_92 = arith.constant 0 : i32
    %dma_wait3A_93 = tpu.memref_slice %arg2[%dma_wait3A_91, %dma_wait3A_92] : memref<10000x128xf32, #tpu.memory_space<hbm>> -> memref<10000x128xf32, #tpu.memory_space<hbm>>
    tpu.wait_indirect_dma semaphore(%arg22 : memref<!tpu.dma_semaphore, #tpu.memory_space<semaphore_mem>>) src(%dma_wait3A_93 : memref<10000x128xf32, #tpu.memory_space<hbm>>) dst(%arg15 : memref<40x128xf32, #tpu.memory_space<vmem>>)
    %add3A_94 = arith.constant 9920 : i32
    %add3A_95 = arith.addi %mul3A_2, %add3A_94 : i32
    %dma_wait3A_96 = tpu.memref_slice %arg4[%add3A_95] : memref<320000xi32, #tpu.memory_space<hbm>> -> memref<40xi32, #tpu.memory_space<hbm>>
    %dma_wait3A_97 = tpu.memref_slice %arg4[%add3A_95] : memref<320000xi32, #tpu.memory_space<hbm>> -> memref<40xi32, #tpu.memory_space<hbm>>
    tpu.wait_dma2 semaphore(%arg27 : memref<!tpu.dma_semaphore, #tpu.memory_space<semaphore_mem>>) src(%dma_wait3A_97 : memref<40xi32, #tpu.memory_space<hbm>>) dst(%arg10 : memref<40xi32, #tpu.memory_space<vmem>>)
    "tpu.region"() ({
      %run_scoped3A = tpu.sem_alloc : memref<!tpu.dma_semaphore, #tpu.memory_space<semaphore_mem>>
      %dma_start3A_118 = arith.constant 0 : i32
      %dma_start3A_119 = arith.constant 0 : i32
      %dma_start3A_120 = tpu.memref_slice %arg18[%dma_start3A_118, %dma_start3A_119] : memref<10000x128xf32, #tpu.memory_space<vmem_shared>> -> memref<10000x128xf32, #tpu.memory_space<vmem_shared>>
      tpu.enqueue_indirect_dma source(%arg15 : memref<40x128xf32, #tpu.memory_space<vmem>>) target(%dma_start3A_120 : memref<10000x128xf32, #tpu.memory_space<vmem_shared>>) offsets(%arg10 : memref<40xi32, #tpu.memory_space<vmem>>) semaphore(%run_scoped3A : memref<!tpu.dma_semaphore, #tpu.memory_space<semaphore_mem>>) {add = true}
      %dma_wait3A_121 = arith.constant 0 : i32
      %dma_wait3A_122 = arith.constant 0 : i32
      %dma_wait3A_123 = tpu.memref_slice %arg18[%dma_wait3A_121, %dma_wait3A_122] : memref<10000x128xf32, #tpu.memory_space<vmem_shared>> -> memref<10000x128xf32, #tpu.memory_space<vmem_shared>>
      tpu.wait_indirect_dma semaphore(%run_scoped3A : memref<!tpu.dma_semaphore, #tpu.memory_space<semaphore_mem>>) src(%arg15 : memref<40x128xf32, #tpu.memory_space<vmem>>) dst(%dma_wait3A_123 : memref<10000x128xf32, #tpu.memory_space<vmem_shared>>)
      tpu.yield
    }) : () -> ()
    %dma_wait3A_98 = arith.constant 9960 : i32
    %dma_wait3A_99 = tpu.memref_slice %arg6[%dma_wait3A_98] : memref<10000xi32, #tpu.memory_space<vmem>> -> memref<40xi32, #tpu.memory_space<vmem>>
    %dma_wait3A_100 = arith.constant 0 : i32
    %dma_wait3A_101 = arith.constant 0 : i32
    %dma_wait3A_102 = tpu.memref_slice %arg2[%dma_wait3A_100, %dma_wait3A_101] : memref<10000x128xf32, #tpu.memory_space<hbm>> -> memref<10000x128xf32, #tpu.memory_space<hbm>>
    tpu.wait_indirect_dma semaphore(%arg23 : memref<!tpu.dma_semaphore, #tpu.memory_space<semaphore_mem>>) src(%dma_wait3A_102 : memref<10000x128xf32, #tpu.memory_space<hbm>>) dst(%arg16 : memref<40x128xf32, #tpu.memory_space<vmem>>)
    %add3A_103 = arith.constant 9960 : i32
    %add3A_104 = arith.addi %mul3A_2, %add3A_103 : i32
    %dma_wait3A_105 = tpu.memref_slice %arg4[%add3A_104] : memref<320000xi32, #tpu.memory_space<hbm>> -> memref<40xi32, #tpu.memory_space<hbm>>
    %dma_wait3A_106 = tpu.memref_slice %arg4[%add3A_104] : memref<320000xi32, #tpu.memory_space<hbm>> -> memref<40xi32, #tpu.memory_space<hbm>>
    tpu.wait_dma2 semaphore(%arg28 : memref<!tpu.dma_semaphore, #tpu.memory_space<semaphore_mem>>) src(%dma_wait3A_106 : memref<40xi32, #tpu.memory_space<hbm>>) dst(%arg11 : memref<40xi32, #tpu.memory_space<vmem>>)
    "tpu.region"() ({
      %run_scoped3A = tpu.sem_alloc : memref<!tpu.dma_semaphore, #tpu.memory_space<semaphore_mem>>
      %dma_start3A_118 = arith.constant 0 : i32
      %dma_start3A_119 = arith.constant 0 : i32
      %dma_start3A_120 = tpu.memref_slice %arg18[%dma_start3A_118, %dma_start3A_119] : memref<10000x128xf32, #tpu.memory_space<vmem_shared>> -> memref<10000x128xf32, #tpu.memory_space<vmem_shared>>
      tpu.enqueue_indirect_dma source(%arg16 : memref<40x128xf32, #tpu.memory_space<vmem>>) target(%dma_start3A_120 : memref<10000x128xf32, #tpu.memory_space<vmem_shared>>) offsets(%arg11 : memref<40xi32, #tpu.memory_space<vmem>>) semaphore(%run_scoped3A : memref<!tpu.dma_semaphore, #tpu.memory_space<semaphore_mem>>) {add = true}
      %dma_wait3A_121 = arith.constant 0 : i32
      %dma_wait3A_122 = arith.constant 0 : i32
      %dma_wait3A_123 = tpu.memref_slice %arg18[%dma_wait3A_121, %dma_wait3A_122] : memref<10000x128xf32, #tpu.memory_space<vmem_shared>> -> memref<10000x128xf32, #tpu.memory_space<vmem_shared>>
      tpu.wait_indirect_dma semaphore(%run_scoped3A : memref<!tpu.dma_semaphore, #tpu.memory_space<semaphore_mem>>) src(%arg16 : memref<40x128xf32, #tpu.memory_space<vmem>>) dst(%dma_wait3A_123 : memref<10000x128xf32, #tpu.memory_space<vmem_shared>>)
      tpu.yield
    }) : () -> ()
    %barrier3A_107 = arith.constant 0 : index
    tpu.barrier barrier_id(%barrier3A_107)
    %scan3A_108 = arith.constant 0 : i32
    %scan3A_109 = arith.constant 16 : i32
    %scan3A_110 = arith.addi %scan3A_108, %scan3A_109 : i32
    %scan3A_111 = arith.constant 1 : i32
    scf.for %scan3A_118 = %scan3A_108 to %scan3A_110 step %scan3A_111  : i32 {
      %mul3A_119 = arith.constant 1 : i32
      %mul3A_120 = arith.muli %scan3A_118, %mul3A_119 : i32
      %add3A_121 = arith.constant 0 : i32
      %add3A_122 = arith.addi %add3A_121, %mul3A_120 : i32
      %mul3A_123 = arith.constant 16 : i32
      %mul3A_124 = arith.muli %add3A_122, %mul3A_123 : i32
      %add3A_125 = arith.addi %arg1, %mul3A_124 : i32
      %lt3A = arith.constant 250 : i32
      %lt3A_126 = arith.cmpi slt, %add3A_125, %lt3A : i32
      %convert_element_type3A_127 = arith.extui %lt3A_126 : i1 to i32
      %cond3A_128 = arith.constant 0 : i32
      %cond3A_129 = arith.cmpi ne, %convert_element_type3A_127, %cond3A_128 : i32
      scf.if %cond3A_129 {
        %mul3A_130 = arith.constant 40 : i32
        %mul3A_131 = arith.muli %add3A_125, %mul3A_130 : i32
        %dma_start3A_132 = arith.constant 0 : i32
        %dma_start3A_133 = tpu.memref_slice %arg5[%arg0, %mul3A_131, %dma_start3A_132] : memref<2x10000x128xf32, #tpu.memory_space<hbm>> -> memref<1x40x128xf32, #tpu.memory_space<hbm>>
        %dma_start3A_134 = tpu.memref_squeeze %dma_start3A_133 : memref<1x40x128xf32, #tpu.memory_space<hbm>> -> memref<40x128xf32, #tpu.memory_space<hbm>>
        %dma_start3A_135 = arith.constant 0 : i32
        %dma_start3A_136 = tpu.memref_slice %arg18[%mul3A_131, %dma_start3A_135] : memref<10000x128xf32, #tpu.memory_space<vmem_shared>> -> memref<40x128xf32, #tpu.memory_space<vmem_shared>>
        tpu.enqueue_dma source(%dma_start3A_136 : memref<40x128xf32, #tpu.memory_space<vmem_shared>>) target(%dma_start3A_134 : memref<40x128xf32, #tpu.memory_space<hbm>>) target_semaphore(%arg34 : memref<!tpu.dma_semaphore, #tpu.memory_space<semaphore_mem>>)
      } else {
      }
    }
    %scan3A_112 = arith.constant 16 : i32
    %scan3A_113 = arith.constant 0 : i32
    %scan3A_114 = arith.constant 16 : i32
    %scan3A_115 = arith.addi %scan3A_113, %scan3A_114 : i32
    %scan3A_116 = arith.constant 1 : i32
    scf.for %scan3A_118 = %scan3A_113 to %scan3A_115 step %scan3A_116  : i32 {
      %mul3A_119 = arith.constant 1 : i32
      %mul3A_120 = arith.muli %scan3A_118, %mul3A_119 : i32
      %add3A_121 = arith.constant 0 : i32
      %add3A_122 = arith.addi %add3A_121, %mul3A_120 : i32
      %mul3A_123 = arith.constant 16 : i32
      %mul3A_124 = arith.muli %add3A_122, %mul3A_123 : i32
      %add3A_125 = arith.addi %arg1, %mul3A_124 : i32
      %lt3A = arith.constant 250 : i32
      %lt3A_126 = arith.cmpi slt, %add3A_125, %lt3A : i32
      %convert_element_type3A_127 = arith.extui %lt3A_126 : i1 to i32
      %cond3A_128 = arith.constant 0 : i32
      %cond3A_129 = arith.cmpi ne, %convert_element_type3A_127, %cond3A_128 : i32
      scf.if %cond3A_129 {
        %mul3A_130 = arith.constant 40 : i32
        %mul3A_131 = arith.muli %add3A_125, %mul3A_130 : i32
        %dma_wait3A_132 = arith.constant 0 : i32
        %dma_wait3A_133 = tpu.memref_slice %arg5[%arg0, %mul3A_131, %dma_wait3A_132] : memref<2x10000x128xf32, #tpu.memory_space<hbm>> -> memref<1x40x128xf32, #tpu.memory_space<hbm>>
        %dma_wait3A_134 = tpu.memref_squeeze %dma_wait3A_133 : memref<1x40x128xf32, #tpu.memory_space<hbm>> -> memref<40x128xf32, #tpu.memory_space<hbm>>
        %dma_wait3A_135 = arith.constant 0 : i32
        %dma_wait3A_136 = tpu.memref_slice %arg18[%mul3A_131, %dma_wait3A_135] : memref<10000x128xf32, #tpu.memory_space<vmem_shared>> -> memref<40x128xf32, #tpu.memory_space<vmem_shared>>
        tpu.wait_dma2 semaphore(%arg34 : memref<!tpu.dma_semaphore, #tpu.memory_space<semaphore_mem>>) src(%dma_wait3A_136 : memref<40x128xf32, #tpu.memory_space<vmem_shared>>) dst(%dma_wait3A_134 : memref<40x128xf32, #tpu.memory_space<hbm>>)
      } else {
      }
    }
    %scan3A_117 = arith.constant 16 : i32
    return
  }
}

#map = affine_map<(d0, d1) -> (0, 0)>
#map1 = affine_map<(d0, d1) -> (0)>
#map2 = affine_map<(d0, d1) -> (0, 0, 0)>
module attributes {stable_mosaic.version = 14 : i64} {
  func.func @_sc_agg(%arg0: i32, %arg1: i32, %arg2: memref<10000x128xf32, #tpu.memory_space<hbm>>, %arg3: memref<320000xi32, #tpu.memory_space<hbm>>, %arg4: memref<320000xi32, #tpu.memory_space<hbm>>, %arg5: memref<2x10000x128xf32, #tpu.memory_space<hbm>>, %arg6: memref<10000xi32, #tpu.memory_space<vmem>>, %arg7: memref<40xi32, #tpu.memory_space<vmem>>, %arg8: memref<40xi32, #tpu.memory_space<vmem>>, %arg9: memref<40xi32, #tpu.memory_space<vmem>>, %arg10: memref<40xi32, #tpu.memory_space<vmem>>, %arg11: memref<40xi32, #tpu.memory_space<vmem>>, %arg12: memref<40x128xf32, #tpu.memory_space<vmem>>, %arg13: memref<40x128xf32, #tpu.memory_space<vmem>>, %arg14: memref<40x128xf32, #tpu.memory_space<vmem>>, %arg15: memref<40x128xf32, #tpu.memory_space<vmem>>, %arg16: memref<40x128xf32, #tpu.memory_space<vmem>>, %arg17: memref<40x128xf32, #tpu.memory_space<vmem>>, %arg18: memref<10000x128xf32, #tpu.memory_space<vmem_shared>>, %arg19: memref<!tpu.dma_semaphore, #tpu.memory_space<semaphore_mem>>, %arg20: memref<!tpu.dma_semaphore, #tpu.memory_space<semaphore_mem>>, %arg21: memref<!tpu.dma_semaphore, #tpu.memory_space<semaphore_mem>>, %arg22: memref<!tpu.dma_semaphore, #tpu.memory_space<semaphore_mem>>, %arg23: memref<!tpu.dma_semaphore, #tpu.memory_space<semaphore_mem>>, %arg24: memref<!tpu.dma_semaphore, #tpu.memory_space<semaphore_mem>>, %arg25: memref<!tpu.dma_semaphore, #tpu.memory_space<semaphore_mem>>, %arg26: memref<!tpu.dma_semaphore, #tpu.memory_space<semaphore_mem>>, %arg27: memref<!tpu.dma_semaphore, #tpu.memory_space<semaphore_mem>>, %arg28: memref<!tpu.dma_semaphore, #tpu.memory_space<semaphore_mem>>, %arg29: memref<!tpu.dma_semaphore, #tpu.memory_space<semaphore_mem>>, %arg30: memref<!tpu.dma_semaphore, #tpu.memory_space<semaphore_mem>>, %arg31: memref<!tpu.dma_semaphore, #tpu.memory_space<semaphore_mem>>, %arg32: memref<!tpu.dma_semaphore, #tpu.memory_space<semaphore_mem>>, %arg33: memref<!tpu.dma_semaphore, #tpu.memory_space<semaphore_mem>>, %arg34: memref<!tpu.dma_semaphore, #tpu.memory_space<semaphore_mem>>) attributes {dimension_semantics = [#tpu.dimension_semantics<core_parallel>, #tpu.dimension_semantics<subcore_parallel>], iteration_bounds = array<i64: 2, 16>, scalar_prefetch = 0 : i64, scratch_operands = 29 : i64, tpu.core_type = #tpu.core_type<sc_vector_subcore>, window_params = [{transform_indices = #map}, {transform_indices = #map1}, {transform_indices = #map1}, {transform_indices = #map2}]} {
    %mul3A = arith.constant 2 : i32
    %mul3A_0 = arith.muli %arg1, %mul3A : i32
    %add3A = arith.addi %mul3A_0, %arg0 : i32
    %mul3A_1 = arith.constant 10000 : i32
    %mul3A_2 = arith.muli %add3A, %mul3A_1 : i32
    "tpu.region"() ({
      %run_scoped3A = tpu.sem_alloc : memref<!tpu.dma_semaphore, #tpu.memory_space<semaphore_mem>>
      %dma_start3A_118 = tpu.memref_slice %arg3[%mul3A_2] : memref<320000xi32, #tpu.memory_space<hbm>> -> memref<10000xi32, #tpu.memory_space<hbm>>
      %dma_start3A_119 = tpu.memref_slice %arg3[%mul3A_2] : memref<320000xi32, #tpu.memory_space<hbm>> -> memref<10000xi32, #tpu.memory_space<hbm>>
      tpu.enqueue_dma source(%dma_start3A_119 : memref<10000xi32, #tpu.memory_space<hbm>>) target(%arg6 : memref<10000xi32, #tpu.memory_space<vmem>>) target_semaphore(%run_scoped3A : memref<!tpu.dma_semaphore, #tpu.memory_space<semaphore_mem>>)
      %dma_wait3A_120 = tpu.memref_slice %arg3[%mul3A_2] : memref<320000xi32, #tpu.memory_space<hbm>> -> memref<10000xi32, #tpu.memory_space<hbm>>
      %dma_wait3A_121 = tpu.memref_slice %arg3[%mul3A_2] : memref<320000xi32, #tpu.memory_space<hbm>> -> memref<10000xi32, #tpu.memory_space<hbm>>
      tpu.wait_dma2 semaphore(%run_scoped3A : memref<!tpu.dma_semaphore, #tpu.memory_space<semaphore_mem>>) src(%dma_wait3A_121 : memref<10000xi32, #tpu.memory_space<hbm>>) dst(%arg6 : memref<10000xi32, #tpu.memory_space<vmem>>)
      tpu.yield
    }) : () -> ()
    %dma_start3A = arith.constant 0 : i32
    %dma_start3A_3 = tpu.memref_slice %arg6[%dma_start3A] : memref<10000xi32, #tpu.memory_space<vmem>> -> memref<40xi32, #tpu.memory_space<vmem>>
    %dma_start3A_4 = arith.constant 0 : i32
    %dma_start3A_5 = arith.constant 0 : i32
    %dma_start3A_6 = tpu.memref_slice %arg2[%dma_start3A_4, %dma_start3A_5] : memref<10000x128xf32, #tpu.memory_space<hbm>> -> memref<10000x128xf32, #tpu.memory_space<hbm>>
    tpu.enqueue_indirect_dma source(%dma_start3A_6 : memref<10000x128xf32, #tpu.memory_space<hbm>>) target(%arg12 : memref<40x128xf32, #tpu.memory_space<vmem>>) offsets(%dma_start3A_3 : memref<40xi32, #tpu.memory_space<vmem>>) semaphore(%arg19 : memref<!tpu.dma_semaphore, #tpu.memory_space<semaphore_mem>>)
    %add3A_7 = arith.constant 0 : i32
    %add3A_8 = arith.addi %mul3A_2, %add3A_7 : i32
    %dma_start3A_9 = tpu.memref_slice %arg4[%add3A_8] : memref<320000xi32, #tpu.memory_space<hbm>> -> memref<40xi32, #tpu.memory_space<hbm>>
    %dma_start3A_10 = tpu.memref_slice %arg4[%add3A_8] : memref<320000xi32, #tpu.memory_space<hbm>> -> memref<40xi32, #tpu.memory_space<hbm>>
    tpu.enqueue_dma source(%dma_start3A_10 : memref<40xi32, #tpu.memory_space<hbm>>) target(%arg7 : memref<40xi32, #tpu.memory_space<vmem>>) target_semaphore(%arg24 : memref<!tpu.dma_semaphore, #tpu.memory_space<semaphore_mem>>)
    %dma_start3A_11 = arith.constant 40 : i32
    %dma_start3A_12 = tpu.memref_slice %arg6[%dma_start3A_11] : memref<10000xi32, #tpu.memory_space<vmem>> -> memref<40xi32, #tpu.memory_space<vmem>>
    %dma_start3A_13 = arith.constant 0 : i32
    %dma_start3A_14 = arith.constant 0 : i32
    %dma_start3A_15 = tpu.memref_slice %arg2[%dma_start3A_13, %dma_start3A_14] : memref<10000x128xf32, #tpu.memory_space<hbm>> -> memref<10000x128xf32, #tpu.memory_space<hbm>>
    tpu.enqueue_indirect_dma source(%dma_start3A_15 : memref<10000x128xf32, #tpu.memory_space<hbm>>) target(%arg13 : memref<40x128xf32, #tpu.memory_space<vmem>>) offsets(%dma_start3A_12 : memref<40xi32, #tpu.memory_space<vmem>>) semaphore(%arg20 : memref<!tpu.dma_semaphore, #tpu.memory_space<semaphore_mem>>)
    %add3A_16 = arith.constant 40 : i32
    %add3A_17 = arith.addi %mul3A_2, %add3A_16 : i32
    %dma_start3A_18 = tpu.memref_slice %arg4[%add3A_17] : memref<320000xi32, #tpu.memory_space<hbm>> -> memref<40xi32, #tpu.memory_space<hbm>>
    %dma_start3A_19 = tpu.memref_slice %arg4[%add3A_17] : memref<320000xi32, #tpu.memory_space<hbm>> -> memref<40xi32, #tpu.memory_space<hbm>>
    tpu.enqueue_dma source(%dma_start3A_19 : memref<40xi32, #tpu.memory_space<hbm>>) target(%arg8 : memref<40xi32, #tpu.memory_space<vmem>>) target_semaphore(%arg25 : memref<!tpu.dma_semaphore, #tpu.memory_space<semaphore_mem>>)
    %dma_start3A_20 = arith.constant 80 : i32
    %dma_start3A_21 = tpu.memref_slice %arg6[%dma_start3A_20] : memref<10000xi32, #tpu.memory_space<vmem>> -> memref<40xi32, #tpu.memory_space<vmem>>
    %dma_start3A_22 = arith.constant 0 : i32
    %dma_start3A_23 = arith.constant 0 : i32
    %dma_start3A_24 = tpu.memref_slice %arg2[%dma_start3A_22, %dma_start3A_23] : memref<10000x128xf32, #tpu.memory_space<hbm>> -> memref<10000x128xf32, #tpu.memory_space<hbm>>
    tpu.enqueue_indirect_dma source(%dma_start3A_24 : memref<10000x128xf32, #tpu.memory_space<hbm>>) target(%arg14 : memref<40x128xf32, #tpu.memory_space<vmem>>) offsets(%dma_start3A_21 : memref<40xi32, #tpu.memory_space<vmem>>) semaphore(%arg21 : memref<!tpu.dma_semaphore, #tpu.memory_space<semaphore_mem>>)
    %add3A_25 = arith.constant 80 : i32
    %add3A_26 = arith.addi %mul3A_2, %add3A_25 : i32
    %dma_start3A_27 = tpu.memref_slice %arg4[%add3A_26] : memref<320000xi32, #tpu.memory_space<hbm>> -> memref<40xi32, #tpu.memory_space<hbm>>
    %dma_start3A_28 = tpu.memref_slice %arg4[%add3A_26] : memref<320000xi32, #tpu.memory_space<hbm>> -> memref<40xi32, #tpu.memory_space<hbm>>
    tpu.enqueue_dma source(%dma_start3A_28 : memref<40xi32, #tpu.memory_space<hbm>>) target(%arg9 : memref<40xi32, #tpu.memory_space<vmem>>) target_semaphore(%arg26 : memref<!tpu.dma_semaphore, #tpu.memory_space<semaphore_mem>>)
    %dma_start3A_29 = arith.constant 120 : i32
    %dma_start3A_30 = tpu.memref_slice %arg6[%dma_start3A_29] : memref<10000xi32, #tpu.memory_space<vmem>> -> memref<40xi32, #tpu.memory_space<vmem>>
    %dma_start3A_31 = arith.constant 0 : i32
    %dma_start3A_32 = arith.constant 0 : i32
    %dma_start3A_33 = tpu.memref_slice %arg2[%dma_start3A_31, %dma_start3A_32] : memref<10000x128xf32, #tpu.memory_space<hbm>> -> memref<10000x128xf32, #tpu.memory_space<hbm>>
    tpu.enqueue_indirect_dma source(%dma_start3A_33 : memref<10000x128xf32, #tpu.memory_space<hbm>>) target(%arg15 : memref<40x128xf32, #tpu.memory_space<vmem>>) offsets(%dma_start3A_30 : memref<40xi32, #tpu.memory_space<vmem>>) semaphore(%arg22 : memref<!tpu.dma_semaphore, #tpu.memory_space<semaphore_mem>>)
    %add3A_34 = arith.constant 120 : i32
    %add3A_35 = arith.addi %mul3A_2, %add3A_34 : i32
    %dma_start3A_36 = tpu.memref_slice %arg4[%add3A_35] : memref<320000xi32, #tpu.memory_space<hbm>> -> memref<40xi32, #tpu.memory_space<hbm>>
    %dma_start3A_37 = tpu.memref_slice %arg4[%add3A_35] : memref<320000xi32, #tpu.memory_space<hbm>> -> memref<40xi32, #tpu.memory_space<hbm>>
    tpu.enqueue_dma source(%dma_start3A_37 : memref<40xi32, #tpu.memory_space<hbm>>) target(%arg10 : memref<40xi32, #tpu.memory_space<vmem>>) target_semaphore(%arg27 : memref<!tpu.dma_semaphore, #tpu.memory_space<semaphore_mem>>)
    %dma_start3A_38 = arith.constant 160 : i32
    %dma_start3A_39 = tpu.memref_slice %arg6[%dma_start3A_38] : memref<10000xi32, #tpu.memory_space<vmem>> -> memref<40xi32, #tpu.memory_space<vmem>>
    %dma_start3A_40 = arith.constant 0 : i32
    %dma_start3A_41 = arith.constant 0 : i32
    %dma_start3A_42 = tpu.memref_slice %arg2[%dma_start3A_40, %dma_start3A_41] : memref<10000x128xf32, #tpu.memory_space<hbm>> -> memref<10000x128xf32, #tpu.memory_space<hbm>>
    tpu.enqueue_indirect_dma source(%dma_start3A_42 : memref<10000x128xf32, #tpu.memory_space<hbm>>) target(%arg16 : memref<40x128xf32, #tpu.memory_space<vmem>>) offsets(%dma_start3A_39 : memref<40xi32, #tpu.memory_space<vmem>>) semaphore(%arg23 : memref<!tpu.dma_semaphore, #tpu.memory_space<semaphore_mem>>)
    %add3A_43 = arith.constant 160 : i32
    %add3A_44 = arith.addi %mul3A_2, %add3A_43 : i32
    %dma_start3A_45 = tpu.memref_slice %arg4[%add3A_44] : memref<320000xi32, #tpu.memory_space<hbm>> -> memref<40xi32, #tpu.memory_space<hbm>>
    %dma_start3A_46 = tpu.memref_slice %arg4[%add3A_44] : memref<320000xi32, #tpu.memory_space<hbm>> -> memref<40xi32, #tpu.memory_space<hbm>>
    tpu.enqueue_dma source(%dma_start3A_46 : memref<40xi32, #tpu.memory_space<hbm>>) target(%arg11 : memref<40xi32, #tpu.memory_space<vmem>>) target_semaphore(%arg28 : memref<!tpu.dma_semaphore, #tpu.memory_space<semaphore_mem>>)
    %ne3A = arith.constant 0 : i32
    %ne3A_47 = arith.cmpi ne, %arg0, %ne3A : i32
    %convert_element_type3A = arith.extui %ne3A_47 : i1 to i32
    %cond3A = arith.constant 0 : i32
    %cond3A_48 = arith.cmpi ne, %convert_element_type3A, %cond3A : i32
    scf.if %cond3A_48 {
      %scan3A_118 = arith.constant 0 : i32
      %scan3A_119 = arith.constant 320 : i32
      %scan3A_120 = arith.addi %scan3A_118, %scan3A_119 : i32
      %scan3A_121 = arith.constant 1 : i32
      scf.for %scan3A_123 = %scan3A_118 to %scan3A_120 step %scan3A_121  : i32 {
        %mul3A_124 = arith.constant 1 : i32
        %mul3A_125 = arith.muli %scan3A_123, %mul3A_124 : i32
        %add3A_126 = arith.constant 0 : i32
        %add3A_127 = arith.addi %add3A_126, %mul3A_125 : i32
        %jit3A = arith.constant 8 : i32
        %div3A = arith.divsi %add3A_127, %jit3A : i32
        %sign3A = arith.constant 0 : i32
        %sign3A_128 = arith.cmpi sgt, %add3A_127, %sign3A : i32
        %sign3A_129 = arith.extui %sign3A_128 : i1 to i32
        %sign3A_130 = arith.constant 0 : i32
        %sign3A_131 = arith.cmpi slt, %add3A_127, %sign3A_130 : i32
        %sign3A_132 = arith.extui %sign3A_131 : i1 to i32
        %sign3A_133 = arith.subi %sign3A_129, %sign3A_132 : i32
        %sign3A_134 = arith.constant 0 : i32
        %sign3A_135 = arith.cmpi sgt, %jit3A, %sign3A_134 : i32
        %sign3A_136 = arith.extui %sign3A_135 : i1 to i32
        %sign3A_137 = arith.constant 0 : i32
        %sign3A_138 = arith.cmpi slt, %jit3A, %sign3A_137 : i32
        %sign3A_139 = arith.extui %sign3A_138 : i1 to i32
        %sign3A_140 = arith.subi %sign3A_136, %sign3A_139 : i32
        %ne3A_141 = arith.cmpi ne, %sign3A_133, %sign3A_140 : i32
        %rem3A = arith.remsi %add3A_127, %jit3A : i32
        %ne3A_142 = arith.constant 0 : i32
        %ne3A_143 = arith.cmpi ne, %rem3A, %ne3A_142 : i32
        %and3A = arith.andi %ne3A_141, %ne3A_143 : i1
        %sub3A = arith.constant 1 : i32
        %sub3A_144 = arith.subi %div3A, %sub3A : i32
        %select_n3A = arith.select %and3A, %sub3A_144, %div3A : i32
        %jit3A_145 = arith.constant 8 : i32
        %eq3A = arith.constant 0 : i32
        %eq3A_146 = arith.cmpi eq, %jit3A_145, %eq3A : i32
        %jit3A_147 = arith.constant 1 : i32
        %select_n3A_148 = arith.select %eq3A_146, %jit3A_147, %jit3A_145 : i32
        %rem3A_149 = arith.remsi %add3A_127, %select_n3A_148 : i32
        %ne3A_150 = arith.constant 0 : i32
        %ne3A_151 = arith.cmpi ne, %rem3A_149, %ne3A_150 : i32
        %lt3A = arith.constant 0 : i32
        %lt3A_152 = arith.cmpi slt, %rem3A_149, %lt3A : i32
        %lt3A_153 = arith.constant 0 : i32
        %lt3A_154 = arith.cmpi slt, %select_n3A_148, %lt3A_153 : i32
        %ne3A_155 = arith.xori %lt3A_152, %lt3A_154 : i1
        %and3A_156 = arith.andi %ne3A_155, %ne3A_151 : i1
        %add3A_157 = arith.addi %rem3A_149, %select_n3A_148 : i32
        %select_n3A_158 = arith.select %and3A_156, %add3A_157, %rem3A_149 : i32
        %mul3A_159 = arith.constant 16 : i32
        %mul3A_160 = arith.muli %select_n3A_158, %mul3A_159 : i32
        %broadcast_in_dim3A = arith.constant 0.000000e+00 : f32
        %broadcast_in_dim3A_161 = vector.broadcast %broadcast_in_dim3A : f32 to vector<16xf32>
        %swap3A = arith.index_cast %select_n3A : i32 to index
        %swap3A_162 = arith.index_cast %mul3A_160 : i32 to index
        %swap3A_163 = tpu.vector_load %arg17[%swap3A, %swap3A_162] {strides = array<i32>} : memref<40x128xf32, #tpu.memory_space<vmem>>, vector<1x16xf32>,
        %swap3A_164 = vector.shape_cast %swap3A_163 : vector<1x16xf32> to vector<16xf32>
        %swap3A_165 = vector.shape_cast %broadcast_in_dim3A_161 : vector<16xf32> to vector<1x16xf32>
        tpu.vector_store %arg17[%swap3A, %swap3A_162], %swap3A_165 {strides = array<i32>} : memref<40x128xf32, #tpu.memory_space<vmem>>, vector<1x16xf32>,
      }
      %scan3A_122 = arith.constant 320 : i32
    } else {
    }
    %scan3A = arith.constant 0 : i32
    %scan3A_49 = arith.constant 16 : i32
    %scan3A_50 = arith.addi %scan3A, %scan3A_49 : i32
    %scan3A_51 = arith.constant 1 : i32
    scf.for %scan3A_118 = %scan3A to %scan3A_50 step %scan3A_51  : i32 {
      %mul3A_119 = arith.constant 1 : i32
      %mul3A_120 = arith.muli %scan3A_118, %mul3A_119 : i32
      %add3A_121 = arith.constant 0 : i32
      %add3A_122 = arith.addi %add3A_121, %mul3A_120 : i32
      %mul3A_123 = arith.constant 16 : i32
      %mul3A_124 = arith.muli %add3A_122, %mul3A_123 : i32
      %add3A_125 = arith.addi %arg1, %mul3A_124 : i32
      %lt3A = arith.constant 250 : i32
      %lt3A_126 = arith.cmpi slt, %add3A_125, %lt3A : i32
      %convert_element_type3A_127 = arith.extui %lt3A_126 : i1 to i32
      %cond3A_128 = arith.constant 0 : i32
      %cond3A_129 = arith.cmpi ne, %convert_element_type3A_127, %cond3A_128 : i32
      scf.if %cond3A_129 {
        %mul3A_130 = arith.constant 40 : i32
        %mul3A_131 = arith.muli %add3A_125, %mul3A_130 : i32
        %eq3A = arith.constant 0 : i32
        %eq3A_132 = arith.cmpi eq, %arg0, %eq3A : i32
        %convert_element_type3A_133 = arith.extui %eq3A_132 : i1 to i32
        %cond3A_134 = arith.constant 0 : i32
        %cond3A_135 = arith.cmpi ne, %convert_element_type3A_133, %cond3A_134 : i32
        scf.if %cond3A_135 {
          %dma_start3A_141 = arith.constant 0 : i32
          %dma_start3A_142 = tpu.memref_slice %arg18[%mul3A_131, %dma_start3A_141] : memref<10000x128xf32, #tpu.memory_space<vmem_shared>> -> memref<40x128xf32, #tpu.memory_space<vmem_shared>>
          %dma_start3A_143 = arith.constant 0 : i32
          %dma_start3A_144 = tpu.memref_slice %arg2[%mul3A_131, %dma_start3A_143] : memref<10000x128xf32, #tpu.memory_space<hbm>> -> memref<40x128xf32, #tpu.memory_space<hbm>>
          tpu.enqueue_dma source(%dma_start3A_144 : memref<40x128xf32, #tpu.memory_space<hbm>>) target(%dma_start3A_142 : memref<40x128xf32, #tpu.memory_space<vmem_shared>>) target_semaphore(%arg34 : memref<!tpu.dma_semaphore, #tpu.memory_space<semaphore_mem>>)
        } else {
        }
        %ne3A_136 = arith.constant 0 : i32
        %ne3A_137 = arith.cmpi ne, %arg0, %ne3A_136 : i32
        %convert_element_type3A_138 = arith.extui %ne3A_137 : i1 to i32
        %cond3A_139 = arith.constant 0 : i32
        %cond3A_140 = arith.cmpi ne, %convert_element_type3A_138, %cond3A_139 : i32
        scf.if %cond3A_140 {
          %dma_start3A_141 = arith.constant 0 : i32
          %dma_start3A_142 = tpu.memref_slice %arg18[%mul3A_131, %dma_start3A_141] : memref<10000x128xf32, #tpu.memory_space<vmem_shared>> -> memref<40x128xf32, #tpu.memory_space<vmem_shared>>
          %dma_start3A_143 = arith.constant 0 : i32
          %dma_start3A_144 = tpu.memref_slice %arg18[%mul3A_131, %dma_start3A_143] : memref<10000x128xf32, #tpu.memory_space<vmem_shared>> -> memref<40x128xf32, #tpu.memory_space<vmem_shared>>
          tpu.enqueue_dma source(%arg17 : memref<40x128xf32, #tpu.memory_space<vmem>>) target(%dma_start3A_144 : memref<40x128xf32, #tpu.memory_space<vmem_shared>>) target_semaphore(%arg34 : memref<!tpu.dma_semaphore, #tpu.memory_space<semaphore_mem>>)
        } else {
        }
      } else {
      }
    }
    %scan3A_52 = arith.constant 16 : i32
    %scan3A_53 = arith.constant 0 : i32
    %scan3A_54 = arith.constant 16 : i32
    %scan3A_55 = arith.addi %scan3A_53, %scan3A_54 : i32
    %scan3A_56 = arith.constant 1 : i32
    scf.for %scan3A_118 = %scan3A_53 to %scan3A_55 step %scan3A_56  : i32 {
      %mul3A_119 = arith.constant 1 : i32
      %mul3A_120 = arith.muli %scan3A_118, %mul3A_119 : i32
      %add3A_121 = arith.constant 0 : i32
      %add3A_122 = arith.addi %add3A_121, %mul3A_120 : i32
      %mul3A_123 = arith.constant 16 : i32
      %mul3A_124 = arith.muli %add3A_122, %mul3A_123 : i32
      %add3A_125 = arith.addi %arg1, %mul3A_124 : i32
      %lt3A = arith.constant 250 : i32
      %lt3A_126 = arith.cmpi slt, %add3A_125, %lt3A : i32
      %convert_element_type3A_127 = arith.extui %lt3A_126 : i1 to i32
      %cond3A_128 = arith.constant 0 : i32
      %cond3A_129 = arith.cmpi ne, %convert_element_type3A_127, %cond3A_128 : i32
      scf.if %cond3A_129 {
        %mul3A_130 = arith.constant 40 : i32
        %mul3A_131 = arith.muli %add3A_125, %mul3A_130 : i32
        %eq3A = arith.constant 0 : i32
        %eq3A_132 = arith.cmpi eq, %arg0, %eq3A : i32
        %convert_element_type3A_133 = arith.extui %eq3A_132 : i1 to i32
        %cond3A_134 = arith.constant 0 : i32
        %cond3A_135 = arith.cmpi ne, %convert_element_type3A_133, %cond3A_134 : i32
        scf.if %cond3A_135 {
          %dma_wait3A_141 = arith.constant 0 : i32
          %dma_wait3A_142 = tpu.memref_slice %arg18[%mul3A_131, %dma_wait3A_141] : memref<10000x128xf32, #tpu.memory_space<vmem_shared>> -> memref<40x128xf32, #tpu.memory_space<vmem_shared>>
          %dma_wait3A_143 = arith.constant 0 : i32
          %dma_wait3A_144 = tpu.memref_slice %arg2[%mul3A_131, %dma_wait3A_143] : memref<10000x128xf32, #tpu.memory_space<hbm>> -> memref<40x128xf32, #tpu.memory_space<hbm>>
          tpu.wait_dma2 semaphore(%arg34 : memref<!tpu.dma_semaphore, #tpu.memory_space<semaphore_mem>>) src(%dma_wait3A_144 : memref<40x128xf32, #tpu.memory_space<hbm>>) dst(%dma_wait3A_142 : memref<40x128xf32, #tpu.memory_space<vmem_shared>>)
        } else {
        }
        %ne3A_136 = arith.constant 0 : i32
        %ne3A_137 = arith.cmpi ne, %arg0, %ne3A_136 : i32
        %convert_element_type3A_138 = arith.extui %ne3A_137 : i1 to i32
        %cond3A_139 = arith.constant 0 : i32
        %cond3A_140 = arith.cmpi ne, %convert_element_type3A_138, %cond3A_139 : i32
        scf.if %cond3A_140 {
          %dma_wait3A_141 = arith.constant 0 : i32
          %dma_wait3A_142 = tpu.memref_slice %arg18[%mul3A_131, %dma_wait3A_141] : memref<10000x128xf32, #tpu.memory_space<vmem_shared>> -> memref<40x128xf32, #tpu.memory_space<vmem_shared>>
          %dma_wait3A_143 = arith.constant 0 : i32
          %dma_wait3A_144 = tpu.memref_slice %arg18[%mul3A_131, %dma_wait3A_143] : memref<10000x128xf32, #tpu.memory_space<vmem_shared>> -> memref<40x128xf32, #tpu.memory_space<vmem_shared>>
          tpu.wait_dma2 semaphore(%arg34 : memref<!tpu.dma_semaphore, #tpu.memory_space<semaphore_mem>>) src(%arg17 : memref<40x128xf32, #tpu.memory_space<vmem>>) dst(%dma_wait3A_144 : memref<40x128xf32, #tpu.memory_space<vmem_shared>>)
        } else {
        }
      } else {
      }
    }
    %scan3A_57 = arith.constant 16 : i32
    %barrier3A = arith.constant 0 : index
    tpu.barrier barrier_id(%barrier3A)
    %scan3A_58 = arith.constant 0 : i32
    %scan3A_59 = arith.constant 49 : i32
    %scan3A_60 = arith.addi %scan3A_58, %scan3A_59 : i32
    %scan3A_61 = arith.constant 1 : i32
    scf.for %scan3A_118 = %scan3A_58 to %scan3A_60 step %scan3A_61  : i32 {
      %mul3A_119 = arith.constant 5 : i32
      %mul3A_120 = arith.muli %scan3A_118, %mul3A_119 : i32
      %add3A_121 = arith.constant 0 : i32
      %add3A_122 = arith.addi %add3A_121, %mul3A_120 : i32
      %add3A_123 = arith.constant 0 : i32
      %add3A_124 = arith.addi %add3A_122, %add3A_123 : i32
      %mul3A_125 = arith.constant 40 : i32
      %mul3A_126 = arith.muli %add3A_124, %mul3A_125 : i32
      %dma_wait3A_127 = tpu.memref_slice %arg6[%mul3A_126] : memref<10000xi32, #tpu.memory_space<vmem>> -> memref<40xi32, #tpu.memory_space<vmem>>
      %dma_wait3A_128 = arith.constant 0 : i32
      %dma_wait3A_129 = arith.constant 0 : i32
      %dma_wait3A_130 = tpu.memref_slice %arg2[%dma_wait3A_128, %dma_wait3A_129] : memref<10000x128xf32, #tpu.memory_space<hbm>> -> memref<10000x128xf32, #tpu.memory_space<hbm>>
      tpu.wait_indirect_dma semaphore(%arg19 : memref<!tpu.dma_semaphore, #tpu.memory_space<semaphore_mem>>) src(%dma_wait3A_130 : memref<10000x128xf32, #tpu.memory_space<hbm>>) dst(%arg12 : memref<40x128xf32, #tpu.memory_space<vmem>>)
      %mul3A_131 = arith.constant 40 : i32
      %mul3A_132 = arith.muli %add3A_124, %mul3A_131 : i32
      %add3A_133 = arith.addi %mul3A_2, %mul3A_132 : i32
      %dma_wait3A_134 = tpu.memref_slice %arg4[%add3A_133] : memref<320000xi32, #tpu.memory_space<hbm>> -> memref<40xi32, #tpu.memory_space<hbm>>
      %dma_wait3A_135 = tpu.memref_slice %arg4[%add3A_133] : memref<320000xi32, #tpu.memory_space<hbm>> -> memref<40xi32, #tpu.memory_space<hbm>>
      tpu.wait_dma2 semaphore(%arg24 : memref<!tpu.dma_semaphore, #tpu.memory_space<semaphore_mem>>) src(%dma_wait3A_135 : memref<40xi32, #tpu.memory_space<hbm>>) dst(%arg7 : memref<40xi32, #tpu.memory_space<vmem>>)
      "tpu.region"() ({
        %run_scoped3A = tpu.sem_alloc : memref<!tpu.dma_semaphore, #tpu.memory_space<semaphore_mem>>
        %dma_start3A_222 = arith.constant 0 : i32
        %dma_start3A_223 = arith.constant 0 : i32
        %dma_start3A_224 = tpu.memref_slice %arg18[%dma_start3A_222, %dma_start3A_223] : memref<10000x128xf32, #tpu.memory_space<vmem_shared>> -> memref<10000x128xf32, #tpu.memory_space<vmem_shared>>
        tpu.enqueue_indirect_dma source(%arg12 : memref<40x128xf32, #tpu.memory_space<vmem>>) target(%dma_start3A_224 : memref<10000x128xf32, #tpu.memory_space<vmem_shared>>) offsets(%arg7 : memref<40xi32, #tpu.memory_space<vmem>>) semaphore(%run_scoped3A : memref<!tpu.dma_semaphore, #tpu.memory_space<semaphore_mem>>) {add = true}
        %dma_wait3A_225 = arith.constant 0 : i32
        %dma_wait3A_226 = arith.constant 0 : i32
        %dma_wait3A_227 = tpu.memref_slice %arg18[%dma_wait3A_225, %dma_wait3A_226] : memref<10000x128xf32, #tpu.memory_space<vmem_shared>> -> memref<10000x128xf32, #tpu.memory_space<vmem_shared>>
        tpu.wait_indirect_dma semaphore(%run_scoped3A : memref<!tpu.dma_semaphore, #tpu.memory_space<semaphore_mem>>) src(%arg12 : memref<40x128xf32, #tpu.memory_space<vmem>>) dst(%dma_wait3A_227 : memref<10000x128xf32, #tpu.memory_space<vmem_shared>>)
        tpu.yield
      }) : () -> ()
      %add3A_136 = arith.constant 5 : i32
      %add3A_137 = arith.addi %add3A_124, %add3A_136 : i32
      %lt3A = arith.constant 250 : i32
      %lt3A_138 = arith.cmpi slt, %add3A_137, %lt3A : i32
      %convert_element_type3A_139 = arith.extui %lt3A_138 : i1 to i32
      %cond3A_140 = arith.constant 0 : i32
      %cond3A_141 = arith.cmpi ne, %convert_element_type3A_139, %cond3A_140 : i32
      scf.if %cond3A_141 {
        %mul3A_222 = arith.constant 40 : i32
        %mul3A_223 = arith.muli %add3A_137, %mul3A_222 : i32
        %dma_start3A_224 = tpu.memref_slice %arg6[%mul3A_223] : memref<10000xi32, #tpu.memory_space<vmem>> -> memref<40xi32, #tpu.memory_space<vmem>>
        %dma_start3A_225 = arith.constant 0 : i32
        %dma_start3A_226 = arith.constant 0 : i32
        %dma_start3A_227 = tpu.memref_slice %arg2[%dma_start3A_225, %dma_start3A_226] : memref<10000x128xf32, #tpu.memory_space<hbm>> -> memref<10000x128xf32, #tpu.memory_space<hbm>>
        tpu.enqueue_indirect_dma source(%dma_start3A_227 : memref<10000x128xf32, #tpu.memory_space<hbm>>) target(%arg12 : memref<40x128xf32, #tpu.memory_space<vmem>>) offsets(%dma_start3A_224 : memref<40xi32, #tpu.memory_space<vmem>>) semaphore(%arg19 : memref<!tpu.dma_semaphore, #tpu.memory_space<semaphore_mem>>)
        %mul3A_228 = arith.constant 40 : i32
        %mul3A_229 = arith.muli %add3A_137, %mul3A_228 : i32
        %add3A_230 = arith.addi %mul3A_2, %mul3A_229 : i32
        %dma_start3A_231 = tpu.memref_slice %arg4[%add3A_230] : memref<320000xi32, #tpu.memory_space<hbm>> -> memref<40xi32, #tpu.memory_space<hbm>>
        %dma_start3A_232 = tpu.memref_slice %arg4[%add3A_230] : memref<320000xi32, #tpu.memory_space<hbm>> -> memref<40xi32, #tpu.memory_space<hbm>>
        tpu.enqueue_dma source(%dma_start3A_232 : memref<40xi32, #tpu.memory_space<hbm>>) target(%arg7 : memref<40xi32, #tpu.memory_space<vmem>>) target_semaphore(%arg24 : memref<!tpu.dma_semaphore, #tpu.memory_space<semaphore_mem>>)
      } else {
      }
      %add3A_142 = arith.constant 1 : i32
      %add3A_143 = arith.addi %add3A_122, %add3A_142 : i32
      %mul3A_144 = arith.constant 40 : i32
      %mul3A_145 = arith.muli %add3A_143, %mul3A_144 : i32
      %dma_wait3A_146 = tpu.memref_slice %arg6[%mul3A_145] : memref<10000xi32, #tpu.memory_space<vmem>> -> memref<40xi32, #tpu.memory_space<vmem>>
      %dma_wait3A_147 = arith.constant 0 : i32
      %dma_wait3A_148 = arith.constant 0 : i32
      %dma_wait3A_149 = tpu.memref_slice %arg2[%dma_wait3A_147, %dma_wait3A_148] : memref<10000x128xf32, #tpu.memory_space<hbm>> -> memref<10000x128xf32, #tpu.memory_space<hbm>>
      tpu.wait_indirect_dma semaphore(%arg20 : memref<!tpu.dma_semaphore, #tpu.memory_space<semaphore_mem>>) src(%dma_wait3A_149 : memref<10000x128xf32, #tpu.memory_space<hbm>>) dst(%arg13 : memref<40x128xf32, #tpu.memory_space<vmem>>)
      %mul3A_150 = arith.constant 40 : i32
      %mul3A_151 = arith.muli %add3A_143, %mul3A_150 : i32
      %add3A_152 = arith.addi %mul3A_2, %mul3A_151 : i32
      %dma_wait3A_153 = tpu.memref_slice %arg4[%add3A_152] : memref<320000xi32, #tpu.memory_space<hbm>> -> memref<40xi32, #tpu.memory_space<hbm>>
      %dma_wait3A_154 = tpu.memref_slice %arg4[%add3A_152] : memref<320000xi32, #tpu.memory_space<hbm>> -> memref<40xi32, #tpu.memory_space<hbm>>
      tpu.wait_dma2 semaphore(%arg25 : memref<!tpu.dma_semaphore, #tpu.memory_space<semaphore_mem>>) src(%dma_wait3A_154 : memref<40xi32, #tpu.memory_space<hbm>>) dst(%arg8 : memref<40xi32, #tpu.memory_space<vmem>>)
      "tpu.region"() ({
        %run_scoped3A = tpu.sem_alloc : memref<!tpu.dma_semaphore, #tpu.memory_space<semaphore_mem>>
        %dma_start3A_222 = arith.constant 0 : i32
        %dma_start3A_223 = arith.constant 0 : i32
        %dma_start3A_224 = tpu.memref_slice %arg18[%dma_start3A_222, %dma_start3A_223] : memref<10000x128xf32, #tpu.memory_space<vmem_shared>> -> memref<10000x128xf32, #tpu.memory_space<vmem_shared>>
        tpu.enqueue_indirect_dma source(%arg13 : memref<40x128xf32, #tpu.memory_space<vmem>>) target(%dma_start3A_224 : memref<10000x128xf32, #tpu.memory_space<vmem_shared>>) offsets(%arg8 : memref<40xi32, #tpu.memory_space<vmem>>) semaphore(%run_scoped3A : memref<!tpu.dma_semaphore, #tpu.memory_space<semaphore_mem>>) {add = true}
        %dma_wait3A_225 = arith.constant 0 : i32
        %dma_wait3A_226 = arith.constant 0 : i32
        %dma_wait3A_227 = tpu.memref_slice %arg18[%dma_wait3A_225, %dma_wait3A_226] : memref<10000x128xf32, #tpu.memory_space<vmem_shared>> -> memref<10000x128xf32, #tpu.memory_space<vmem_shared>>
        tpu.wait_indirect_dma semaphore(%run_scoped3A : memref<!tpu.dma_semaphore, #tpu.memory_space<semaphore_mem>>) src(%arg13 : memref<40x128xf32, #tpu.memory_space<vmem>>) dst(%dma_wait3A_227 : memref<10000x128xf32, #tpu.memory_space<vmem_shared>>)
        tpu.yield
      }) : () -> ()
      %add3A_155 = arith.constant 5 : i32
      %add3A_156 = arith.addi %add3A_143, %add3A_155 : i32
      %lt3A_157 = arith.constant 250 : i32
      %lt3A_158 = arith.cmpi slt, %add3A_156, %lt3A_157 : i32
      %convert_element_type3A_159 = arith.extui %lt3A_158 : i1 to i32
      %cond3A_160 = arith.constant 0 : i32
      %cond3A_161 = arith.cmpi ne, %convert_element_type3A_159, %cond3A_160 : i32
      scf.if %cond3A_161 {
        %mul3A_222 = arith.constant 40 : i32
        %mul3A_223 = arith.muli %add3A_156, %mul3A_222 : i32
        %dma_start3A_224 = tpu.memref_slice %arg6[%mul3A_223] : memref<10000xi32, #tpu.memory_space<vmem>> -> memref<40xi32, #tpu.memory_space<vmem>>
        %dma_start3A_225 = arith.constant 0 : i32
        %dma_start3A_226 = arith.constant 0 : i32
        %dma_start3A_227 = tpu.memref_slice %arg2[%dma_start3A_225, %dma_start3A_226] : memref<10000x128xf32, #tpu.memory_space<hbm>> -> memref<10000x128xf32, #tpu.memory_space<hbm>>
        tpu.enqueue_indirect_dma source(%dma_start3A_227 : memref<10000x128xf32, #tpu.memory_space<hbm>>) target(%arg13 : memref<40x128xf32, #tpu.memory_space<vmem>>) offsets(%dma_start3A_224 : memref<40xi32, #tpu.memory_space<vmem>>) semaphore(%arg20 : memref<!tpu.dma_semaphore, #tpu.memory_space<semaphore_mem>>)
        %mul3A_228 = arith.constant 40 : i32
        %mul3A_229 = arith.muli %add3A_156, %mul3A_228 : i32
        %add3A_230 = arith.addi %mul3A_2, %mul3A_229 : i32
        %dma_start3A_231 = tpu.memref_slice %arg4[%add3A_230] : memref<320000xi32, #tpu.memory_space<hbm>> -> memref<40xi32, #tpu.memory_space<hbm>>
        %dma_start3A_232 = tpu.memref_slice %arg4[%add3A_230] : memref<320000xi32, #tpu.memory_space<hbm>> -> memref<40xi32, #tpu.memory_space<hbm>>
        tpu.enqueue_dma source(%dma_start3A_232 : memref<40xi32, #tpu.memory_space<hbm>>) target(%arg8 : memref<40xi32, #tpu.memory_space<vmem>>) target_semaphore(%arg25 : memref<!tpu.dma_semaphore, #tpu.memory_space<semaphore_mem>>)
      } else {
      }
      %add3A_162 = arith.constant 2 : i32
      %add3A_163 = arith.addi %add3A_122, %add3A_162 : i32
      %mul3A_164 = arith.constant 40 : i32
      %mul3A_165 = arith.muli %add3A_163, %mul3A_164 : i32
      %dma_wait3A_166 = tpu.memref_slice %arg6[%mul3A_165] : memref<10000xi32, #tpu.memory_space<vmem>> -> memref<40xi32, #tpu.memory_space<vmem>>
      %dma_wait3A_167 = arith.constant 0 : i32
      %dma_wait3A_168 = arith.constant 0 : i32
      %dma_wait3A_169 = tpu.memref_slice %arg2[%dma_wait3A_167, %dma_wait3A_168] : memref<10000x128xf32, #tpu.memory_space<hbm>> -> memref<10000x128xf32, #tpu.memory_space<hbm>>
      tpu.wait_indirect_dma semaphore(%arg21 : memref<!tpu.dma_semaphore, #tpu.memory_space<semaphore_mem>>) src(%dma_wait3A_169 : memref<10000x128xf32, #tpu.memory_space<hbm>>) dst(%arg14 : memref<40x128xf32, #tpu.memory_space<vmem>>)
      %mul3A_170 = arith.constant 40 : i32
      %mul3A_171 = arith.muli %add3A_163, %mul3A_170 : i32
      %add3A_172 = arith.addi %mul3A_2, %mul3A_171 : i32
      %dma_wait3A_173 = tpu.memref_slice %arg4[%add3A_172] : memref<320000xi32, #tpu.memory_space<hbm>> -> memref<40xi32, #tpu.memory_space<hbm>>
      %dma_wait3A_174 = tpu.memref_slice %arg4[%add3A_172] : memref<320000xi32, #tpu.memory_space<hbm>> -> memref<40xi32, #tpu.memory_space<hbm>>
      tpu.wait_dma2 semaphore(%arg26 : memref<!tpu.dma_semaphore, #tpu.memory_space<semaphore_mem>>) src(%dma_wait3A_174 : memref<40xi32, #tpu.memory_space<hbm>>) dst(%arg9 : memref<40xi32, #tpu.memory_space<vmem>>)
      "tpu.region"() ({
        %run_scoped3A = tpu.sem_alloc : memref<!tpu.dma_semaphore, #tpu.memory_space<semaphore_mem>>
        %dma_start3A_222 = arith.constant 0 : i32
        %dma_start3A_223 = arith.constant 0 : i32
        %dma_start3A_224 = tpu.memref_slice %arg18[%dma_start3A_222, %dma_start3A_223] : memref<10000x128xf32, #tpu.memory_space<vmem_shared>> -> memref<10000x128xf32, #tpu.memory_space<vmem_shared>>
        tpu.enqueue_indirect_dma source(%arg14 : memref<40x128xf32, #tpu.memory_space<vmem>>) target(%dma_start3A_224 : memref<10000x128xf32, #tpu.memory_space<vmem_shared>>) offsets(%arg9 : memref<40xi32, #tpu.memory_space<vmem>>) semaphore(%run_scoped3A : memref<!tpu.dma_semaphore, #tpu.memory_space<semaphore_mem>>) {add = true}
        %dma_wait3A_225 = arith.constant 0 : i32
        %dma_wait3A_226 = arith.constant 0 : i32
        %dma_wait3A_227 = tpu.memref_slice %arg18[%dma_wait3A_225, %dma_wait3A_226] : memref<10000x128xf32, #tpu.memory_space<vmem_shared>> -> memref<10000x128xf32, #tpu.memory_space<vmem_shared>>
        tpu.wait_indirect_dma semaphore(%run_scoped3A : memref<!tpu.dma_semaphore, #tpu.memory_space<semaphore_mem>>) src(%arg14 : memref<40x128xf32, #tpu.memory_space<vmem>>) dst(%dma_wait3A_227 : memref<10000x128xf32, #tpu.memory_space<vmem_shared>>)
        tpu.yield
      }) : () -> ()
      %add3A_175 = arith.constant 5 : i32
      %add3A_176 = arith.addi %add3A_163, %add3A_175 : i32
      %lt3A_177 = arith.constant 250 : i32
      %lt3A_178 = arith.cmpi slt, %add3A_176, %lt3A_177 : i32
      %convert_element_type3A_179 = arith.extui %lt3A_178 : i1 to i32
      %cond3A_180 = arith.constant 0 : i32
      %cond3A_181 = arith.cmpi ne, %convert_element_type3A_179, %cond3A_180 : i32
      scf.if %cond3A_181 {
        %mul3A_222 = arith.constant 40 : i32
        %mul3A_223 = arith.muli %add3A_176, %mul3A_222 : i32
        %dma_start3A_224 = tpu.memref_slice %arg6[%mul3A_223] : memref<10000xi32, #tpu.memory_space<vmem>> -> memref<40xi32, #tpu.memory_space<vmem>>
        %dma_start3A_225 = arith.constant 0 : i32
        %dma_start3A_226 = arith.constant 0 : i32
        %dma_start3A_227 = tpu.memref_slice %arg2[%dma_start3A_225, %dma_start3A_226] : memref<10000x128xf32, #tpu.memory_space<hbm>> -> memref<10000x128xf32, #tpu.memory_space<hbm>>
        tpu.enqueue_indirect_dma source(%dma_start3A_227 : memref<10000x128xf32, #tpu.memory_space<hbm>>) target(%arg14 : memref<40x128xf32, #tpu.memory_space<vmem>>) offsets(%dma_start3A_224 : memref<40xi32, #tpu.memory_space<vmem>>) semaphore(%arg21 : memref<!tpu.dma_semaphore, #tpu.memory_space<semaphore_mem>>)
        %mul3A_228 = arith.constant 40 : i32
        %mul3A_229 = arith.muli %add3A_176, %mul3A_228 : i32
        %add3A_230 = arith.addi %mul3A_2, %mul3A_229 : i32
        %dma_start3A_231 = tpu.memref_slice %arg4[%add3A_230] : memref<320000xi32, #tpu.memory_space<hbm>> -> memref<40xi32, #tpu.memory_space<hbm>>
        %dma_start3A_232 = tpu.memref_slice %arg4[%add3A_230] : memref<320000xi32, #tpu.memory_space<hbm>> -> memref<40xi32, #tpu.memory_space<hbm>>
        tpu.enqueue_dma source(%dma_start3A_232 : memref<40xi32, #tpu.memory_space<hbm>>) target(%arg9 : memref<40xi32, #tpu.memory_space<vmem>>) target_semaphore(%arg26 : memref<!tpu.dma_semaphore, #tpu.memory_space<semaphore_mem>>)
      } else {
      }
      %add3A_182 = arith.constant 3 : i32
      %add3A_183 = arith.addi %add3A_122, %add3A_182 : i32
      %mul3A_184 = arith.constant 40 : i32
      %mul3A_185 = arith.muli %add3A_183, %mul3A_184 : i32
      %dma_wait3A_186 = tpu.memref_slice %arg6[%mul3A_185] : memref<10000xi32, #tpu.memory_space<vmem>> -> memref<40xi32, #tpu.memory_space<vmem>>
      %dma_wait3A_187 = arith.constant 0 : i32
      %dma_wait3A_188 = arith.constant 0 : i32
      %dma_wait3A_189 = tpu.memref_slice %arg2[%dma_wait3A_187, %dma_wait3A_188] : memref<10000x128xf32, #tpu.memory_space<hbm>> -> memref<10000x128xf32, #tpu.memory_space<hbm>>
      tpu.wait_indirect_dma semaphore(%arg22 : memref<!tpu.dma_semaphore, #tpu.memory_space<semaphore_mem>>) src(%dma_wait3A_189 : memref<10000x128xf32, #tpu.memory_space<hbm>>) dst(%arg15 : memref<40x128xf32, #tpu.memory_space<vmem>>)
      %mul3A_190 = arith.constant 40 : i32
      %mul3A_191 = arith.muli %add3A_183, %mul3A_190 : i32
      %add3A_192 = arith.addi %mul3A_2, %mul3A_191 : i32
      %dma_wait3A_193 = tpu.memref_slice %arg4[%add3A_192] : memref<320000xi32, #tpu.memory_space<hbm>> -> memref<40xi32, #tpu.memory_space<hbm>>
      %dma_wait3A_194 = tpu.memref_slice %arg4[%add3A_192] : memref<320000xi32, #tpu.memory_space<hbm>> -> memref<40xi32, #tpu.memory_space<hbm>>
      tpu.wait_dma2 semaphore(%arg27 : memref<!tpu.dma_semaphore, #tpu.memory_space<semaphore_mem>>) src(%dma_wait3A_194 : memref<40xi32, #tpu.memory_space<hbm>>) dst(%arg10 : memref<40xi32, #tpu.memory_space<vmem>>)
      "tpu.region"() ({
        %run_scoped3A = tpu.sem_alloc : memref<!tpu.dma_semaphore, #tpu.memory_space<semaphore_mem>>
        %dma_start3A_222 = arith.constant 0 : i32
        %dma_start3A_223 = arith.constant 0 : i32
        %dma_start3A_224 = tpu.memref_slice %arg18[%dma_start3A_222, %dma_start3A_223] : memref<10000x128xf32, #tpu.memory_space<vmem_shared>> -> memref<10000x128xf32, #tpu.memory_space<vmem_shared>>
        tpu.enqueue_indirect_dma source(%arg15 : memref<40x128xf32, #tpu.memory_space<vmem>>) target(%dma_start3A_224 : memref<10000x128xf32, #tpu.memory_space<vmem_shared>>) offsets(%arg10 : memref<40xi32, #tpu.memory_space<vmem>>) semaphore(%run_scoped3A : memref<!tpu.dma_semaphore, #tpu.memory_space<semaphore_mem>>) {add = true}
        %dma_wait3A_225 = arith.constant 0 : i32
        %dma_wait3A_226 = arith.constant 0 : i32
        %dma_wait3A_227 = tpu.memref_slice %arg18[%dma_wait3A_225, %dma_wait3A_226] : memref<10000x128xf32, #tpu.memory_space<vmem_shared>> -> memref<10000x128xf32, #tpu.memory_space<vmem_shared>>
        tpu.wait_indirect_dma semaphore(%run_scoped3A : memref<!tpu.dma_semaphore, #tpu.memory_space<semaphore_mem>>) src(%arg15 : memref<40x128xf32, #tpu.memory_space<vmem>>) dst(%dma_wait3A_227 : memref<10000x128xf32, #tpu.memory_space<vmem_shared>>)
        tpu.yield
      }) : () -> ()
      %add3A_195 = arith.constant 5 : i32
      %add3A_196 = arith.addi %add3A_183, %add3A_195 : i32
      %lt3A_197 = arith.constant 250 : i32
      %lt3A_198 = arith.cmpi slt, %add3A_196, %lt3A_197 : i32
      %convert_element_type3A_199 = arith.extui %lt3A_198 : i1 to i32
      %cond3A_200 = arith.constant 0 : i32
      %cond3A_201 = arith.cmpi ne, %convert_element_type3A_199, %cond3A_200 : i32
      scf.if %cond3A_201 {
        %mul3A_222 = arith.constant 40 : i32
        %mul3A_223 = arith.muli %add3A_196, %mul3A_222 : i32
        %dma_start3A_224 = tpu.memref_slice %arg6[%mul3A_223] : memref<10000xi32, #tpu.memory_space<vmem>> -> memref<40xi32, #tpu.memory_space<vmem>>
        %dma_start3A_225 = arith.constant 0 : i32
        %dma_start3A_226 = arith.constant 0 : i32
        %dma_start3A_227 = tpu.memref_slice %arg2[%dma_start3A_225, %dma_start3A_226] : memref<10000x128xf32, #tpu.memory_space<hbm>> -> memref<10000x128xf32, #tpu.memory_space<hbm>>
        tpu.enqueue_indirect_dma source(%dma_start3A_227 : memref<10000x128xf32, #tpu.memory_space<hbm>>) target(%arg15 : memref<40x128xf32, #tpu.memory_space<vmem>>) offsets(%dma_start3A_224 : memref<40xi32, #tpu.memory_space<vmem>>) semaphore(%arg22 : memref<!tpu.dma_semaphore, #tpu.memory_space<semaphore_mem>>)
        %mul3A_228 = arith.constant 40 : i32
        %mul3A_229 = arith.muli %add3A_196, %mul3A_228 : i32
        %add3A_230 = arith.addi %mul3A_2, %mul3A_229 : i32
        %dma_start3A_231 = tpu.memref_slice %arg4[%add3A_230] : memref<320000xi32, #tpu.memory_space<hbm>> -> memref<40xi32, #tpu.memory_space<hbm>>
        %dma_start3A_232 = tpu.memref_slice %arg4[%add3A_230] : memref<320000xi32, #tpu.memory_space<hbm>> -> memref<40xi32, #tpu.memory_space<hbm>>
        tpu.enqueue_dma source(%dma_start3A_232 : memref<40xi32, #tpu.memory_space<hbm>>) target(%arg10 : memref<40xi32, #tpu.memory_space<vmem>>) target_semaphore(%arg27 : memref<!tpu.dma_semaphore, #tpu.memory_space<semaphore_mem>>)
      } else {
      }
      %add3A_202 = arith.constant 4 : i32
      %add3A_203 = arith.addi %add3A_122, %add3A_202 : i32
      %mul3A_204 = arith.constant 40 : i32
      %mul3A_205 = arith.muli %add3A_203, %mul3A_204 : i32
      %dma_wait3A_206 = tpu.memref_slice %arg6[%mul3A_205] : memref<10000xi32, #tpu.memory_space<vmem>> -> memref<40xi32, #tpu.memory_space<vmem>>
      %dma_wait3A_207 = arith.constant 0 : i32
      %dma_wait3A_208 = arith.constant 0 : i32
      %dma_wait3A_209 = tpu.memref_slice %arg2[%dma_wait3A_207, %dma_wait3A_208] : memref<10000x128xf32, #tpu.memory_space<hbm>> -> memref<10000x128xf32, #tpu.memory_space<hbm>>
      tpu.wait_indirect_dma semaphore(%arg23 : memref<!tpu.dma_semaphore, #tpu.memory_space<semaphore_mem>>) src(%dma_wait3A_209 : memref<10000x128xf32, #tpu.memory_space<hbm>>) dst(%arg16 : memref<40x128xf32, #tpu.memory_space<vmem>>)
      %mul3A_210 = arith.constant 40 : i32
      %mul3A_211 = arith.muli %add3A_203, %mul3A_210 : i32
      %add3A_212 = arith.addi %mul3A_2, %mul3A_211 : i32
      %dma_wait3A_213 = tpu.memref_slice %arg4[%add3A_212] : memref<320000xi32, #tpu.memory_space<hbm>> -> memref<40xi32, #tpu.memory_space<hbm>>
      %dma_wait3A_214 = tpu.memref_slice %arg4[%add3A_212] : memref<320000xi32, #tpu.memory_space<hbm>> -> memref<40xi32, #tpu.memory_space<hbm>>
      tpu.wait_dma2 semaphore(%arg28 : memref<!tpu.dma_semaphore, #tpu.memory_space<semaphore_mem>>) src(%dma_wait3A_214 : memref<40xi32, #tpu.memory_space<hbm>>) dst(%arg11 : memref<40xi32, #tpu.memory_space<vmem>>)
      "tpu.region"() ({
        %run_scoped3A = tpu.sem_alloc : memref<!tpu.dma_semaphore, #tpu.memory_space<semaphore_mem>>
        %dma_start3A_222 = arith.constant 0 : i32
        %dma_start3A_223 = arith.constant 0 : i32
        %dma_start3A_224 = tpu.memref_slice %arg18[%dma_start3A_222, %dma_start3A_223] : memref<10000x128xf32, #tpu.memory_space<vmem_shared>> -> memref<10000x128xf32, #tpu.memory_space<vmem_shared>>
        tpu.enqueue_indirect_dma source(%arg16 : memref<40x128xf32, #tpu.memory_space<vmem>>) target(%dma_start3A_224 : memref<10000x128xf32, #tpu.memory_space<vmem_shared>>) offsets(%arg11 : memref<40xi32, #tpu.memory_space<vmem>>) semaphore(%run_scoped3A : memref<!tpu.dma_semaphore, #tpu.memory_space<semaphore_mem>>) {add = true}
        %dma_wait3A_225 = arith.constant 0 : i32
        %dma_wait3A_226 = arith.constant 0 : i32
        %dma_wait3A_227 = tpu.memref_slice %arg18[%dma_wait3A_225, %dma_wait3A_226] : memref<10000x128xf32, #tpu.memory_space<vmem_shared>> -> memref<10000x128xf32, #tpu.memory_space<vmem_shared>>
        tpu.wait_indirect_dma semaphore(%run_scoped3A : memref<!tpu.dma_semaphore, #tpu.memory_space<semaphore_mem>>) src(%arg16 : memref<40x128xf32, #tpu.memory_space<vmem>>) dst(%dma_wait3A_227 : memref<10000x128xf32, #tpu.memory_space<vmem_shared>>)
        tpu.yield
      }) : () -> ()
      %add3A_215 = arith.constant 5 : i32
      %add3A_216 = arith.addi %add3A_203, %add3A_215 : i32
      %lt3A_217 = arith.constant 250 : i32
      %lt3A_218 = arith.cmpi slt, %add3A_216, %lt3A_217 : i32
      %convert_element_type3A_219 = arith.extui %lt3A_218 : i1 to i32
      %cond3A_220 = arith.constant 0 : i32
      %cond3A_221 = arith.cmpi ne, %convert_element_type3A_219, %cond3A_220 : i32
      scf.if %cond3A_221 {
        %mul3A_222 = arith.constant 40 : i32
        %mul3A_223 = arith.muli %add3A_216, %mul3A_222 : i32
        %dma_start3A_224 = tpu.memref_slice %arg6[%mul3A_223] : memref<10000xi32, #tpu.memory_space<vmem>> -> memref<40xi32, #tpu.memory_space<vmem>>
        %dma_start3A_225 = arith.constant 0 : i32
        %dma_start3A_226 = arith.constant 0 : i32
        %dma_start3A_227 = tpu.memref_slice %arg2[%dma_start3A_225, %dma_start3A_226] : memref<10000x128xf32, #tpu.memory_space<hbm>> -> memref<10000x128xf32, #tpu.memory_space<hbm>>
        tpu.enqueue_indirect_dma source(%dma_start3A_227 : memref<10000x128xf32, #tpu.memory_space<hbm>>) target(%arg16 : memref<40x128xf32, #tpu.memory_space<vmem>>) offsets(%dma_start3A_224 : memref<40xi32, #tpu.memory_space<vmem>>) semaphore(%arg23 : memref<!tpu.dma_semaphore, #tpu.memory_space<semaphore_mem>>)
        %mul3A_228 = arith.constant 40 : i32
        %mul3A_229 = arith.muli %add3A_216, %mul3A_228 : i32
        %add3A_230 = arith.addi %mul3A_2, %mul3A_229 : i32
        %dma_start3A_231 = tpu.memref_slice %arg4[%add3A_230] : memref<320000xi32, #tpu.memory_space<hbm>> -> memref<40xi32, #tpu.memory_space<hbm>>
        %dma_start3A_232 = tpu.memref_slice %arg4[%add3A_230] : memref<320000xi32, #tpu.memory_space<hbm>> -> memref<40xi32, #tpu.memory_space<hbm>>
        tpu.enqueue_dma source(%dma_start3A_232 : memref<40xi32, #tpu.memory_space<hbm>>) target(%arg11 : memref<40xi32, #tpu.memory_space<vmem>>) target_semaphore(%arg28 : memref<!tpu.dma_semaphore, #tpu.memory_space<semaphore_mem>>)
      } else {
      }
    }
    %scan3A_62 = arith.constant 49 : i32
    %dma_wait3A = arith.constant 9800 : i32
    %dma_wait3A_63 = tpu.memref_slice %arg6[%dma_wait3A] : memref<10000xi32, #tpu.memory_space<vmem>> -> memref<40xi32, #tpu.memory_space<vmem>>
    %dma_wait3A_64 = arith.constant 0 : i32
    %dma_wait3A_65 = arith.constant 0 : i32
    %dma_wait3A_66 = tpu.memref_slice %arg2[%dma_wait3A_64, %dma_wait3A_65] : memref<10000x128xf32, #tpu.memory_space<hbm>> -> memref<10000x128xf32, #tpu.memory_space<hbm>>
    tpu.wait_indirect_dma semaphore(%arg19 : memref<!tpu.dma_semaphore, #tpu.memory_space<semaphore_mem>>) src(%dma_wait3A_66 : memref<10000x128xf32, #tpu.memory_space<hbm>>) dst(%arg12 : memref<40x128xf32, #tpu.memory_space<vmem>>)
    %add3A_67 = arith.constant 9800 : i32
    %add3A_68 = arith.addi %mul3A_2, %add3A_67 : i32
    %dma_wait3A_69 = tpu.memref_slice %arg4[%add3A_68] : memref<320000xi32, #tpu.memory_space<hbm>> -> memref<40xi32, #tpu.memory_space<hbm>>
    %dma_wait3A_70 = tpu.memref_slice %arg4[%add3A_68] : memref<320000xi32, #tpu.memory_space<hbm>> -> memref<40xi32, #tpu.memory_space<hbm>>
    tpu.wait_dma2 semaphore(%arg24 : memref<!tpu.dma_semaphore, #tpu.memory_space<semaphore_mem>>) src(%dma_wait3A_70 : memref<40xi32, #tpu.memory_space<hbm>>) dst(%arg7 : memref<40xi32, #tpu.memory_space<vmem>>)
    "tpu.region"() ({
      %run_scoped3A = tpu.sem_alloc : memref<!tpu.dma_semaphore, #tpu.memory_space<semaphore_mem>>
      %dma_start3A_118 = arith.constant 0 : i32
      %dma_start3A_119 = arith.constant 0 : i32
      %dma_start3A_120 = tpu.memref_slice %arg18[%dma_start3A_118, %dma_start3A_119] : memref<10000x128xf32, #tpu.memory_space<vmem_shared>> -> memref<10000x128xf32, #tpu.memory_space<vmem_shared>>
      tpu.enqueue_indirect_dma source(%arg12 : memref<40x128xf32, #tpu.memory_space<vmem>>) target(%dma_start3A_120 : memref<10000x128xf32, #tpu.memory_space<vmem_shared>>) offsets(%arg7 : memref<40xi32, #tpu.memory_space<vmem>>) semaphore(%run_scoped3A : memref<!tpu.dma_semaphore, #tpu.memory_space<semaphore_mem>>) {add = true}
      %dma_wait3A_121 = arith.constant 0 : i32
      %dma_wait3A_122 = arith.constant 0 : i32
      %dma_wait3A_123 = tpu.memref_slice %arg18[%dma_wait3A_121, %dma_wait3A_122] : memref<10000x128xf32, #tpu.memory_space<vmem_shared>> -> memref<10000x128xf32, #tpu.memory_space<vmem_shared>>
      tpu.wait_indirect_dma semaphore(%run_scoped3A : memref<!tpu.dma_semaphore, #tpu.memory_space<semaphore_mem>>) src(%arg12 : memref<40x128xf32, #tpu.memory_space<vmem>>) dst(%dma_wait3A_123 : memref<10000x128xf32, #tpu.memory_space<vmem_shared>>)
      tpu.yield
    }) : () -> ()
    %dma_wait3A_71 = arith.constant 9840 : i32
    %dma_wait3A_72 = tpu.memref_slice %arg6[%dma_wait3A_71] : memref<10000xi32, #tpu.memory_space<vmem>> -> memref<40xi32, #tpu.memory_space<vmem>>
    %dma_wait3A_73 = arith.constant 0 : i32
    %dma_wait3A_74 = arith.constant 0 : i32
    %dma_wait3A_75 = tpu.memref_slice %arg2[%dma_wait3A_73, %dma_wait3A_74] : memref<10000x128xf32, #tpu.memory_space<hbm>> -> memref<10000x128xf32, #tpu.memory_space<hbm>>
    tpu.wait_indirect_dma semaphore(%arg20 : memref<!tpu.dma_semaphore, #tpu.memory_space<semaphore_mem>>) src(%dma_wait3A_75 : memref<10000x128xf32, #tpu.memory_space<hbm>>) dst(%arg13 : memref<40x128xf32, #tpu.memory_space<vmem>>)
    %add3A_76 = arith.constant 9840 : i32
    %add3A_77 = arith.addi %mul3A_2, %add3A_76 : i32
    %dma_wait3A_78 = tpu.memref_slice %arg4[%add3A_77] : memref<320000xi32, #tpu.memory_space<hbm>> -> memref<40xi32, #tpu.memory_space<hbm>>
    %dma_wait3A_79 = tpu.memref_slice %arg4[%add3A_77] : memref<320000xi32, #tpu.memory_space<hbm>> -> memref<40xi32, #tpu.memory_space<hbm>>
    tpu.wait_dma2 semaphore(%arg25 : memref<!tpu.dma_semaphore, #tpu.memory_space<semaphore_mem>>) src(%dma_wait3A_79 : memref<40xi32, #tpu.memory_space<hbm>>) dst(%arg8 : memref<40xi32, #tpu.memory_space<vmem>>)
    "tpu.region"() ({
      %run_scoped3A = tpu.sem_alloc : memref<!tpu.dma_semaphore, #tpu.memory_space<semaphore_mem>>
      %dma_start3A_118 = arith.constant 0 : i32
      %dma_start3A_119 = arith.constant 0 : i32
      %dma_start3A_120 = tpu.memref_slice %arg18[%dma_start3A_118, %dma_start3A_119] : memref<10000x128xf32, #tpu.memory_space<vmem_shared>> -> memref<10000x128xf32, #tpu.memory_space<vmem_shared>>
      tpu.enqueue_indirect_dma source(%arg13 : memref<40x128xf32, #tpu.memory_space<vmem>>) target(%dma_start3A_120 : memref<10000x128xf32, #tpu.memory_space<vmem_shared>>) offsets(%arg8 : memref<40xi32, #tpu.memory_space<vmem>>) semaphore(%run_scoped3A : memref<!tpu.dma_semaphore, #tpu.memory_space<semaphore_mem>>) {add = true}
      %dma_wait3A_121 = arith.constant 0 : i32
      %dma_wait3A_122 = arith.constant 0 : i32
      %dma_wait3A_123 = tpu.memref_slice %arg18[%dma_wait3A_121, %dma_wait3A_122] : memref<10000x128xf32, #tpu.memory_space<vmem_shared>> -> memref<10000x128xf32, #tpu.memory_space<vmem_shared>>
      tpu.wait_indirect_dma semaphore(%run_scoped3A : memref<!tpu.dma_semaphore, #tpu.memory_space<semaphore_mem>>) src(%arg13 : memref<40x128xf32, #tpu.memory_space<vmem>>) dst(%dma_wait3A_123 : memref<10000x128xf32, #tpu.memory_space<vmem_shared>>)
      tpu.yield
    }) : () -> ()
    %dma_wait3A_80 = arith.constant 9880 : i32
    %dma_wait3A_81 = tpu.memref_slice %arg6[%dma_wait3A_80] : memref<10000xi32, #tpu.memory_space<vmem>> -> memref<40xi32, #tpu.memory_space<vmem>>
    %dma_wait3A_82 = arith.constant 0 : i32
    %dma_wait3A_83 = arith.constant 0 : i32
    %dma_wait3A_84 = tpu.memref_slice %arg2[%dma_wait3A_82, %dma_wait3A_83] : memref<10000x128xf32, #tpu.memory_space<hbm>> -> memref<10000x128xf32, #tpu.memory_space<hbm>>
    tpu.wait_indirect_dma semaphore(%arg21 : memref<!tpu.dma_semaphore, #tpu.memory_space<semaphore_mem>>) src(%dma_wait3A_84 : memref<10000x128xf32, #tpu.memory_space<hbm>>) dst(%arg14 : memref<40x128xf32, #tpu.memory_space<vmem>>)
    %add3A_85 = arith.constant 9880 : i32
    %add3A_86 = arith.addi %mul3A_2, %add3A_85 : i32
    %dma_wait3A_87 = tpu.memref_slice %arg4[%add3A_86] : memref<320000xi32, #tpu.memory_space<hbm>> -> memref<40xi32, #tpu.memory_space<hbm>>
    %dma_wait3A_88 = tpu.memref_slice %arg4[%add3A_86] : memref<320000xi32, #tpu.memory_space<hbm>> -> memref<40xi32, #tpu.memory_space<hbm>>
    tpu.wait_dma2 semaphore(%arg26 : memref<!tpu.dma_semaphore, #tpu.memory_space<semaphore_mem>>) src(%dma_wait3A_88 : memref<40xi32, #tpu.memory_space<hbm>>) dst(%arg9 : memref<40xi32, #tpu.memory_space<vmem>>)
    "tpu.region"() ({
      %run_scoped3A = tpu.sem_alloc : memref<!tpu.dma_semaphore, #tpu.memory_space<semaphore_mem>>
      %dma_start3A_118 = arith.constant 0 : i32
      %dma_start3A_119 = arith.constant 0 : i32
      %dma_start3A_120 = tpu.memref_slice %arg18[%dma_start3A_118, %dma_start3A_119] : memref<10000x128xf32, #tpu.memory_space<vmem_shared>> -> memref<10000x128xf32, #tpu.memory_space<vmem_shared>>
      tpu.enqueue_indirect_dma source(%arg14 : memref<40x128xf32, #tpu.memory_space<vmem>>) target(%dma_start3A_120 : memref<10000x128xf32, #tpu.memory_space<vmem_shared>>) offsets(%arg9 : memref<40xi32, #tpu.memory_space<vmem>>) semaphore(%run_scoped3A : memref<!tpu.dma_semaphore, #tpu.memory_space<semaphore_mem>>) {add = true}
      %dma_wait3A_121 = arith.constant 0 : i32
      %dma_wait3A_122 = arith.constant 0 : i32
      %dma_wait3A_123 = tpu.memref_slice %arg18[%dma_wait3A_121, %dma_wait3A_122] : memref<10000x128xf32, #tpu.memory_space<vmem_shared>> -> memref<10000x128xf32, #tpu.memory_space<vmem_shared>>
      tpu.wait_indirect_dma semaphore(%run_scoped3A : memref<!tpu.dma_semaphore, #tpu.memory_space<semaphore_mem>>) src(%arg14 : memref<40x128xf32, #tpu.memory_space<vmem>>) dst(%dma_wait3A_123 : memref<10000x128xf32, #tpu.memory_space<vmem_shared>>)
      tpu.yield
    }) : () -> ()
    %dma_wait3A_89 = arith.constant 9920 : i32
    %dma_wait3A_90 = tpu.memref_slice %arg6[%dma_wait3A_89] : memref<10000xi32, #tpu.memory_space<vmem>> -> memref<40xi32, #tpu.memory_space<vmem>>
    %dma_wait3A_91 = arith.constant 0 : i32
    %dma_wait3A_92 = arith.constant 0 : i32
    %dma_wait3A_93 = tpu.memref_slice %arg2[%dma_wait3A_91, %dma_wait3A_92] : memref<10000x128xf32, #tpu.memory_space<hbm>> -> memref<10000x128xf32, #tpu.memory_space<hbm>>
    tpu.wait_indirect_dma semaphore(%arg22 : memref<!tpu.dma_semaphore, #tpu.memory_space<semaphore_mem>>) src(%dma_wait3A_93 : memref<10000x128xf32, #tpu.memory_space<hbm>>) dst(%arg15 : memref<40x128xf32, #tpu.memory_space<vmem>>)
    %add3A_94 = arith.constant 9920 : i32
    %add3A_95 = arith.addi %mul3A_2, %add3A_94 : i32
    %dma_wait3A_96 = tpu.memref_slice %arg4[%add3A_95] : memref<320000xi32, #tpu.memory_space<hbm>> -> memref<40xi32, #tpu.memory_space<hbm>>
    %dma_wait3A_97 = tpu.memref_slice %arg4[%add3A_95] : memref<320000xi32, #tpu.memory_space<hbm>> -> memref<40xi32, #tpu.memory_space<hbm>>
    tpu.wait_dma2 semaphore(%arg27 : memref<!tpu.dma_semaphore, #tpu.memory_space<semaphore_mem>>) src(%dma_wait3A_97 : memref<40xi32, #tpu.memory_space<hbm>>) dst(%arg10 : memref<40xi32, #tpu.memory_space<vmem>>)
    "tpu.region"() ({
      %run_scoped3A = tpu.sem_alloc : memref<!tpu.dma_semaphore, #tpu.memory_space<semaphore_mem>>
      %dma_start3A_118 = arith.constant 0 : i32
      %dma_start3A_119 = arith.constant 0 : i32
      %dma_start3A_120 = tpu.memref_slice %arg18[%dma_start3A_118, %dma_start3A_119] : memref<10000x128xf32, #tpu.memory_space<vmem_shared>> -> memref<10000x128xf32, #tpu.memory_space<vmem_shared>>
      tpu.enqueue_indirect_dma source(%arg15 : memref<40x128xf32, #tpu.memory_space<vmem>>) target(%dma_start3A_120 : memref<10000x128xf32, #tpu.memory_space<vmem_shared>>) offsets(%arg10 : memref<40xi32, #tpu.memory_space<vmem>>) semaphore(%run_scoped3A : memref<!tpu.dma_semaphore, #tpu.memory_space<semaphore_mem>>) {add = true}
      %dma_wait3A_121 = arith.constant 0 : i32
      %dma_wait3A_122 = arith.constant 0 : i32
      %dma_wait3A_123 = tpu.memref_slice %arg18[%dma_wait3A_121, %dma_wait3A_122] : memref<10000x128xf32, #tpu.memory_space<vmem_shared>> -> memref<10000x128xf32, #tpu.memory_space<vmem_shared>>
      tpu.wait_indirect_dma semaphore(%run_scoped3A : memref<!tpu.dma_semaphore, #tpu.memory_space<semaphore_mem>>) src(%arg15 : memref<40x128xf32, #tpu.memory_space<vmem>>) dst(%dma_wait3A_123 : memref<10000x128xf32, #tpu.memory_space<vmem_shared>>)
      tpu.yield
    }) : () -> ()
    %dma_wait3A_98 = arith.constant 9960 : i32
    %dma_wait3A_99 = tpu.memref_slice %arg6[%dma_wait3A_98] : memref<10000xi32, #tpu.memory_space<vmem>> -> memref<40xi32, #tpu.memory_space<vmem>>
    %dma_wait3A_100 = arith.constant 0 : i32
    %dma_wait3A_101 = arith.constant 0 : i32
    %dma_wait3A_102 = tpu.memref_slice %arg2[%dma_wait3A_100, %dma_wait3A_101] : memref<10000x128xf32, #tpu.memory_space<hbm>> -> memref<10000x128xf32, #tpu.memory_space<hbm>>
    tpu.wait_indirect_dma semaphore(%arg23 : memref<!tpu.dma_semaphore, #tpu.memory_space<semaphore_mem>>) src(%dma_wait3A_102 : memref<10000x128xf32, #tpu.memory_space<hbm>>) dst(%arg16 : memref<40x128xf32, #tpu.memory_space<vmem>>)
    %add3A_103 = arith.constant 9960 : i32
    %add3A_104 = arith.addi %mul3A_2, %add3A_103 : i32
    %dma_wait3A_105 = tpu.memref_slice %arg4[%add3A_104] : memref<320000xi32, #tpu.memory_space<hbm>> -> memref<40xi32, #tpu.memory_space<hbm>>
    %dma_wait3A_106 = tpu.memref_slice %arg4[%add3A_104] : memref<320000xi32, #tpu.memory_space<hbm>> -> memref<40xi32, #tpu.memory_space<hbm>>
    tpu.wait_dma2 semaphore(%arg28 : memref<!tpu.dma_semaphore, #tpu.memory_space<semaphore_mem>>) src(%dma_wait3A_106 : memref<40xi32, #tpu.memory_space<hbm>>) dst(%arg11 : memref<40xi32, #tpu.memory_space<vmem>>)
    "tpu.region"() ({
      %run_scoped3A = tpu.sem_alloc : memref<!tpu.dma_semaphore, #tpu.memory_space<semaphore_mem>>
      %dma_start3A_118 = arith.constant 0 : i32
      %dma_start3A_119 = arith.constant 0 : i32
      %dma_start3A_120 = tpu.memref_slice %arg18[%dma_start3A_118, %dma_start3A_119] : memref<10000x128xf32, #tpu.memory_space<vmem_shared>> -> memref<10000x128xf32, #tpu.memory_space<vmem_shared>>
      tpu.enqueue_indirect_dma source(%arg16 : memref<40x128xf32, #tpu.memory_space<vmem>>) target(%dma_start3A_120 : memref<10000x128xf32, #tpu.memory_space<vmem_shared>>) offsets(%arg11 : memref<40xi32, #tpu.memory_space<vmem>>) semaphore(%run_scoped3A : memref<!tpu.dma_semaphore, #tpu.memory_space<semaphore_mem>>) {add = true}
      %dma_wait3A_121 = arith.constant 0 : i32
      %dma_wait3A_122 = arith.constant 0 : i32
      %dma_wait3A_123 = tpu.memref_slice %arg18[%dma_wait3A_121, %dma_wait3A_122] : memref<10000x128xf32, #tpu.memory_space<vmem_shared>> -> memref<10000x128xf32, #tpu.memory_space<vmem_shared>>
      tpu.wait_indirect_dma semaphore(%run_scoped3A : memref<!tpu.dma_semaphore, #tpu.memory_space<semaphore_mem>>) src(%arg16 : memref<40x128xf32, #tpu.memory_space<vmem>>) dst(%dma_wait3A_123 : memref<10000x128xf32, #tpu.memory_space<vmem_shared>>)
      tpu.yield
    }) : () -> ()
    %barrier3A_107 = arith.constant 0 : index
    tpu.barrier barrier_id(%barrier3A_107)
    %scan3A_108 = arith.constant 0 : i32
    %scan3A_109 = arith.constant 16 : i32
    %scan3A_110 = arith.addi %scan3A_108, %scan3A_109 : i32
    %scan3A_111 = arith.constant 1 : i32
    scf.for %scan3A_118 = %scan3A_108 to %scan3A_110 step %scan3A_111  : i32 {
      %mul3A_119 = arith.constant 1 : i32
      %mul3A_120 = arith.muli %scan3A_118, %mul3A_119 : i32
      %add3A_121 = arith.constant 0 : i32
      %add3A_122 = arith.addi %add3A_121, %mul3A_120 : i32
      %mul3A_123 = arith.constant 16 : i32
      %mul3A_124 = arith.muli %add3A_122, %mul3A_123 : i32
      %add3A_125 = arith.addi %arg1, %mul3A_124 : i32
      %lt3A = arith.constant 250 : i32
      %lt3A_126 = arith.cmpi slt, %add3A_125, %lt3A : i32
      %convert_element_type3A_127 = arith.extui %lt3A_126 : i1 to i32
      %cond3A_128 = arith.constant 0 : i32
      %cond3A_129 = arith.cmpi ne, %convert_element_type3A_127, %cond3A_128 : i32
      scf.if %cond3A_129 {
        %mul3A_130 = arith.constant 40 : i32
        %mul3A_131 = arith.muli %add3A_125, %mul3A_130 : i32
        %dma_start3A_132 = arith.constant 0 : i32
        %dma_start3A_133 = tpu.memref_slice %arg5[%arg0, %mul3A_131, %dma_start3A_132] : memref<2x10000x128xf32, #tpu.memory_space<hbm>> -> memref<1x40x128xf32, #tpu.memory_space<hbm>>
        %dma_start3A_134 = tpu.memref_squeeze %dma_start3A_133 : memref<1x40x128xf32, #tpu.memory_space<hbm>> -> memref<40x128xf32, #tpu.memory_space<hbm>>
        %dma_start3A_135 = arith.constant 0 : i32
        %dma_start3A_136 = tpu.memref_slice %arg18[%mul3A_131, %dma_start3A_135] : memref<10000x128xf32, #tpu.memory_space<vmem_shared>> -> memref<40x128xf32, #tpu.memory_space<vmem_shared>>
        tpu.enqueue_dma source(%dma_start3A_136 : memref<40x128xf32, #tpu.memory_space<vmem_shared>>) target(%dma_start3A_134 : memref<40x128xf32, #tpu.memory_space<hbm>>) target_semaphore(%arg34 : memref<!tpu.dma_semaphore, #tpu.memory_space<semaphore_mem>>)
      } else {
      }
    }
    %scan3A_112 = arith.constant 16 : i32
    %scan3A_113 = arith.constant 0 : i32
    %scan3A_114 = arith.constant 16 : i32
    %scan3A_115 = arith.addi %scan3A_113, %scan3A_114 : i32
    %scan3A_116 = arith.constant 1 : i32
    scf.for %scan3A_118 = %scan3A_113 to %scan3A_115 step %scan3A_116  : i32 {
      %mul3A_119 = arith.constant 1 : i32
      %mul3A_120 = arith.muli %scan3A_118, %mul3A_119 : i32
      %add3A_121 = arith.constant 0 : i32
      %add3A_122 = arith.addi %add3A_121, %mul3A_120 : i32
      %mul3A_123 = arith.constant 16 : i32
      %mul3A_124 = arith.muli %add3A_122, %mul3A_123 : i32
      %add3A_125 = arith.addi %arg1, %mul3A_124 : i32
      %lt3A = arith.constant 250 : i32
      %lt3A_126 = arith.cmpi slt, %add3A_125, %lt3A : i32
      %convert_element_type3A_127 = arith.extui %lt3A_126 : i1 to i32
      %cond3A_128 = arith.constant 0 : i32
      %cond3A_129 = arith.cmpi ne, %convert_element_type3A_127, %cond3A_128 : i32
      scf.if %cond3A_129 {
        %mul3A_130 = arith.constant 40 : i32
        %mul3A_131 = arith.muli %add3A_125, %mul3A_130 : i32
        %dma_wait3A_132 = arith.constant 0 : i32
        %dma_wait3A_133 = tpu.memref_slice %arg5[%arg0, %mul3A_131, %dma_wait3A_132] : memref<2x10000x128xf32, #tpu.memory_space<hbm>> -> memref<1x40x128xf32, #tpu.memory_space<hbm>>
        %dma_wait3A_134 = tpu.memref_squeeze %dma_wait3A_133 : memref<1x40x128xf32, #tpu.memory_space<hbm>> -> memref<40x128xf32, #tpu.memory_space<hbm>>
        %dma_wait3A_135 = arith.constant 0 : i32
        %dma_wait3A_136 = tpu.memref_slice %arg18[%mul3A_131, %dma_wait3A_135] : memref<10000x128xf32, #tpu.memory_space<vmem_shared>> -> memref<40x128xf32, #tpu.memory_space<vmem_shared>>
        tpu.wait_dma2 semaphore(%arg34 : memref<!tpu.dma_semaphore, #tpu.memory_space<semaphore_mem>>) src(%dma_wait3A_136 : memref<40x128xf32, #tpu.memory_space<vmem_shared>>) dst(%dma_wait3A_134 : memref<40x128xf32, #tpu.memory_space<hbm>>)
      } else {
      }
    }
    %scan3A_117 = arith.constant 16 : i32
    return
  }
}

module attributes {stable_mosaic.version = 14 : i64} {
  func.func @_mlp_body(%arg0: i32, %arg1: memref<5000x128xf32, #tpu.memory_space<vmem>>, %arg2: memref<5000x128xf32, #tpu.memory_space<vmem>>, %arg3: memref<128x128xf32, #tpu.memory_space<vmem>>, %arg4: memref<1x128xf32, #tpu.memory_space<vmem>>, %arg5: memref<128x128xf32, #tpu.memory_space<vmem>>, %arg6: memref<1x128xf32, #tpu.memory_space<vmem>>, %arg7: memref<5000x128xf32, #tpu.memory_space<vmem>>) attributes {dimension_semantics = [#tpu.dimension_semantics<arbitrary>], iteration_bounds = array<i64: 2>, scalar_prefetch = 0 : i64, scratch_operands = 0 : i64, tpu.core_type = #tpu.core_type<tc>, window_params = [{transform_indices = @transform_0, window_bounds = array<i64: 5000, 128>}, {transform_indices = @transform_1, window_bounds = array<i64: 5000, 128>}, {pipeline_mode = #tpu.pipeline_mode<synchronous>, transform_indices = @transform_2, window_bounds = array<i64: 128, 128>}, {pipeline_mode = #tpu.pipeline_mode<synchronous>, transform_indices = @transform_3, window_bounds = array<i64: 1, 128>}, {pipeline_mode = #tpu.pipeline_mode<synchronous>, transform_indices = @transform_4, window_bounds = array<i64: 128, 128>}, {pipeline_mode = #tpu.pipeline_mode<synchronous>, transform_indices = @transform_5, window_bounds = array<i64: 1, 128>}, {transform_indices = @transform_6, window_bounds = array<i64: 5000, 128>}]} {
    %get3A = arith.constant 0 : index
    %get3A_0 = arith.constant 0 : index
    %get3A_1 = vector.load %arg1[%get3A, %get3A_0] : memref<5000x128xf32, #tpu.memory_space<vmem>>, vector<5000x128xf32>
    %get3A_2 = arith.constant 0 : index
    %get3A_3 = arith.constant 0 : index
    %get3A_4 = vector.load %arg2[%get3A_2, %get3A_3] : memref<5000x128xf32, #tpu.memory_space<vmem>>, vector<5000x128xf32>
    %add3A = arith.addf %get3A_1, %get3A_4 : vector<5000x128xf32>
    %get3A_5 = arith.constant 0 : index
    %get3A_6 = arith.constant 0 : index
    %get3A_7 = vector.load %arg3[%get3A_5, %get3A_6] : memref<128x128xf32, #tpu.memory_space<vmem>>, vector<128x128xf32>
    %dot_general3A = arith.constant dense<0.000000e+00> : vector<5000x128xf32>
    %dot_general3A_8 = tpu.matmul %add3A, %get3A_7, %dot_general3A {dimension_numbers = #tpu.dot_dimension_numbers<[1], [0], [0], [1], [0, 0, 1, 1], [], []>, transpose_lhs_hint = false} : vector<5000x128xf32>, vector<128x128xf32>, vector<5000x128xf32> -> vector<5000x128xf32>
    %get3A_9 = arith.constant 0 : index
    %get3A_10 = arith.constant 0 : index
    %get3A_11 = vector.load %arg4[%get3A_9, %get3A_10] : memref<1x128xf32, #tpu.memory_space<vmem>>, vector<1x128xf32>
    %add3A_12 = vector.broadcast %get3A_11 : vector<1x128xf32> to vector<5000x128xf32>
    %add3A_13 = arith.addf %dot_general3A_8, %add3A_12 : vector<5000x128xf32>
    %max3A = arith.constant 0.000000e+00 : f32
    %max3A_14 = vector.broadcast %max3A : f32 to vector<5000x128xf32>
    %max3A_15 = arith.maximumf %add3A_13, %max3A_14 : vector<5000x128xf32>
    %get3A_16 = arith.constant 0 : index
    %get3A_17 = arith.constant 0 : index
    %get3A_18 = vector.load %arg5[%get3A_16, %get3A_17] : memref<128x128xf32, #tpu.memory_space<vmem>>, vector<128x128xf32>
    %dot_general3A_19 = arith.constant dense<0.000000e+00> : vector<5000x128xf32>
    %dot_general3A_20 = tpu.matmul %max3A_15, %get3A_18, %dot_general3A_19 {dimension_numbers = #tpu.dot_dimension_numbers<[1], [0], [0], [1], [0, 0, 1, 1], [], []>, transpose_lhs_hint = false} : vector<5000x128xf32>, vector<128x128xf32>, vector<5000x128xf32> -> vector<5000x128xf32>
    %get3A_21 = arith.constant 0 : index
    %get3A_22 = arith.constant 0 : index
    %get3A_23 = vector.load %arg6[%get3A_21, %get3A_22] : memref<1x128xf32, #tpu.memory_space<vmem>>, vector<1x128xf32>
    %add3A_24 = vector.broadcast %get3A_23 : vector<1x128xf32> to vector<5000x128xf32>
    %add3A_25 = arith.addf %dot_general3A_20, %add3A_24 : vector<5000x128xf32>
    %max3A_26 = arith.constant 0.000000e+00 : f32
    %max3A_27 = vector.broadcast %max3A_26 : f32 to vector<5000x128xf32>
    %max3A_28 = arith.maximumf %add3A_25, %max3A_27 : vector<5000x128xf32>
    %swap3A = arith.constant 0 : index
    %swap3A_29 = arith.constant 0 : index
    %swap3A_30 = vector.load %arg7[%swap3A, %swap3A_29] : memref<5000x128xf32, #tpu.memory_space<vmem>>, vector<5000x128xf32>
    tpu.vector_store %arg7[%swap3A, %swap3A_29], %max3A_28 {strides = array<i32>} : memref<5000x128xf32, #tpu.memory_space<vmem>>, vector<5000x128xf32>,
    return
  }
  func.func @transform_0(%arg0: i32) -> (i32, i32) {
    %c0_i32 = arith.constant 0 : i32
    %c0_i32_0 = arith.constant 0 : i32
    return %arg0, %c0_i32 : i32, i32
  }
  func.func @transform_1(%arg0: i32) -> (i32, i32) {
    %c0_i32 = arith.constant 0 : i32
    %c0_i32_0 = arith.constant 0 : i32
    return %arg0, %c0_i32 : i32, i32
  }
  func.func @transform_2(%arg0: i32) -> (i32, i32) {
    %c0_i32 = arith.constant 0 : i32
    %c0_i32_0 = arith.constant 0 : i32
    %c0_i32_1 = arith.constant 0 : i32
    return %c0_i32, %c0_i32_0 : i32, i32
  }
  func.func @transform_3(%arg0: i32) -> (i32, i32) {
    %c0_i32 = arith.constant 0 : i32
    %c0_i32_0 = arith.constant 0 : i32
    %c0_i32_1 = arith.constant 0 : i32
    return %c0_i32, %c0_i32_0 : i32, i32
  }
  func.func @transform_4(%arg0: i32) -> (i32, i32) {
    %c0_i32 = arith.constant 0 : i32
    %c0_i32_0 = arith.constant 0 : i32
    %c0_i32_1 = arith.constant 0 : i32
    return %c0_i32, %c0_i32_0 : i32, i32
  }
  func.func @transform_5(%arg0: i32) -> (i32, i32) {
    %c0_i32 = arith.constant 0 : i32
    %c0_i32_0 = arith.constant 0 : i32
    %c0_i32_1 = arith.constant 0 : i32
    return %c0_i32, %c0_i32_0 : i32, i32
  }
  func.func @transform_6(%arg0: i32) -> (i32, i32) {
    %c0_i32 = arith.constant 0 : i32
    %c0_i32_0 = arith.constant 0 : i32
    return %arg0, %c0_i32 : i32, i32
  }
}

module attributes {stable_mosaic.version = 14 : i64} {
  func.func @_pool_body(%arg0: i32, %arg1: memref<5000x128xf32, #tpu.memory_space<vmem>>, %arg2: memref<5000x128xf32, #tpu.memory_space<vmem>>, %arg3: memref<128x128xf32, #tpu.memory_space<vmem>>, %arg4: memref<1x128xf32, #tpu.memory_space<vmem>>, %arg5: memref<128x128xf32, #tpu.memory_space<vmem>>, %arg6: memref<1x128xf32, #tpu.memory_space<vmem>>, %arg7: memref<1x1x5000xi32, #tpu.memory_space<vmem>>, %arg8: memref<128x16xf32, #tpu.memory_space<vmem>>, %arg9: memref<1x16xf32, #tpu.memory_space<vmem>>, %arg10: memref<64x16xf32, #tpu.memory_space<vmem>>, %arg11: memref<64x128xf32, #tpu.memory_space<vmem>>, %arg12: memref<64x128xf32, #tpu.memory_space<vmem>>) attributes {dimension_semantics = [#tpu.dimension_semantics<arbitrary>], iteration_bounds = array<i64: 2>, scalar_prefetch = 0 : i64, scratch_operands = 2 : i64, tpu.core_type = #tpu.core_type<tc>, window_params = [{transform_indices = @transform_0, window_bounds = array<i64: 5000, 128>}, {transform_indices = @transform_1, window_bounds = array<i64: 5000, 128>}, {pipeline_mode = #tpu.pipeline_mode<synchronous>, transform_indices = @transform_2, window_bounds = array<i64: 128, 128>}, {pipeline_mode = #tpu.pipeline_mode<synchronous>, transform_indices = @transform_3, window_bounds = array<i64: 1, 128>}, {pipeline_mode = #tpu.pipeline_mode<synchronous>, transform_indices = @transform_4, window_bounds = array<i64: 128, 128>}, {pipeline_mode = #tpu.pipeline_mode<synchronous>, transform_indices = @transform_5, window_bounds = array<i64: 1, 128>}, {transform_indices = @transform_6, window_bounds = array<i64: 1, 1, 5000>}, {pipeline_mode = #tpu.pipeline_mode<synchronous>, transform_indices = @transform_7, window_bounds = array<i64: 128, 16>}, {pipeline_mode = #tpu.pipeline_mode<synchronous>, transform_indices = @transform_8, window_bounds = array<i64: 1, 16>}, {pipeline_mode = #tpu.pipeline_mode<synchronous>, transform_indices = @transform_9, window_bounds = array<i64: 64, 16>}]} {
    %eq3A = arith.constant 0 : i32
    %eq3A_0 = arith.cmpi eq, %arg0, %eq3A : i32
    %convert_element_type3A = arith.extui %eq3A_0 : i1 to i32
    %cond3A = arith.constant 0 : i32
    %cond3A_1 = arith.cmpi ne, %convert_element_type3A, %cond3A : i32
    scf.if %cond3A_1 {
      %broadcast_in_dim3A_60 = arith.constant 0.000000e+00 : f32
      %broadcast_in_dim3A_61 = vector.broadcast %broadcast_in_dim3A_60 : f32 to vector<64x128xf32>
      %swap3A_62 = arith.constant 0 : index
      %swap3A_63 = arith.constant 0 : index
      %swap3A_64 = vector.load %arg11[%swap3A_62, %swap3A_63] : memref<64x128xf32, #tpu.memory_space<vmem>>, vector<64x128xf32>
      tpu.vector_store %arg11[%swap3A_62, %swap3A_63], %broadcast_in_dim3A_61 {strides = array<i32>} : memref<64x128xf32, #tpu.memory_space<vmem>>, vector<64x128xf32>,
      %broadcast_in_dim3A_65 = arith.constant 0.000000e+00 : f32
      %broadcast_in_dim3A_66 = vector.broadcast %broadcast_in_dim3A_65 : f32 to vector<64x128xf32>
      %swap3A_67 = arith.constant 0 : index
      %swap3A_68 = arith.constant 0 : index
      %swap3A_69 = vector.load %arg12[%swap3A_67, %swap3A_68] : memref<64x128xf32, #tpu.memory_space<vmem>>, vector<64x128xf32>
      tpu.vector_store %arg12[%swap3A_67, %swap3A_68], %broadcast_in_dim3A_66 {strides = array<i32>} : memref<64x128xf32, #tpu.memory_space<vmem>>, vector<64x128xf32>,
    } else {
    }
    %get3A = arith.constant 0 : index
    %get3A_2 = arith.constant 0 : index
    %get3A_3 = vector.load %arg1[%get3A, %get3A_2] : memref<5000x128xf32, #tpu.memory_space<vmem>>, vector<5000x128xf32>
    %get3A_4 = arith.constant 0 : index
    %get3A_5 = arith.constant 0 : index
    %get3A_6 = vector.load %arg2[%get3A_4, %get3A_5] : memref<5000x128xf32, #tpu.memory_space<vmem>>, vector<5000x128xf32>
    %add3A = arith.addf %get3A_3, %get3A_6 : vector<5000x128xf32>
    %get3A_7 = arith.constant 0 : index
    %get3A_8 = arith.constant 0 : index
    %get3A_9 = vector.load %arg3[%get3A_7, %get3A_8] : memref<128x128xf32, #tpu.memory_space<vmem>>, vector<128x128xf32>
    %dot_general3A = arith.constant dense<0.000000e+00> : vector<5000x128xf32>
    %dot_general3A_10 = tpu.matmul %add3A, %get3A_9, %dot_general3A {dimension_numbers = #tpu.dot_dimension_numbers<[1], [0], [0], [1], [0, 0, 1, 1], [], []>, transpose_lhs_hint = false} : vector<5000x128xf32>, vector<128x128xf32>, vector<5000x128xf32> -> vector<5000x128xf32>
    %get3A_11 = arith.constant 0 : index
    %get3A_12 = arith.constant 0 : index
    %get3A_13 = vector.load %arg4[%get3A_11, %get3A_12] : memref<1x128xf32, #tpu.memory_space<vmem>>, vector<1x128xf32>
    %add3A_14 = vector.broadcast %get3A_13 : vector<1x128xf32> to vector<5000x128xf32>
    %add3A_15 = arith.addf %dot_general3A_10, %add3A_14 : vector<5000x128xf32>
    %max3A = arith.constant 0.000000e+00 : f32
    %max3A_16 = vector.broadcast %max3A : f32 to vector<5000x128xf32>
    %max3A_17 = arith.maximumf %add3A_15, %max3A_16 : vector<5000x128xf32>
    %get3A_18 = arith.constant 0 : index
    %get3A_19 = arith.constant 0 : index
    %get3A_20 = vector.load %arg5[%get3A_18, %get3A_19] : memref<128x128xf32, #tpu.memory_space<vmem>>, vector<128x128xf32>
    %dot_general3A_21 = arith.constant dense<0.000000e+00> : vector<5000x128xf32>
    %dot_general3A_22 = tpu.matmul %max3A_17, %get3A_20, %dot_general3A_21 {dimension_numbers = #tpu.dot_dimension_numbers<[1], [0], [0], [1], [0, 0, 1, 1], [], []>, transpose_lhs_hint = false} : vector<5000x128xf32>, vector<128x128xf32>, vector<5000x128xf32> -> vector<5000x128xf32>
    %get3A_23 = arith.constant 0 : index
    %get3A_24 = arith.constant 0 : index
    %get3A_25 = vector.load %arg6[%get3A_23, %get3A_24] : memref<1x128xf32, #tpu.memory_space<vmem>>, vector<1x128xf32>
    %add3A_26 = vector.broadcast %get3A_25 : vector<1x128xf32> to vector<5000x128xf32>
    %add3A_27 = arith.addf %dot_general3A_22, %add3A_26 : vector<5000x128xf32>
    %get3A_28 = arith.constant 0 : index
    %get3A_29 = arith.constant 0 : index
    %get3A_30 = arith.constant 0 : index
    %get3A_31 = vector.load %arg7[%get3A_28, %get3A_29, %get3A_30] : memref<1x1x5000xi32, #tpu.memory_space<vmem>>, vector<1x1x5000xi32>
    %get3A_32 = vector.shape_cast %get3A_31 : vector<1x1x5000xi32> to vector<1x5000xi32>
    %iota3A = tpu.iota {dimensions = array<i32: 0>} : vector<64x5000xi32>
    %eq3A_33 = vector.broadcast %get3A_32 : vector<1x5000xi32> to vector<64x5000xi32>
    %eq3A_34 = arith.cmpi eq, %iota3A, %eq3A_33 : vector<64x5000xi32>
    %convert_element_type3A_35 = arith.extui %eq3A_34 : vector<64x5000xi1> to vector<64x5000xi32>
    %convert_element_type3A_36 = arith.sitofp %convert_element_type3A_35 : vector<64x5000xi32> to vector<64x5000xf32>
    %get3A_37 = arith.constant 0 : index
    %get3A_38 = arith.constant 0 : index
    %get3A_39 = vector.load %arg11[%get3A_37, %get3A_38] : memref<64x128xf32, #tpu.memory_space<vmem>>, vector<64x128xf32>
    %dot_general3A_40 = arith.constant dense<0.000000e+00> : vector<64x128xf32>
    %dot_general3A_41 = tpu.matmul %convert_element_type3A_36, %add3A_27, %dot_general3A_40 {dimension_numbers = #tpu.dot_dimension_numbers<[1], [0], [0], [1], [0, 0, 1, 1], [], []>, transpose_lhs_hint = false} : vector<64x5000xf32>, vector<5000x128xf32>, vector<64x128xf32> -> vector<64x128xf32>
    %add3A_42 = arith.addf %get3A_39, %dot_general3A_41 : vector<64x128xf32>
    %swap3A = arith.constant 0 : index
    %swap3A_43 = arith.constant 0 : index
    %swap3A_44 = vector.load %arg11[%swap3A, %swap3A_43] : memref<64x128xf32, #tpu.memory_space<vmem>>, vector<64x128xf32>
    tpu.vector_store %arg11[%swap3A, %swap3A_43], %add3A_42 {strides = array<i32>} : memref<64x128xf32, #tpu.memory_space<vmem>>, vector<64x128xf32>,
    %get3A_45 = arith.constant 0 : index
    %get3A_46 = arith.constant 0 : index
    %get3A_47 = vector.load %arg12[%get3A_45, %get3A_46] : memref<64x128xf32, #tpu.memory_space<vmem>>, vector<64x128xf32>
    %reduce_sum3A = arith.constant dense<0.000000e+00> : vector<64xf32>
    %reduce_sum3A_48 = vector.multi_reduction <add>, %convert_element_type3A_36, %reduce_sum3A [1] : vector<64x5000xf32> to vector<64xf32>
    %broadcast_in_dim3A = vector.shape_cast %reduce_sum3A_48 : vector<64xf32> to vector<64x1xf32>
    %broadcast_in_dim3A_49 = vector.shape_cast %broadcast_in_dim3A : vector<64x1xf32> to vector<64x1xf32>
    %broadcast_in_dim3A_50 = vector.broadcast %broadcast_in_dim3A_49 : vector<64x1xf32> to vector<64x128xf32>
    %add3A_51 = arith.addf %get3A_47, %broadcast_in_dim3A_50 : vector<64x128xf32>
    %swap3A_52 = arith.constant 0 : index
    %swap3A_53 = arith.constant 0 : index
    %swap3A_54 = vector.load %arg12[%swap3A_52, %swap3A_53] : memref<64x128xf32, #tpu.memory_space<vmem>>, vector<64x128xf32>
    tpu.vector_store %arg12[%swap3A_52, %swap3A_53], %add3A_51 {strides = array<i32>} : memref<64x128xf32, #tpu.memory_space<vmem>>, vector<64x128xf32>,
    %eq3A_55 = arith.constant 1 : i32
    %eq3A_56 = arith.cmpi eq, %arg0, %eq3A_55 : i32
    %convert_element_type3A_57 = arith.extui %eq3A_56 : i1 to i32
    %cond3A_58 = arith.constant 0 : i32
    %cond3A_59 = arith.cmpi ne, %convert_element_type3A_57, %cond3A_58 : i32
    scf.if %cond3A_59 {
      %get3A_60 = arith.constant 0 : index
      %get3A_61 = arith.constant 0 : index
      %get3A_62 = vector.load %arg11[%get3A_60, %get3A_61] : memref<64x128xf32, #tpu.memory_space<vmem>>, vector<64x128xf32>
      %get3A_63 = arith.constant 0 : index
      %get3A_64 = arith.constant 0 : index
      %get3A_65 = vector.load %arg12[%get3A_63, %get3A_64] : memref<64x128xf32, #tpu.memory_space<vmem>>, vector<64x128xf32>
      %max3A_66 = arith.constant 1.000000e+00 : f32
      %max3A_67 = vector.broadcast %max3A_66 : f32 to vector<64x128xf32>
      %max3A_68 = arith.maximumf %get3A_65, %max3A_67 : vector<64x128xf32>
      %div3A = arith.divf %get3A_62, %max3A_68 : vector<64x128xf32>
      %get3A_69 = arith.constant 0 : index
      %get3A_70 = arith.constant 0 : index
      %get3A_71 = vector.load %arg8[%get3A_69, %get3A_70] : memref<128x16xf32, #tpu.memory_space<vmem>>, vector<128x16xf32>
      %dot_general3A_72 = arith.constant dense<0.000000e+00> : vector<64x16xf32>
      %dot_general3A_73 = tpu.matmul %div3A, %get3A_71, %dot_general3A_72 {dimension_numbers = #tpu.dot_dimension_numbers<[1], [0], [0], [1], [0, 0, 1, 1], [], []>, transpose_lhs_hint = false} : vector<64x128xf32>, vector<128x16xf32>, vector<64x16xf32> -> vector<64x16xf32>
      %get3A_74 = arith.constant 0 : index
      %get3A_75 = arith.constant 0 : index
      %get3A_76 = vector.load %arg9[%get3A_74, %get3A_75] : memref<1x16xf32, #tpu.memory_space<vmem>>, vector<1x16xf32>
      %add3A_77 = vector.broadcast %get3A_76 : vector<1x16xf32> to vector<64x16xf32>
      %add3A_78 = arith.addf %dot_general3A_73, %add3A_77 : vector<64x16xf32>
      %swap3A_79 = arith.constant 0 : index
      %swap3A_80 = arith.constant 0 : index
      %swap3A_81 = vector.load %arg10[%swap3A_79, %swap3A_80] : memref<64x16xf32, #tpu.memory_space<vmem>>, vector<64x16xf32>
      tpu.vector_store %arg10[%swap3A_79, %swap3A_80], %add3A_78 {strides = array<i32>} : memref<64x16xf32, #tpu.memory_space<vmem>>, vector<64x16xf32>,
    } else {
    }
    return
  }
  func.func @transform_0(%arg0: i32) -> (i32, i32) {
    %c0_i32 = arith.constant 0 : i32
    %c0_i32_0 = arith.constant 0 : i32
    return %arg0, %c0_i32 : i32, i32
  }
  func.func @transform_1(%arg0: i32) -> (i32, i32) {
    %c0_i32 = arith.constant 0 : i32
    %c0_i32_0 = arith.constant 0 : i32
    return %arg0, %c0_i32 : i32, i32
  }
  func.func @transform_2(%arg0: i32) -> (i32, i32) {
    %c0_i32 = arith.constant 0 : i32
    %c0_i32_0 = arith.constant 0 : i32
    %c0_i32_1 = arith.constant 0 : i32
    return %c0_i32, %c0_i32_0 : i32, i32
  }
  func.func @transform_3(%arg0: i32) -> (i32, i32) {
    %c0_i32 = arith.constant 0 : i32
    %c0_i32_0 = arith.constant 0 : i32
    %c0_i32_1 = arith.constant 0 : i32
    return %c0_i32, %c0_i32_0 : i32, i32
  }
  func.func @transform_4(%arg0: i32) -> (i32, i32) {
    %c0_i32 = arith.constant 0 : i32
    %c0_i32_0 = arith.constant 0 : i32
    %c0_i32_1 = arith.constant 0 : i32
    return %c0_i32, %c0_i32_0 : i32, i32
  }
  func.func @transform_5(%arg0: i32) -> (i32, i32) {
    %c0_i32 = arith.constant 0 : i32
    %c0_i32_0 = arith.constant 0 : i32
    %c0_i32_1 = arith.constant 0 : i32
    return %c0_i32, %c0_i32_0 : i32, i32
  }
  func.func @transform_6(%arg0: i32) -> (i32, i32, i32) {
    %c0_i32 = arith.constant 0 : i32
    %c0_i32_0 = arith.constant 0 : i32
    %c0_i32_1 = arith.constant 0 : i32
    return %arg0, %c0_i32, %c0_i32_0 : i32, i32, i32
  }
  func.func @transform_7(%arg0: i32) -> (i32, i32) {
    %c0_i32 = arith.constant 0 : i32
    %c0_i32_0 = arith.constant 0 : i32
    %c0_i32_1 = arith.constant 0 : i32
    return %c0_i32, %c0_i32_0 : i32, i32
  }
  func.func @transform_8(%arg0: i32) -> (i32, i32) {
    %c0_i32 = arith.constant 0 : i32
    %c0_i32_0 = arith.constant 0 : i32
    %c0_i32_1 = arith.constant 0 : i32
    return %c0_i32, %c0_i32_0 : i32, i32
  }
  func.func @transform_9(%arg0: i32) -> (i32, i32) {
    %c0_i32 = arith.constant 0 : i32
    %c0_i32_0 = arith.constant 0 : i32
    %c0_i32_1 = arith.constant 0 : i32
    return %c0_i32, %c0_i32_0 : i32, i32
  }
}

</mosaic_0001>

<sc_bundles>
// kernel: kernel.11.cloned.1.call-start
scs
__scs_entry_jumppad:
0x0: {  	(pc) =	sbr.rel $0x88, $3  }
0x1: {  	(tag) =	ssettag $0x0;
	lr =	simm.s32 $0x1  }
0x2: {  	[smem:$0x3F94] =	sst lr;
	_ =	strace $0xD0000000  }
0x3: {  	_ = 	snop  }
0x4: {  	_ = 	snop  }
0x5: {  	_ = 	snop  }
0x6: {  	_ = 	snop  }
0x7: {  	_ = 	snop  }
__scs_overlays_trampoline_lowered:
0x8: {  	[smem:$0x3FA3] =	sst s0  }
0x9: {  	[smem:$0x3FA4] =	sst s1  }
0xa: {  	[smem:$0x3FA5] =	sst s2  }
0xb: {  	[smem:$0x3FA6] =	sst s3  }
0xc: {  	[smem:$0x3FA7] =	sst s4  }
0xd: {  	[smem:$0x3FA8] =	sst s5  }
0xe: {  	[smem:$0x3FA9] =	sst s6  }
0xf: {  	[smem:$0x3FAA] =	sst s7  }
0x10: {  	[smem:$0x3FAB] =	sst s8  }
0x11: {  	[smem:$0x3FAC] =	sst s9;
	s0 =	simm.s32 @!p0 $0x0  }
0x12: {  	s1 =	sld [smem:$0x3F92];
	s0 =	simm.s32 @p0 $0x1  }
0x13: {  	[smem:$0x3FAD] =	sst s0;
	s0 =	simm.s32 @!p1 $0x0  }
0x14: {  	s2 =	sld [smem:$0x3F91];
	s0 =	simm.s32 @p1 $0x1  }
0x15: {  	[smem:$0x3FAE] =	sst s0;
	s0 =	simm.s32 @!p2 $0x0  }
0x16: {  	s3 =	sld [smem:$0x3FDB];
	s0 =	simm.s32 @p2 $0x1  }
0x17: {  	s4 =	simm.s32 $0x1BF5;
	[smem:$0x3FB0] =	sst s0  }
0x18: {  	s0 =	sld [smem:$0x3F93];
	_ =	swait.ge [sflag:s4], $0x0  }
0x19: {  	s7 =	sld [smem:$0x3F94]  }
0x1a: {  	s8 =	sadd.s32 $0xFFFFE003, lr  }
0x1b: {  	s9 =	sadd.s32 $0xFFFFFEF7, lr;
	s5 =	simm.s32 $0xFFFFFFFF;
	p2 =	slt.u32 s8, $0xFFFFF086  }
0x1c: {  	p1 =	slt.u32 s9, $0xF7A;
	s5 =	simm.s32 @!p2 $0x0  }
0x1d: {  	s5 =	simm.s32 @p1 $0x1;
	p0 =	seq.s32 s7, s2  }
0x1e: {  	s7 =	smul.u32 @!p0 $0xF7A, s2;
	p2 =	seq.s32 @!p0 s5, $0x0  }
0x1f: {  	s9 =	smul.u32 $0xF7A, s1;
	s8 =	simm.s32 @!p0 $0x1BF5;
	p2 =	por !p2, p0  }
0x20: {  	[sflag:s8] =	ssyncset.s32 @!p0 $0xFFFFF086;
	s6 =	sadd.s32 @!p0 s3, s7;
	s7 =	simm.s32 @!p0 $0x108  }
0x21: {  	s3 =	sadd.s32 s3, s9;
	s6 =	sadd.s32 @!p0 $0x88, s6;
	s7 =	simm.s32 @p2 $0x1082  }
0x22: {  	[simem:s7], [sflag:s8] =	dma.local @!p0 [hbm:s6], $0xF7A  }
0x23: {  	s9 =	sor.u32 $0xD0000000, s2;
	s6 =	simm.s32 $0x108;
	_ =	swait.ge @!p0 [sflag:s8], $0x0  }
0x24: {  	s3 =	sadd.s32 $0x88, s3;
	s6 =	simm.s32 @!p1 $0x1082;
	[sflag:s4] =	ssyncset.s32 $0xFFFFF086  }
0x25: {  	[simem:s6], [sflag:s4] =	dma.local [hbm:s3], $0xF7A  }
0x26: {  	[smem:$0x3F94] =	sst s1;
	(tag) =	ssettag s2;
	_ =	strace s9  }
0x27: {  	s1 =	sld [smem:$0x3FA4]  }
0x28: {  	s2 =	sld [smem:$0x3FA5]  }
0x29: {  	s4 =	sld [smem:$0x3FA7]  }
0x2a: {  	p0 =	seq.s32 s5, $0x0;
	s5 =	sld [smem:$0x3FA8]  }
0x2b: {  	s6 =	sld [smem:$0x3FA9]  }
0x2c: {  	s7 =	sld [smem:$0x3FAA]  }
0x2d: {  	s3 =	simm.s32 $0x108;
	s8 =	sld [smem:$0x3FAB]  }
0x2e: {  	s3 =	simm.s32 @!p0 $0x1082;
	s9 =	sld [smem:$0x3FAC]  }
0x2f: {  	lr =	sadd.s32 s0, s3;
	s0 =	sld [smem:$0x3FA3]  }
0x30: {  	s3 =	sld [smem:$0x3FA6]  }
0x31: {  	[smem:$0x3FAF] =	sst s10  }
0x32: {  	s10 =	sld [smem:$0x3FAD];
	_ =	sdelay $0x3  }
0x33: {  	p0 =	seq.s32 s10, $0x1;
	s10 =	sld [smem:$0x3FAF];
	_ =	sdelay $0x3  }
0x34: {  	[smem:$0x3FAF] =	sst s10  }
0x35: {  	s10 =	sld [smem:$0x3FAE];
	_ =	sdelay $0x3  }
0x36: {  	p1 =	seq.s32 s10, $0x1;
	s10 =	sld [smem:$0x3FAF];
	_ =	sdelay $0x3  }
0x37: {  	[smem:$0x3FAF] =	sst s10  }
0x38: {  	s10 =	sld [smem:$0x3FB0]  }
0x39: {  	_ = 	snop;
	(pc) =	sbr.ind lr, $3  }
0x3a: {  	_ = 	snop  }
0x3b: {  	_ = 	snop  }
0x3c: {  	p2 =	seq.s32 s10, $0x1;
	s10 =	sld [smem:$0x3FAF]  }
0x3d: {  	_ =	shalt  }
0x3e: {  	_ =	shalt  }
0x3f: {  	_ =	shalt  }
0x40: {  	_ =	shalt  }
0x41: {  	_ =	shalt  }
0x42: {  	_ =	shalt  }
0x43: {  	_ =	shalt  }
0x44: {  	_ =	shalt  }
0x45: {  	_ =	shalt  }
0x46: {  	_ =	shalt  }
0x47: {  	_ =	shalt  }
0x48: {  	_ =	shalt  }
0x49: {  	_ =	shalt  }
0x4a: {  	_ =	shalt  }
0x4b: {  	_ =	shalt  }
0x4c: {  	_ =	shalt  }
0x4d: {  	_ =	shalt  }
0x4e: {  	_ =	shalt  }
0x4f: {  	_ =	shalt  }
0x50: {  	_ =	shalt  }
0x51: {  	_ =	shalt  }
0x52: {  	_ =	shalt  }
0x53: {  	_ =	shalt  }
0x54: {  	_ =	shalt  }
0x55: {  	_ =	shalt  }
0x56: {  	_ =	shalt  }
0x57: {  	_ =	shalt  }
0x58: {  	_ =	shalt  }
0x59: {  	_ =	shalt  }
0x5a: {  	_ =	shalt  }
0x5b: {  	_ =	shalt  }
0x5c: {  	_ =	shalt  }
0x5d: {  	_ =	shalt  }
0x5e: {  	_ =	shalt  }
0x5f: {  	_ =	shalt  }
0x60: {  	_ =	shalt  }
0x61: {  	_ =	shalt  }
0x62: {  	_ =	shalt  }
0x63: {  	_ =	shalt  }
0x64: {  	_ =	shalt  }
0x65: {  	_ =	shalt  }
0x66: {  	_ =	shalt  }
0x67: {  	_ =	shalt  }
0x68: {  	_ =	shalt  }
0x69: {  	_ =	shalt  }
0x6a: {  	_ =	shalt  }
0x6b: {  	_ =	shalt  }
0x6c: {  	_ =	shalt  }
0x6d: {  	_ =	shalt  }
0x6e: {  	_ =	shalt  }
0x6f: {  	_ =	shalt  }
0x70: {  	_ =	shalt  }
0x71: {  	_ =	shalt  }
0x72: {  	_ =	shalt  }
0x73: {  	_ =	shalt  }
0x74: {  	_ =	shalt  }
0x75: {  	_ =	shalt  }
0x76: {  	_ =	shalt  }
0x77: {  	_ =	shalt  }
0x78: {  	_ =	shalt  }
0x79: {  	_ =	shalt  }
0x7a: {  	_ =	shalt  }
0x7b: {  	_ =	shalt  }
0x7c: {  	_ =	shalt  }
0x7d: {  	_ =	shalt  }
0x7e: {  	_ =	shalt  }
0x7f: {  	_ =	shalt  }
0x80: {  	_ =	shalt  }
0x81: {  	_ =	shalt  }
0x82: {  	_ =	shalt  }
0x83: {  	_ =	shalt  }
0x84: {  	_ =	shalt  }
0x85: {  	_ =	shalt  }
0x86: {  	_ =	shalt  }
0x87: {  	_ =	shalt  }
.Lfunc_end0:
.L_simem_size_0:
called_computation.1_lowered:
.L_overlay_start_0:
0x88: {  	s2 =	sld [smem:$0x3FD9]  }
0x89: {  	s3 =	sld [smem:$0x3FFE];
	_ =	sdelay $0x1  }
0x8a: {  	s1 =	srdreg.scid  }
0x8b: {  	s0 =	sand.u32 $0x1, s1  }
0x8c: {  	s16 =	sshll.u32 s0, $0xA;
	s2 =	sadd.s32 s3, s2  }
0x8d: {  	s2 =	sadd.s32 s2, s16  }
0x8e: {  	[smem:$0x3FBB] =	sst s2  }
0x8f: {  	_ = 	snop  }
0x90: {  	(tm) =	ssettm $0x1  }
0x91: {  	s17 =	sld [smem:$0x3FFB];
	_ =	sdelay $0x3  }
0x92: {  	_ =	strace s17  }
0x93: {  	s2 =	sld [smem:$0x3FFC];
	_ =	sdelay $0x3  }
0x94: {  	_ =	strace s2  }
0x95: {  	s2 =	sld [smem:$0x3FFD];
	_ =	sdelay $0x3  }
0x96: {  	_ =	strace s2  }
0x97: {  	_ =	strace $0x8FFFFFFF  }
0x98: {  	s18 =	sld [smem:$0x3FDB];
	_ =	sdelay $0x1  }
0x99: {  	s19 =	simm.s32 $_scs_section_size  }
0x9a: {  	s4 =	simm.s32 $_size__tile_overlayer_lowered;
	s5 =	simm.s32 $_tile_overlayer_lowered  }
0x9b: {  	s22 =	simm.s32 $0x1BFF;
	s21 =	sshll.u32 s5, $0x1;
	s2 =	sadd.s32 s19, s18  }
0x9c: {  	s6 =	simm.s32 $0x0;
	s20 =	sshll.u32 s4, $0x1;
	s4 =	sadd.s32 s21, s2  }
0x9d: {  	[timem:s6], [sflag:s22] =	dma.local [hbm:s4], s20  }
0x9e: {  	_ =	swait.ge [sflag:s22], s20  }
0x9f: {  	s3 =	ssub.s32 $0x0, s20;
	[sflag:s22] =	ssyncset.done $0x0  }
0xa0: {  	[sflag:s22] =	ssyncadd.s32 s3;
	_ =	sdelay $0x1  }
0xa1: {  	s23 =	simm.s32 $0x1B8B  }
0xa2: {  	_ =	swait.ge [sflag:s23], $0x1  }
0xa3: {  	[sflag:s23] =	ssyncset.done $0x0  }
0xa4: {  	s25 =	simm.s32 $0x1B8E;
	s24 =	sld [smem:$0x3FFE];
	[sflag:s23] =	ssyncadd.s32 $0xFFFFFFFF  }
0xa5: {  	s26 =	simm.s32 $execute0_lowered;
	[smem:$0x3FD2] =	sst s25  }
0xa6: {  	s4 =	sshll.u32 s26, $0x1;
	_ =	strace $0x80000049;
	[dreg:$0x1] =	wrdreg $0xFFFFFFFF  }
0xa7: {  	s28 =	simm.s32 $_size_execute0_lowered;
	s2 =	sadd.s32 s2, s4;
	[dreg:$0x0] =	wrdreg $0x0  }
0xa8: {  	s4 =	sshll.u32 s28, $0x1;
	[dreg:$0x2] =	wrdreg s2  }
0xa9: {  	[dreg:$0x3] =	wrdreg s4  }
0xaa: {  	[dreg:$0x4] =	wrdreg $0xC0  }
0xab: {  	_ =	task [dreg:s6], $0x5FFFF  }
0xac: {  	[dreg:$0x1] =	wrdreg $0xFFFFFFFF  }
0xad: {  	[dreg:$0x0] =	wrdreg $0x60  }
0xae: {  	[dreg:$0x2] =	wrdreg s24  }
0xaf: {  	[dreg:$0x3] =	wrdreg $0xA2000  }
0xb0: {  	[dreg:$0x4] =	wrdreg $0x9  }
0xb1: {  	_ =	task.clear_ibuf [dreg:s6], $0x5FFFF;
	_ =	strace $0x90000049  }
0xb2: {  	s29 =	simm.s32 $0x9;
	_ =	strace $0x8000004B  }
0xb3: {  	_ =	swait.ge [sflag:s29], $0x1  }
0xb4: {  	[sflag:s29] =	ssyncadd.s32 $0xFFFFFFFF  }
0xb5: {  	_ =	strace $0x9000004B  }
0xb6: {  	_ =	sfence  }
0xb7: {  	s30 =	sld [smem:$0x0];
	_ =	sdelay $0x2  }
0xb8: {  	s31 =	sshll.u32 s1, $0xD;
	s1 =	sshrl.u32 s1, $0x2  }
0xb9: {  	s3 =	sand.u32 $0x4000, s31;
	s1 =	sadd.s32 s1, s30  }
0xba: {  	s0 =	sor.u32 s3, s0;
	s1 =	sshll.u32 s1, $0x11  }
0xbb: {  	s0 =	sor.u32 s1, s0  }
0xbc: {  	s0 =	sadd.s32 $0x8F2B, s0  }
0xbd: {  	[sflag:s0] =	ssyncadd.remote.s32 $0x1  }
0xbe: {  	_ =	sfence.sel $0xFFFF  }
0xbf: {  	[dreg:$0x0] =	wrdreg $0xFFFFFFFF;
	(pc) =	sbr.abs _section_cstart, $3  }
0xc0: {  	[dreg:$0x1] =	wrdreg $0xFFFFFFFF  }
0xc1: {  	_ =	task.clear_ibuf [dreg:s6], $0x2FFFF;
	_ =	strace $0x9FFFFFFF  }
0xc2: {  	(tm) =	ssettm $0x7FFFFFFF  }
0xc3: {  	_ =	shalt  }
tec
execute0_lowered:
.L_overlay_start_1:
0x0: {  	(tag) =	ssettag $0x1  }
0x1: {  	s1 =	srdreg.scid;
	s6 =	rddreg [dreg:$0x0]  }
0x2: {  	s0 =	stileid.u32;
	s4 =	rddreg [dreg:$0x1];
	s3 =	simm.s32 $0x0  }
0x3: {  	s30 =	simm.s32 $0x2780;
	s2 =	sand.u32 $0x1, s1;
	s8 =	smul.u32 $0x1400, s0  }
0x4: {  	s21 =	sshll.u32 s0, $0x1;
	[smem:$0x7FF] =	sst s3;
	s3 =	smul.u32 $0x4E20, s0  }
0x5: {  	s5 =	sadd.s32 $0x16000, s6;
	s31 =	sadd.s32 $0x2400, s6;
	s14 =	smul.u32 $0x5000, s0  }
0x6: {  	s29 =	ssub.s32 $0xFA, s0;
	s15 =	smul.u32 $0x280, s0;
	p1 =	sgt.u32 s0, $0x9  }
0x7: {  	s1 =	sor.u32 s2, s21;
	s7 =	smul.u32 $0x138800, s2;
	_ =	strace $0x8000004A  }
0x8: {  	s22 =	ssub.s32 $0x2, s2;
	s12 =	smul.u32 $0x2710, s2;
	[dreg:$0x9] =	wrdreg s29  }
0x9: {  	p0 =	seq.s32 s2, $0x0;
	[dreg:$0x13] =	wrdreg s2;
	s1 =	smul.u32 $0x2710, s1  }
0xa: {  	s11 =	sshrl.u32 s22, $0x1;
	s18 =	sadd.s32 s15, s5;
	s7 =	sadd.s32 s8, s7  }
0xb: {  	s23 =	ssub.s32 s22, s11;
	[dreg:$0xc] =	wrdreg s18;
	s11 =	simm.s32 $0x2880  }
0xc: {  	s18 =	simm.s32 $0x6;
	s9 =	sshrl.u32 s1, $0x3;
	s7 =	sshrl.u32 s7, $0x3  }
0xd: {  	s26 =	sadd.s32 $0x28, s1;
	s10 =	sadd.s32 s9, s6;
	s25 =	sadd.s32 s31, s9  }
0xe: {  	s6 =	sadd.s32 s7, s6;
	s7 =	smax.u32 s23, $0x1;
	[dreg:$0x4] =	wrdreg s25  }
0xf: {  	s8 =	sshrl.u32 s26, $0x3;
	s24 =	sadd.s32 $0xC200, s10;
	[dreg:$0xa] =	wrdreg s7  }
0x10: {  	s1 =	sadd.s32 $0x78, s1;
	s8 =	sadd.s32 s31, s8;
	[dreg:$0x3] =	wrdreg s24  }
0x11: {  	s1 =	sshrl.u32 s1, $0x3;
	s13 =	sadd.s32 $0xA, s25;
	[dreg:$0x5] =	wrdreg s8  }
0x12: {  	s9 =	simm.s32 $0x2800;
	s1 =	sadd.s32 s31, s1;
	[dreg:$0x6] =	wrdreg s13  }
0x13: {  	s10 =	sadd.s32 $0x14, s25;
	s26 =	sadd.s32 $0x3D200, s6;
	[dreg:$0x7] =	wrdreg s1  }
0x14: {  	s6 =	simm.s32 $0x2A00;
	s7 =	simm.s32 $0x3E00;
	[dreg:$0x8] =	wrdreg s10  }
0x15: {  	s8 =	sadd.s32 s12, s3;
	s1 =	sshrl.u32 s14, $0x2;
	s10 =	smov.u32 s4  }
0x16: {  	[dreg:$0x12] =	wrdreg s26;
	s3 =	simm.s32 $0x5200;
	s12 =	simm.s32 $0x6600  }
0x17: {  	s14 =	simm.s32 $0x2900;
	s16 =	sadd.s32 $0x168, s8;
	s28 =	sadd.s32 s1, s4  }
0x18: {  	s19 =	sadd.s32 $0x140, s8;
	s20 =	sadd.s32 $0x118, s8;
	s21 =	sadd.s32 $0xF0, s8  }
0x19: {  	s25 =	sadd.s32 $0xC8, s8;
	s8 =	simm.s32 $0x7A00;
	s4 =	simm.s32 $0x0  }
0x1a: {  	s17 =	sshrl.u32 s16, $0x3;
	s22 =	sshrl.u32 s20, $0x3;
	s23 =	sshrl.u32 s21, $0x3  }
0x1b: {  	[dreg:$0x11] =	wrdreg s25;
	s16 =	simm.s32 $0x2980;
	s20 =	simm.s32 $0x7  }
0x1c: {  	s21 =	simm.s32 $0x3;
	[dreg:$0xb] =	wrdreg s28;
	s1 =	sadd.s32 s17, s31  }
0x1d: {  	s24 =	sadd.s32 s23, s31;
	[dreg:$0xd] =	wrdreg s1;
	s1 =	sshrl.u32 s19, $0x3  }
0x1e: {  	s23 =	simm.s32 $0xC;
	[dreg:$0x10] =	wrdreg s24;
	s1 =	sadd.s32 s1, s31  }
0x1f: {  	s17 =	simm.s32 $0x1;
	[dreg:$0xe] =	wrdreg s1;
	s1 =	sadd.s32 s22, s31  }
0x20: {  	v0 =	vimm.f32 $0.0e+00;
	s24 =	simm.s32 $0x28;
	s19 =	simm.s32 $0x2;
	[dreg:$0xf] =	wrdreg s1  }
.LBB2_1:
0x21: {  	[dreg:$0x14] =	wrdreg s4  }
0x22: {  	s1 =	rddreg [dreg:$0x3];
	s26 =	simm.s32 $0x0  }
0x23: {  	[tilespmem:s26], [sflag:$0xC] =	stream.linear.gather [hbm4b:s1+s26], $0x2710, $0x38;
	[tilespmem:$0x1DA80] =	vst v63  }
0x24: {  	_ =	swait.ge [sflag:s23], $0x2710  }
0x25: {  	[sflag:s23] =	ssyncset.done $0x0  }
0x26: {  	[sflag:s23] =	ssyncadd.s32 $0xFFFFD8F0  }
0x27: {  	[tilespmem:s6], [sflag:$0x1] =	stream.indirect.gather [hbm4b:s5+s24], $0x80, s26, s24, $0xb8;
	[tilespmem:$0x1DA80] =	vst v63  }
0x28: {  	s6 =	rddreg [dreg:$0x4]  }
0x29: {  	[tilespmem:s30], [sflag:$0x6] =	stream.linear.gather [hbm4b:s6+s26], $0x28, $0x38;
	[tilespmem:$0x1DA80] =	vst v63  }
0x2a: {  	_ = 	snop  }
0x2b: {  	[tilespmem:s7], [sflag:$0x2] =	stream.indirect.gather [hbm4b:s5+s24], $0x80, s24, s24, $0xb8;
	[tilespmem:$0x1DA80] =	vst v63  }
0x2c: {  	s7 =	rddreg [dreg:$0x5]  }
0x2d: {  	[tilespmem:s9], [sflag:$0x7] =	stream.linear.gather [hbm4b:s7+s26], $0x28, $0x38;
	[tilespmem:$0x1DA80] =	vst v63  }
0x2e: {  	s9 =	simm.s32 $0x50  }
0x2f: {  	[tilespmem:s3], [sflag:$0x3] =	stream.indirect.gather [hbm4b:s5+s24], $0x80, s9, s24, $0xb8;
	[tilespmem:$0x1DA80] =	vst v63  }
0x30: {  	s13 =	rddreg [dreg:$0x6]  }
0x31: {  	[tilespmem:s11], [sflag:$0x8] =	stream.linear.gather [hbm4b:s13+s26], $0x28, $0x38;
	[tilespmem:$0x1DA80] =	vst v63  }
0x32: {  	s15 =	simm.s32 $0x78  }
0x33: {  	[tilespmem:s12], [sflag:$0x4] =	stream.indirect.gather [hbm4b:s5+s24], $0x80, s15, s24, $0xb8;
	[tilespmem:$0x1DA80] =	vst v63  }
0x34: {  	s22 =	rddreg [dreg:$0x7]  }
0x35: {  	[tilespmem:s14], [sflag:$0x9] =	stream.linear.gather [hbm4b:s22+s26], $0x28, $0x38;
	[tilespmem:$0x1DA80] =	vst v63  }
.Ltmp0:
0x36: {  	_ = 	snop;
	(pc) =	sbr.rel @p0 .LBB2_5-.Ltmp0, $4  }
0x37: {  	s25 =	simm.s32 $0xA0;
	s4 =	simm.s32 $0xA;
	s7 =	simm.s32 $0x9  }
0x38: {  	[tilespmem:s8], [sflag:$0x5] =	stream.indirect.gather [hbm4b:s5+s24], $0x80, s25, s24, $0xb8;
	[tilespmem:$0x1DA80] =	vst v63  }
0x39: {  	s3 =	simm.s32 $0x5;
	s26 =	rddreg [dreg:$0x8];
	s8 =	simm.s32 $0x0  }
0x3a: {  	[tilespmem:s16], [sflag:$0xA] =	stream.linear.gather [hbm4b:s26+s8], $0x28, $0x38;
	[tilespmem:$0x1DA80] =	vst v63  }
0x3b: {  	s6 =	sand.u32 $0x7E00, s8  }
0x3c: {  	s13 =	sand.u32 $0x70, s8;
	s15 =	sshrl.u32 s6, $0x2  }
0x3d: {  	s6 =	simm.s32 $0x40;
	s15 =	sor.u32 s13, s15;
	s13 =	simm.s32 $0x0  }
.LBB2_3:
0x3e: {  	p2 =	sne.s32 s6, $0x4FC0  }
0x3f: {  	[tilespmem:s15+$0x8E00] =	vst v0;
	s13 =	sadd.s32 $0x10, s13;
	s15 =	smov.u32 s6;
	s6 =	sadd.s32 $0x40, s6  }
.Ltmp1:
0x40: {  	(pc) =	sbr.rel @p2 .LBB2_3-.Ltmp1, $4  }
0x41: {  	_ = 	snop  }
0x42: {  	s15 =	sand.u32 $0x7E00, s15  }
0x43: {  	s22 =	sand.u32 $0x70, s13;
	s15 =	sshrl.u32 s15, $0x2  }
0x44: {  	s15 =	sor.u32 s22, s15  }
0x45: {  	[tilespmem:s15+$0x8E00] =	vst v0  }
.LBB2_5:
0x46: {  	s6 =	sadd.s32 $0x0, s0  }
0x47: {  	p3 =	sgt.u32 s6, $0xF9  }
0x48: {  	s15 =	simm.s32 $0x10;
	p4 =	sne.s32 @!p3 s2, $0x0  }
0x49: {  	s13 =	rddreg [dreg:$0xc];
	s6 =	smov.u32 s28;
	p2 =	por p4, p3  }
.LBB2_6:
0x4a: {  	s22 =	sadd.s32 s15, s0;
	p3 =	por !p4, p3  }
0x4b: {  	s25 =	sshll.u32 @!p2 s0, $0x6;
	s28 =	sshrl.u32 @!p2 s6, $0x3;
	s15 =	sadd.s32 $0x10, s15  }
0x4c: {  	s26 =	simm.s32 @!p3 $0x8E00;
	s25 =	sor.u32 @!p2 $0x1C0B, s25;
	p5 =	sne.s32 s15, $0x100  }
0x4d: {  	[spmem:s6] =	stream.linear.scatter @!p3 [tilespmem:s26], [sflag:$0xB], $0x1400, $0x38;
	[tilespmem:$0x1DA80] =	vst v63  }
.Ltmp2:
0x4e: {  	_ = 	snop;
	(pc) =	sbr.rel @p5 .LBB2_6-.Ltmp2, $4  }
0x4f: {  	[spmem:s28], [sflag:s25] =	dma.local @!p2 [hbm:s13], $0x280  }
0x50: {  	p3 =	sgt.u32 s22, $0xF9  }
0x51: {  	p4 =	sne.s32 @!p3 s2, $0x0  }
0x52: {  	s6 =	sadd.s32 $0x14000, s6;
	s13 =	sadd.s32 $0x2800, s13;
	p2 =	por p4, p3  }
0x53: {  	p3 =	por !p4, p3;
	s15 =	sshll.u32 @!p2 s0, $0x6  }
0x54: {  	s25 =	sshrl.u32 @!p2 s6, $0x3;
	s22 =	simm.s32 @!p3 $0x8E00;
	s15 =	sor.u32 @!p2 $0x1C0B, s15  }
0x55: {  	[spmem:s6] =	stream.linear.scatter @!p3 [tilespmem:s22], [sflag:$0xB], $0x1400, $0x38;
	[tilespmem:$0x1DA80] =	vst v63  }
0x56: {  	[spmem:s25], [sflag:s15] =	dma.local @!p2 [hbm:s13], $0x280  }
0x57: {  	p2 =	sle.u32 s29, $0x0  }
0x58: {  	p3 =	sne.s32 @!p2 s2, $0x0  }
0x59: {  	p5 =	por !p3, p2  }
0x5a: {  	s6 =	simm.s32 @!p5 $0xB  }
0x5b: {  	_ =	swait.ge @!p5 [sflag:s6], $0x1400  }
0x5c: {  	s0 =	simm.s32 $0x8;
	p4 =	por p3, p2;
	[sflag:s6] =	ssyncset.done @!p5 $0x0  }
0x5d: {  	p2 =	sle.u32 s29, $0x10;
	s13 =	simm.s32 @!p4 $0xB;
	[sflag:s6] =	ssyncadd.s32 @!p5 $0xFFFFEC00  }
0x5e: {  	s1 =	simm.s32 $0x4;
	p3 =	sne.s32 @!p2 s2, $0x0;
	_ =	swait.ge @!p4 [sflag:s13], $0x280  }
0x5f: {  	s6 =	simm.s32 $0x20;
	p5 =	por !p3, p2;
	[sflag:s13] =	ssyncset.done @!p4 $0x0  }
.LBB2_8:
0x60: {  	[sflag:s13] =	ssyncadd.s32 @!p4 $0xFFFFFD80;
	s13 =	smov.u32 s6;
	s6 =	sadd.s32 $0x10, s6  }
0x61: {  	s15 =	simm.s32 @!p5 $0xB;
	p6 =	sne.s32 s6, $0x100  }
.Ltmp3:
0x62: {  	_ =	swait.ge @!p5 [sflag:s15], $0x1400;
	(pc) =	sbr.rel @p6 .LBB2_8-.Ltmp3, $4  }
0x63: {  	p4 =	por p3, p2;
	[sflag:s15] =	ssyncset.done @!p5 $0x0  }
0x64: {  	p2 =	sge.u32 s13, s29;
	s13 =	simm.s32 @!p4 $0xB;
	[sflag:s15] =	ssyncadd.s32 @!p5 $0xFFFFEC00  }
0x65: {  	p3 =	sne.s32 @!p2 s2, $0x0;
	_ =	swait.ge @!p4 [sflag:s13], $0x280  }
0x66: {  	p5 =	por !p3, p2;
	[sflag:s13] =	ssyncset.done @!p4 $0x0  }
0x67: {  	s6 =	simm.s32 @!p5 $0xB;
	[sflag:s13] =	ssyncadd.s32 @!p4 $0xFFFFFD80  }
0x68: {  	_ =	swait.ge @!p5 [sflag:s6], $0x1400  }
0x69: {  	p2 =	por p3, p2;
	[sflag:s6] =	ssyncset.done @!p5 $0x0  }
0x6a: {  	[sflag:s6] =	ssyncadd.s32 @!p5 $0xFFFFEC00;
	s6 =	simm.s32 @!p2 $0xB  }
0x6b: {  	_ =	swait.ge @!p2 [sflag:s6], $0x280  }
0x6c: {  	[sflag:s6] =	ssyncset.done @!p2 $0x0  }
0x6d: {  	[sflag:s6] =	ssyncadd.s32 @!p2 $0xFFFFFD80  }
0x6e: {  	[bflag:$0x0] =	sbarrier.arrive $0xFFFF  }
0x6f: {  	_ =	swait.ge [sflag:s17], $0x1400  }
0x70: {  	[sflag:s17] =	ssyncset.done $0x0  }
0x71: {  	[sflag:s17] =	ssyncadd.s32 $0xFFFFEC00  }
0x72: {  	_ =	swait.ge [sflag:s18], $0x28  }
0x73: {  	[sflag:s18] =	ssyncset.done $0x0  }
0x74: {  	s2 =	simm.s32 $0x2A00;
	[sflag:s18] =	ssyncadd.s32 $0xFFFFFFD8  }
0x75: {  	[spmem:s10] =	stream.indirect.scatter.add.f32 [tilespmem:s2], [sflag:$0xC], $0x80, s30, s24, $0xb8;
	[tilespmem:$0x1DA80] =	vst v63  }
0x76: {  	_ =	swait.ge [sflag:s23], $0x1400  }
0x77: {  	[sflag:s23] =	ssyncset.done $0x0;
	s22 =	rddreg [dreg:$0x11]  }
0x78: {  	s17 =	simm.s32 $0xC8;
	[sflag:s23] =	ssyncadd.s32 $0xFFFFEC00;
	s18 =	sshrl.u32 s22, $0x3  }
0x79: {  	[tilespmem:s2], [sflag:$0x1] =	stream.indirect.gather [hbm4b:s5+s24], $0x80, s17, s24, $0xb8;
	[tilespmem:$0x1DA80] =	vst v63  }
0x7a: {  	s25 =	sadd.s32 s31, s18  }
0x7b: {  	[tilespmem:s30], [sflag:$0x6] =	stream.linear.gather [hbm4b:s25+s8], $0x28, $0x38;
	[tilespmem:$0x1DA80] =	vst v63  }
0x7c: {  	_ =	swait.ge [sflag:s19], $0x1400  }
0x7d: {  	[sflag:s19] =	ssyncset.done $0x0  }
0x7e: {  	[sflag:s19] =	ssyncadd.s32 $0xFFFFEC00  }
0x7f: {  	_ =	swait.ge [sflag:s20], $0x28  }
0x80: {  	[sflag:s20] =	ssyncset.done $0x0  }
0x81: {  	s26 =	simm.s32 $0x3E00;
	s9 =	simm.s32 $0x2800;
	[sflag:s20] =	ssyncadd.s32 $0xFFFFFFD8  }
0x82: {  	[spmem:s10] =	stream.indirect.scatter.add.f32 [tilespmem:s26], [sflag:$0xC], $0x80, s9, s24, $0xb8;
	[tilespmem:$0x1DA80] =	vst v63  }
0x83: {  	_ =	swait.ge [sflag:s23], $0x1400  }
0x84: {  	[sflag:s23] =	ssyncset.done $0x0  }
0x85: {  	s29 =	simm.s32 $0xF0;
	[sflag:s23] =	ssyncadd.s32 $0xFFFFEC00  }
0x86: {  	[tilespmem:s26], [sflag:$0x2] =	stream.indirect.gather [hbm4b:s5+s24], $0x80, s29, s24, $0xb8;
	[tilespmem:$0x1DA80] =	vst v63  }
0x87: {  	s13 =	rddreg [dreg:$0x10]  }
0x88: {  	[tilespmem:s9], [sflag:$0x7] =	stream.linear.gather [hbm4b:s13+s8], $0x28, $0x38;
	[tilespmem:$0x1DA80] =	vst v63  }
0x89: {  	_ =	swait.ge [sflag:s21], $0x1400  }
0x8a: {  	[sflag:s21] =	ssyncset.done $0x0  }
0x8b: {  	[sflag:s21] =	ssyncadd.s32 $0xFFFFEC00  }
0x8c: {  	_ =	swait.ge [sflag:s0], $0x28  }
0x8d: {  	[sflag:s0] =	ssyncset.done $0x0  }
0x8e: {  	s11 =	simm.s32 $0x2880;
	s9 =	simm.s32 $0x5200;
	[sflag:s0] =	ssyncadd.s32 $0xFFFFFFD8  }
0x8f: {  	[spmem:s10] =	stream.indirect.scatter.add.f32 [tilespmem:s9], [sflag:$0xC], $0x80, s11, s24, $0xb8;
	[tilespmem:$0x1DA80] =	vst v63  }
0x90: {  	_ =	swait.ge [sflag:s23], $0x1400  }
0x91: {  	[sflag:s23] =	ssyncset.done $0x0  }
0x92: {  	s12 =	simm.s32 $0x118;
	[sflag:s23] =	ssyncadd.s32 $0xFFFFEC00  }
0x93: {  	[tilespmem:s9], [sflag:$0x3] =	stream.indirect.gather [hbm4b:s5+s24], $0x80, s12, s24, $0xb8;
	[tilespmem:$0x1DA80] =	vst v63  }
0x94: {  	s26 =	rddreg [dreg:$0xf]  }
0x95: {  	[tilespmem:s11], [sflag:$0x8] =	stream.linear.gather [hbm4b:s26+s8], $0x28, $0x38;
	[tilespmem:$0x1DA80] =	vst v63  }
0x96: {  	_ =	swait.ge [sflag:s1], $0x1400  }
0x97: {  	[sflag:s1] =	ssyncset.done $0x0  }
0x98: {  	[sflag:s1] =	ssyncadd.s32 $0xFFFFEC00  }
0x99: {  	_ =	swait.ge [sflag:s7], $0x28  }
0x9a: {  	[sflag:s7] =	ssyncset.done $0x0  }
0x9b: {  	s14 =	simm.s32 $0x6600;
	s11 =	simm.s32 $0x2900;
	[sflag:s7] =	ssyncadd.s32 $0xFFFFFFD8  }
0x9c: {  	[spmem:s10] =	stream.indirect.scatter.add.f32 [tilespmem:s14], [sflag:$0xC], $0x80, s11, s24, $0xb8;
	[tilespmem:$0x1DA80] =	vst v63  }
0x9d: {  	_ =	swait.ge [sflag:s23], $0x1400  }
0x9e: {  	[sflag:s23] =	ssyncset.done $0x0  }
0x9f: {  	s15 =	simm.s32 $0x140;
	[sflag:s23] =	ssyncadd.s32 $0xFFFFEC00  }
0xa0: {  	[tilespmem:s14], [sflag:$0x4] =	stream.indirect.gather [hbm4b:s5+s24], $0x80, s15, s24, $0xb8;
	[tilespmem:$0x1DA80] =	vst v63  }
0xa1: {  	s16 =	rddreg [dreg:$0xe]  }
0xa2: {  	[tilespmem:s11], [sflag:$0x9] =	stream.linear.gather [hbm4b:s16+s8], $0x28, $0x38;
	[tilespmem:$0x1DA80] =	vst v63  }
0xa3: {  	_ =	swait.ge [sflag:s3], $0x1400  }
0xa4: {  	s22 =	sadd.s32 $0xC8, s22;
	s18 =	simm.s32 $0x7A00;
	[sflag:s3] =	ssyncset.done $0x0  }
0xa5: {  	s17 =	simm.s32 $0x1;
	s25 =	simm.s32 $0x2980;
	[sflag:s3] =	ssyncadd.s32 $0xFFFFEC00  }
0xa6: {  	s19 =	simm.s32 $0x6;
	s20 =	simm.s32 $0x2;
	_ =	swait.ge [sflag:s4], $0x28  }
0xa7: {  	s6 =	sadd.s32 $0x19, s13;
	s29 =	simm.s32 $0x168;
	[sflag:s4] =	ssyncset.done $0x0  }
0xa8: {  	s21 =	simm.s32 $0x7;
	s0 =	simm.s32 $0x3;
	[sflag:s4] =	ssyncadd.s32 $0xFFFFFFD8  }
0xa9: {  	[spmem:s10] =	stream.indirect.scatter.add.f32 [tilespmem:s18], [sflag:$0xC], $0x80, s25, s24, $0xb8;
	[tilespmem:$0x1DA80] =	vst v63  }
0xaa: {  	s26 =	sadd.s32 $0x19, s26;
	s15 =	simm.s32 $0x320;
	_ =	swait.ge [sflag:s23], $0x1400  }
0xab: {  	s11 =	simm.s32 $0x0;
	[sflag:s23] =	ssyncset.done $0x0;
	s28 =	rddreg [dreg:$0xd]  }
0xac: {  	s25 =	sadd.s32 $0x19, s16;
	[sflag:s23] =	ssyncadd.s32 $0xFFFFEC00;
	s13 =	sadd.s32 $0x19, s28  }
0xad: {  	[tilespmem:s18], [sflag:$0x5] =	stream.indirect.gather [hbm4b:s5+s24], $0x80, s29, s24, $0xb8;
	[tilespmem:$0x1DA80] =	vst v63  }
.LBB2_10:
0xae: {  	s2 =	simm.s32 $0x2980  }
0xaf: {  	[tilespmem:s2], [sflag:$0xA] =	stream.linear.gather [hbm4b:s28+s11], $0x28, $0x38;
	[tilespmem:$0x1DA80] =	vst v63  }
0xb0: {  	s29 =	smov.u32 s15;
	s28 =	smov.u32 s13  }
0xb1: {  	p2 =	sne.s32 s15, $0x9600;
	s15 =	sadd.s32 $0x320, s15;
	_ =	swait.ge [sflag:s17], $0x1400  }
0xb2: {  	[sflag:s17] =	ssyncset.done $0x0  }
0xb3: {  	[sflag:s17] =	ssyncadd.s32 $0xFFFFEC00  }
0xb4: {  	_ =	swait.ge [sflag:s19], $0x28  }
0xb5: {  	[sflag:s19] =	ssyncset.done $0x0  }
0xb6: {  	s14 =	simm.s32 $0x2A00;
	[sflag:s19] =	ssyncadd.s32 $0xFFFFFFD8  }
0xb7: {  	[spmem:s10] =	stream.indirect.scatter.add.f32 [tilespmem:s14], [sflag:$0xC], $0x80, s30, s24, $0xb8;
	[tilespmem:$0x1DA80] =	vst v63  }
0xb8: {  	_ =	swait.ge [sflag:s23], $0x1400  }
0xb9: {  	s1 =	sshrl.u32 s22, $0x3;
	s29 =	sshra.s32 s29, $0x2;
	[sflag:s23] =	ssyncset.done $0x0  }
0xba: {  	s30 =	smov.u32 s31;
	s31 =	sadd.s32 $0xC8, s29;
	[sflag:s23] =	ssyncadd.s32 $0xFFFFEC00  }
0xbb: {  	[tilespmem:s14], [sflag:$0x1] =	stream.indirect.gather [hbm4b:s5+s24], $0x80, s31, s24, $0xb8;
	[tilespmem:$0x1DA80] =	vst v63  }
0xbc: {  	s12 =	simm.s32 $0x2A00;
	s31 =	smov.u32 s30;
	s30 =	simm.s32 $0x2780  }
0xbd: {  	s1 =	sadd.s32 s31, s1  }
0xbe: {  	[tilespmem:s30], [sflag:$0x6] =	stream.linear.gather [hbm4b:s1+s11], $0x28, $0x38;
	[tilespmem:$0x1DA80] =	vst v63  }
0xbf: {  	_ =	swait.ge [sflag:s20], $0x1400  }
0xc0: {  	[sflag:s20] =	ssyncset.done $0x0  }
0xc1: {  	[sflag:s20] =	ssyncadd.s32 $0xFFFFEC00  }
0xc2: {  	_ =	swait.ge [sflag:s21], $0x28  }
0xc3: {  	[sflag:s21] =	ssyncset.done $0x0  }
0xc4: {  	s16 =	simm.s32 $0x3E00;
	s8 =	simm.s32 $0x2800;
	[sflag:s21] =	ssyncadd.s32 $0xFFFFFFD8  }
0xc5: {  	[spmem:s10] =	stream.indirect.scatter.add.f32 [tilespmem:s16], [sflag:$0xC], $0x80, s8, s24, $0xb8;
	[tilespmem:$0x1DA80] =	vst v63  }
0xc6: {  	_ =	swait.ge [sflag:s23], $0x1400  }
0xc7: {  	[sflag:s23] =	ssyncset.done $0x0  }
0xc8: {  	s14 =	simm.s32 $0x3E00;
	s1 =	sadd.s32 $0xF0, s29;
	[sflag:s23] =	ssyncadd.s32 $0xFFFFEC00  }
0xc9: {  	[tilespmem:s16], [sflag:$0x2] =	stream.indirect.gather [hbm4b:s5+s24], $0x80, s1, s24, $0xb8;
	[tilespmem:$0x1DA80] =	vst v63  }
0xca: {  	s16 =	simm.s32 $0x2800  }
0xcb: {  	[tilespmem:s8], [sflag:$0x7] =	stream.linear.gather [hbm4b:s6+s11], $0x28, $0x38;
	[tilespmem:$0x1DA80] =	vst v63  }
0xcc: {  	_ =	swait.ge [sflag:s0], $0x1400  }
0xcd: {  	[sflag:s0] =	ssyncset.done $0x0  }
0xce: {  	s1 =	simm.s32 $0x8;
	[sflag:s0] =	ssyncadd.s32 $0xFFFFEC00  }
0xcf: {  	_ =	swait.ge [sflag:s1], $0x28  }
0xd0: {  	[sflag:s1] =	ssyncset.done $0x0  }
0xd1: {  	s18 =	simm.s32 $0x5200;
	s4 =	simm.s32 $0x2880;
	[sflag:s1] =	ssyncadd.s32 $0xFFFFFFD8  }
0xd2: {  	[spmem:s10] =	stream.indirect.scatter.add.f32 [tilespmem:s18], [sflag:$0xC], $0x80, s4, s24, $0xb8;
	[tilespmem:$0x1DA80] =	vst v63  }
0xd3: {  	_ =	swait.ge [sflag:s23], $0x1400  }
0xd4: {  	[sflag:s23] =	ssyncset.done $0x0  }
0xd5: {  	s8 =	simm.s32 $0x5200;
	s1 =	sadd.s32 $0x118, s29;
	[sflag:s23] =	ssyncadd.s32 $0xFFFFEC00  }
0xd6: {  	[tilespmem:s18], [sflag:$0x3] =	stream.indirect.gather [hbm4b:s5+s24], $0x80, s1, s24, $0xb8;
	[tilespmem:$0x1DA80] =	vst v63  }
0xd7: {  	s18 =	simm.s32 $0x2880;
	s1 =	simm.s32 $0x4  }
0xd8: {  	[tilespmem:s4], [sflag:$0x8] =	stream.linear.gather [hbm4b:s26+s11], $0x28, $0x38;
	[tilespmem:$0x1DA80] =	vst v63  }
0xd9: {  	_ =	swait.ge [sflag:s1], $0x1400  }
0xda: {  	[sflag:s1] =	ssyncset.done $0x0  }
0xdb: {  	[sflag:s1] =	ssyncadd.s32 $0xFFFFEC00;
	s1 =	simm.s32 $0x9  }
0xdc: {  	_ =	swait.ge [sflag:s1], $0x28  }
0xdd: {  	[sflag:s1] =	ssyncset.done $0x0  }
0xde: {  	s3 =	simm.s32 $0x6600;
	s9 =	simm.s32 $0x2900;
	[sflag:s1] =	ssyncadd.s32 $0xFFFFFFD8  }
0xdf: {  	[spmem:s10] =	stream.indirect.scatter.add.f32 [tilespmem:s3], [sflag:$0xC], $0x80, s9, s24, $0xb8;
	[tilespmem:$0x1DA80] =	vst v63  }
0xe0: {  	_ =	swait.ge [sflag:s23], $0x1400  }
0xe1: {  	[sflag:s23] =	ssyncset.done $0x0  }
0xe2: {  	s4 =	simm.s32 $0x6600;
	s1 =	sadd.s32 $0x140, s29;
	[sflag:s23] =	ssyncadd.s32 $0xFFFFEC00  }
0xe3: {  	[tilespmem:s3], [sflag:$0x4] =	stream.indirect.gather [hbm4b:s5+s24], $0x80, s1, s24, $0xb8;
	[tilespmem:$0x1DA80] =	vst v63  }
0xe4: {  	s3 =	simm.s32 $0x2900;
	s1 =	simm.s32 $0x5  }
0xe5: {  	[tilespmem:s9], [sflag:$0x9] =	stream.linear.gather [hbm4b:s25+s11], $0x28, $0x38;
	[tilespmem:$0x1DA80] =	vst v63  }
0xe6: {  	_ =	swait.ge [sflag:s1], $0x1400  }
0xe7: {  	[sflag:s1] =	ssyncset.done $0x0  }
0xe8: {  	[sflag:s1] =	ssyncadd.s32 $0xFFFFEC00;
	s1 =	simm.s32 $0xA  }
0xe9: {  	_ =	swait.ge [sflag:s1], $0x28  }
0xea: {  	[sflag:s1] =	ssyncset.done $0x0  }
0xeb: {  	s7 =	simm.s32 $0x7A00;
	[sflag:s1] =	ssyncadd.s32 $0xFFFFFFD8  }
0xec: {  	[spmem:s10] =	stream.indirect.scatter.add.f32 [tilespmem:s7], [sflag:$0xC], $0x80, s2, s24, $0xb8;
	[tilespmem:$0x1DA80] =	vst v63  }
.Ltmp4:
0xed: {  	_ =	swait.ge [sflag:s23], $0x1400;
	(pc) =	sbr.rel @p2 .LBB2_10-.Ltmp4, $4  }
0xee: {  	s22 =	sadd.s32 $0xC8, s22;
	s6 =	sadd.s32 $0x19, s6;
	[sflag:s23] =	ssyncset.done $0x0  }
0xef: {  	s9 =	simm.s32 $0x7A00;
	s1 =	sadd.s32 $0x168, s29;
	[sflag:s23] =	ssyncadd.s32 $0xFFFFEC00  }
0xf0: {  	[tilespmem:s7], [sflag:$0x5] =	stream.indirect.gather [hbm4b:s5+s24], $0x80, s1, s24, $0xb8;
	[tilespmem:$0x1DA80] =	vst v63  }
0xf1: {  	s13 =	sadd.s32 $0x19, s13;
	s26 =	sadd.s32 $0x19, s26;
	s25 =	sadd.s32 $0x19, s25  }
0xf2: {  	s1 =	simm.s32 $0x2980  }
0xf3: {  	[tilespmem:s1], [sflag:$0xA] =	stream.linear.gather [hbm4b:s28+s11], $0x28, $0x38;
	[tilespmem:$0x1DA80] =	vst v63  }
0xf4: {  	_ =	swait.ge [sflag:s17], $0x1400  }
0xf5: {  	[sflag:s17] =	ssyncset.done $0x0  }
0xf6: {  	[sflag:s17] =	ssyncadd.s32 $0xFFFFEC00  }
0xf7: {  	_ =	swait.ge [sflag:s19], $0x28  }
0xf8: {  	[sflag:s19] =	ssyncset.done $0x0  }
0xf9: {  	[sflag:s19] =	ssyncadd.s32 $0xFFFFFFD8  }
0xfa: {  	[spmem:s10] =	stream.indirect.scatter.add.f32 [tilespmem:s12], [sflag:$0xC], $0x80, s30, s24, $0xb8;
	[tilespmem:$0x1DA80] =	vst v63  }
0xfb: {  	_ =	swait.ge [sflag:s23], $0x1400  }
0xfc: {  	[sflag:s23] =	ssyncset.done $0x0  }
0xfd: {  	[sflag:s23] =	ssyncadd.s32 $0xFFFFEC00  }
0xfe: {  	_ =	swait.ge [sflag:s20], $0x1400  }
0xff: {  	[sflag:s20] =	ssyncset.done $0x0  }
0x100: {  	[sflag:s20] =	ssyncadd.s32 $0xFFFFEC00  }
0x101: {  	_ =	swait.ge [sflag:s21], $0x28  }
0x102: {  	[sflag:s21] =	ssyncset.done $0x0  }
0x103: {  	[sflag:s21] =	ssyncadd.s32 $0xFFFFFFD8  }
0x104: {  	[spmem:s10] =	stream.indirect.scatter.add.f32 [tilespmem:s14], [sflag:$0xC], $0x80, s16, s24, $0xb8;
	[tilespmem:$0x1DA80] =	vst v63  }
0x105: {  	_ =	swait.ge [sflag:s23], $0x1400  }
0x106: {  	[sflag:s23] =	ssyncset.done $0x0  }
0x107: {  	[sflag:s23] =	ssyncadd.s32 $0xFFFFEC00  }
0x108: {  	_ =	swait.ge [sflag:s0], $0x1400  }
0x109: {  	[sflag:s0] =	ssyncset.done $0x0  }
0x10a: {  	s20 =	simm.s32 $0x8;
	[sflag:s0] =	ssyncadd.s32 $0xFFFFEC00  }
0x10b: {  	_ =	swait.ge [sflag:s20], $0x28  }
0x10c: {  	[sflag:s20] =	ssyncset.done $0x0  }
0x10d: {  	[sflag:s20] =	ssyncadd.s32 $0xFFFFFFD8  }
0x10e: {  	[spmem:s10] =	stream.indirect.scatter.add.f32 [tilespmem:s8], [sflag:$0xC], $0x80, s18, s24, $0xb8;
	[tilespmem:$0x1DA80] =	vst v63  }
0x10f: {  	_ =	swait.ge [sflag:s23], $0x1400  }
0x110: {  	[sflag:s23] =	ssyncset.done $0x0  }
0x111: {  	s21 =	simm.s32 $0x4;
	[sflag:s23] =	ssyncadd.s32 $0xFFFFEC00  }
0x112: {  	_ =	swait.ge [sflag:s21], $0x1400  }
0x113: {  	[sflag:s21] =	ssyncset.done $0x0  }
0x114: {  	s22 =	simm.s32 $0x9;
	[sflag:s21] =	ssyncadd.s32 $0xFFFFEC00  }
0x115: {  	_ =	swait.ge [sflag:s22], $0x28  }
0x116: {  	[sflag:s22] =	ssyncset.done $0x0  }
0x117: {  	[sflag:s22] =	ssyncadd.s32 $0xFFFFFFD8  }
0x118: {  	[spmem:s10] =	stream.indirect.scatter.add.f32 [tilespmem:s4], [sflag:$0xC], $0x80, s3, s24, $0xb8;
	[tilespmem:$0x1DA80] =	vst v63  }
0x119: {  	_ =	swait.ge [sflag:s23], $0x1400  }
0x11a: {  	[sflag:s23] =	ssyncset.done $0x0  }
0x11b: {  	s25 =	simm.s32 $0x5;
	[sflag:s23] =	ssyncadd.s32 $0xFFFFEC00  }
0x11c: {  	_ =	swait.ge [sflag:s25], $0x1400  }
0x11d: {  	[sflag:s25] =	ssyncset.done $0x0  }
0x11e: {  	s26 =	simm.s32 $0xA;
	[sflag:s25] =	ssyncadd.s32 $0xFFFFEC00  }
0x11f: {  	s6 =	simm.s32 $0x10;
	_ =	swait.ge [sflag:s26], $0x28  }
0x120: {  	s7 =	simm.s32 $0x3E00;
	s11 =	simm.s32 $0x2880;
	[sflag:s26] =	ssyncset.done $0x0  }
0x121: {  	s19 =	simm.s32 $0x2;
	s12 =	simm.s32 $0x6600;
	[sflag:s26] =	ssyncadd.s32 $0xFFFFFFD8  }
0x122: {  	[spmem:s10] =	stream.indirect.scatter.add.f32 [tilespmem:s9], [sflag:$0xC], $0x80, s1, s24, $0xb8;
	[tilespmem:$0x1DA80] =	vst v63  }
0x123: {  	s14 =	simm.s32 $0x2900;
	s0 =	stileid.u32;
	_ =	swait.ge [sflag:s23], $0x1400  }
0x124: {  	s16 =	simm.s32 $0x2980;
	s29 =	sadd.s32 $0x0, s0;
	[sflag:s23] =	ssyncset.done $0x0  }
0x125: {  	p2 =	sgt.u32 s29, $0xF9;
	s20 =	simm.s32 $0x7;
	[sflag:s23] =	ssyncadd.s32 $0xFFFFEC00  }
0x126: {  	s8 =	simm.s32 $0x7A00;
	s21 =	simm.s32 $0x3;
	[bflag:$0x0] =	sbarrier.arrive $0xFFFF  }
0x127: {  	s3 =	simm.s32 $0x5200;
	s1 =	sshll.u32 @!p2 s0, $0x6;
	s28 =	rddreg [dreg:$0xb]  }
0x128: {  	s9 =	simm.s32 $0x2800;
	s25 =	sor.u32 @!p2 $0x1C0B, s1;
	s22 =	rddreg [dreg:$0x12]  }
0x129: {  	s13 =	sadd.s32 $0x14000, s28;
	s26 =	sshrl.u32 @!p2 s28, $0x3;
	s15 =	sadd.s32 $0x2800, s22  }
.LBB2_12:
0x12a: {  	[hbm:s22], [sflag:s25] =	dma.local @!p2 [spmem:s26], $0x280  }
0x12b: {  	s1 =	smov.u32 s6;
	s6 =	sadd.s32 $0x10, s6  }
0x12c: {  	p3 =	sne.s32 s6, $0x100  }
.Ltmp5:
0x12d: {  	(pc) =	sbr.rel @p3 .LBB2_12-.Ltmp5, $4  }
0x12e: {  	s26 =	smov.u32 s13;
	s1 =	sadd.s32 s1, s0  }
0x12f: {  	s22 =	smov.u32 s15;
	p2 =	sgt.u32 s1, $0xF9  }
0x130: {  	s13 =	sadd.s32 $0x14000, s13;
	s1 =	sshll.u32 @!p2 s0, $0x6  }
0x131: {  	s15 =	sadd.s32 $0x2800, s15;
	s26 =	sshrl.u32 @!p2 s26, $0x3;
	s25 =	sor.u32 @!p2 $0x1C0B, s1  }
0x132: {  	[hbm:s22], [sflag:s25] =	dma.local @!p2 [spmem:s26], $0x280  }
0x133: {  	s1 =	simm.s32 $0xB  }
0x134: {  	_ =	swait.ge [sflag:s1], $0x280  }
0x135: {  	[sflag:s1] =	ssyncset.done $0x0  }
0x136: {  	[sflag:s1] =	ssyncadd.s32 $0xFFFFFD80  }
0x137: {  	_ =	swait.ge [sflag:s1], $0x280  }
0x138: {  	[sflag:s1] =	ssyncset.done $0x0  }
0x139: {  	[sflag:s1] =	ssyncadd.s32 $0xFFFFFD80  }
0x13a: {  	_ =	swait.ge [sflag:s1], $0x280  }
0x13b: {  	[sflag:s1] =	ssyncset.done $0x0  }
0x13c: {  	[sflag:s1] =	ssyncadd.s32 $0xFFFFFD80  }
0x13d: {  	_ =	swait.ge [sflag:s1], $0x280  }
0x13e: {  	[sflag:s1] =	ssyncset.done $0x0  }
0x13f: {  	[sflag:s1] =	ssyncadd.s32 $0xFFFFFD80  }
0x140: {  	_ =	swait.ge [sflag:s1], $0x280  }
0x141: {  	[sflag:s1] =	ssyncset.done $0x0  }
0x142: {  	[sflag:s1] =	ssyncadd.s32 $0xFFFFFD80  }
0x143: {  	_ =	swait.ge [sflag:s1], $0x280  }
0x144: {  	[sflag:s1] =	ssyncset.done $0x0  }
0x145: {  	[sflag:s1] =	ssyncadd.s32 $0xFFFFFD80  }
0x146: {  	_ =	swait.ge [sflag:s1], $0x280  }
0x147: {  	[sflag:s1] =	ssyncset.done $0x0  }
0x148: {  	[sflag:s1] =	ssyncadd.s32 $0xFFFFFD80  }
0x149: {  	_ =	swait.ge [sflag:s1], $0x280  }
0x14a: {  	[sflag:s1] =	ssyncset.done $0x0  }
0x14b: {  	[sflag:s1] =	ssyncadd.s32 $0xFFFFFD80  }
0x14c: {  	_ =	swait.ge [sflag:s1], $0x280  }
0x14d: {  	[sflag:s1] =	ssyncset.done $0x0  }
0x14e: {  	[sflag:s1] =	ssyncadd.s32 $0xFFFFFD80  }
0x14f: {  	_ =	swait.ge [sflag:s1], $0x280  }
0x150: {  	[sflag:s1] =	ssyncset.done $0x0  }
0x151: {  	[sflag:s1] =	ssyncadd.s32 $0xFFFFFD80  }
0x152: {  	_ =	swait.ge [sflag:s1], $0x280  }
0x153: {  	[sflag:s1] =	ssyncset.done $0x0  }
0x154: {  	[sflag:s1] =	ssyncadd.s32 $0xFFFFFD80  }
0x155: {  	_ =	swait.ge [sflag:s1], $0x280  }
0x156: {  	[sflag:s1] =	ssyncset.done $0x0  }
0x157: {  	[sflag:s1] =	ssyncadd.s32 $0xFFFFFD80  }
0x158: {  	_ =	swait.ge [sflag:s1], $0x280  }
0x159: {  	[sflag:s1] =	ssyncset.done $0x0  }
0x15a: {  	[sflag:s1] =	ssyncadd.s32 $0xFFFFFD80  }
0x15b: {  	_ =	swait.ge [sflag:s1], $0x280  }
0x15c: {  	[sflag:s1] =	ssyncset.done $0x0  }
0x15d: {  	[sflag:s1] =	ssyncadd.s32 $0xFFFFFD80  }
0x15e: {  	_ =	swait.ge [sflag:s1], $0x280  }
0x15f: {  	[sflag:s1] =	ssyncset.done $0x0  }
0x160: {  	[sflag:s1] =	ssyncadd.s32 $0xFFFFFD80;
	s1 =	simm.s32 @!p1 $0xB  }
0x161: {  	_ =	swait.ge @!p1 [sflag:s1], $0x280  }
0x162: {  	s4 =	rddreg [dreg:$0x14]  }
0x163: {  	s6 =	rddreg [dreg:$0xa];
	s4 =	sadd.s32 $0x1, s4  }
0x164: {  	p2 =	sne.s32 s4, s6  }
.Ltmp6:
0x165: {  	_ = 	snop;
	(pc) =	sbr.rel @p2 .LBB2_1-.Ltmp6, $4  }
0x166: {  	_ = 	snop  }
0x167: {  	s17 =	simm.s32 $0x1  }
0x168: {  	s18 =	simm.s32 $0x6;
	[sflag:s1] =	ssyncset.done @!p1 $0x0;
	s29 =	rddreg [dreg:$0x9]  }
0x169: {  	s2 =	rddreg [dreg:$0x13];
	[sflag:s1] =	ssyncadd.s32 @!p1 $0xFFFFFD80;
	s6 =	simm.s32 $0x2A00  }
0x16a: {  	_ =	sfence.sel $0x180000  }
0x16b: {  	[bflag:$0x0] =	sbarrier.arrive $0xFFFF  }
0x16c: {  	_ =	strace $0x9000004A  }
0x16d: {  	[bflag:$0x2] =	sbarrier.arrive $0xFFFF  }
0x16e: {  	p0 =	sne.s32 s0, $0x0;
	s0 =	rddreg [dreg:$0x2]  }
0x16f: {  	s0 =	sadd.s32 @!p0 $0x100000, s0  }
0x170: {  	[sflag:s0] =	ssyncadd.tile.s32 @!p0 $0x1;
	_ =	shalt  }
.Lfunc_end2:
_tile_overlayer_lowered:
.L_overlay_start_2:
0x171: {  	(tag) =	ssettag $0x2  }
0x172: {  	s0 =	rddreg [dreg:$0x0];
	s2 =	stileid.u32  }
0x173: {  	s1 =	rddreg [dreg:$0x1];
	p0 =	sne.s32 s2, $0x0  }
0x174: {  	s3 =	rddreg [dreg:$0x2];
	[bflag:$0x3] =	sbarrier.arrive $0xFFFF;
	s2 =	simm.s32 @!p0 $0x1C0C  }
0x175: {  	[timem:s3], [sflag:s2] =	dma.local @!p0 [hbm:s0], s1  }
0x176: {  	s0 =	simm.s32 @!p0 $0xC  }
0x177: {  	_ =	swait.ge @!p0 [sflag:s0], s1  }
0x178: {  	s1 =	ssub.s32 @!p0 $0x0, s1;
	[sflag:s0] =	ssyncset.done @!p0 $0x0  }
0x179: {  	[sflag:s0] =	ssyncadd.s32 @!p0 s1  }
0x17a: {  	[bflag:$0x3] =	sbarrier.arrive $0xFFFF  }
0x17b: {  	_ =	shalt  }

// kernel: kernel.14.cloned.1.call-start
scs
__scs_entry_jumppad:
0x0: {  	(pc) =	sbr.rel $0x88, $3  }
0x1: {  	(tag) =	ssettag $0x0;
	lr =	simm.s32 $0x1  }
0x2: {  	[smem:$0x3F94] =	sst lr;
	_ =	strace $0xD0000000  }
0x3: {  	_ = 	snop  }
0x4: {  	_ = 	snop  }
0x5: {  	_ = 	snop  }
0x6: {  	_ = 	snop  }
0x7: {  	_ = 	snop  }
__scs_overlays_trampoline_lowered:
0x8: {  	[smem:$0x3FA3] =	sst s0  }
0x9: {  	[smem:$0x3FA4] =	sst s1  }
0xa: {  	[smem:$0x3FA5] =	sst s2  }
0xb: {  	[smem:$0x3FA6] =	sst s3  }
0xc: {  	[smem:$0x3FA7] =	sst s4  }
0xd: {  	[smem:$0x3FA8] =	sst s5  }
0xe: {  	[smem:$0x3FA9] =	sst s6  }
0xf: {  	[smem:$0x3FAA] =	sst s7  }
0x10: {  	[smem:$0x3FAB] =	sst s8  }
0x11: {  	[smem:$0x3FAC] =	sst s9;
	s0 =	simm.s32 @!p0 $0x0  }
0x12: {  	s1 =	sld [smem:$0x3F92];
	s0 =	simm.s32 @p0 $0x1  }
0x13: {  	[smem:$0x3FAD] =	sst s0;
	s0 =	simm.s32 @!p1 $0x0  }
0x14: {  	s2 =	sld [smem:$0x3F91];
	s0 =	simm.s32 @p1 $0x1  }
0x15: {  	[smem:$0x3FAE] =	sst s0;
	s0 =	simm.s32 @!p2 $0x0  }
0x16: {  	s3 =	sld [smem:$0x3FDB];
	s0 =	simm.s32 @p2 $0x1  }
0x17: {  	s4 =	simm.s32 $0x1BF5;
	[smem:$0x3FB0] =	sst s0  }
0x18: {  	s0 =	sld [smem:$0x3F93];
	_ =	swait.ge [sflag:s4], $0x0  }
0x19: {  	s7 =	sld [smem:$0x3F94]  }
0x1a: {  	s8 =	sadd.s32 $0xFFFFE003, lr  }
0x1b: {  	s9 =	sadd.s32 $0xFFFFFEF7, lr;
	s5 =	simm.s32 $0xFFFFFFFF;
	p2 =	slt.u32 s8, $0xFFFFF086  }
0x1c: {  	p1 =	slt.u32 s9, $0xF7A;
	s5 =	simm.s32 @!p2 $0x0  }
0x1d: {  	s5 =	simm.s32 @p1 $0x1;
	p0 =	seq.s32 s7, s2  }
0x1e: {  	s7 =	smul.u32 @!p0 $0xF7A, s2;
	p2 =	seq.s32 @!p0 s5, $0x0  }
0x1f: {  	s9 =	smul.u32 $0xF7A, s1;
	s8 =	simm.s32 @!p0 $0x1BF5;
	p2 =	por !p2, p0  }
0x20: {  	[sflag:s8] =	ssyncset.s32 @!p0 $0xFFFFF086;
	s6 =	sadd.s32 @!p0 s3, s7;
	s7 =	simm.s32 @!p0 $0x108  }
0x21: {  	s3 =	sadd.s32 s3, s9;
	s6 =	sadd.s32 @!p0 $0x88, s6;
	s7 =	simm.s32 @p2 $0x1082  }
0x22: {  	[simem:s7], [sflag:s8] =	dma.local @!p0 [hbm:s6], $0xF7A  }
0x23: {  	s9 =	sor.u32 $0xD0000000, s2;
	s6 =	simm.s32 $0x108;
	_ =	swait.ge @!p0 [sflag:s8], $0x0  }
0x24: {  	s3 =	sadd.s32 $0x88, s3;
	s6 =	simm.s32 @!p1 $0x1082;
	[sflag:s4] =	ssyncset.s32 $0xFFFFF086  }
0x25: {  	[simem:s6], [sflag:s4] =	dma.local [hbm:s3], $0xF7A  }
0x26: {  	[smem:$0x3F94] =	sst s1;
	(tag) =	ssettag s2;
	_ =	strace s9  }
0x27: {  	s1 =	sld [smem:$0x3FA4]  }
0x28: {  	s2 =	sld [smem:$0x3FA5]  }
0x29: {  	s4 =	sld [smem:$0x3FA7]  }
0x2a: {  	p0 =	seq.s32 s5, $0x0;
	s5 =	sld [smem:$0x3FA8]  }
0x2b: {  	s6 =	sld [smem:$0x3FA9]  }
0x2c: {  	s7 =	sld [smem:$0x3FAA]  }
0x2d: {  	s3 =	simm.s32 $0x108;
	s8 =	sld [smem:$0x3FAB]  }
0x2e: {  	s3 =	simm.s32 @!p0 $0x1082;
	s9 =	sld [smem:$0x3FAC]  }
0x2f: {  	lr =	sadd.s32 s0, s3;
	s0 =	sld [smem:$0x3FA3]  }
0x30: {  	s3 =	sld [smem:$0x3FA6]  }
0x31: {  	[smem:$0x3FAF] =	sst s10  }
0x32: {  	s10 =	sld [smem:$0x3FAD];
	_ =	sdelay $0x3  }
0x33: {  	p0 =	seq.s32 s10, $0x1;
	s10 =	sld [smem:$0x3FAF];
	_ =	sdelay $0x3  }
0x34: {  	[smem:$0x3FAF] =	sst s10  }
0x35: {  	s10 =	sld [smem:$0x3FAE];
	_ =	sdelay $0x3  }
0x36: {  	p1 =	seq.s32 s10, $0x1;
	s10 =	sld [smem:$0x3FAF];
	_ =	sdelay $0x3  }
0x37: {  	[smem:$0x3FAF] =	sst s10  }
0x38: {  	s10 =	sld [smem:$0x3FB0]  }
0x39: {  	_ = 	snop;
	(pc) =	sbr.ind lr, $3  }
0x3a: {  	_ = 	snop  }
0x3b: {  	_ = 	snop  }
0x3c: {  	p2 =	seq.s32 s10, $0x1;
	s10 =	sld [smem:$0x3FAF]  }
0x3d: {  	_ =	shalt  }
0x3e: {  	_ =	shalt  }
0x3f: {  	_ =	shalt  }
0x40: {  	_ =	shalt  }
0x41: {  	_ =	shalt  }
0x42: {  	_ =	shalt  }
0x43: {  	_ =	shalt  }
0x44: {  	_ =	shalt  }
0x45: {  	_ =	shalt  }
0x46: {  	_ =	shalt  }
0x47: {  	_ =	shalt  }
0x48: {  	_ =	shalt  }
0x49: {  	_ =	shalt  }
0x4a: {  	_ =	shalt  }
0x4b: {  	_ =	shalt  }
0x4c: {  	_ =	shalt  }
0x4d: {  	_ =	shalt  }
0x4e: {  	_ =	shalt  }
0x4f: {  	_ =	shalt  }
0x50: {  	_ =	shalt  }
0x51: {  	_ =	shalt  }
0x52: {  	_ =	shalt  }
0x53: {  	_ =	shalt  }
0x54: {  	_ =	shalt  }
0x55: {  	_ =	shalt  }
0x56: {  	_ =	shalt  }
0x57: {  	_ =	shalt  }
0x58: {  	_ =	shalt  }
0x59: {  	_ =	shalt  }
0x5a: {  	_ =	shalt  }
0x5b: {  	_ =	shalt  }
0x5c: {  	_ =	shalt  }
0x5d: {  	_ =	shalt  }
0x5e: {  	_ =	shalt  }
0x5f: {  	_ =	shalt  }
0x60: {  	_ =	shalt  }
0x61: {  	_ =	shalt  }
0x62: {  	_ =	shalt  }
0x63: {  	_ =	shalt  }
0x64: {  	_ =	shalt  }
0x65: {  	_ =	shalt  }
0x66: {  	_ =	shalt  }
0x67: {  	_ =	shalt  }
0x68: {  	_ =	shalt  }
0x69: {  	_ =	shalt  }
0x6a: {  	_ =	shalt  }
0x6b: {  	_ =	shalt  }
0x6c: {  	_ =	shalt  }
0x6d: {  	_ =	shalt  }
0x6e: {  	_ =	shalt  }
0x6f: {  	_ =	shalt  }
0x70: {  	_ =	shalt  }
0x71: {  	_ =	shalt  }
0x72: {  	_ =	shalt  }
0x73: {  	_ =	shalt  }
0x74: {  	_ =	shalt  }
0x75: {  	_ =	shalt  }
0x76: {  	_ =	shalt  }
0x77: {  	_ =	shalt  }
0x78: {  	_ =	shalt  }
0x79: {  	_ =	shalt  }
0x7a: {  	_ =	shalt  }
0x7b: {  	_ =	shalt  }
0x7c: {  	_ =	shalt  }
0x7d: {  	_ =	shalt  }
0x7e: {  	_ =	shalt  }
0x7f: {  	_ =	shalt  }
0x80: {  	_ =	shalt  }
0x81: {  	_ =	shalt  }
0x82: {  	_ =	shalt  }
0x83: {  	_ =	shalt  }
0x84: {  	_ =	shalt  }
0x85: {  	_ =	shalt  }
0x86: {  	_ =	shalt  }
0x87: {  	_ =	shalt  }
.Lfunc_end0:
.L_simem_size_0:
called_computation.2_lowered:
.L_overlay_start_0:
0x88: {  	s2 =	sld [smem:$0x3FD9]  }
0x89: {  	s3 =	sld [smem:$0x3FFE];
	_ =	sdelay $0x1  }
0x8a: {  	s1 =	srdreg.scid  }
0x8b: {  	s0 =	sand.u32 $0x1, s1  }
0x8c: {  	s16 =	sshll.u32 s0, $0xA;
	s2 =	sadd.s32 s3, s2  }
0x8d: {  	s2 =	sadd.s32 s2, s16  }
0x8e: {  	[smem:$0x3FBB] =	sst s2  }
0x8f: {  	_ = 	snop  }
0x90: {  	(tm) =	ssettm $0x1  }
0x91: {  	s17 =	sld [smem:$0x3FFB];
	_ =	sdelay $0x3  }
0x92: {  	_ =	strace s17  }
0x93: {  	s2 =	sld [smem:$0x3FFC];
	_ =	sdelay $0x3  }
0x94: {  	_ =	strace s2  }
0x95: {  	s2 =	sld [smem:$0x3FFD];
	_ =	sdelay $0x3  }
0x96: {  	_ =	strace s2  }
0x97: {  	_ =	strace $0x8FFFFFFF  }
0x98: {  	s18 =	sld [smem:$0x3FDB];
	_ =	sdelay $0x1  }
0x99: {  	s19 =	simm.s32 $_scs_section_size  }
0x9a: {  	s4 =	simm.s32 $_size__tile_overlayer_lowered;
	s5 =	simm.s32 $_tile_overlayer_lowered  }
0x9b: {  	s22 =	simm.s32 $0x1BFF;
	s21 =	sshll.u32 s5, $0x1;
	s2 =	sadd.s32 s19, s18  }
0x9c: {  	s6 =	simm.s32 $0x0;
	s20 =	sshll.u32 s4, $0x1;
	s4 =	sadd.s32 s21, s2  }
0x9d: {  	[timem:s6], [sflag:s22] =	dma.local [hbm:s4], s20  }
0x9e: {  	_ =	swait.ge [sflag:s22], s20  }
0x9f: {  	s3 =	ssub.s32 $0x0, s20;
	[sflag:s22] =	ssyncset.done $0x0  }
0xa0: {  	[sflag:s22] =	ssyncadd.s32 s3;
	_ =	sdelay $0x1  }
0xa1: {  	s23 =	simm.s32 $0x1B8B  }
0xa2: {  	_ =	swait.ge [sflag:s23], $0x1  }
0xa3: {  	[sflag:s23] =	ssyncset.done $0x0  }
0xa4: {  	s25 =	simm.s32 $0x1B8E;
	s24 =	sld [smem:$0x3FFE];
	[sflag:s23] =	ssyncadd.s32 $0xFFFFFFFF  }
0xa5: {  	s26 =	simm.s32 $execute0_lowered;
	[smem:$0x3FD2] =	sst s25  }
0xa6: {  	s4 =	sshll.u32 s26, $0x1;
	_ =	strace $0x8000004C;
	[dreg:$0x1] =	wrdreg $0xFFFFFFFF  }
0xa7: {  	s28 =	simm.s32 $_size_execute0_lowered;
	s2 =	sadd.s32 s2, s4;
	[dreg:$0x0] =	wrdreg $0x0  }
0xa8: {  	s4 =	sshll.u32 s28, $0x1;
	[dreg:$0x2] =	wrdreg s2  }
0xa9: {  	[dreg:$0x3] =	wrdreg s4  }
0xaa: {  	[dreg:$0x4] =	wrdreg $0xC0  }
0xab: {  	_ =	task [dreg:s6], $0x5FFFF  }
0xac: {  	[dreg:$0x1] =	wrdreg $0xFFFFFFFF  }
0xad: {  	[dreg:$0x0] =	wrdreg $0x60  }
0xae: {  	[dreg:$0x2] =	wrdreg s24  }
0xaf: {  	[dreg:$0x3] =	wrdreg $0xA2000  }
0xb0: {  	[dreg:$0x4] =	wrdreg $0x9  }
0xb1: {  	_ =	task.clear_ibuf [dreg:s6], $0x5FFFF;
	_ =	strace $0x9000004C  }
0xb2: {  	s29 =	simm.s32 $0x9;
	_ =	strace $0x8000004E  }
0xb3: {  	_ =	swait.ge [sflag:s29], $0x1  }
0xb4: {  	[sflag:s29] =	ssyncadd.s32 $0xFFFFFFFF  }
0xb5: {  	_ =	strace $0x9000004E  }
0xb6: {  	_ =	sfence  }
0xb7: {  	s30 =	sld [smem:$0x0];
	_ =	sdelay $0x2  }
0xb8: {  	s31 =	sshll.u32 s1, $0xD;
	s1 =	sshrl.u32 s1, $0x2  }
0xb9: {  	s3 =	sand.u32 $0x4000, s31;
	s1 =	sadd.s32 s1, s30  }
0xba: {  	s0 =	sor.u32 s3, s0;
	s1 =	sshll.u32 s1, $0x11  }
0xbb: {  	s0 =	sor.u32 s1, s0  }
0xbc: {  	s0 =	sadd.s32 $0x8F2B, s0  }
0xbd: {  	[sflag:s0] =	ssyncadd.remote.s32 $0x1  }
0xbe: {  	_ =	sfence.sel $0xFFFF  }
0xbf: {  	[dreg:$0x0] =	wrdreg $0xFFFFFFFF;
	(pc) =	sbr.abs _section_cstart, $3  }
0xc0: {  	[dreg:$0x1] =	wrdreg $0xFFFFFFFF  }
0xc1: {  	_ =	task.clear_ibuf [dreg:s6], $0x2FFFF;
	_ =	strace $0x9FFFFFFF  }
0xc2: {  	(tm) =	ssettm $0x7FFFFFFF  }
0xc3: {  	_ =	shalt  }
tec
execute0_lowered:
.L_overlay_start_1:
0x0: {  	(tag) =	ssettag $0x1  }
0x1: {  	s1 =	srdreg.scid;
	s6 =	rddreg [dreg:$0x0]  }
0x2: {  	s0 =	stileid.u32;
	s4 =	rddreg [dreg:$0x1];
	s3 =	simm.s32 $0x0  }
0x3: {  	s30 =	simm.s32 $0x2780;
	s2 =	sand.u32 $0x1, s1;
	s8 =	smul.u32 $0x1400, s0  }
0x4: {  	s21 =	sshll.u32 s0, $0x1;
	[smem:$0x7FF] =	sst s3;
	s3 =	smul.u32 $0x4E20, s0  }
0x5: {  	s5 =	sadd.s32 $0x16000, s6;
	s31 =	sadd.s32 $0x2400, s6;
	s14 =	smul.u32 $0x5000, s0  }
0x6: {  	s29 =	ssub.s32 $0xFA, s0;
	s15 =	smul.u32 $0x280, s0;
	p1 =	sgt.u32 s0, $0x9  }
0x7: {  	s1 =	sor.u32 s2, s21;
	s7 =	smul.u32 $0x138800, s2;
	_ =	strace $0x8000004D  }
0x8: {  	s22 =	ssub.s32 $0x2, s2;
	s12 =	smul.u32 $0x2710, s2;
	[dreg:$0x9] =	wrdreg s29  }
0x9: {  	p0 =	seq.s32 s2, $0x0;
	[dreg:$0x13] =	wrdreg s2;
	s1 =	smul.u32 $0x2710, s1  }
0xa: {  	s11 =	sshrl.u32 s22, $0x1;
	s18 =	sadd.s32 s15, s5;
	s7 =	sadd.s32 s8, s7  }
0xb: {  	s23 =	ssub.s32 s22, s11;
	[dreg:$0xc] =	wrdreg s18;
	s11 =	simm.s32 $0x2880  }
0xc: {  	s18 =	simm.s32 $0x6;
	s9 =	sshrl.u32 s1, $0x3;
	s7 =	sshrl.u32 s7, $0x3  }
0xd: {  	s26 =	sadd.s32 $0x28, s1;
	s10 =	sadd.s32 s9, s6;
	s25 =	sadd.s32 s31, s9  }
0xe: {  	s6 =	sadd.s32 s7, s6;
	s7 =	smax.u32 s23, $0x1;
	[dreg:$0x4] =	wrdreg s25  }
0xf: {  	s8 =	sshrl.u32 s26, $0x3;
	s24 =	sadd.s32 $0xC200, s10;
	[dreg:$0xa] =	wrdreg s7  }
0x10: {  	s1 =	sadd.s32 $0x78, s1;
	s8 =	sadd.s32 s31, s8;
	[dreg:$0x3] =	wrdreg s24  }
0x11: {  	s1 =	sshrl.u32 s1, $0x3;
	s13 =	sadd.s32 $0xA, s25;
	[dreg:$0x5] =	wrdreg s8  }
0x12: {  	s9 =	simm.s32 $0x2800;
	s1 =	sadd.s32 s31, s1;
	[dreg:$0x6] =	wrdreg s13  }
0x13: {  	s10 =	sadd.s32 $0x14, s25;
	s26 =	sadd.s32 $0x3D200, s6;
	[dreg:$0x7] =	wrdreg s1  }
0x14: {  	s6 =	simm.s32 $0x2A00;
	s7 =	simm.s32 $0x3E00;
	[dreg:$0x8] =	wrdreg s10  }
0x15: {  	s8 =	sadd.s32 s12, s3;
	s1 =	sshrl.u32 s14, $0x2;
	s10 =	smov.u32 s4  }
0x16: {  	[dreg:$0x12] =	wrdreg s26;
	s3 =	simm.s32 $0x5200;
	s12 =	simm.s32 $0x6600  }
0x17: {  	s14 =	simm.s32 $0x2900;
	s16 =	sadd.s32 $0x168, s8;
	s28 =	sadd.s32 s1, s4  }
0x18: {  	s19 =	sadd.s32 $0x140, s8;
	s20 =	sadd.s32 $0x118, s8;
	s21 =	sadd.s32 $0xF0, s8  }
0x19: {  	s25 =	sadd.s32 $0xC8, s8;
	s8 =	simm.s32 $0x7A00;
	s4 =	simm.s32 $0x0  }
0x1a: {  	s17 =	sshrl.u32 s16, $0x3;
	s22 =	sshrl.u32 s20, $0x3;
	s23 =	sshrl.u32 s21, $0x3  }
0x1b: {  	[dreg:$0x11] =	wrdreg s25;
	s16 =	simm.s32 $0x2980;
	s20 =	simm.s32 $0x7  }
0x1c: {  	s21 =	simm.s32 $0x3;
	[dreg:$0xb] =	wrdreg s28;
	s1 =	sadd.s32 s17, s31  }
0x1d: {  	s24 =	sadd.s32 s23, s31;
	[dreg:$0xd] =	wrdreg s1;
	s1 =	sshrl.u32 s19, $0x3  }
0x1e: {  	s23 =	simm.s32 $0xC;
	[dreg:$0x10] =	wrdreg s24;
	s1 =	sadd.s32 s1, s31  }
0x1f: {  	s17 =	simm.s32 $0x1;
	[dreg:$0xe] =	wrdreg s1;
	s1 =	sadd.s32 s22, s31  }
0x20: {  	v0 =	vimm.f32 $0.0e+00;
	s24 =	simm.s32 $0x28;
	s19 =	simm.s32 $0x2;
	[dreg:$0xf] =	wrdreg s1  }
.LBB2_1:
0x21: {  	[dreg:$0x14] =	wrdreg s4  }
0x22: {  	s1 =	rddreg [dreg:$0x3];
	s26 =	simm.s32 $0x0  }
0x23: {  	[tilespmem:s26], [sflag:$0xC] =	stream.linear.gather [hbm4b:s1+s26], $0x2710, $0x38;
	[tilespmem:$0x1DA80] =	vst v63  }
0x24: {  	_ =	swait.ge [sflag:s23], $0x2710  }
0x25: {  	[sflag:s23] =	ssyncset.done $0x0  }
0x26: {  	[sflag:s23] =	ssyncadd.s32 $0xFFFFD8F0  }
0x27: {  	[tilespmem:s6], [sflag:$0x1] =	stream.indirect.gather [hbm4b:s5+s24], $0x80, s26, s24, $0xb8;
	[tilespmem:$0x1DA80] =	vst v63  }
0x28: {  	s6 =	rddreg [dreg:$0x4]  }
0x29: {  	[tilespmem:s30], [sflag:$0x6] =	stream.linear.gather [hbm4b:s6+s26], $0x28, $0x38;
	[tilespmem:$0x1DA80] =	vst v63  }
0x2a: {  	_ = 	snop  }
0x2b: {  	[tilespmem:s7], [sflag:$0x2] =	stream.indirect.gather [hbm4b:s5+s24], $0x80, s24, s24, $0xb8;
	[tilespmem:$0x1DA80] =	vst v63  }
0x2c: {  	s7 =	rddreg [dreg:$0x5]  }
0x2d: {  	[tilespmem:s9], [sflag:$0x7] =	stream.linear.gather [hbm4b:s7+s26], $0x28, $0x38;
	[tilespmem:$0x1DA80] =	vst v63  }
0x2e: {  	s9 =	simm.s32 $0x50  }
0x2f: {  	[tilespmem:s3], [sflag:$0x3] =	stream.indirect.gather [hbm4b:s5+s24], $0x80, s9, s24, $0xb8;
	[tilespmem:$0x1DA80] =	vst v63  }
0x30: {  	s13 =	rddreg [dreg:$0x6]  }
0x31: {  	[tilespmem:s11], [sflag:$0x8] =	stream.linear.gather [hbm4b:s13+s26], $0x28, $0x38;
	[tilespmem:$0x1DA80] =	vst v63  }
0x32: {  	s15 =	simm.s32 $0x78  }
0x33: {  	[tilespmem:s12], [sflag:$0x4] =	stream.indirect.gather [hbm4b:s5+s24], $0x80, s15, s24, $0xb8;
	[tilespmem:$0x1DA80] =	vst v63  }
0x34: {  	s22 =	rddreg [dreg:$0x7]  }
0x35: {  	[tilespmem:s14], [sflag:$0x9] =	stream.linear.gather [hbm4b:s22+s26], $0x28, $0x38;
	[tilespmem:$0x1DA80] =	vst v63  }
.Ltmp0:
0x36: {  	_ = 	snop;
	(pc) =	sbr.rel @p0 .LBB2_5-.Ltmp0, $4  }
0x37: {  	s25 =	simm.s32 $0xA0;
	s4 =	simm.s32 $0xA;
	s7 =	simm.s32 $0x9  }
0x38: {  	[tilespmem:s8], [sflag:$0x5] =	stream.indirect.gather [hbm4b:s5+s24], $0x80, s25, s24, $0xb8;
	[tilespmem:$0x1DA80] =	vst v63  }
0x39: {  	s3 =	simm.s32 $0x5;
	s26 =	rddreg [dreg:$0x8];
	s8 =	simm.s32 $0x0  }
0x3a: {  	[tilespmem:s16], [sflag:$0xA] =	stream.linear.gather [hbm4b:s26+s8], $0x28, $0x38;
	[tilespmem:$0x1DA80] =	vst v63  }
0x3b: {  	s6 =	sand.u32 $0x7E00, s8  }
0x3c: {  	s13 =	sand.u32 $0x70, s8;
	s15 =	sshrl.u32 s6, $0x2  }
0x3d: {  	s6 =	simm.s32 $0x40;
	s15 =	sor.u32 s13, s15;
	s13 =	simm.s32 $0x0  }
.LBB2_3:
0x3e: {  	p2 =	sne.s32 s6, $0x4FC0  }
0x3f: {  	[tilespmem:s15+$0x8E00] =	vst v0;
	s13 =	sadd.s32 $0x10, s13;
	s15 =	smov.u32 s6;
	s6 =	sadd.s32 $0x40, s6  }
.Ltmp1:
0x40: {  	(pc) =	sbr.rel @p2 .LBB2_3-.Ltmp1, $4  }
0x41: {  	_ = 	snop  }
0x42: {  	s15 =	sand.u32 $0x7E00, s15  }
0x43: {  	s22 =	sand.u32 $0x70, s13;
	s15 =	sshrl.u32 s15, $0x2  }
0x44: {  	s15 =	sor.u32 s22, s15  }
0x45: {  	[tilespmem:s15+$0x8E00] =	vst v0  }
.LBB2_5:
0x46: {  	s6 =	sadd.s32 $0x0, s0  }
0x47: {  	p3 =	sgt.u32 s6, $0xF9  }
0x48: {  	s15 =	simm.s32 $0x10;
	p4 =	sne.s32 @!p3 s2, $0x0  }
0x49: {  	s13 =	rddreg [dreg:$0xc];
	s6 =	smov.u32 s28;
	p2 =	por p4, p3  }
.LBB2_6:
0x4a: {  	s22 =	sadd.s32 s15, s0;
	p3 =	por !p4, p3  }
0x4b: {  	s25 =	sshll.u32 @!p2 s0, $0x6;
	s28 =	sshrl.u32 @!p2 s6, $0x3;
	s15 =	sadd.s32 $0x10, s15  }
0x4c: {  	s26 =	simm.s32 @!p3 $0x8E00;
	s25 =	sor.u32 @!p2 $0x1C0B, s25;
	p5 =	sne.s32 s15, $0x100  }
0x4d: {  	[spmem:s6] =	stream.linear.scatter @!p3 [tilespmem:s26], [sflag:$0xB], $0x1400, $0x38;
	[tilespmem:$0x1DA80] =	vst v63  }
.Ltmp2:
0x4e: {  	_ = 	snop;
	(pc) =	sbr.rel @p5 .LBB2_6-.Ltmp2, $4  }
0x4f: {  	[spmem:s28], [sflag:s25] =	dma.local @!p2 [hbm:s13], $0x280  }
0x50: {  	p3 =	sgt.u32 s22, $0xF9  }
0x51: {  	p4 =	sne.s32 @!p3 s2, $0x0  }
0x52: {  	s6 =	sadd.s32 $0x14000, s6;
	s13 =	sadd.s32 $0x2800, s13;
	p2 =	por p4, p3  }
0x53: {  	p3 =	por !p4, p3;
	s15 =	sshll.u32 @!p2 s0, $0x6  }
0x54: {  	s25 =	sshrl.u32 @!p2 s6, $0x3;
	s22 =	simm.s32 @!p3 $0x8E00;
	s15 =	sor.u32 @!p2 $0x1C0B, s15  }
0x55: {  	[spmem:s6] =	stream.linear.scatter @!p3 [tilespmem:s22], [sflag:$0xB], $0x1400, $0x38;
	[tilespmem:$0x1DA80] =	vst v63  }
0x56: {  	[spmem:s25], [sflag:s15] =	dma.local @!p2 [hbm:s13], $0x280  }
0x57: {  	p2 =	sle.u32 s29, $0x0  }
0x58: {  	p3 =	sne.s32 @!p2 s2, $0x0  }
0x59: {  	p5 =	por !p3, p2  }
0x5a: {  	s6 =	simm.s32 @!p5 $0xB  }
0x5b: {  	_ =	swait.ge @!p5 [sflag:s6], $0x1400  }
0x5c: {  	s0 =	simm.s32 $0x8;
	p4 =	por p3, p2;
	[sflag:s6] =	ssyncset.done @!p5 $0x0  }
0x5d: {  	p2 =	sle.u32 s29, $0x10;
	s13 =	simm.s32 @!p4 $0xB;
	[sflag:s6] =	ssyncadd.s32 @!p5 $0xFFFFEC00  }
0x5e: {  	s1 =	simm.s32 $0x4;
	p3 =	sne.s32 @!p2 s2, $0x0;
	_ =	swait.ge @!p4 [sflag:s13], $0x280  }
0x5f: {  	s6 =	simm.s32 $0x20;
	p5 =	por !p3, p2;
	[sflag:s13] =	ssyncset.done @!p4 $0x0  }
.LBB2_8:
0x60: {  	[sflag:s13] =	ssyncadd.s32 @!p4 $0xFFFFFD80;
	s13 =	smov.u32 s6;
	s6 =	sadd.s32 $0x10, s6  }
0x61: {  	s15 =	simm.s32 @!p5 $0xB;
	p6 =	sne.s32 s6, $0x100  }
.Ltmp3:
0x62: {  	_ =	swait.ge @!p5 [sflag:s15], $0x1400;
	(pc) =	sbr.rel @p6 .LBB2_8-.Ltmp3, $4  }
0x63: {  	p4 =	por p3, p2;
	[sflag:s15] =	ssyncset.done @!p5 $0x0  }
0x64: {  	p2 =	sge.u32 s13, s29;
	s13 =	simm.s32 @!p4 $0xB;
	[sflag:s15] =	ssyncadd.s32 @!p5 $0xFFFFEC00  }
0x65: {  	p3 =	sne.s32 @!p2 s2, $0x0;
	_ =	swait.ge @!p4 [sflag:s13], $0x280  }
0x66: {  	p5 =	por !p3, p2;
	[sflag:s13] =	ssyncset.done @!p4 $0x0  }
0x67: {  	s6 =	simm.s32 @!p5 $0xB;
	[sflag:s13] =	ssyncadd.s32 @!p4 $0xFFFFFD80  }
0x68: {  	_ =	swait.ge @!p5 [sflag:s6], $0x1400  }
0x69: {  	p2 =	por p3, p2;
	[sflag:s6] =	ssyncset.done @!p5 $0x0  }
0x6a: {  	[sflag:s6] =	ssyncadd.s32 @!p5 $0xFFFFEC00;
	s6 =	simm.s32 @!p2 $0xB  }
0x6b: {  	_ =	swait.ge @!p2 [sflag:s6], $0x280  }
0x6c: {  	[sflag:s6] =	ssyncset.done @!p2 $0x0  }
0x6d: {  	[sflag:s6] =	ssyncadd.s32 @!p2 $0xFFFFFD80  }
0x6e: {  	[bflag:$0x0] =	sbarrier.arrive $0xFFFF  }
0x6f: {  	_ =	swait.ge [sflag:s17], $0x1400  }
0x70: {  	[sflag:s17] =	ssyncset.done $0x0  }
0x71: {  	[sflag:s17] =	ssyncadd.s32 $0xFFFFEC00  }
0x72: {  	_ =	swait.ge [sflag:s18], $0x28  }
0x73: {  	[sflag:s18] =	ssyncset.done $0x0  }
0x74: {  	s2 =	simm.s32 $0x2A00;
	[sflag:s18] =	ssyncadd.s32 $0xFFFFFFD8  }
0x75: {  	[spmem:s10] =	stream.indirect.scatter.add.f32 [tilespmem:s2], [sflag:$0xC], $0x80, s30, s24, $0xb8;
	[tilespmem:$0x1DA80] =	vst v63  }
0x76: {  	_ =	swait.ge [sflag:s23], $0x1400  }
0x77: {  	[sflag:s23] =	ssyncset.done $0x0;
	s22 =	rddreg [dreg:$0x11]  }
0x78: {  	s17 =	simm.s32 $0xC8;
	[sflag:s23] =	ssyncadd.s32 $0xFFFFEC00;
	s18 =	sshrl.u32 s22, $0x3  }
0x79: {  	[tilespmem:s2], [sflag:$0x1] =	stream.indirect.gather [hbm4b:s5+s24], $0x80, s17, s24, $0xb8;
	[tilespmem:$0x1DA80] =	vst v63  }
0x7a: {  	s25 =	sadd.s32 s31, s18  }
0x7b: {  	[tilespmem:s30], [sflag:$0x6] =	stream.linear.gather [hbm4b:s25+s8], $0x28, $0x38;
	[tilespmem:$0x1DA80] =	vst v63  }
0x7c: {  	_ =	swait.ge [sflag:s19], $0x1400  }
0x7d: {  	[sflag:s19] =	ssyncset.done $0x0  }
0x7e: {  	[sflag:s19] =	ssyncadd.s32 $0xFFFFEC00  }
0x7f: {  	_ =	swait.ge [sflag:s20], $0x28  }
0x80: {  	[sflag:s20] =	ssyncset.done $0x0  }
0x81: {  	s26 =	simm.s32 $0x3E00;
	s9 =	simm.s32 $0x2800;
	[sflag:s20] =	ssyncadd.s32 $0xFFFFFFD8  }
0x82: {  	[spmem:s10] =	stream.indirect.scatter.add.f32 [tilespmem:s26], [sflag:$0xC], $0x80, s9, s24, $0xb8;
	[tilespmem:$0x1DA80] =	vst v63  }
0x83: {  	_ =	swait.ge [sflag:s23], $0x1400  }
0x84: {  	[sflag:s23] =	ssyncset.done $0x0  }
0x85: {  	s29 =	simm.s32 $0xF0;
	[sflag:s23] =	ssyncadd.s32 $0xFFFFEC00  }
0x86: {  	[tilespmem:s26], [sflag:$0x2] =	stream.indirect.gather [hbm4b:s5+s24], $0x80, s29, s24, $0xb8;
	[tilespmem:$0x1DA80] =	vst v63  }
0x87: {  	s13 =	rddreg [dreg:$0x10]  }
0x88: {  	[tilespmem:s9], [sflag:$0x7] =	stream.linear.gather [hbm4b:s13+s8], $0x28, $0x38;
	[tilespmem:$0x1DA80] =	vst v63  }
0x89: {  	_ =	swait.ge [sflag:s21], $0x1400  }
0x8a: {  	[sflag:s21] =	ssyncset.done $0x0  }
0x8b: {  	[sflag:s21] =	ssyncadd.s32 $0xFFFFEC00  }
0x8c: {  	_ =	swait.ge [sflag:s0], $0x28  }
0x8d: {  	[sflag:s0] =	ssyncset.done $0x0  }
0x8e: {  	s11 =	simm.s32 $0x2880;
	s9 =	simm.s32 $0x5200;
	[sflag:s0] =	ssyncadd.s32 $0xFFFFFFD8  }
0x8f: {  	[spmem:s10] =	stream.indirect.scatter.add.f32 [tilespmem:s9], [sflag:$0xC], $0x80, s11, s24, $0xb8;
	[tilespmem:$0x1DA80] =	vst v63  }
0x90: {  	_ =	swait.ge [sflag:s23], $0x1400  }
0x91: {  	[sflag:s23] =	ssyncset.done $0x0  }
0x92: {  	s12 =	simm.s32 $0x118;
	[sflag:s23] =	ssyncadd.s32 $0xFFFFEC00  }
0x93: {  	[tilespmem:s9], [sflag:$0x3] =	stream.indirect.gather [hbm4b:s5+s24], $0x80, s12, s24, $0xb8;
	[tilespmem:$0x1DA80] =	vst v63  }
0x94: {  	s26 =	rddreg [dreg:$0xf]  }
0x95: {  	[tilespmem:s11], [sflag:$0x8] =	stream.linear.gather [hbm4b:s26+s8], $0x28, $0x38;
	[tilespmem:$0x1DA80] =	vst v63  }
0x96: {  	_ =	swait.ge [sflag:s1], $0x1400  }
0x97: {  	[sflag:s1] =	ssyncset.done $0x0  }
0x98: {  	[sflag:s1] =	ssyncadd.s32 $0xFFFFEC00  }
0x99: {  	_ =	swait.ge [sflag:s7], $0x28  }
0x9a: {  	[sflag:s7] =	ssyncset.done $0x0  }
0x9b: {  	s14 =	simm.s32 $0x6600;
	s11 =	simm.s32 $0x2900;
	[sflag:s7] =	ssyncadd.s32 $0xFFFFFFD8  }
0x9c: {  	[spmem:s10] =	stream.indirect.scatter.add.f32 [tilespmem:s14], [sflag:$0xC], $0x80, s11, s24, $0xb8;
	[tilespmem:$0x1DA80] =	vst v63  }
0x9d: {  	_ =	swait.ge [sflag:s23], $0x1400  }
0x9e: {  	[sflag:s23] =	ssyncset.done $0x0  }
0x9f: {  	s15 =	simm.s32 $0x140;
	[sflag:s23] =	ssyncadd.s32 $0xFFFFEC00  }
0xa0: {  	[tilespmem:s14], [sflag:$0x4] =	stream.indirect.gather [hbm4b:s5+s24], $0x80, s15, s24, $0xb8;
	[tilespmem:$0x1DA80] =	vst v63  }
0xa1: {  	s16 =	rddreg [dreg:$0xe]  }
0xa2: {  	[tilespmem:s11], [sflag:$0x9] =	stream.linear.gather [hbm4b:s16+s8], $0x28, $0x38;
	[tilespmem:$0x1DA80] =	vst v63  }
0xa3: {  	_ =	swait.ge [sflag:s3], $0x1400  }
0xa4: {  	s22 =	sadd.s32 $0xC8, s22;
	s18 =	simm.s32 $0x7A00;
	[sflag:s3] =	ssyncset.done $0x0  }
0xa5: {  	s17 =	simm.s32 $0x1;
	s25 =	simm.s32 $0x2980;
	[sflag:s3] =	ssyncadd.s32 $0xFFFFEC00  }
0xa6: {  	s19 =	simm.s32 $0x6;
	s20 =	simm.s32 $0x2;
	_ =	swait.ge [sflag:s4], $0x28  }
0xa7: {  	s6 =	sadd.s32 $0x19, s13;
	s29 =	simm.s32 $0x168;
	[sflag:s4] =	ssyncset.done $0x0  }
0xa8: {  	s21 =	simm.s32 $0x7;
	s0 =	simm.s32 $0x3;
	[sflag:s4] =	ssyncadd.s32 $0xFFFFFFD8  }
0xa9: {  	[spmem:s10] =	stream.indirect.scatter.add.f32 [tilespmem:s18], [sflag:$0xC], $0x80, s25, s24, $0xb8;
	[tilespmem:$0x1DA80] =	vst v63  }
0xaa: {  	s26 =	sadd.s32 $0x19, s26;
	s15 =	simm.s32 $0x320;
	_ =	swait.ge [sflag:s23], $0x1400  }
0xab: {  	s11 =	simm.s32 $0x0;
	[sflag:s23] =	ssyncset.done $0x0;
	s28 =	rddreg [dreg:$0xd]  }
0xac: {  	s25 =	sadd.s32 $0x19, s16;
	[sflag:s23] =	ssyncadd.s32 $0xFFFFEC00;
	s13 =	sadd.s32 $0x19, s28  }
0xad: {  	[tilespmem:s18], [sflag:$0x5] =	stream.indirect.gather [hbm4b:s5+s24], $0x80, s29, s24, $0xb8;
	[tilespmem:$0x1DA80] =	vst v63  }
.LBB2_10:
0xae: {  	s2 =	simm.s32 $0x2980  }
0xaf: {  	[tilespmem:s2], [sflag:$0xA] =	stream.linear.gather [hbm4b:s28+s11], $0x28, $0x38;
	[tilespmem:$0x1DA80] =	vst v63  }
0xb0: {  	s29 =	smov.u32 s15;
	s28 =	smov.u32 s13  }
0xb1: {  	p2 =	sne.s32 s15, $0x9600;
	s15 =	sadd.s32 $0x320, s15;
	_ =	swait.ge [sflag:s17], $0x1400  }
0xb2: {  	[sflag:s17] =	ssyncset.done $0x0  }
0xb3: {  	[sflag:s17] =	ssyncadd.s32 $0xFFFFEC00  }
0xb4: {  	_ =	swait.ge [sflag:s19], $0x28  }
0xb5: {  	[sflag:s19] =	ssyncset.done $0x0  }
0xb6: {  	s14 =	simm.s32 $0x2A00;
	[sflag:s19] =	ssyncadd.s32 $0xFFFFFFD8  }
0xb7: {  	[spmem:s10] =	stream.indirect.scatter.add.f32 [tilespmem:s14], [sflag:$0xC], $0x80, s30, s24, $0xb8;
	[tilespmem:$0x1DA80] =	vst v63  }
0xb8: {  	_ =	swait.ge [sflag:s23], $0x1400  }
0xb9: {  	s1 =	sshrl.u32 s22, $0x3;
	s29 =	sshra.s32 s29, $0x2;
	[sflag:s23] =	ssyncset.done $0x0  }
0xba: {  	s30 =	smov.u32 s31;
	s31 =	sadd.s32 $0xC8, s29;
	[sflag:s23] =	ssyncadd.s32 $0xFFFFEC00  }
0xbb: {  	[tilespmem:s14], [sflag:$0x1] =	stream.indirect.gather [hbm4b:s5+s24], $0x80, s31, s24, $0xb8;
	[tilespmem:$0x1DA80] =	vst v63  }
0xbc: {  	s12 =	simm.s32 $0x2A00;
	s31 =	smov.u32 s30;
	s30 =	simm.s32 $0x2780  }
0xbd: {  	s1 =	sadd.s32 s31, s1  }
0xbe: {  	[tilespmem:s30], [sflag:$0x6] =	stream.linear.gather [hbm4b:s1+s11], $0x28, $0x38;
	[tilespmem:$0x1DA80] =	vst v63  }
0xbf: {  	_ =	swait.ge [sflag:s20], $0x1400  }
0xc0: {  	[sflag:s20] =	ssyncset.done $0x0  }
0xc1: {  	[sflag:s20] =	ssyncadd.s32 $0xFFFFEC00  }
0xc2: {  	_ =	swait.ge [sflag:s21], $0x28  }
0xc3: {  	[sflag:s21] =	ssyncset.done $0x0  }
0xc4: {  	s16 =	simm.s32 $0x3E00;
	s8 =	simm.s32 $0x2800;
	[sflag:s21] =	ssyncadd.s32 $0xFFFFFFD8  }
0xc5: {  	[spmem:s10] =	stream.indirect.scatter.add.f32 [tilespmem:s16], [sflag:$0xC], $0x80, s8, s24, $0xb8;
	[tilespmem:$0x1DA80] =	vst v63  }
0xc6: {  	_ =	swait.ge [sflag:s23], $0x1400  }
0xc7: {  	[sflag:s23] =	ssyncset.done $0x0  }
0xc8: {  	s14 =	simm.s32 $0x3E00;
	s1 =	sadd.s32 $0xF0, s29;
	[sflag:s23] =	ssyncadd.s32 $0xFFFFEC00  }
0xc9: {  	[tilespmem:s16], [sflag:$0x2] =	stream.indirect.gather [hbm4b:s5+s24], $0x80, s1, s24, $0xb8;
	[tilespmem:$0x1DA80] =	vst v63  }
0xca: {  	s16 =	simm.s32 $0x2800  }
0xcb: {  	[tilespmem:s8], [sflag:$0x7] =	stream.linear.gather [hbm4b:s6+s11], $0x28, $0x38;
	[tilespmem:$0x1DA80] =	vst v63  }
0xcc: {  	_ =	swait.ge [sflag:s0], $0x1400  }
0xcd: {  	[sflag:s0] =	ssyncset.done $0x0  }
0xce: {  	s1 =	simm.s32 $0x8;
	[sflag:s0] =	ssyncadd.s32 $0xFFFFEC00  }
0xcf: {  	_ =	swait.ge [sflag:s1], $0x28  }
0xd0: {  	[sflag:s1] =	ssyncset.done $0x0  }
0xd1: {  	s18 =	simm.s32 $0x5200;
	s4 =	simm.s32 $0x2880;
	[sflag:s1] =	ssyncadd.s32 $0xFFFFFFD8  }
0xd2: {  	[spmem:s10] =	stream.indirect.scatter.add.f32 [tilespmem:s18], [sflag:$0xC], $0x80, s4, s24, $0xb8;
	[tilespmem:$0x1DA80] =	vst v63  }
0xd3: {  	_ =	swait.ge [sflag:s23], $0x1400  }
0xd4: {  	[sflag:s23] =	ssyncset.done $0x0  }
0xd5: {  	s8 =	simm.s32 $0x5200;
	s1 =	sadd.s32 $0x118, s29;
	[sflag:s23] =	ssyncadd.s32 $0xFFFFEC00  }
0xd6: {  	[tilespmem:s18], [sflag:$0x3] =	stream.indirect.gather [hbm4b:s5+s24], $0x80, s1, s24, $0xb8;
	[tilespmem:$0x1DA80] =	vst v63  }
0xd7: {  	s18 =	simm.s32 $0x2880;
	s1 =	simm.s32 $0x4  }
0xd8: {  	[tilespmem:s4], [sflag:$0x8] =	stream.linear.gather [hbm4b:s26+s11], $0x28, $0x38;
	[tilespmem:$0x1DA80] =	vst v63  }
0xd9: {  	_ =	swait.ge [sflag:s1], $0x1400  }
0xda: {  	[sflag:s1] =	ssyncset.done $0x0  }
0xdb: {  	[sflag:s1] =	ssyncadd.s32 $0xFFFFEC00;
	s1 =	simm.s32 $0x9  }
0xdc: {  	_ =	swait.ge [sflag:s1], $0x28  }
0xdd: {  	[sflag:s1] =	ssyncset.done $0x0  }
0xde: {  	s3 =	simm.s32 $0x6600;
	s9 =	simm.s32 $0x2900;
	[sflag:s1] =	ssyncadd.s32 $0xFFFFFFD8  }
0xdf: {  	[spmem:s10] =	stream.indirect.scatter.add.f32 [tilespmem:s3], [sflag:$0xC], $0x80, s9, s24, $0xb8;
	[tilespmem:$0x1DA80] =	vst v63  }
0xe0: {  	_ =	swait.ge [sflag:s23], $0x1400  }
0xe1: {  	[sflag:s23] =	ssyncset.done $0x0  }
0xe2: {  	s4 =	simm.s32 $0x6600;
	s1 =	sadd.s32 $0x140, s29;
	[sflag:s23] =	ssyncadd.s32 $0xFFFFEC00  }
0xe3: {  	[tilespmem:s3], [sflag:$0x4] =	stream.indirect.gather [hbm4b:s5+s24], $0x80, s1, s24, $0xb8;
	[tilespmem:$0x1DA80] =	vst v63  }
0xe4: {  	s3 =	simm.s32 $0x2900;
	s1 =	simm.s32 $0x5  }
0xe5: {  	[tilespmem:s9], [sflag:$0x9] =	stream.linear.gather [hbm4b:s25+s11], $0x28, $0x38;
	[tilespmem:$0x1DA80] =	vst v63  }
0xe6: {  	_ =	swait.ge [sflag:s1], $0x1400  }
0xe7: {  	[sflag:s1] =	ssyncset.done $0x0  }
0xe8: {  	[sflag:s1] =	ssyncadd.s32 $0xFFFFEC00;
	s1 =	simm.s32 $0xA  }
0xe9: {  	_ =	swait.ge [sflag:s1], $0x28  }
0xea: {  	[sflag:s1] =	ssyncset.done $0x0  }
0xeb: {  	s7 =	simm.s32 $0x7A00;
	[sflag:s1] =	ssyncadd.s32 $0xFFFFFFD8  }
0xec: {  	[spmem:s10] =	stream.indirect.scatter.add.f32 [tilespmem:s7], [sflag:$0xC], $0x80, s2, s24, $0xb8;
	[tilespmem:$0x1DA80] =	vst v63  }
.Ltmp4:
0xed: {  	_ =	swait.ge [sflag:s23], $0x1400;
	(pc) =	sbr.rel @p2 .LBB2_10-.Ltmp4, $4  }
0xee: {  	s22 =	sadd.s32 $0xC8, s22;
	s6 =	sadd.s32 $0x19, s6;
	[sflag:s23] =	ssyncset.done $0x0  }
0xef: {  	s9 =	simm.s32 $0x7A00;
	s1 =	sadd.s32 $0x168, s29;
	[sflag:s23] =	ssyncadd.s32 $0xFFFFEC00  }
0xf0: {  	[tilespmem:s7], [sflag:$0x5] =	stream.indirect.gather [hbm4b:s5+s24], $0x80, s1, s24, $0xb8;
	[tilespmem:$0x1DA80] =	vst v63  }
0xf1: {  	s13 =	sadd.s32 $0x19, s13;
	s26 =	sadd.s32 $0x19, s26;
	s25 =	sadd.s32 $0x19, s25  }
0xf2: {  	s1 =	simm.s32 $0x2980  }
0xf3: {  	[tilespmem:s1], [sflag:$0xA] =	stream.linear.gather [hbm4b:s28+s11], $0x28, $0x38;
	[tilespmem:$0x1DA80] =	vst v63  }
0xf4: {  	_ =	swait.ge [sflag:s17], $0x1400  }
0xf5: {  	[sflag:s17] =	ssyncset.done $0x0  }
0xf6: {  	[sflag:s17] =	ssyncadd.s32 $0xFFFFEC00  }
0xf7: {  	_ =	swait.ge [sflag:s19], $0x28  }
0xf8: {  	[sflag:s19] =	ssyncset.done $0x0  }
0xf9: {  	[sflag:s19] =	ssyncadd.s32 $0xFFFFFFD8  }
0xfa: {  	[spmem:s10] =	stream.indirect.scatter.add.f32 [tilespmem:s12], [sflag:$0xC], $0x80, s30, s24, $0xb8;
	[tilespmem:$0x1DA80] =	vst v63  }
0xfb: {  	_ =	swait.ge [sflag:s23], $0x1400  }
0xfc: {  	[sflag:s23] =	ssyncset.done $0x0  }
0xfd: {  	[sflag:s23] =	ssyncadd.s32 $0xFFFFEC00  }
0xfe: {  	_ =	swait.ge [sflag:s20], $0x1400  }
0xff: {  	[sflag:s20] =	ssyncset.done $0x0  }
0x100: {  	[sflag:s20] =	ssyncadd.s32 $0xFFFFEC00  }
0x101: {  	_ =	swait.ge [sflag:s21], $0x28  }
0x102: {  	[sflag:s21] =	ssyncset.done $0x0  }
0x103: {  	[sflag:s21] =	ssyncadd.s32 $0xFFFFFFD8  }
0x104: {  	[spmem:s10] =	stream.indirect.scatter.add.f32 [tilespmem:s14], [sflag:$0xC], $0x80, s16, s24, $0xb8;
	[tilespmem:$0x1DA80] =	vst v63  }
0x105: {  	_ =	swait.ge [sflag:s23], $0x1400  }
0x106: {  	[sflag:s23] =	ssyncset.done $0x0  }
0x107: {  	[sflag:s23] =	ssyncadd.s32 $0xFFFFEC00  }
0x108: {  	_ =	swait.ge [sflag:s0], $0x1400  }
0x109: {  	[sflag:s0] =	ssyncset.done $0x0  }
0x10a: {  	s20 =	simm.s32 $0x8;
	[sflag:s0] =	ssyncadd.s32 $0xFFFFEC00  }
0x10b: {  	_ =	swait.ge [sflag:s20], $0x28  }
0x10c: {  	[sflag:s20] =	ssyncset.done $0x0  }
0x10d: {  	[sflag:s20] =	ssyncadd.s32 $0xFFFFFFD8  }
0x10e: {  	[spmem:s10] =	stream.indirect.scatter.add.f32 [tilespmem:s8], [sflag:$0xC], $0x80, s18, s24, $0xb8;
	[tilespmem:$0x1DA80] =	vst v63  }
0x10f: {  	_ =	swait.ge [sflag:s23], $0x1400  }
0x110: {  	[sflag:s23] =	ssyncset.done $0x0  }
0x111: {  	s21 =	simm.s32 $0x4;
	[sflag:s23] =	ssyncadd.s32 $0xFFFFEC00  }
0x112: {  	_ =	swait.ge [sflag:s21], $0x1400  }
0x113: {  	[sflag:s21] =	ssyncset.done $0x0  }
0x114: {  	s22 =	simm.s32 $0x9;
	[sflag:s21] =	ssyncadd.s32 $0xFFFFEC00  }
0x115: {  	_ =	swait.ge [sflag:s22], $0x28  }
0x116: {  	[sflag:s22] =	ssyncset.done $0x0  }
0x117: {  	[sflag:s22] =	ssyncadd.s32 $0xFFFFFFD8  }
0x118: {  	[spmem:s10] =	stream.indirect.scatter.add.f32 [tilespmem:s4], [sflag:$0xC], $0x80, s3, s24, $0xb8;
	[tilespmem:$0x1DA80] =	vst v63  }
0x119: {  	_ =	swait.ge [sflag:s23], $0x1400  }
0x11a: {  	[sflag:s23] =	ssyncset.done $0x0  }
0x11b: {  	s25 =	simm.s32 $0x5;
	[sflag:s23] =	ssyncadd.s32 $0xFFFFEC00  }
0x11c: {  	_ =	swait.ge [sflag:s25], $0x1400  }
0x11d: {  	[sflag:s25] =	ssyncset.done $0x0  }
0x11e: {  	s26 =	simm.s32 $0xA;
	[sflag:s25] =	ssyncadd.s32 $0xFFFFEC00  }
0x11f: {  	s6 =	simm.s32 $0x10;
	_ =	swait.ge [sflag:s26], $0x28  }
0x120: {  	s7 =	simm.s32 $0x3E00;
	s11 =	simm.s32 $0x2880;
	[sflag:s26] =	ssyncset.done $0x0  }
0x121: {  	s19 =	simm.s32 $0x2;
	s12 =	simm.s32 $0x6600;
	[sflag:s26] =	ssyncadd.s32 $0xFFFFFFD8  }
0x122: {  	[spmem:s10] =	stream.indirect.scatter.add.f32 [tilespmem:s9], [sflag:$0xC], $0x80, s1, s24, $0xb8;
	[tilespmem:$0x1DA80] =	vst v63  }
0x123: {  	s14 =	simm.s32 $0x2900;
	s0 =	stileid.u32;
	_ =	swait.ge [sflag:s23], $0x1400  }
0x124: {  	s16 =	simm.s32 $0x2980;
	s29 =	sadd.s32 $0x0, s0;
	[sflag:s23] =	ssyncset.done $0x0  }
0x125: {  	p2 =	sgt.u32 s29, $0xF9;
	s20 =	simm.s32 $0x7;
	[sflag:s23] =	ssyncadd.s32 $0xFFFFEC00  }
0x126: {  	s8 =	simm.s32 $0x7A00;
	s21 =	simm.s32 $0x3;
	[bflag:$0x0] =	sbarrier.arrive $0xFFFF  }
0x127: {  	s3 =	simm.s32 $0x5200;
	s1 =	sshll.u32 @!p2 s0, $0x6;
	s28 =	rddreg [dreg:$0xb]  }
0x128: {  	s9 =	simm.s32 $0x2800;
	s25 =	sor.u32 @!p2 $0x1C0B, s1;
	s22 =	rddreg [dreg:$0x12]  }
0x129: {  	s13 =	sadd.s32 $0x14000, s28;
	s26 =	sshrl.u32 @!p2 s28, $0x3;
	s15 =	sadd.s32 $0x2800, s22  }
.LBB2_12:
0x12a: {  	[hbm:s22], [sflag:s25] =	dma.local @!p2 [spmem:s26], $0x280  }
0x12b: {  	s1 =	smov.u32 s6;
	s6 =	sadd.s32 $0x10, s6  }
0x12c: {  	p3 =	sne.s32 s6, $0x100  }
.Ltmp5:
0x12d: {  	(pc) =	sbr.rel @p3 .LBB2_12-.Ltmp5, $4  }
0x12e: {  	s26 =	smov.u32 s13;
	s1 =	sadd.s32 s1, s0  }
0x12f: {  	s22 =	smov.u32 s15;
	p2 =	sgt.u32 s1, $0xF9  }
0x130: {  	s13 =	sadd.s32 $0x14000, s13;
	s1 =	sshll.u32 @!p2 s0, $0x6  }
0x131: {  	s15 =	sadd.s32 $0x2800, s15;
	s26 =	sshrl.u32 @!p2 s26, $0x3;
	s25 =	sor.u32 @!p2 $0x1C0B, s1  }
0x132: {  	[hbm:s22], [sflag:s25] =	dma.local @!p2 [spmem:s26], $0x280  }
0x133: {  	s1 =	simm.s32 $0xB  }
0x134: {  	_ =	swait.ge [sflag:s1], $0x280  }
0x135: {  	[sflag:s1] =	ssyncset.done $0x0  }
0x136: {  	[sflag:s1] =	ssyncadd.s32 $0xFFFFFD80  }
0x137: {  	_ =	swait.ge [sflag:s1], $0x280  }
0x138: {  	[sflag:s1] =	ssyncset.done $0x0  }
0x139: {  	[sflag:s1] =	ssyncadd.s32 $0xFFFFFD80  }
0x13a: {  	_ =	swait.ge [sflag:s1], $0x280  }
0x13b: {  	[sflag:s1] =	ssyncset.done $0x0  }
0x13c: {  	[sflag:s1] =	ssyncadd.s32 $0xFFFFFD80  }
0x13d: {  	_ =	swait.ge [sflag:s1], $0x280  }
0x13e: {  	[sflag:s1] =	ssyncset.done $0x0  }
0x13f: {  	[sflag:s1] =	ssyncadd.s32 $0xFFFFFD80  }
0x140: {  	_ =	swait.ge [sflag:s1], $0x280  }
0x141: {  	[sflag:s1] =	ssyncset.done $0x0  }
0x142: {  	[sflag:s1] =	ssyncadd.s32 $0xFFFFFD80  }
0x143: {  	_ =	swait.ge [sflag:s1], $0x280  }
0x144: {  	[sflag:s1] =	ssyncset.done $0x0  }
0x145: {  	[sflag:s1] =	ssyncadd.s32 $0xFFFFFD80  }
0x146: {  	_ =	swait.ge [sflag:s1], $0x280  }
0x147: {  	[sflag:s1] =	ssyncset.done $0x0  }
0x148: {  	[sflag:s1] =	ssyncadd.s32 $0xFFFFFD80  }
0x149: {  	_ =	swait.ge [sflag:s1], $0x280  }
0x14a: {  	[sflag:s1] =	ssyncset.done $0x0  }
0x14b: {  	[sflag:s1] =	ssyncadd.s32 $0xFFFFFD80  }
0x14c: {  	_ =	swait.ge [sflag:s1], $0x280  }
0x14d: {  	[sflag:s1] =	ssyncset.done $0x0  }
0x14e: {  	[sflag:s1] =	ssyncadd.s32 $0xFFFFFD80  }
0x14f: {  	_ =	swait.ge [sflag:s1], $0x280  }
0x150: {  	[sflag:s1] =	ssyncset.done $0x0  }
0x151: {  	[sflag:s1] =	ssyncadd.s32 $0xFFFFFD80  }
0x152: {  	_ =	swait.ge [sflag:s1], $0x280  }
0x153: {  	[sflag:s1] =	ssyncset.done $0x0  }
0x154: {  	[sflag:s1] =	ssyncadd.s32 $0xFFFFFD80  }
0x155: {  	_ =	swait.ge [sflag:s1], $0x280  }
0x156: {  	[sflag:s1] =	ssyncset.done $0x0  }
0x157: {  	[sflag:s1] =	ssyncadd.s32 $0xFFFFFD80  }
0x158: {  	_ =	swait.ge [sflag:s1], $0x280  }
0x159: {  	[sflag:s1] =	ssyncset.done $0x0  }
0x15a: {  	[sflag:s1] =	ssyncadd.s32 $0xFFFFFD80  }
0x15b: {  	_ =	swait.ge [sflag:s1], $0x280  }
0x15c: {  	[sflag:s1] =	ssyncset.done $0x0  }
0x15d: {  	[sflag:s1] =	ssyncadd.s32 $0xFFFFFD80  }
0x15e: {  	_ =	swait.ge [sflag:s1], $0x280  }
0x15f: {  	[sflag:s1] =	ssyncset.done $0x0  }
0x160: {  	[sflag:s1] =	ssyncadd.s32 $0xFFFFFD80;
	s1 =	simm.s32 @!p1 $0xB  }
0x161: {  	_ =	swait.ge @!p1 [sflag:s1], $0x280  }
0x162: {  	s4 =	rddreg [dreg:$0x14]  }
0x163: {  	s6 =	rddreg [dreg:$0xa];
	s4 =	sadd.s32 $0x1, s4  }
0x164: {  	p2 =	sne.s32 s4, s6  }
.Ltmp6:
0x165: {  	_ = 	snop;
	(pc) =	sbr.rel @p2 .LBB2_1-.Ltmp6, $4  }
0x166: {  	_ = 	snop  }
0x167: {  	s17 =	simm.s32 $0x1  }
0x168: {  	s18 =	simm.s32 $0x6;
	[sflag:s1] =	ssyncset.done @!p1 $0x0;
	s29 =	rddreg [dreg:$0x9]  }
0x169: {  	s2 =	rddreg [dreg:$0x13];
	[sflag:s1] =	ssyncadd.s32 @!p1 $0xFFFFFD80;
	s6 =	simm.s32 $0x2A00  }
0x16a: {  	_ =	sfence.sel $0x180000  }
0x16b: {  	[bflag:$0x0] =	sbarrier.arrive $0xFFFF  }
0x16c: {  	_ =	strace $0x9000004D  }
0x16d: {  	[bflag:$0x2] =	sbarrier.arrive $0xFFFF  }
0x16e: {  	p0 =	sne.s32 s0, $0x0;
	s0 =	rddreg [dreg:$0x2]  }
0x16f: {  	s0 =	sadd.s32 @!p0 $0x100000, s0  }
0x170: {  	[sflag:s0] =	ssyncadd.tile.s32 @!p0 $0x1;
	_ =	shalt  }
.Lfunc_end2:
_tile_overlayer_lowered:
.L_overlay_start_2:
0x171: {  	(tag) =	ssettag $0x2  }
0x172: {  	s0 =	rddreg [dreg:$0x0];
	s2 =	stileid.u32  }
0x173: {  	s1 =	rddreg [dreg:$0x1];
	p0 =	sne.s32 s2, $0x0  }
0x174: {  	s3 =	rddreg [dreg:$0x2];
	[bflag:$0x3] =	sbarrier.arrive $0xFFFF;
	s2 =	simm.s32 @!p0 $0x1C0C  }
0x175: {  	[timem:s3], [sflag:s2] =	dma.local @!p0 [hbm:s0], s1  }
0x176: {  	s0 =	simm.s32 @!p0 $0xC  }
0x177: {  	_ =	swait.ge @!p0 [sflag:s0], s1  }
0x178: {  	s1 =	ssub.s32 @!p0 $0x0, s1;
	[sflag:s0] =	ssyncset.done @!p0 $0x0  }
0x179: {  	[sflag:s0] =	ssyncadd.s32 @!p0 s1  }
0x17a: {  	[bflag:$0x3] =	sbarrier.arrive $0xFFFF  }
0x17b: {  	_ =	shalt  }

// kernel: kernel.8.cloned.1.call-start
scs
__scs_entry_jumppad:
0x0: {  	(pc) =	sbr.rel $0x88, $3  }
0x1: {  	(tag) =	ssettag $0x0;
	lr =	simm.s32 $0x1  }
0x2: {  	[smem:$0x3F94] =	sst lr;
	_ =	strace $0xD0000000  }
0x3: {  	_ = 	snop  }
0x4: {  	_ = 	snop  }
0x5: {  	_ = 	snop  }
0x6: {  	_ = 	snop  }
0x7: {  	_ = 	snop  }
__scs_overlays_trampoline_lowered:
0x8: {  	[smem:$0x3FA3] =	sst s0  }
0x9: {  	[smem:$0x3FA4] =	sst s1  }
0xa: {  	[smem:$0x3FA5] =	sst s2  }
0xb: {  	[smem:$0x3FA6] =	sst s3  }
0xc: {  	[smem:$0x3FA7] =	sst s4  }
0xd: {  	[smem:$0x3FA8] =	sst s5  }
0xe: {  	[smem:$0x3FA9] =	sst s6  }
0xf: {  	[smem:$0x3FAA] =	sst s7  }
0x10: {  	[smem:$0x3FAB] =	sst s8  }
0x11: {  	[smem:$0x3FAC] =	sst s9;
	s0 =	simm.s32 @!p0 $0x0  }
0x12: {  	s1 =	sld [smem:$0x3F92];
	s0 =	simm.s32 @p0 $0x1  }
0x13: {  	[smem:$0x3FAD] =	sst s0;
	s0 =	simm.s32 @!p1 $0x0  }
0x14: {  	s2 =	sld [smem:$0x3F91];
	s0 =	simm.s32 @p1 $0x1  }
0x15: {  	[smem:$0x3FAE] =	sst s0;
	s0 =	simm.s32 @!p2 $0x0  }
0x16: {  	s3 =	sld [smem:$0x3FDB];
	s0 =	simm.s32 @p2 $0x1  }
0x17: {  	s4 =	simm.s32 $0x1BF5;
	[smem:$0x3FB0] =	sst s0  }
0x18: {  	s0 =	sld [smem:$0x3F93];
	_ =	swait.ge [sflag:s4], $0x0  }
0x19: {  	s7 =	sld [smem:$0x3F94]  }
0x1a: {  	s8 =	sadd.s32 $0xFFFFE003, lr  }
0x1b: {  	s9 =	sadd.s32 $0xFFFFFEF7, lr;
	s5 =	simm.s32 $0xFFFFFFFF;
	p2 =	slt.u32 s8, $0xFFFFF086  }
0x1c: {  	p1 =	slt.u32 s9, $0xF7A;
	s5 =	simm.s32 @!p2 $0x0  }
0x1d: {  	s5 =	simm.s32 @p1 $0x1;
	p0 =	seq.s32 s7, s2  }
0x1e: {  	s7 =	smul.u32 @!p0 $0xF7A, s2;
	p2 =	seq.s32 @!p0 s5, $0x0  }
0x1f: {  	s9 =	smul.u32 $0xF7A, s1;
	s8 =	simm.s32 @!p0 $0x1BF5;
	p2 =	por !p2, p0  }
0x20: {  	[sflag:s8] =	ssyncset.s32 @!p0 $0xFFFFF086;
	s6 =	sadd.s32 @!p0 s3, s7;
	s7 =	simm.s32 @!p0 $0x108  }
0x21: {  	s3 =	sadd.s32 s3, s9;
	s6 =	sadd.s32 @!p0 $0x88, s6;
	s7 =	simm.s32 @p2 $0x1082  }
0x22: {  	[simem:s7], [sflag:s8] =	dma.local @!p0 [hbm:s6], $0xF7A  }
0x23: {  	s9 =	sor.u32 $0xD0000000, s2;
	s6 =	simm.s32 $0x108;
	_ =	swait.ge @!p0 [sflag:s8], $0x0  }
0x24: {  	s3 =	sadd.s32 $0x88, s3;
	s6 =	simm.s32 @!p1 $0x1082;
	[sflag:s4] =	ssyncset.s32 $0xFFFFF086  }
0x25: {  	[simem:s6], [sflag:s4] =	dma.local [hbm:s3], $0xF7A  }
0x26: {  	[smem:$0x3F94] =	sst s1;
	(tag) =	ssettag s2;
	_ =	strace s9  }
0x27: {  	s1 =	sld [smem:$0x3FA4]  }
0x28: {  	s2 =	sld [smem:$0x3FA5]  }
0x29: {  	s4 =	sld [smem:$0x3FA7]  }
0x2a: {  	p0 =	seq.s32 s5, $0x0;
	s5 =	sld [smem:$0x3FA8]  }
0x2b: {  	s6 =	sld [smem:$0x3FA9]  }
0x2c: {  	s7 =	sld [smem:$0x3FAA]  }
0x2d: {  	s3 =	simm.s32 $0x108;
	s8 =	sld [smem:$0x3FAB]  }
0x2e: {  	s3 =	simm.s32 @!p0 $0x1082;
	s9 =	sld [smem:$0x3FAC]  }
0x2f: {  	lr =	sadd.s32 s0, s3;
	s0 =	sld [smem:$0x3FA3]  }
0x30: {  	s3 =	sld [smem:$0x3FA6]  }
0x31: {  	[smem:$0x3FAF] =	sst s10  }
0x32: {  	s10 =	sld [smem:$0x3FAD];
	_ =	sdelay $0x3  }
0x33: {  	p0 =	seq.s32 s10, $0x1;
	s10 =	sld [smem:$0x3FAF];
	_ =	sdelay $0x3  }
0x34: {  	[smem:$0x3FAF] =	sst s10  }
0x35: {  	s10 =	sld [smem:$0x3FAE];
	_ =	sdelay $0x3  }
0x36: {  	p1 =	seq.s32 s10, $0x1;
	s10 =	sld [smem:$0x3FAF];
	_ =	sdelay $0x3  }
0x37: {  	[smem:$0x3FAF] =	sst s10  }
0x38: {  	s10 =	sld [smem:$0x3FB0]  }
0x39: {  	_ = 	snop;
	(pc) =	sbr.ind lr, $3  }
0x3a: {  	_ = 	snop  }
0x3b: {  	_ = 	snop  }
0x3c: {  	p2 =	seq.s32 s10, $0x1;
	s10 =	sld [smem:$0x3FAF]  }
0x3d: {  	_ =	shalt  }
0x3e: {  	_ =	shalt  }
0x3f: {  	_ =	shalt  }
0x40: {  	_ =	shalt  }
0x41: {  	_ =	shalt  }
0x42: {  	_ =	shalt  }
0x43: {  	_ =	shalt  }
0x44: {  	_ =	shalt  }
0x45: {  	_ =	shalt  }
0x46: {  	_ =	shalt  }
0x47: {  	_ =	shalt  }
0x48: {  	_ =	shalt  }
0x49: {  	_ =	shalt  }
0x4a: {  	_ =	shalt  }
0x4b: {  	_ =	shalt  }
0x4c: {  	_ =	shalt  }
0x4d: {  	_ =	shalt  }
0x4e: {  	_ =	shalt  }
0x4f: {  	_ =	shalt  }
0x50: {  	_ =	shalt  }
0x51: {  	_ =	shalt  }
0x52: {  	_ =	shalt  }
0x53: {  	_ =	shalt  }
0x54: {  	_ =	shalt  }
0x55: {  	_ =	shalt  }
0x56: {  	_ =	shalt  }
0x57: {  	_ =	shalt  }
0x58: {  	_ =	shalt  }
0x59: {  	_ =	shalt  }
0x5a: {  	_ =	shalt  }
0x5b: {  	_ =	shalt  }
0x5c: {  	_ =	shalt  }
0x5d: {  	_ =	shalt  }
0x5e: {  	_ =	shalt  }
0x5f: {  	_ =	shalt  }
0x60: {  	_ =	shalt  }
0x61: {  	_ =	shalt  }
0x62: {  	_ =	shalt  }
0x63: {  	_ =	shalt  }
0x64: {  	_ =	shalt  }
0x65: {  	_ =	shalt  }
0x66: {  	_ =	shalt  }
0x67: {  	_ =	shalt  }
0x68: {  	_ =	shalt  }
0x69: {  	_ =	shalt  }
0x6a: {  	_ =	shalt  }
0x6b: {  	_ =	shalt  }
0x6c: {  	_ =	shalt  }
0x6d: {  	_ =	shalt  }
0x6e: {  	_ =	shalt  }
0x6f: {  	_ =	shalt  }
0x70: {  	_ =	shalt  }
0x71: {  	_ =	shalt  }
0x72: {  	_ =	shalt  }
0x73: {  	_ =	shalt  }
0x74: {  	_ =	shalt  }
0x75: {  	_ =	shalt  }
0x76: {  	_ =	shalt  }
0x77: {  	_ =	shalt  }
0x78: {  	_ =	shalt  }
0x79: {  	_ =	shalt  }
0x7a: {  	_ =	shalt  }
0x7b: {  	_ =	shalt  }
0x7c: {  	_ =	shalt  }
0x7d: {  	_ =	shalt  }
0x7e: {  	_ =	shalt  }
0x7f: {  	_ =	shalt  }
0x80: {  	_ =	shalt  }
0x81: {  	_ =	shalt  }
0x82: {  	_ =	shalt  }
0x83: {  	_ =	shalt  }
0x84: {  	_ =	shalt  }
0x85: {  	_ =	shalt  }
0x86: {  	_ =	shalt  }
0x87: {  	_ =	shalt  }
.Lfunc_end0:
.L_simem_size_0:
called_computation_lowered:
.L_overlay_start_0:
0x88: {  	s2 =	sld [smem:$0x3FD9]  }
0x89: {  	s3 =	sld [smem:$0x3FFE];
	_ =	sdelay $0x1  }
0x8a: {  	s1 =	srdreg.scid  }
0x8b: {  	s0 =	sand.u32 $0x1, s1  }
0x8c: {  	s17 =	sshll.u32 s0, $0xA;
	s2 =	sadd.s32 s3, s2  }
0x8d: {  	s2 =	sadd.s32 s2, s17  }
0x8e: {  	[smem:$0x3FBB] =	sst s2  }
0x8f: {  	_ = 	snop  }
0x90: {  	s2 =	sld [smem:$0x3FC9];
	(tm) =	ssettm $0x1  }
0x91: {  	s18 =	sld [smem:$0x3FFB];
	_ =	sdelay $0x3  }
0x92: {  	_ =	strace s18  }
0x93: {  	s3 =	sld [smem:$0x3FFC];
	_ =	sdelay $0x3  }
0x94: {  	_ =	strace s3  }
0x95: {  	s3 =	sld [smem:$0x3FFD];
	_ =	sdelay $0x3  }
0x96: {  	_ =	strace s3  }
0x97: {  	_ =	strace $0x8FFFFFFF  }
0x98: {  	s19 =	sld [smem:$0x3FDB];
	_ =	sdelay $0x1  }
0x99: {  	s4 =	simm.s32 $_scs_section_size  }
0x9a: {  	s5 =	simm.s32 $_size__tile_overlayer_lowered;
	s6 =	simm.s32 $_tile_overlayer_lowered  }
0x9b: {  	s22 =	simm.s32 $0x1BFF;
	s21 =	sshll.u32 s6, $0x1;
	s3 =	sadd.s32 s4, s19  }
0x9c: {  	s7 =	simm.s32 $0x0;
	s20 =	sshll.u32 s5, $0x1;
	s5 =	sadd.s32 s21, s3  }
0x9d: {  	[timem:s7], [sflag:s22] =	dma.local [hbm:s5], s20  }
0x9e: {  	_ =	swait.ge [sflag:s22], s20  }
0x9f: {  	s4 =	ssub.s32 $0x0, s20;
	[sflag:s22] =	ssyncset.done $0x0  }
0xa0: {  	[sflag:s22] =	ssyncadd.s32 s4;
	_ =	sdelay $0x1  }
0xa1: {  	s23 =	simm.s32 $0x1B8B  }
0xa2: {  	_ =	swait.ge [sflag:s23], $0x1  }
0xa3: {  	[sflag:s23] =	ssyncset.done $0x0  }
0xa4: {  	s25 =	simm.s32 $0x1B8E;
	s24 =	sld [smem:$0x3FFE];
	[sflag:s23] =	ssyncadd.s32 $0xFFFFFFFF  }
0xa5: {  	s26 =	simm.s32 $execute0_lowered;
	[smem:$0x3FD2] =	sst s25  }
0xa6: {  	s5 =	sshll.u32 s26, $0x1;
	_ =	strace $0x80000046;
	[dreg:$0x1] =	wrdreg $0xFFFFFFFF  }
0xa7: {  	s28 =	simm.s32 $_size_execute0_lowered;
	s3 =	sadd.s32 s3, s5;
	[dreg:$0x0] =	wrdreg $0x0  }
0xa8: {  	s5 =	sshll.u32 s28, $0x1;
	[dreg:$0x2] =	wrdreg s3  }
0xa9: {  	[dreg:$0x3] =	wrdreg s5  }
0xaa: {  	[dreg:$0x4] =	wrdreg $0xC0  }
0xab: {  	_ =	task [dreg:s7], $0x5FFFF  }
0xac: {  	[dreg:$0x1] =	wrdreg $0xFFFFFFFF  }
0xad: {  	[dreg:$0x0] =	wrdreg $0x60  }
0xae: {  	[dreg:$0x2] =	wrdreg s2  }
0xaf: {  	[dreg:$0x3] =	wrdreg s24  }
0xb0: {  	[dreg:$0x4] =	wrdreg $0xA2000  }
0xb1: {  	[dreg:$0x5] =	wrdreg $0x9  }
0xb2: {  	_ =	task.clear_ibuf [dreg:s7], $0x6FFFF;
	_ =	strace $0x90000046  }
0xb3: {  	s29 =	simm.s32 $0x9;
	_ =	strace $0x80000048  }
0xb4: {  	_ =	swait.ge [sflag:s29], $0x1  }
0xb5: {  	[sflag:s29] =	ssyncadd.s32 $0xFFFFFFFF  }
0xb6: {  	_ =	strace $0x90000048  }
0xb7: {  	_ =	sfence  }
0xb8: {  	s30 =	sld [smem:$0x0];
	_ =	sdelay $0x2  }
0xb9: {  	s31 =	sshll.u32 s1, $0xD;
	s1 =	sshrl.u32 s1, $0x2  }
0xba: {  	s3 =	sand.u32 $0x4000, s31;
	s1 =	sadd.s32 s1, s30  }
0xbb: {  	s0 =	sor.u32 s3, s0;
	s1 =	sshll.u32 s1, $0x11  }
0xbc: {  	s0 =	sor.u32 s1, s0  }
0xbd: {  	s0 =	sadd.s32 $0x8F2B, s0  }
0xbe: {  	[sflag:s0] =	ssyncadd.remote.s32 $0x1  }
0xbf: {  	_ =	sfence.sel $0xFFFF  }
0xc0: {  	[dreg:$0x0] =	wrdreg $0xFFFFFFFF;
	(pc) =	sbr.abs _section_cstart, $3  }
0xc1: {  	[dreg:$0x1] =	wrdreg $0xFFFFFFFF  }
0xc2: {  	_ =	task.clear_ibuf [dreg:s7], $0x2FFFF;
	_ =	strace $0x9FFFFFFF  }
0xc3: {  	(tm) =	ssettm $0x7FFFFFFF  }
tec
execute0_lowered:
.L_overlay_start_1:
0x0: {  	(tag) =	ssettag $0x1  }
0x1: {  	s2 =	srdreg.scid;
	s1 =	rddreg [dreg:$0x0]  }
0x2: {  	s0 =	stileid.u32;
	s6 =	rddreg [dreg:$0x1]  }
0x3: {  	s5 =	rddreg [dreg:$0x2];
	s4 =	simm.s32 $0x0;
	s8 =	smul.u32 $0x1400, s0  }
0x4: {  	s30 =	simm.s32 $0x2780;
	[smem:$0x7FF] =	sst s4;
	s4 =	smul.u32 $0x4E20, s0  }
0x5: {  	s3 =	sand.u32 $0x1, s2;
	s21 =	sshll.u32 s0, $0x1;
	s14 =	smul.u32 $0x5000, s0  }
0x6: {  	s31 =	sadd.s32 $0x2400, s6;
	s29 =	ssub.s32 $0xFA, s0;
	s15 =	smul.u32 $0x280, s0  }
0x7: {  	p1 =	sgt.u32 s0, $0x9;
	s2 =	sor.u32 s3, s21;
	s7 =	smul.u32 $0x138800, s3  }
0x8: {  	_ =	strace $0x80000047;
	s22 =	ssub.s32 $0x2, s3;
	[dreg:$0xa] =	wrdreg s29  }
0x9: {  	s12 =	smul.u32 $0x2710, s3;
	p0 =	seq.s32 s3, $0x0;
	[dreg:$0x14] =	wrdreg s3  }
0xa: {  	s2 =	smul.u32 $0x2710, s2;
	s11 =	sshrl.u32 s22, $0x1;
	s18 =	sadd.s32 s15, s1  }
0xb: {  	s7 =	sadd.s32 s8, s7;
	s23 =	ssub.s32 s22, s11;
	[dreg:$0xd] =	wrdreg s18  }
0xc: {  	s11 =	simm.s32 $0x2880;
	s18 =	simm.s32 $0x6;
	s9 =	sshrl.u32 s2, $0x3  }
0xd: {  	s7 =	sshrl.u32 s7, $0x3;
	s26 =	sadd.s32 $0x28, s2;
	s2 =	sadd.s32 $0x78, s2  }
0xe: {  	s10 =	sadd.s32 s9, s6;
	s6 =	sadd.s32 s7, s6;
	s25 =	sadd.s32 s31, s9  }
0xf: {  	s8 =	sshrl.u32 s26, $0x3;
	s7 =	smax.u32 s23, $0x1;
	[dreg:$0x5] =	wrdreg s25  }
0x10: {  	s2 =	sshrl.u32 s2, $0x3;
	s24 =	sadd.s32 $0xC200, s10;
	[dreg:$0xb] =	wrdreg s7  }
0x11: {  	s9 =	simm.s32 $0x2800;
	s8 =	sadd.s32 s31, s8;
	[dreg:$0x4] =	wrdreg s24  }
0x12: {  	s13 =	sadd.s32 $0xA, s25;
	s2 =	sadd.s32 s31, s2;
	[dreg:$0x6] =	wrdreg s8  }
0x13: {  	s10 =	sadd.s32 $0x14, s25;
	s26 =	sadd.s32 $0x16000, s6;
	[dreg:$0x7] =	wrdreg s13  }
0x14: {  	s6 =	simm.s32 $0x2A00;
	s7 =	simm.s32 $0x3E00;
	[dreg:$0x8] =	wrdreg s2  }
0x15: {  	[dreg:$0x9] =	wrdreg s10;
	s8 =	sadd.s32 s12, s4;
	s2 =	sshrl.u32 s14, $0x2  }
0x16: {  	[dreg:$0x13] =	wrdreg s26;
	s10 =	simm.s32 $0x5200;
	s12 =	simm.s32 $0x6600  }
0x17: {  	s14 =	simm.s32 $0x2900;
	s4 =	simm.s32 $0x0;
	s16 =	sadd.s32 $0x168, s8  }
0x18: {  	s28 =	sadd.s32 s2, s5;
	s19 =	sadd.s32 $0x140, s8;
	s20 =	sadd.s32 $0x118, s8  }
0x19: {  	s21 =	sadd.s32 $0xF0, s8;
	s25 =	sadd.s32 $0xC8, s8;
	s8 =	simm.s32 $0x7A00  }
0x1a: {  	s17 =	sshrl.u32 s16, $0x3;
	s22 =	sshrl.u32 s20, $0x3;
	s23 =	sshrl.u32 s21, $0x3  }
0x1b: {  	[dreg:$0x12] =	wrdreg s25;
	s16 =	simm.s32 $0x2980;
	s20 =	simm.s32 $0x7  }
0x1c: {  	s21 =	simm.s32 $0x3;
	[dreg:$0xc] =	wrdreg s28;
	s2 =	sadd.s32 s17, s31  }
0x1d: {  	s24 =	sadd.s32 s23, s31;
	[dreg:$0xe] =	wrdreg s2;
	s2 =	sshrl.u32 s19, $0x3  }
0x1e: {  	s23 =	simm.s32 $0xC;
	[dreg:$0x11] =	wrdreg s24;
	s2 =	sadd.s32 s2, s31  }
0x1f: {  	s17 =	simm.s32 $0x1;
	[dreg:$0xf] =	wrdreg s2;
	s2 =	sadd.s32 s22, s31  }
0x20: {  	v0 =	vimm.f32 $0.0e+00;
	s24 =	simm.s32 $0x28;
	s19 =	simm.s32 $0x2;
	[dreg:$0x10] =	wrdreg s2  }
.LBB2_1:
0x21: {  	[dreg:$0x15] =	wrdreg s4  }
0x22: {  	s2 =	rddreg [dreg:$0x4];
	s26 =	simm.s32 $0x0  }
0x23: {  	[tilespmem:s26], [sflag:$0xC] =	stream.linear.gather [hbm4b:s2+s26], $0x2710, $0x38;
	[tilespmem:$0x1DA80] =	vst v63  }
0x24: {  	_ =	swait.ge [sflag:s23], $0x2710  }
0x25: {  	[sflag:s23] =	ssyncset.done $0x0  }
0x26: {  	[sflag:s23] =	ssyncadd.s32 $0xFFFFD8F0  }
0x27: {  	[tilespmem:s6], [sflag:$0x1] =	stream.indirect.gather [hbm4b:s1+s24], $0x80, s26, s24, $0xb8;
	[tilespmem:$0x1DA80] =	vst v63  }
0x28: {  	s6 =	rddreg [dreg:$0x5]  }
0x29: {  	[tilespmem:s30], [sflag:$0x6] =	stream.linear.gather [hbm4b:s6+s26], $0x28, $0x38;
	[tilespmem:$0x1DA80] =	vst v63  }
0x2a: {  	_ = 	snop  }
0x2b: {  	[tilespmem:s7], [sflag:$0x2] =	stream.indirect.gather [hbm4b:s1+s24], $0x80, s24, s24, $0xb8;
	[tilespmem:$0x1DA80] =	vst v63  }
0x2c: {  	s7 =	rddreg [dreg:$0x6]  }
0x2d: {  	[tilespmem:s9], [sflag:$0x7] =	stream.linear.gather [hbm4b:s7+s26], $0x28, $0x38;
	[tilespmem:$0x1DA80] =	vst v63  }
0x2e: {  	s9 =	simm.s32 $0x50  }
0x2f: {  	[tilespmem:s10], [sflag:$0x3] =	stream.indirect.gather [hbm4b:s1+s24], $0x80, s9, s24, $0xb8;
	[tilespmem:$0x1DA80] =	vst v63  }
0x30: {  	s13 =	rddreg [dreg:$0x7];
	s10 =	simm.s32 $0x0  }
0x31: {  	[tilespmem:s11], [sflag:$0x8] =	stream.linear.gather [hbm4b:s13+s10], $0x28, $0x38;
	[tilespmem:$0x1DA80] =	vst v63  }
0x32: {  	s15 =	simm.s32 $0x78  }
0x33: {  	[tilespmem:s12], [sflag:$0x4] =	stream.indirect.gather [hbm4b:s1+s24], $0x80, s15, s24, $0xb8;
	[tilespmem:$0x1DA80] =	vst v63  }
0x34: {  	s22 =	rddreg [dreg:$0x8]  }
0x35: {  	[tilespmem:s14], [sflag:$0x9] =	stream.linear.gather [hbm4b:s22+s10], $0x28, $0x38;
	[tilespmem:$0x1DA80] =	vst v63  }
.Ltmp0:
0x36: {  	_ = 	snop;
	(pc) =	sbr.rel @p0 .LBB2_5-.Ltmp0, $4  }
0x37: {  	s25 =	simm.s32 $0xA0;
	s4 =	simm.s32 $0xA  }
0x38: {  	[tilespmem:s8], [sflag:$0x5] =	stream.indirect.gather [hbm4b:s1+s24], $0x80, s25, s24, $0xb8;
	[tilespmem:$0x1DA80] =	vst v63  }
0x39: {  	s26 =	rddreg [dreg:$0x9];
	s1 =	simm.s32 $0x9;
	s8 =	simm.s32 $0x5  }
0x3a: {  	[tilespmem:s16], [sflag:$0xA] =	stream.linear.gather [hbm4b:s26+s10], $0x28, $0x38;
	[tilespmem:$0x1DA80] =	vst v63  }
0x3b: {  	s6 =	sand.u32 $0x7E00, s10  }
0x3c: {  	s13 =	sand.u32 $0x70, s10;
	s15 =	sshrl.u32 s6, $0x2  }
0x3d: {  	s6 =	simm.s32 $0x40;
	s15 =	sor.u32 s13, s15;
	s13 =	simm.s32 $0x0  }
.LBB2_3:
0x3e: {  	p2 =	sne.s32 s6, $0x4FC0  }
0x3f: {  	[tilespmem:s15+$0x8E00] =	vst v0;
	s13 =	sadd.s32 $0x10, s13;
	s15 =	smov.u32 s6;
	s6 =	sadd.s32 $0x40, s6  }
.Ltmp1:
0x40: {  	(pc) =	sbr.rel @p2 .LBB2_3-.Ltmp1, $4  }
0x41: {  	_ = 	snop  }
0x42: {  	s15 =	sand.u32 $0x7E00, s15  }
0x43: {  	s22 =	sand.u32 $0x70, s13;
	s15 =	sshrl.u32 s15, $0x2  }
0x44: {  	s15 =	sor.u32 s22, s15  }
0x45: {  	[tilespmem:s15+$0x8E00] =	vst v0  }
.LBB2_5:
0x46: {  	s6 =	sadd.s32 $0x0, s0  }
0x47: {  	p3 =	sgt.u32 s6, $0xF9  }
0x48: {  	s15 =	simm.s32 $0x10;
	p4 =	sne.s32 @!p3 s3, $0x0  }
0x49: {  	s13 =	rddreg [dreg:$0xd];
	s6 =	smov.u32 s28;
	p2 =	por p4, p3  }
.LBB2_6:
0x4a: {  	s22 =	sadd.s32 s15, s0;
	p3 =	por !p4, p3  }
0x4b: {  	s25 =	sshll.u32 @!p2 s0, $0x6;
	s28 =	sshrl.u32 @!p2 s6, $0x3;
	s15 =	sadd.s32 $0x10, s15  }
0x4c: {  	s26 =	simm.s32 @!p3 $0x8E00;
	s25 =	sor.u32 @!p2 $0x1C0B, s25;
	p5 =	sne.s32 s15, $0x100  }
0x4d: {  	[spmem:s6] =	stream.linear.scatter @!p3 [tilespmem:s26], [sflag:$0xB], $0x1400, $0x38;
	[tilespmem:$0x1DA80] =	vst v63  }
.Ltmp2:
0x4e: {  	_ = 	snop;
	(pc) =	sbr.rel @p5 .LBB2_6-.Ltmp2, $4  }
0x4f: {  	[spmem:s28], [sflag:s25] =	dma.local @!p2 [hbm:s13], $0x280  }
0x50: {  	p3 =	sgt.u32 s22, $0xF9  }
0x51: {  	p4 =	sne.s32 @!p3 s3, $0x0  }
0x52: {  	s6 =	sadd.s32 $0x14000, s6;
	s13 =	sadd.s32 $0x2800, s13;
	p2 =	por p4, p3  }
0x53: {  	p3 =	por !p4, p3;
	s15 =	sshll.u32 @!p2 s0, $0x6  }
0x54: {  	s25 =	sshrl.u32 @!p2 s6, $0x3;
	s22 =	simm.s32 @!p3 $0x8E00;
	s15 =	sor.u32 @!p2 $0x1C0B, s15  }
0x55: {  	[spmem:s6] =	stream.linear.scatter @!p3 [tilespmem:s22], [sflag:$0xB], $0x1400, $0x38;
	[tilespmem:$0x1DA80] =	vst v63  }
0x56: {  	[spmem:s25], [sflag:s15] =	dma.local @!p2 [hbm:s13], $0x280  }
0x57: {  	p2 =	sle.u32 s29, $0x0  }
0x58: {  	p3 =	sne.s32 @!p2 s3, $0x0  }
0x59: {  	p5 =	por !p3, p2  }
0x5a: {  	s6 =	simm.s32 @!p5 $0xB  }
0x5b: {  	_ =	swait.ge @!p5 [sflag:s6], $0x1400  }
0x5c: {  	s0 =	simm.s32 $0x8;
	p4 =	por p3, p2;
	[sflag:s6] =	ssyncset.done @!p5 $0x0  }
0x5d: {  	p2 =	sle.u32 s29, $0x10;
	s13 =	simm.s32 @!p4 $0xB;
	[sflag:s6] =	ssyncadd.s32 @!p5 $0xFFFFEC00  }
0x5e: {  	s2 =	simm.s32 $0x4;
	p3 =	sne.s32 @!p2 s3, $0x0;
	_ =	swait.ge @!p4 [sflag:s13], $0x280  }
0x5f: {  	s6 =	simm.s32 $0x20;
	p5 =	por !p3, p2;
	[sflag:s13] =	ssyncset.done @!p4 $0x0  }
.LBB2_8:
0x60: {  	[sflag:s13] =	ssyncadd.s32 @!p4 $0xFFFFFD80;
	s13 =	smov.u32 s6;
	s6 =	sadd.s32 $0x10, s6  }
0x61: {  	s15 =	simm.s32 @!p5 $0xB;
	p6 =	sne.s32 s6, $0x100  }
.Ltmp3:
0x62: {  	_ =	swait.ge @!p5 [sflag:s15], $0x1400;
	(pc) =	sbr.rel @p6 .LBB2_8-.Ltmp3, $4  }
0x63: {  	p4 =	por p3, p2;
	[sflag:s15] =	ssyncset.done @!p5 $0x0  }
0x64: {  	p2 =	sge.u32 s13, s29;
	s13 =	simm.s32 @!p4 $0xB;
	[sflag:s15] =	ssyncadd.s32 @!p5 $0xFFFFEC00  }
0x65: {  	p3 =	sne.s32 @!p2 s3, $0x0;
	_ =	swait.ge @!p4 [sflag:s13], $0x280  }
0x66: {  	p5 =	por !p3, p2;
	[sflag:s13] =	ssyncset.done @!p4 $0x0  }
0x67: {  	s6 =	simm.s32 @!p5 $0xB;
	[sflag:s13] =	ssyncadd.s32 @!p4 $0xFFFFFD80  }
0x68: {  	_ =	swait.ge @!p5 [sflag:s6], $0x1400  }
0x69: {  	p2 =	por p3, p2;
	[sflag:s6] =	ssyncset.done @!p5 $0x0  }
0x6a: {  	[sflag:s6] =	ssyncadd.s32 @!p5 $0xFFFFEC00;
	s6 =	simm.s32 @!p2 $0xB  }
0x6b: {  	_ =	swait.ge @!p2 [sflag:s6], $0x280  }
0x6c: {  	[sflag:s6] =	ssyncset.done @!p2 $0x0  }
0x6d: {  	[sflag:s6] =	ssyncadd.s32 @!p2 $0xFFFFFD80  }
0x6e: {  	[bflag:$0x0] =	sbarrier.arrive $0xFFFF  }
0x6f: {  	_ =	swait.ge [sflag:s17], $0x1400  }
0x70: {  	[sflag:s17] =	ssyncset.done $0x0  }
0x71: {  	[sflag:s17] =	ssyncadd.s32 $0xFFFFEC00  }
0x72: {  	_ =	swait.ge [sflag:s18], $0x28  }
0x73: {  	[sflag:s18] =	ssyncset.done $0x0  }
0x74: {  	s3 =	simm.s32 $0x2A00;
	[sflag:s18] =	ssyncadd.s32 $0xFFFFFFD8  }
0x75: {  	[spmem:s5] =	stream.indirect.scatter.add.f32 [tilespmem:s3], [sflag:$0xC], $0x80, s30, s24, $0xb8;
	[tilespmem:$0x1DA80] =	vst v63  }
0x76: {  	_ =	swait.ge [sflag:s23], $0x1400  }
0x77: {  	[sflag:s23] =	ssyncset.done $0x0  }
0x78: {  	s22 =	rddreg [dreg:$0x12];
	[sflag:s23] =	ssyncadd.s32 $0xFFFFEC00  }
0x79: {  	s17 =	simm.s32 $0xC8;
	s18 =	sshrl.u32 s22, $0x3;
	s9 =	rddreg [dreg:$0x0]  }
0x7a: {  	[tilespmem:s3], [sflag:$0x1] =	stream.indirect.gather [hbm4b:s9+s24], $0x80, s17, s24, $0xb8;
	[tilespmem:$0x1DA80] =	vst v63  }
0x7b: {  	s25 =	sadd.s32 s31, s18  }
0x7c: {  	[tilespmem:s30], [sflag:$0x6] =	stream.linear.gather [hbm4b:s25+s10], $0x28, $0x38;
	[tilespmem:$0x1DA80] =	vst v63  }
0x7d: {  	_ =	swait.ge [sflag:s19], $0x1400  }
0x7e: {  	[sflag:s19] =	ssyncset.done $0x0  }
0x7f: {  	[sflag:s19] =	ssyncadd.s32 $0xFFFFEC00  }
0x80: {  	_ =	swait.ge [sflag:s20], $0x28  }
0x81: {  	[sflag:s20] =	ssyncset.done $0x0  }
0x82: {  	s26 =	simm.s32 $0x3E00;
	s7 =	simm.s32 $0x2800;
	[sflag:s20] =	ssyncadd.s32 $0xFFFFFFD8  }
0x83: {  	[spmem:s5] =	stream.indirect.scatter.add.f32 [tilespmem:s26], [sflag:$0xC], $0x80, s7, s24, $0xb8;
	[tilespmem:$0x1DA80] =	vst v63  }
0x84: {  	_ =	swait.ge [sflag:s23], $0x1400  }
0x85: {  	[sflag:s23] =	ssyncset.done $0x0  }
0x86: {  	s29 =	simm.s32 $0xF0;
	[sflag:s23] =	ssyncadd.s32 $0xFFFFEC00  }
0x87: {  	[tilespmem:s26], [sflag:$0x2] =	stream.indirect.gather [hbm4b:s9+s24], $0x80, s29, s24, $0xb8;
	[tilespmem:$0x1DA80] =	vst v63  }
0x88: {  	s13 =	rddreg [dreg:$0x11]  }
0x89: {  	[tilespmem:s7], [sflag:$0x7] =	stream.linear.gather [hbm4b:s13+s10], $0x28, $0x38;
	[tilespmem:$0x1DA80] =	vst v63  }
0x8a: {  	_ =	swait.ge [sflag:s21], $0x1400  }
0x8b: {  	[sflag:s21] =	ssyncset.done $0x0  }
0x8c: {  	[sflag:s21] =	ssyncadd.s32 $0xFFFFEC00  }
0x8d: {  	_ =	swait.ge [sflag:s0], $0x28  }
0x8e: {  	[sflag:s0] =	ssyncset.done $0x0  }
0x8f: {  	s11 =	simm.s32 $0x2880;
	s7 =	simm.s32 $0x5200;
	[sflag:s0] =	ssyncadd.s32 $0xFFFFFFD8  }
0x90: {  	[spmem:s5] =	stream.indirect.scatter.add.f32 [tilespmem:s7], [sflag:$0xC], $0x80, s11, s24, $0xb8;
	[tilespmem:$0x1DA80] =	vst v63  }
0x91: {  	_ =	swait.ge [sflag:s23], $0x1400  }
0x92: {  	[sflag:s23] =	ssyncset.done $0x0  }
0x93: {  	s12 =	simm.s32 $0x118;
	[sflag:s23] =	ssyncadd.s32 $0xFFFFEC00  }
0x94: {  	[tilespmem:s7], [sflag:$0x3] =	stream.indirect.gather [hbm4b:s9+s24], $0x80, s12, s24, $0xb8;
	[tilespmem:$0x1DA80] =	vst v63  }
0x95: {  	s26 =	rddreg [dreg:$0x10]  }
0x96: {  	[tilespmem:s11], [sflag:$0x8] =	stream.linear.gather [hbm4b:s26+s10], $0x28, $0x38;
	[tilespmem:$0x1DA80] =	vst v63  }
0x97: {  	_ =	swait.ge [sflag:s2], $0x1400  }
0x98: {  	[sflag:s2] =	ssyncset.done $0x0  }
0x99: {  	[sflag:s2] =	ssyncadd.s32 $0xFFFFEC00  }
0x9a: {  	_ =	swait.ge [sflag:s1], $0x28  }
0x9b: {  	[sflag:s1] =	ssyncset.done $0x0  }
0x9c: {  	s14 =	simm.s32 $0x6600;
	s11 =	simm.s32 $0x2900;
	[sflag:s1] =	ssyncadd.s32 $0xFFFFFFD8  }
0x9d: {  	[spmem:s5] =	stream.indirect.scatter.add.f32 [tilespmem:s14], [sflag:$0xC], $0x80, s11, s24, $0xb8;
	[tilespmem:$0x1DA80] =	vst v63  }
0x9e: {  	_ =	swait.ge [sflag:s23], $0x1400  }
0x9f: {  	[sflag:s23] =	ssyncset.done $0x0  }
0xa0: {  	s15 =	simm.s32 $0x140;
	[sflag:s23] =	ssyncadd.s32 $0xFFFFEC00  }
0xa1: {  	[tilespmem:s14], [sflag:$0x4] =	stream.indirect.gather [hbm4b:s9+s24], $0x80, s15, s24, $0xb8;
	[tilespmem:$0x1DA80] =	vst v63  }
0xa2: {  	s16 =	rddreg [dreg:$0xf]  }
0xa3: {  	[tilespmem:s11], [sflag:$0x9] =	stream.linear.gather [hbm4b:s16+s10], $0x28, $0x38;
	[tilespmem:$0x1DA80] =	vst v63  }
0xa4: {  	_ =	swait.ge [sflag:s8], $0x1400  }
0xa5: {  	s22 =	sadd.s32 $0xC8, s22;
	s18 =	simm.s32 $0x7A00;
	[sflag:s8] =	ssyncset.done $0x0  }
0xa6: {  	s17 =	simm.s32 $0x1;
	s25 =	simm.s32 $0x2980;
	[sflag:s8] =	ssyncadd.s32 $0xFFFFEC00  }
0xa7: {  	s19 =	simm.s32 $0x6;
	s20 =	simm.s32 $0x2;
	_ =	swait.ge [sflag:s4], $0x28  }
0xa8: {  	s6 =	sadd.s32 $0x19, s13;
	s29 =	simm.s32 $0x168;
	[sflag:s4] =	ssyncset.done $0x0  }
0xa9: {  	s21 =	simm.s32 $0x7;
	s0 =	simm.s32 $0x3;
	[sflag:s4] =	ssyncadd.s32 $0xFFFFFFD8  }
0xaa: {  	[spmem:s5] =	stream.indirect.scatter.add.f32 [tilespmem:s18], [sflag:$0xC], $0x80, s25, s24, $0xb8;
	[tilespmem:$0x1DA80] =	vst v63  }
0xab: {  	s26 =	sadd.s32 $0x19, s26;
	s15 =	simm.s32 $0x320;
	_ =	swait.ge [sflag:s23], $0x1400  }
0xac: {  	s11 =	simm.s32 $0x0;
	[sflag:s23] =	ssyncset.done $0x0;
	s28 =	rddreg [dreg:$0xe]  }
0xad: {  	s25 =	sadd.s32 $0x19, s16;
	[sflag:s23] =	ssyncadd.s32 $0xFFFFEC00;
	s13 =	sadd.s32 $0x19, s28  }
0xae: {  	[tilespmem:s18], [sflag:$0x5] =	stream.indirect.gather [hbm4b:s9+s24], $0x80, s29, s24, $0xb8;
	[tilespmem:$0x1DA80] =	vst v63  }
.LBB2_10:
0xaf: {  	s3 =	simm.s32 $0x2980  }
0xb0: {  	[tilespmem:s3], [sflag:$0xA] =	stream.linear.gather [hbm4b:s28+s11], $0x28, $0x38;
	[tilespmem:$0x1DA80] =	vst v63  }
0xb1: {  	s29 =	smov.u32 s15;
	s28 =	smov.u32 s13  }
0xb2: {  	p2 =	sne.s32 s15, $0x9600;
	s15 =	sadd.s32 $0x320, s15;
	_ =	swait.ge [sflag:s17], $0x1400  }
0xb3: {  	[sflag:s17] =	ssyncset.done $0x0  }
0xb4: {  	[sflag:s17] =	ssyncadd.s32 $0xFFFFEC00  }
0xb5: {  	_ =	swait.ge [sflag:s19], $0x28  }
0xb6: {  	[sflag:s19] =	ssyncset.done $0x0  }
0xb7: {  	s14 =	simm.s32 $0x2A00;
	[sflag:s19] =	ssyncadd.s32 $0xFFFFFFD8  }
0xb8: {  	[spmem:s5] =	stream.indirect.scatter.add.f32 [tilespmem:s14], [sflag:$0xC], $0x80, s30, s24, $0xb8;
	[tilespmem:$0x1DA80] =	vst v63  }
0xb9: {  	_ =	swait.ge [sflag:s23], $0x1400  }
0xba: {  	s2 =	sshrl.u32 s22, $0x3;
	s29 =	sshra.s32 s29, $0x2;
	[sflag:s23] =	ssyncset.done $0x0  }
0xbb: {  	s30 =	smov.u32 s31;
	s31 =	sadd.s32 $0xC8, s29;
	[sflag:s23] =	ssyncadd.s32 $0xFFFFEC00  }
0xbc: {  	[tilespmem:s14], [sflag:$0x1] =	stream.indirect.gather [hbm4b:s9+s24], $0x80, s31, s24, $0xb8;
	[tilespmem:$0x1DA80] =	vst v63  }
0xbd: {  	s12 =	simm.s32 $0x2A00;
	s31 =	smov.u32 s30;
	s30 =	simm.s32 $0x2780  }
0xbe: {  	s2 =	sadd.s32 s31, s2  }
0xbf: {  	[tilespmem:s30], [sflag:$0x6] =	stream.linear.gather [hbm4b:s2+s11], $0x28, $0x38;
	[tilespmem:$0x1DA80] =	vst v63  }
0xc0: {  	_ =	swait.ge [sflag:s20], $0x1400  }
0xc1: {  	[sflag:s20] =	ssyncset.done $0x0  }
0xc2: {  	[sflag:s20] =	ssyncadd.s32 $0xFFFFEC00  }
0xc3: {  	_ =	swait.ge [sflag:s21], $0x28  }
0xc4: {  	[sflag:s21] =	ssyncset.done $0x0  }
0xc5: {  	s16 =	simm.s32 $0x3E00;
	s8 =	simm.s32 $0x2800;
	[sflag:s21] =	ssyncadd.s32 $0xFFFFFFD8  }
0xc6: {  	[spmem:s5] =	stream.indirect.scatter.add.f32 [tilespmem:s16], [sflag:$0xC], $0x80, s8, s24, $0xb8;
	[tilespmem:$0x1DA80] =	vst v63  }
0xc7: {  	_ =	swait.ge [sflag:s23], $0x1400  }
0xc8: {  	[sflag:s23] =	ssyncset.done $0x0  }
0xc9: {  	s14 =	simm.s32 $0x3E00;
	s2 =	sadd.s32 $0xF0, s29;
	[sflag:s23] =	ssyncadd.s32 $0xFFFFEC00  }
0xca: {  	[tilespmem:s16], [sflag:$0x2] =	stream.indirect.gather [hbm4b:s9+s24], $0x80, s2, s24, $0xb8;
	[tilespmem:$0x1DA80] =	vst v63  }
0xcb: {  	s16 =	simm.s32 $0x2800  }
0xcc: {  	[tilespmem:s8], [sflag:$0x7] =	stream.linear.gather [hbm4b:s6+s11], $0x28, $0x38;
	[tilespmem:$0x1DA80] =	vst v63  }
0xcd: {  	_ =	swait.ge [sflag:s0], $0x1400  }
0xce: {  	[sflag:s0] =	ssyncset.done $0x0  }
0xcf: {  	s1 =	simm.s32 $0x8;
	[sflag:s0] =	ssyncadd.s32 $0xFFFFEC00  }
0xd0: {  	_ =	swait.ge [sflag:s1], $0x28  }
0xd1: {  	[sflag:s1] =	ssyncset.done $0x0  }
0xd2: {  	s18 =	simm.s32 $0x5200;
	s4 =	simm.s32 $0x2880;
	[sflag:s1] =	ssyncadd.s32 $0xFFFFFFD8  }
0xd3: {  	[spmem:s5] =	stream.indirect.scatter.add.f32 [tilespmem:s18], [sflag:$0xC], $0x80, s4, s24, $0xb8;
	[tilespmem:$0x1DA80] =	vst v63  }
0xd4: {  	_ =	swait.ge [sflag:s23], $0x1400  }
0xd5: {  	[sflag:s23] =	ssyncset.done $0x0  }
0xd6: {  	s2 =	sadd.s32 $0x118, s29;
	s8 =	simm.s32 $0x5200;
	[sflag:s23] =	ssyncadd.s32 $0xFFFFEC00  }
0xd7: {  	[tilespmem:s18], [sflag:$0x3] =	stream.indirect.gather [hbm4b:s9+s24], $0x80, s2, s24, $0xb8;
	[tilespmem:$0x1DA80] =	vst v63  }
0xd8: {  	s1 =	simm.s32 $0x4;
	s18 =	simm.s32 $0x2880  }
0xd9: {  	[tilespmem:s4], [sflag:$0x8] =	stream.linear.gather [hbm4b:s26+s11], $0x28, $0x38;
	[tilespmem:$0x1DA80] =	vst v63  }
0xda: {  	_ =	swait.ge [sflag:s1], $0x1400  }
0xdb: {  	[sflag:s1] =	ssyncset.done $0x0  }
0xdc: {  	[sflag:s1] =	ssyncadd.s32 $0xFFFFEC00;
	s1 =	simm.s32 $0x9  }
0xdd: {  	_ =	swait.ge [sflag:s1], $0x28  }
0xde: {  	[sflag:s1] =	ssyncset.done $0x0  }
0xdf: {  	s10 =	simm.s32 $0x6600;
	[sflag:s1] =	ssyncadd.s32 $0xFFFFFFD8;
	s1 =	simm.s32 $0x2900  }
0xe0: {  	[spmem:s5] =	stream.indirect.scatter.add.f32 [tilespmem:s10], [sflag:$0xC], $0x80, s1, s24, $0xb8;
	[tilespmem:$0x1DA80] =	vst v63  }
0xe1: {  	_ =	swait.ge [sflag:s23], $0x1400  }
0xe2: {  	[sflag:s23] =	ssyncset.done $0x0  }
0xe3: {  	s2 =	sadd.s32 $0x140, s29;
	s4 =	simm.s32 $0x6600;
	[sflag:s23] =	ssyncadd.s32 $0xFFFFEC00  }
0xe4: {  	[tilespmem:s10], [sflag:$0x4] =	stream.indirect.gather [hbm4b:s9+s24], $0x80, s2, s24, $0xb8;
	[tilespmem:$0x1DA80] =	vst v63  }
0xe5: {  	_ = 	snop  }
0xe6: {  	[tilespmem:s1], [sflag:$0x9] =	stream.linear.gather [hbm4b:s25+s11], $0x28, $0x38;
	[tilespmem:$0x1DA80] =	vst v63  }
0xe7: {  	s10 =	simm.s32 $0x2900;
	s1 =	simm.s32 $0x5  }
0xe8: {  	_ =	swait.ge [sflag:s1], $0x1400  }
0xe9: {  	[sflag:s1] =	ssyncset.done $0x0  }
0xea: {  	[sflag:s1] =	ssyncadd.s32 $0xFFFFEC00;
	s1 =	simm.s32 $0xA  }
0xeb: {  	_ =	swait.ge [sflag:s1], $0x28  }
0xec: {  	[sflag:s1] =	ssyncset.done $0x0  }
0xed: {  	s7 =	simm.s32 $0x7A00;
	[sflag:s1] =	ssyncadd.s32 $0xFFFFFFD8  }
0xee: {  	[spmem:s5] =	stream.indirect.scatter.add.f32 [tilespmem:s7], [sflag:$0xC], $0x80, s3, s24, $0xb8;
	[tilespmem:$0x1DA80] =	vst v63  }
.Ltmp4:
0xef: {  	_ =	swait.ge [sflag:s23], $0x1400;
	(pc) =	sbr.rel @p2 .LBB2_10-.Ltmp4, $4  }
0xf0: {  	s22 =	sadd.s32 $0xC8, s22;
	s6 =	sadd.s32 $0x19, s6;
	[sflag:s23] =	ssyncset.done $0x0  }
0xf1: {  	s2 =	sadd.s32 $0x168, s29;
	s1 =	simm.s32 $0x7A00;
	[sflag:s23] =	ssyncadd.s32 $0xFFFFEC00  }
0xf2: {  	[tilespmem:s7], [sflag:$0x5] =	stream.indirect.gather [hbm4b:s9+s24], $0x80, s2, s24, $0xb8;
	[tilespmem:$0x1DA80] =	vst v63  }
0xf3: {  	s13 =	sadd.s32 $0x19, s13;
	s26 =	sadd.s32 $0x19, s26;
	s25 =	sadd.s32 $0x19, s25  }
0xf4: {  	s2 =	simm.s32 $0x2980  }
0xf5: {  	[tilespmem:s2], [sflag:$0xA] =	stream.linear.gather [hbm4b:s28+s11], $0x28, $0x38;
	[tilespmem:$0x1DA80] =	vst v63  }
0xf6: {  	_ =	swait.ge [sflag:s17], $0x1400  }
0xf7: {  	[sflag:s17] =	ssyncset.done $0x0  }
0xf8: {  	[sflag:s17] =	ssyncadd.s32 $0xFFFFEC00  }
0xf9: {  	_ =	swait.ge [sflag:s19], $0x28  }
0xfa: {  	[sflag:s19] =	ssyncset.done $0x0  }
0xfb: {  	[sflag:s19] =	ssyncadd.s32 $0xFFFFFFD8  }
0xfc: {  	[spmem:s5] =	stream.indirect.scatter.add.f32 [tilespmem:s12], [sflag:$0xC], $0x80, s30, s24, $0xb8;
	[tilespmem:$0x1DA80] =	vst v63  }
0xfd: {  	_ =	swait.ge [sflag:s23], $0x1400  }
0xfe: {  	[sflag:s23] =	ssyncset.done $0x0  }
0xff: {  	[sflag:s23] =	ssyncadd.s32 $0xFFFFEC00  }
0x100: {  	_ =	swait.ge [sflag:s20], $0x1400  }
0x101: {  	[sflag:s20] =	ssyncset.done $0x0  }
0x102: {  	[sflag:s20] =	ssyncadd.s32 $0xFFFFEC00  }
0x103: {  	_ =	swait.ge [sflag:s21], $0x28  }
0x104: {  	[sflag:s21] =	ssyncset.done $0x0  }
0x105: {  	[sflag:s21] =	ssyncadd.s32 $0xFFFFFFD8  }
0x106: {  	[spmem:s5] =	stream.indirect.scatter.add.f32 [tilespmem:s14], [sflag:$0xC], $0x80, s16, s24, $0xb8;
	[tilespmem:$0x1DA80] =	vst v63  }
0x107: {  	_ =	swait.ge [sflag:s23], $0x1400  }
0x108: {  	[sflag:s23] =	ssyncset.done $0x0  }
0x109: {  	[sflag:s23] =	ssyncadd.s32 $0xFFFFEC00  }
0x10a: {  	_ =	swait.ge [sflag:s0], $0x1400  }
0x10b: {  	[sflag:s0] =	ssyncset.done $0x0  }
0x10c: {  	s20 =	simm.s32 $0x8;
	[sflag:s0] =	ssyncadd.s32 $0xFFFFEC00  }
0x10d: {  	_ =	swait.ge [sflag:s20], $0x28  }
0x10e: {  	[sflag:s20] =	ssyncset.done $0x0  }
0x10f: {  	[sflag:s20] =	ssyncadd.s32 $0xFFFFFFD8  }
0x110: {  	[spmem:s5] =	stream.indirect.scatter.add.f32 [tilespmem:s8], [sflag:$0xC], $0x80, s18, s24, $0xb8;
	[tilespmem:$0x1DA80] =	vst v63  }
0x111: {  	_ =	swait.ge [sflag:s23], $0x1400  }
0x112: {  	[sflag:s23] =	ssyncset.done $0x0  }
0x113: {  	s21 =	simm.s32 $0x4;
	[sflag:s23] =	ssyncadd.s32 $0xFFFFEC00  }
0x114: {  	_ =	swait.ge [sflag:s21], $0x1400  }
0x115: {  	[sflag:s21] =	ssyncset.done $0x0  }
0x116: {  	s22 =	simm.s32 $0x9;
	[sflag:s21] =	ssyncadd.s32 $0xFFFFEC00  }
0x117: {  	_ =	swait.ge [sflag:s22], $0x28  }
0x118: {  	[sflag:s22] =	ssyncset.done $0x0  }
0x119: {  	[sflag:s22] =	ssyncadd.s32 $0xFFFFFFD8  }
0x11a: {  	[spmem:s5] =	stream.indirect.scatter.add.f32 [tilespmem:s4], [sflag:$0xC], $0x80, s10, s24, $0xb8;
	[tilespmem:$0x1DA80] =	vst v63  }
0x11b: {  	_ =	swait.ge [sflag:s23], $0x1400  }
0x11c: {  	[sflag:s23] =	ssyncset.done $0x0  }
0x11d: {  	s25 =	simm.s32 $0x5;
	[sflag:s23] =	ssyncadd.s32 $0xFFFFEC00  }
0x11e: {  	_ =	swait.ge [sflag:s25], $0x1400  }
0x11f: {  	[sflag:s25] =	ssyncset.done $0x0  }
0x120: {  	s26 =	simm.s32 $0xA;
	[sflag:s25] =	ssyncadd.s32 $0xFFFFEC00  }
0x121: {  	s6 =	simm.s32 $0x10;
	_ =	swait.ge [sflag:s26], $0x28  }
0x122: {  	s7 =	simm.s32 $0x3E00;
	s9 =	simm.s32 $0x2800;
	[sflag:s26] =	ssyncset.done $0x0  }
0x123: {  	s11 =	simm.s32 $0x2880;
	s19 =	simm.s32 $0x2;
	[sflag:s26] =	ssyncadd.s32 $0xFFFFFFD8  }
0x124: {  	[spmem:s5] =	stream.indirect.scatter.add.f32 [tilespmem:s1], [sflag:$0xC], $0x80, s2, s24, $0xb8;
	[tilespmem:$0x1DA80] =	vst v63  }
0x125: {  	s12 =	simm.s32 $0x6600;
	s0 =	stileid.u32;
	_ =	swait.ge [sflag:s23], $0x1400  }
0x126: {  	s14 =	simm.s32 $0x2900;
	s29 =	sadd.s32 $0x0, s0;
	[sflag:s23] =	ssyncset.done $0x0  }
0x127: {  	s16 =	simm.s32 $0x2980;
	p2 =	sgt.u32 s29, $0xF9;
	[sflag:s23] =	ssyncadd.s32 $0xFFFFEC00  }
0x128: {  	s20 =	simm.s32 $0x7;
	s8 =	simm.s32 $0x7A00;
	[bflag:$0x0] =	sbarrier.arrive $0xFFFF  }
0x129: {  	s21 =	simm.s32 $0x3;
	s2 =	sshll.u32 @!p2 s0, $0x6;
	s28 =	rddreg [dreg:$0xc]  }
0x12a: {  	s10 =	simm.s32 $0x5200;
	s25 =	sor.u32 @!p2 $0x1C0B, s2;
	s22 =	rddreg [dreg:$0x13]  }
0x12b: {  	s13 =	sadd.s32 $0x14000, s28;
	s26 =	sshrl.u32 @!p2 s28, $0x3;
	s15 =	sadd.s32 $0x2800, s22  }
.LBB2_12:
0x12c: {  	[hbm:s22], [sflag:s25] =	dma.local @!p2 [spmem:s26], $0x280  }
0x12d: {  	s2 =	smov.u32 s6;
	s6 =	sadd.s32 $0x10, s6  }
0x12e: {  	p3 =	sne.s32 s6, $0x100  }
.Ltmp5:
0x12f: {  	(pc) =	sbr.rel @p3 .LBB2_12-.Ltmp5, $4  }
0x130: {  	s26 =	smov.u32 s13;
	s2 =	sadd.s32 s2, s0  }
0x131: {  	s22 =	smov.u32 s15;
	p2 =	sgt.u32 s2, $0xF9  }
0x132: {  	s13 =	sadd.s32 $0x14000, s13;
	s2 =	sshll.u32 @!p2 s0, $0x6  }
0x133: {  	s15 =	sadd.s32 $0x2800, s15;
	s26 =	sshrl.u32 @!p2 s26, $0x3;
	s25 =	sor.u32 @!p2 $0x1C0B, s2  }
0x134: {  	[hbm:s22], [sflag:s25] =	dma.local @!p2 [spmem:s26], $0x280  }
0x135: {  	s1 =	simm.s32 $0xB  }
0x136: {  	_ =	swait.ge [sflag:s1], $0x280  }
0x137: {  	[sflag:s1] =	ssyncset.done $0x0  }
0x138: {  	[sflag:s1] =	ssyncadd.s32 $0xFFFFFD80  }
0x139: {  	_ =	swait.ge [sflag:s1], $0x280  }
0x13a: {  	[sflag:s1] =	ssyncset.done $0x0  }
0x13b: {  	[sflag:s1] =	ssyncadd.s32 $0xFFFFFD80  }
0x13c: {  	_ =	swait.ge [sflag:s1], $0x280  }
0x13d: {  	[sflag:s1] =	ssyncset.done $0x0  }
0x13e: {  	[sflag:s1] =	ssyncadd.s32 $0xFFFFFD80  }
0x13f: {  	_ =	swait.ge [sflag:s1], $0x280  }
0x140: {  	[sflag:s1] =	ssyncset.done $0x0  }
0x141: {  	[sflag:s1] =	ssyncadd.s32 $0xFFFFFD80  }
0x142: {  	_ =	swait.ge [sflag:s1], $0x280  }
0x143: {  	[sflag:s1] =	ssyncset.done $0x0  }
0x144: {  	[sflag:s1] =	ssyncadd.s32 $0xFFFFFD80  }
0x145: {  	_ =	swait.ge [sflag:s1], $0x280  }
0x146: {  	[sflag:s1] =	ssyncset.done $0x0  }
0x147: {  	[sflag:s1] =	ssyncadd.s32 $0xFFFFFD80  }
0x148: {  	_ =	swait.ge [sflag:s1], $0x280  }
0x149: {  	[sflag:s1] =	ssyncset.done $0x0  }
0x14a: {  	[sflag:s1] =	ssyncadd.s32 $0xFFFFFD80  }
0x14b: {  	_ =	swait.ge [sflag:s1], $0x280  }
0x14c: {  	[sflag:s1] =	ssyncset.done $0x0  }
0x14d: {  	[sflag:s1] =	ssyncadd.s32 $0xFFFFFD80  }
0x14e: {  	_ =	swait.ge [sflag:s1], $0x280  }
0x14f: {  	[sflag:s1] =	ssyncset.done $0x0  }
0x150: {  	[sflag:s1] =	ssyncadd.s32 $0xFFFFFD80  }
0x151: {  	_ =	swait.ge [sflag:s1], $0x280  }
0x152: {  	[sflag:s1] =	ssyncset.done $0x0  }
0x153: {  	[sflag:s1] =	ssyncadd.s32 $0xFFFFFD80  }
0x154: {  	_ =	swait.ge [sflag:s1], $0x280  }
0x155: {  	[sflag:s1] =	ssyncset.done $0x0  }
0x156: {  	[sflag:s1] =	ssyncadd.s32 $0xFFFFFD80  }
0x157: {  	_ =	swait.ge [sflag:s1], $0x280  }
0x158: {  	[sflag:s1] =	ssyncset.done $0x0  }
0x159: {  	[sflag:s1] =	ssyncadd.s32 $0xFFFFFD80  }
0x15a: {  	_ =	swait.ge [sflag:s1], $0x280  }
0x15b: {  	[sflag:s1] =	ssyncset.done $0x0  }
0x15c: {  	[sflag:s1] =	ssyncadd.s32 $0xFFFFFD80  }
0x15d: {  	_ =	swait.ge [sflag:s1], $0x280  }
0x15e: {  	[sflag:s1] =	ssyncset.done $0x0  }
0x15f: {  	[sflag:s1] =	ssyncadd.s32 $0xFFFFFD80  }
0x160: {  	_ =	swait.ge [sflag:s1], $0x280  }
0x161: {  	[sflag:s1] =	ssyncset.done $0x0  }
0x162: {  	s2 =	simm.s32 @!p1 $0xB;
	[sflag:s1] =	ssyncadd.s32 $0xFFFFFD80  }
0x163: {  	_ =	swait.ge @!p1 [sflag:s2], $0x280  }
0x164: {  	s4 =	rddreg [dreg:$0x15]  }
0x165: {  	s6 =	rddreg [dreg:$0xb];
	s4 =	sadd.s32 $0x1, s4  }
0x166: {  	p2 =	sne.s32 s4, s6  }
.Ltmp6:
0x167: {  	_ = 	snop;
	(pc) =	sbr.rel @p2 .LBB2_1-.Ltmp6, $4  }
0x168: {  	_ = 	snop  }
0x169: {  	[sflag:s2] =	ssyncset.done @!p1 $0x0;
	s29 =	rddreg [dreg:$0xa]  }
0x16a: {  	s17 =	simm.s32 $0x1;
	s3 =	rddreg [dreg:$0x14];
	[sflag:s2] =	ssyncadd.s32 @!p1 $0xFFFFFD80  }
0x16b: {  	s18 =	simm.s32 $0x6;
	s6 =	simm.s32 $0x2A00;
	s1 =	rddreg [dreg:$0x0]  }
0x16c: {  	_ =	sfence.sel $0x180000  }
0x16d: {  	[bflag:$0x0] =	sbarrier.arrive $0xFFFF  }
0x16e: {  	_ =	strace $0x90000047  }
0x16f: {  	[bflag:$0x2] =	sbarrier.arrive $0xFFFF  }
0x170: {  	p0 =	sne.s32 s0, $0x0;
	s0 =	rddreg [dreg:$0x3]  }
0x171: {  	s0 =	sadd.s32 @!p0 $0x100000, s0  }
0x172: {  	[sflag:s0] =	ssyncadd.tile.s32 @!p0 $0x1;
	_ =	shalt  }
.Lfunc_end2:
_tile_overlayer_lowered:
.L_overlay_start_2:
0x173: {  	(tag) =	ssettag $0x2  }
0x174: {  	s0 =	rddreg [dreg:$0x0];
	s2 =	stileid.u32  }
0x175: {  	s1 =	rddreg [dreg:$0x1];
	p0 =	sne.s32 s2, $0x0  }
0x176: {  	s3 =	rddreg [dreg:$0x2];
	[bflag:$0x3] =	sbarrier.arrive $0xFFFF;
	s2 =	simm.s32 @!p0 $0x1C0C  }
0x177: {  	[timem:s3], [sflag:s2] =	dma.local @!p0 [hbm:s0], s1  }
0x178: {  	s0 =	simm.s32 @!p0 $0xC  }
0x179: {  	_ =	swait.ge @!p0 [sflag:s0], s1  }
0x17a: {  	s1 =	ssub.s32 @!p0 $0x0, s1;
	[sflag:s0] =	ssyncset.done @!p0 $0x0  }
0x17b: {  	[sflag:s0] =	ssyncadd.s32 @!p0 s1  }
0x17c: {  	[bflag:$0x3] =	sbarrier.arrive $0xFFFF  }
0x17d: {  	_ =	shalt  }

</sc_bundles>
